<compile_context>
chip_gen: v7x
topology: tpu7x:2x2x1
jax: 0.10.2.dev20260603
libtpu: 0.0.44.dev20260713+nightly
codegen_flags: <defaults>
</compile_context>

<pallas_src>
import functools

import jax
import jax.numpy as jnp
from jax import lax
from jax.experimental import pallas as pl
from jax.experimental.pallas import tpu as pltpu
from jax.experimental.pallas import tpu_sc as plsc

B = 16
C = 4
H = 512
W = 512
HW = H * W
NSEG = 1024
NC = 2
NS = 16
L = 16
HROWS = H // 2

RPC = 4
CHUNK = RPC * W
NCHUNK = HROWS // RPC
VPR = W // L
NF = 5
LANE_TAB = NSEG * NF
TAB = L * LANE_TAB

_mesh = plsc.VectorSubcoreMesh(
    core_axis_name="c", subcore_axis_name="s", num_cores=NC, num_subcores=NS
)
_params = pltpu.CompilerParams(needs_layout_passes=False)


def _iota16():
    return lax.iota(jnp.int32, L)


@functools.partial(
    pl.kernel,
    out_type=jax.ShapeDtypeStruct((NC * NS, L), jnp.float32),
    mesh=_mesh,
    compiler_params=_params,
    scratch_types=[
        pltpu.VMEM((TAB,), jnp.float32),
        pltpu.VMEM((LANE_TAB,), jnp.float32),
        pltpu.VMEM((LANE_TAB,), jnp.float32),
        pltpu.VMEM((2 * RPC, W), jnp.int32),
        pltpu.VMEM((2 * RPC, W), jnp.int32),
        pltpu.VMEM((2 * C * RPC, W), jnp.float32),
        pltpu.VMEM((2 * NSEG,), jnp.int32),
        pltpu.VMEM((L,), jnp.float32),
        pltpu.VMEM((L,), jnp.float32),
        pltpu.VMEM_SHARED((NS, LANE_TAB), jnp.float32),
        pltpu.SemaphoreType.DMA,
        pltpu.SemaphoreType.DMA,
    ],
)
def _superpixel(is_hbm, lbl_hbm, il_hbm, th_hbm, out_hbm,
                tab, comb, part, lblb, ilb, chb, pckb, thb, accb, shr,
                sem0, sem1):
    s = lax.axis_index("s")
    c = lax.axis_index("c")
    b = c * (B // NC) + s // 2
    half = s % 2
    row0 = half * HROWS
    orow = c * NS + s
    sems = (sem0, sem1)

    def _copies1(g, p, sem):
        r0 = row0 + g * RPC
        cps = [pltpu.make_async_copy(
            lbl_hbm.at[b, 0, pl.ds(r0, RPC), :],
            lblb.at[pl.ds(p * RPC, RPC), :], sem)]
        for ch in range(C):
            cps.append(pltpu.make_async_copy(
                is_hbm.at[b, ch, pl.ds(r0, RPC), :],
                chb.at[pl.ds((p * C + ch) * RPC, RPC), :], sem))
        return cps

    def _copies2(g, p, sem):
        return _copies1(g, p, sem) + [pltpu.make_async_copy(
            il_hbm.at[b, pl.ds(row0 + g * RPC, RPC), :],
            ilb.at[pl.ds(p * RPC, RPC), :], sem)]

    zero = jnp.zeros((L,), jnp.float32)

    pltpu.sync_copy(th_hbm, thb)
    tv = thb[...]

    @plsc.parallel_loop(0, TAB // L, unroll=8)
    def _z(j):
        tab[pl.ds(j * L, L)] = zero

    iotav = _iota16()
    ones = jnp.full((L,), 1.0, jnp.float32)

    for p in range(2):
        for cp in _copies1(p, p, sems[p]):
            cp.start()

    @pl.loop(0, NCHUNK, step=2)
    def _pair1(g):
        for p in range(2):
            gg = g + p
            for cp in _copies1(gg, p, sems[p]):
                cp.wait()

            @plsc.parallel_loop(0, VPR, unroll=4)
            def _vreg(k):
                for r in range(RPC):
                    lbl = lblb[p * RPC + r, pl.ds(k * L, L)]
                    idx0 = (lbl << 4) + iotav
                    for ch in range(C):
                        v = chb[(p * C + ch) * RPC + r, pl.ds(k * L, L)]
                        plsc.addupdate_scatter(
                            tab, [idx0 + ch * (NSEG * L)], v)
                    plsc.addupdate_scatter(tab, [idx0 + C * (NSEG * L)],
                                           ones)

            @pl.when(gg + 2 < NCHUNK)
            def _():
                for cp in _copies1(gg + 2, p, sems[p]):
                    cp.start()

    last = iotav == (L - 1)

    @plsc.parallel_loop(0, LANE_TAB, unroll=4)
    def _red(e):
        cs = plsc.cumsum(tab[pl.ds(e * L, L)])
        plsc.store_scatter(comb, [iotav + (e - (L - 1))], cs, mask=last)

    pltpu.sync_copy(comb, shr.at[s])
    plsc.subcore_barrier()
    pltpu.sync_copy(shr.at[s ^ 1], part)

    @plsc.parallel_loop(0, LANE_TAB // L, unroll=2)
    def _add(j):
        o = j * L
        comb[pl.ds(o, L)] = comb[pl.ds(o, L)] + part[pl.ds(o, L)]

    def _bf16(a):
        u = plsc.bitcast(a, jnp.uint32)
        return (u + jnp.uint32(0x7FFF) + ((u >> 16) & jnp.uint32(1))) >> 16

    @plsc.parallel_loop(0, NSEG // L, unroll=2)
    def _avg(v):
        g0 = v * L
        n = comb[pl.ds(C * NSEG + g0, L)]
        inv = 1.0 / jnp.maximum(n, 1.0)
        keep = (g0 + _iota16()) != 0
        r = []
        for ch in range(C):
            a = comb[pl.ds(ch * NSEG + g0, L)] * inv
            a = jnp.where(keep, a, 0.0)
            r.append(_bf16(a))
        pckb[pl.ds(g0, L)] = plsc.bitcast((r[0] << 16) | r[1], jnp.int32)
        pckb[pl.ds(NSEG + g0, L)] = plsc.bitcast((r[2] << 16) | r[3],
                                                 jnp.int32)

    for p in range(2):
        for cp in _copies2(p, p, sems[p]):
            cp.start()

    def _pair2(g, acc):
        for p in range(2):
            gg = g * 2 + p
            for cp in _copies2(gg, p, sems[p]):
                cp.wait()

            @plsc.parallel_loop(0, VPR, unroll=2, carry=acc)
            def _vreg(k, a):
                hi = jnp.uint32(0xFFFF0000)
                for r in range(RPC):
                    lbl = lblb[p * RPC + r, pl.ds(k * L, L)]
                    il = ilb[p * RPC + r, pl.ds(k * L, L)]
                    q0 = plsc.bitcast(
                        plsc.load_gather(pckb, [lbl]), jnp.uint32)
                    q1 = plsc.bitcast(
                        plsc.load_gather(pckb, [lbl + NSEG]), jnp.uint32)
                    av = (plsc.bitcast(q0 & hi, jnp.float32),
                          plsc.bitcast(q0 << 16, jnp.float32),
                          plsc.bitcast(q1 & hi, jnp.float32),
                          plsc.bitcast(q1 << 16, jnp.float32))
                    nrm = zero
                    for ch in range(C):
                        v = chb[(p * C + ch) * RPC + r, pl.ds(k * L, L)]
                        d = v - av[ch]
                        nrm = nrm + d * d
                    w = jnp.where(il.astype(jnp.float32) > tv, 1.0, 0.0)
                    a = a + w * nrm
                return a
            acc = _vreg

            @pl.when(gg + 2 < NCHUNK)
            def _():
                for cp in _copies2(gg + 2, p, sems[p]):
                    cp.start()
        return acc

    acc = lax.fori_loop(0, NCHUNK // 2, _pair2, zero)
    accb[...] = acc
    pltpu.sync_copy(accb, out_hbm.at[orow])


def kernel(Is, Ispp, Il, line_thresh):
    th = jnp.full((L,), line_thresh, jnp.float32)
    parts = _superpixel(Is, Ispp, Il, th)
    return jnp.sum(parts) / (B * HW)

# --- scband reference (transcript-rebuilt; emitter-appended) ---
"""Pipeline reference for scband-superpixel-loss-13408887898282 (READ-ONLY COPY).

The authoritative reference and input builder live on the scoring server;
editing this copy changes nothing except your own understanding.
"""

import jax, jax.numpy as jnp
import numpy as np


def setup_inputs(seed: int = 0) -> dict:
    key = jax.random.key(seed)
    k1, k2, k3 = jax.random.split(key, 3)
    Is = jax.random.normal(k1, (16, 4, 512, 512), dtype=jnp.float32)
    Ispp = jax.random.randint(k2, (16, 1, 512, 512), 0, 1024)
    Il = jax.random.randint(k3, (16, 512, 512), 0, 256).astype(jnp.int32)
    return {"Is": Is, "Ispp": Ispp, "Il": Il, "line_thresh": jnp.float32(255.0 / 4.0)}


def reference(Is, Ispp, Il, line_thresh=255.0 / 4.0):
    B, C, H, W = Is.shape
    labels = Ispp[:, 0]  # [B, H, W]
    nseg = 1024  # static bound: labels drawn from randint(0, 1024)
    ids = (jnp.arange(B, dtype=labels.dtype)[:, None] * nseg + labels.reshape(B, -1)).reshape(-1)
    data = jnp.transpose(Is, (0, 2, 3, 1)).reshape(-1, C)
    sums = jax.ops.segment_sum(data, ids, num_segments=B * nseg)
    counts = jax.ops.segment_sum(jnp.ones((ids.shape[0],), Is.dtype), ids, num_segments=B * nseg)
    avgs = sums / jnp.maximum(counts, 1.0)[:, None]
    per_pix = jnp.transpose(avgs[ids].reshape(B, H, W, C), (0, 3, 1, 2))  # [B, C, H, W]
    # torch loop starts at label 1; pixels with label 0 keep spp_avg == 0
    spp_avg = jnp.where(labels[:, None, :, :] == 0, 0.0, per_pix)
    wl = jnp.where(Il > line_thresh, 1, 0)
    norm = ((Is - spp_avg) ** 2).sum(axis=1)  # [B, H, W]
    return (wl * norm).mean()

if __name__ == "__main__":
    import jax
    _d = setup_inputs()
    print(jax.jit(kernel)(*tuple(_d.values())))

</pallas_src>

<mosaic_0001>
#map = affine_map<(d0, d1) -> (0, 0, 0, 0)>
#map1 = affine_map<(d0, d1) -> (0, 0, 0)>
#map2 = affine_map<(d0, d1) -> (0)>
#map3 = affine_map<(d0, d1) -> (0, 0)>
module attributes {stable_mosaic.version = 14 : i64} {
  func.func @_superpixel(%arg0: i32, %arg1: i32, %arg2: memref<16x4x512x512xf32, #tpu.memory_space<hbm>>, %arg3: memref<16x1x512x512xi32, #tpu.memory_space<hbm>>, %arg4: memref<16x512x512xi32, #tpu.memory_space<hbm>>, %arg5: memref<16xf32, #tpu.memory_space<hbm>>, %arg6: memref<32x16xf32, #tpu.memory_space<hbm>>, %arg7: memref<81920xf32, #tpu.memory_space<vmem>>, %arg8: memref<5120xf32, #tpu.memory_space<vmem>>, %arg9: memref<5120xf32, #tpu.memory_space<vmem>>, %arg10: memref<8x512xi32, #tpu.memory_space<vmem>>, %arg11: memref<8x512xi32, #tpu.memory_space<vmem>>, %arg12: memref<32x512xf32, #tpu.memory_space<vmem>>, %arg13: memref<2048xi32, #tpu.memory_space<vmem>>, %arg14: memref<16xf32, #tpu.memory_space<vmem>>, %arg15: memref<16xf32, #tpu.memory_space<vmem>>, %arg16: memref<16x5120xf32, #tpu.memory_space<vmem_shared>>, %arg17: memref<!tpu.dma_semaphore, #tpu.memory_space<semaphore_mem>>, %arg18: memref<!tpu.dma_semaphore, #tpu.memory_space<semaphore_mem>>) attributes {dimension_semantics = [#tpu.dimension_semantics<core_parallel>, #tpu.dimension_semantics<subcore_parallel>], iteration_bounds = array<i64: 2, 16>, scalar_prefetch = 0 : i64, scratch_operands = 12 : i64, tpu.core_type = #tpu.core_type<sc_vector_subcore>, window_params = [{transform_indices = #map}, {transform_indices = #map}, {transform_indices = #map1}, {transform_indices = #map2}, {transform_indices = #map3}]} {
    %mul3A = arith.constant 8 : i32
    %mul3A_0 = arith.muli %arg0, %mul3A : i32
    %jit3A = arith.constant 2 : i32
    %div3A = arith.divsi %arg1, %jit3A : i32
    %sign3A = arith.constant 0 : i32
    %sign3A_1 = arith.cmpi sgt, %arg1, %sign3A : i32
    %sign3A_2 = arith.extui %sign3A_1 : i1 to i32
    %sign3A_3 = arith.constant 0 : i32
    %sign3A_4 = arith.cmpi slt, %arg1, %sign3A_3 : i32
    %sign3A_5 = arith.extui %sign3A_4 : i1 to i32
    %sign3A_6 = arith.subi %sign3A_2, %sign3A_5 : i32
    %sign3A_7 = arith.constant 0 : i32
    %sign3A_8 = arith.cmpi sgt, %jit3A, %sign3A_7 : i32
    %sign3A_9 = arith.extui %sign3A_8 : i1 to i32
    %sign3A_10 = arith.constant 0 : i32
    %sign3A_11 = arith.cmpi slt, %jit3A, %sign3A_10 : i32
    %sign3A_12 = arith.extui %sign3A_11 : i1 to i32
    %sign3A_13 = arith.subi %sign3A_9, %sign3A_12 : i32
    %ne3A = arith.cmpi ne, %sign3A_6, %sign3A_13 : i32
    %rem3A = arith.remsi %arg1, %jit3A : i32
    %ne3A_14 = arith.constant 0 : i32
    %ne3A_15 = arith.cmpi ne, %rem3A, %ne3A_14 : i32
    %and3A = arith.andi %ne3A, %ne3A_15 : i1
    %sub3A = arith.constant 1 : i32
    %sub3A_16 = arith.subi %div3A, %sub3A : i32
    %select_n3A = arith.select %and3A, %sub3A_16, %div3A : i32
    %add3A = arith.addi %mul3A_0, %select_n3A : i32
    %jit3A_17 = arith.constant 2 : i32
    %eq3A = arith.constant 0 : i32
    %eq3A_18 = arith.cmpi eq, %jit3A_17, %eq3A : i32
    %jit3A_19 = arith.constant 1 : i32
    %select_n3A_20 = arith.select %eq3A_18, %jit3A_19, %jit3A_17 : i32
    %rem3A_21 = arith.remsi %arg1, %select_n3A_20 : i32
    %ne3A_22 = arith.constant 0 : i32
    %ne3A_23 = arith.cmpi ne, %rem3A_21, %ne3A_22 : i32
    %lt3A = arith.constant 0 : i32
    %lt3A_24 = arith.cmpi slt, %rem3A_21, %lt3A : i32
    %lt3A_25 = arith.constant 0 : i32
    %lt3A_26 = arith.cmpi slt, %select_n3A_20, %lt3A_25 : i32
    %ne3A_27 = arith.xori %lt3A_24, %lt3A_26 : i1
    %and3A_28 = arith.andi %ne3A_27, %ne3A_23 : i1
    %add3A_29 = arith.addi %rem3A_21, %select_n3A_20 : i32
    %select_n3A_30 = arith.select %and3A_28, %add3A_29, %rem3A_21 : i32
    %mul3A_31 = arith.constant 256 : i32
    %mul3A_32 = arith.muli %select_n3A_30, %mul3A_31 : i32
    %mul3A_33 = arith.constant 16 : i32
    %mul3A_34 = arith.muli %arg0, %mul3A_33 : i32
    %add3A_35 = arith.addi %mul3A_34, %arg1 : i32
    %broadcast_in_dim3A = arith.constant 0.000000e+00 : f32
    %broadcast_in_dim3A_36 = vector.broadcast %broadcast_in_dim3A : f32 to vector<16xf32>
    "tpu.region"() ({
      %run_scoped3A = tpu.sem_alloc : memref<!tpu.dma_semaphore, #tpu.memory_space<semaphore_mem>>
      tpu.enqueue_dma source(%arg5 : memref<16xf32, #tpu.memory_space<hbm>>) target(%arg14 : memref<16xf32, #tpu.memory_space<vmem>>) target_semaphore(%run_scoped3A : memref<!tpu.dma_semaphore, #tpu.memory_space<semaphore_mem>>)
      tpu.wait_dma2 semaphore(%run_scoped3A : memref<!tpu.dma_semaphore, #tpu.memory_space<semaphore_mem>>) src(%arg5 : memref<16xf32, #tpu.memory_space<hbm>>) dst(%arg14 : memref<16xf32, #tpu.memory_space<vmem>>)
      tpu.yield
    }) : () -> ()
    %get3A = arith.constant 0 : index
    %get3A_37 = tpu.vector_load %arg14[%get3A] {strides = array<i32>} : memref<16xf32, #tpu.memory_space<vmem>>, vector<16xf32>,
    %parallel_loop3A = arith.constant 0 : i32
    %parallel_loop3A_38 = arith.constant 5120 : i32
    %parallel_loop3A_39 = arith.constant 1 : i32
    scf.for %parallel_loop3A_361 = %parallel_loop3A to %parallel_loop3A_38 step %parallel_loop3A_39  : i32 {
      %parallel_loop3A_362 = arith.constant 16 : i32
      %parallel_loop3A_363 = arith.muli %parallel_loop3A_361, %parallel_loop3A_362 : i32
      %parallel_loop3A_364 = arith.index_cast %parallel_loop3A_363 : i32 to index
      %parallel_loop3A_365 = tpu.vector_load %arg7[%parallel_loop3A_364] {strides = array<i32>} : memref<81920xf32, #tpu.memory_space<vmem>>, vector<16xf32>,
      tpu.vector_store %arg7[%parallel_loop3A_364], %broadcast_in_dim3A_36 {strides = array<i32>} : memref<81920xf32, #tpu.memory_space<vmem>>, vector<16xf32>,
    } {sc.loop_unroll_factor = 8 : i64, sc.parallel_access}
    %iota3A = tpu.iota {dimensions = array<i32: 0>} : vector<16xi32>
    %broadcast_in_dim3A_40 = arith.constant 1.000000e+00 : f32
    %broadcast_in_dim3A_41 = vector.broadcast %broadcast_in_dim3A_40 : f32 to vector<16xf32>
    %add3A_42 = arith.constant 0 : i32
    %add3A_43 = arith.addi %mul3A_32, %add3A_42 : i32
    %dma_start3A = arith.constant 0 : i32
    %dma_start3A_44 = arith.constant 0 : i32
    %dma_start3A_45 = arith.constant 0 : i32
    %dma_start3A_46 = tpu.memref_slice %arg10[%dma_start3A_44, %dma_start3A_45] : memref<8x512xi32, #tpu.memory_space<vmem>> -> memref<4x512xi32, #tpu.memory_space<vmem>>
    %dma_start3A_47 = arith.constant 0 : i32
    %dma_start3A_48 = tpu.memref_slice %arg3[%add3A, %dma_start3A, %add3A_43, %dma_start3A_47] : memref<16x1x512x512xi32, #tpu.memory_space<hbm>> -> memref<1x1x4x512xi32, #tpu.memory_space<hbm>>
    %dma_start3A_49 = tpu.memref_squeeze %dma_start3A_48 : memref<1x1x4x512xi32, #tpu.memory_space<hbm>> -> memref<4x512xi32, #tpu.memory_space<hbm>>
    %dma_start3A_50 = arith.constant 0 : i32
    %dma_start3A_51 = arith.constant 0 : i32
    %dma_start3A_52 = tpu.memref_slice %arg10[%dma_start3A_50, %dma_start3A_51] : memref<8x512xi32, #tpu.memory_space<vmem>> -> memref<4x512xi32, #tpu.memory_space<vmem>>
    %dma_start3A_53 = arith.constant 0 : i32
    %dma_start3A_54 = tpu.memref_slice %arg3[%add3A, %dma_start3A, %add3A_43, %dma_start3A_53] : memref<16x1x512x512xi32, #tpu.memory_space<hbm>> -> memref<1x1x4x512xi32, #tpu.memory_space<hbm>>
    %dma_start3A_55 = tpu.memref_squeeze %dma_start3A_54 : memref<1x1x4x512xi32, #tpu.memory_space<hbm>> -> memref<4x512xi32, #tpu.memory_space<hbm>>
    tpu.enqueue_dma source(%dma_start3A_55 : memref<4x512xi32, #tpu.memory_space<hbm>>) target(%dma_start3A_52 : memref<4x512xi32, #tpu.memory_space<vmem>>) target_semaphore(%arg17 : memref<!tpu.dma_semaphore, #tpu.memory_space<semaphore_mem>>)
    %dma_start3A_56 = arith.constant 0 : i32
    %dma_start3A_57 = arith.constant 0 : i32
    %dma_start3A_58 = arith.constant 0 : i32
    %dma_start3A_59 = tpu.memref_slice %arg12[%dma_start3A_57, %dma_start3A_58] : memref<32x512xf32, #tpu.memory_space<vmem>> -> memref<4x512xf32, #tpu.memory_space<vmem>>
    %dma_start3A_60 = arith.constant 0 : i32
    %dma_start3A_61 = tpu.memref_slice %arg2[%add3A, %dma_start3A_56, %add3A_43, %dma_start3A_60] : memref<16x4x512x512xf32, #tpu.memory_space<hbm>> -> memref<1x1x4x512xf32, #tpu.memory_space<hbm>>
    %dma_start3A_62 = tpu.memref_squeeze %dma_start3A_61 : memref<1x1x4x512xf32, #tpu.memory_space<hbm>> -> memref<4x512xf32, #tpu.memory_space<hbm>>
    %dma_start3A_63 = arith.constant 0 : i32
    %dma_start3A_64 = arith.constant 0 : i32
    %dma_start3A_65 = tpu.memref_slice %arg12[%dma_start3A_63, %dma_start3A_64] : memref<32x512xf32, #tpu.memory_space<vmem>> -> memref<4x512xf32, #tpu.memory_space<vmem>>
    %dma_start3A_66 = arith.constant 0 : i32
    %dma_start3A_67 = tpu.memref_slice %arg2[%add3A, %dma_start3A_56, %add3A_43, %dma_start3A_66] : memref<16x4x512x512xf32, #tpu.memory_space<hbm>> -> memref<1x1x4x512xf32, #tpu.memory_space<hbm>>
    %dma_start3A_68 = tpu.memref_squeeze %dma_start3A_67 : memref<1x1x4x512xf32, #tpu.memory_space<hbm>> -> memref<4x512xf32, #tpu.memory_space<hbm>>
    tpu.enqueue_dma source(%dma_start3A_68 : memref<4x512xf32, #tpu.memory_space<hbm>>) target(%dma_start3A_65 : memref<4x512xf32, #tpu.memory_space<vmem>>) target_semaphore(%arg17 : memref<!tpu.dma_semaphore, #tpu.memory_space<semaphore_mem>>)
    %dma_start3A_69 = arith.constant 1 : i32
    %dma_start3A_70 = arith.constant 4 : i32
    %dma_start3A_71 = arith.constant 0 : i32
    %dma_start3A_72 = tpu.memref_slice %arg12[%dma_start3A_70, %dma_start3A_71] : memref<32x512xf32, #tpu.memory_space<vmem>> -> memref<4x512xf32, #tpu.memory_space<vmem>>
    %dma_start3A_73 = arith.constant 0 : i32
    %dma_start3A_74 = tpu.memref_slice %arg2[%add3A, %dma_start3A_69, %add3A_43, %dma_start3A_73] : memref<16x4x512x512xf32, #tpu.memory_space<hbm>> -> memref<1x1x4x512xf32, #tpu.memory_space<hbm>>
    %dma_start3A_75 = tpu.memref_squeeze %dma_start3A_74 : memref<1x1x4x512xf32, #tpu.memory_space<hbm>> -> memref<4x512xf32, #tpu.memory_space<hbm>>
    %dma_start3A_76 = arith.constant 4 : i32
    %dma_start3A_77 = arith.constant 0 : i32
    %dma_start3A_78 = tpu.memref_slice %arg12[%dma_start3A_76, %dma_start3A_77] : memref<32x512xf32, #tpu.memory_space<vmem>> -> memref<4x512xf32, #tpu.memory_space<vmem>>
    %dma_start3A_79 = arith.constant 0 : i32
    %dma_start3A_80 = tpu.memref_slice %arg2[%add3A, %dma_start3A_69, %add3A_43, %dma_start3A_79] : memref<16x4x512x512xf32, #tpu.memory_space<hbm>> -> memref<1x1x4x512xf32, #tpu.memory_space<hbm>>
    %dma_start3A_81 = tpu.memref_squeeze %dma_start3A_80 : memref<1x1x4x512xf32, #tpu.memory_space<hbm>> -> memref<4x512xf32, #tpu.memory_space<hbm>>
    tpu.enqueue_dma source(%dma_start3A_81 : memref<4x512xf32, #tpu.memory_space<hbm>>) target(%dma_start3A_78 : memref<4x512xf32, #tpu.memory_space<vmem>>) target_semaphore(%arg17 : memref<!tpu.dma_semaphore, #tpu.memory_space<semaphore_mem>>)
    %dma_start3A_82 = arith.constant 2 : i32
    %dma_start3A_83 = arith.constant 8 : i32
    %dma_start3A_84 = arith.constant 0 : i32
    %dma_start3A_85 = tpu.memref_slice %arg12[%dma_start3A_83, %dma_start3A_84] : memref<32x512xf32, #tpu.memory_space<vmem>> -> memref<4x512xf32, #tpu.memory_space<vmem>>
    %dma_start3A_86 = arith.constant 0 : i32
    %dma_start3A_87 = tpu.memref_slice %arg2[%add3A, %dma_start3A_82, %add3A_43, %dma_start3A_86] : memref<16x4x512x512xf32, #tpu.memory_space<hbm>> -> memref<1x1x4x512xf32, #tpu.memory_space<hbm>>
    %dma_start3A_88 = tpu.memref_squeeze %dma_start3A_87 : memref<1x1x4x512xf32, #tpu.memory_space<hbm>> -> memref<4x512xf32, #tpu.memory_space<hbm>>
    %dma_start3A_89 = arith.constant 8 : i32
    %dma_start3A_90 = arith.constant 0 : i32
    %dma_start3A_91 = tpu.memref_slice %arg12[%dma_start3A_89, %dma_start3A_90] : memref<32x512xf32, #tpu.memory_space<vmem>> -> memref<4x512xf32, #tpu.memory_space<vmem>>
    %dma_start3A_92 = arith.constant 0 : i32
    %dma_start3A_93 = tpu.memref_slice %arg2[%add3A, %dma_start3A_82, %add3A_43, %dma_start3A_92] : memref<16x4x512x512xf32, #tpu.memory_space<hbm>> -> memref<1x1x4x512xf32, #tpu.memory_space<hbm>>
    %dma_start3A_94 = tpu.memref_squeeze %dma_start3A_93 : memref<1x1x4x512xf32, #tpu.memory_space<hbm>> -> memref<4x512xf32, #tpu.memory_space<hbm>>
    tpu.enqueue_dma source(%dma_start3A_94 : memref<4x512xf32, #tpu.memory_space<hbm>>) target(%dma_start3A_91 : memref<4x512xf32, #tpu.memory_space<vmem>>) target_semaphore(%arg17 : memref<!tpu.dma_semaphore, #tpu.memory_space<semaphore_mem>>)
    %dma_start3A_95 = arith.constant 3 : i32
    %dma_start3A_96 = arith.constant 12 : i32
    %dma_start3A_97 = arith.constant 0 : i32
    %dma_start3A_98 = tpu.memref_slice %arg12[%dma_start3A_96, %dma_start3A_97] : memref<32x512xf32, #tpu.memory_space<vmem>> -> memref<4x512xf32, #tpu.memory_space<vmem>>
    %dma_start3A_99 = arith.constant 0 : i32
    %dma_start3A_100 = tpu.memref_slice %arg2[%add3A, %dma_start3A_95, %add3A_43, %dma_start3A_99] : memref<16x4x512x512xf32, #tpu.memory_space<hbm>> -> memref<1x1x4x512xf32, #tpu.memory_space<hbm>>
    %dma_start3A_101 = tpu.memref_squeeze %dma_start3A_100 : memref<1x1x4x512xf32, #tpu.memory_space<hbm>> -> memref<4x512xf32, #tpu.memory_space<hbm>>
    %dma_start3A_102 = arith.constant 12 : i32
    %dma_start3A_103 = arith.constant 0 : i32
    %dma_start3A_104 = tpu.memref_slice %arg12[%dma_start3A_102, %dma_start3A_103] : memref<32x512xf32, #tpu.memory_space<vmem>> -> memref<4x512xf32, #tpu.memory_space<vmem>>
    %dma_start3A_105 = arith.constant 0 : i32
    %dma_start3A_106 = tpu.memref_slice %arg2[%add3A, %dma_start3A_95, %add3A_43, %dma_start3A_105] : memref<16x4x512x512xf32, #tpu.memory_space<hbm>> -> memref<1x1x4x512xf32, #tpu.memory_space<hbm>>
    %dma_start3A_107 = tpu.memref_squeeze %dma_start3A_106 : memref<1x1x4x512xf32, #tpu.memory_space<hbm>> -> memref<4x512xf32, #tpu.memory_space<hbm>>
    tpu.enqueue_dma source(%dma_start3A_107 : memref<4x512xf32, #tpu.memory_space<hbm>>) target(%dma_start3A_104 : memref<4x512xf32, #tpu.memory_space<vmem>>) target_semaphore(%arg17 : memref<!tpu.dma_semaphore, #tpu.memory_space<semaphore_mem>>)
    %add3A_108 = arith.constant 4 : i32
    %add3A_109 = arith.addi %mul3A_32, %add3A_108 : i32
    %dma_start3A_110 = arith.constant 0 : i32
    %dma_start3A_111 = arith.constant 4 : i32
    %dma_start3A_112 = arith.constant 0 : i32
    %dma_start3A_113 = tpu.memref_slice %arg10[%dma_start3A_111, %dma_start3A_112] : memref<8x512xi32, #tpu.memory_space<vmem>> -> memref<4x512xi32, #tpu.memory_space<vmem>>
    %dma_start3A_114 = arith.constant 0 : i32
    %dma_start3A_115 = tpu.memref_slice %arg3[%add3A, %dma_start3A_110, %add3A_109, %dma_start3A_114] : memref<16x1x512x512xi32, #tpu.memory_space<hbm>> -> memref<1x1x4x512xi32, #tpu.memory_space<hbm>>
    %dma_start3A_116 = tpu.memref_squeeze %dma_start3A_115 : memref<1x1x4x512xi32, #tpu.memory_space<hbm>> -> memref<4x512xi32, #tpu.memory_space<hbm>>
    %dma_start3A_117 = arith.constant 4 : i32
    %dma_start3A_118 = arith.constant 0 : i32
    %dma_start3A_119 = tpu.memref_slice %arg10[%dma_start3A_117, %dma_start3A_118] : memref<8x512xi32, #tpu.memory_space<vmem>> -> memref<4x512xi32, #tpu.memory_space<vmem>>
    %dma_start3A_120 = arith.constant 0 : i32
    %dma_start3A_121 = tpu.memref_slice %arg3[%add3A, %dma_start3A_110, %add3A_109, %dma_start3A_120] : memref<16x1x512x512xi32, #tpu.memory_space<hbm>> -> memref<1x1x4x512xi32, #tpu.memory_space<hbm>>
    %dma_start3A_122 = tpu.memref_squeeze %dma_start3A_121 : memref<1x1x4x512xi32, #tpu.memory_space<hbm>> -> memref<4x512xi32, #tpu.memory_space<hbm>>
    tpu.enqueue_dma source(%dma_start3A_122 : memref<4x512xi32, #tpu.memory_space<hbm>>) target(%dma_start3A_119 : memref<4x512xi32, #tpu.memory_space<vmem>>) target_semaphore(%arg18 : memref<!tpu.dma_semaphore, #tpu.memory_space<semaphore_mem>>)
    %dma_start3A_123 = arith.constant 0 : i32
    %dma_start3A_124 = arith.constant 16 : i32
    %dma_start3A_125 = arith.constant 0 : i32
    %dma_start3A_126 = tpu.memref_slice %arg12[%dma_start3A_124, %dma_start3A_125] : memref<32x512xf32, #tpu.memory_space<vmem>> -> memref<4x512xf32, #tpu.memory_space<vmem>>
    %dma_start3A_127 = arith.constant 0 : i32
    %dma_start3A_128 = tpu.memref_slice %arg2[%add3A, %dma_start3A_123, %add3A_109, %dma_start3A_127] : memref<16x4x512x512xf32, #tpu.memory_space<hbm>> -> memref<1x1x4x512xf32, #tpu.memory_space<hbm>>
    %dma_start3A_129 = tpu.memref_squeeze %dma_start3A_128 : memref<1x1x4x512xf32, #tpu.memory_space<hbm>> -> memref<4x512xf32, #tpu.memory_space<hbm>>
    %dma_start3A_130 = arith.constant 16 : i32
    %dma_start3A_131 = arith.constant 0 : i32
    %dma_start3A_132 = tpu.memref_slice %arg12[%dma_start3A_130, %dma_start3A_131] : memref<32x512xf32, #tpu.memory_space<vmem>> -> memref<4x512xf32, #tpu.memory_space<vmem>>
    %dma_start3A_133 = arith.constant 0 : i32
    %dma_start3A_134 = tpu.memref_slice %arg2[%add3A, %dma_start3A_123, %add3A_109, %dma_start3A_133] : memref<16x4x512x512xf32, #tpu.memory_space<hbm>> -> memref<1x1x4x512xf32, #tpu.memory_space<hbm>>
    %dma_start3A_135 = tpu.memref_squeeze %dma_start3A_134 : memref<1x1x4x512xf32, #tpu.memory_space<hbm>> -> memref<4x512xf32, #tpu.memory_space<hbm>>
    tpu.enqueue_dma source(%dma_start3A_135 : memref<4x512xf32, #tpu.memory_space<hbm>>) target(%dma_start3A_132 : memref<4x512xf32, #tpu.memory_space<vmem>>) target_semaphore(%arg18 : memref<!tpu.dma_semaphore, #tpu.memory_space<semaphore_mem>>)
    %dma_start3A_136 = arith.constant 1 : i32
    %dma_start3A_137 = arith.constant 20 : i32
    %dma_start3A_138 = arith.constant 0 : i32
    %dma_start3A_139 = tpu.memref_slice %arg12[%dma_start3A_137, %dma_start3A_138] : memref<32x512xf32, #tpu.memory_space<vmem>> -> memref<4x512xf32, #tpu.memory_space<vmem>>
    %dma_start3A_140 = arith.constant 0 : i32
    %dma_start3A_141 = tpu.memref_slice %arg2[%add3A, %dma_start3A_136, %add3A_109, %dma_start3A_140] : memref<16x4x512x512xf32, #tpu.memory_space<hbm>> -> memref<1x1x4x512xf32, #tpu.memory_space<hbm>>
    %dma_start3A_142 = tpu.memref_squeeze %dma_start3A_141 : memref<1x1x4x512xf32, #tpu.memory_space<hbm>> -> memref<4x512xf32, #tpu.memory_space<hbm>>
    %dma_start3A_143 = arith.constant 20 : i32
    %dma_start3A_144 = arith.constant 0 : i32
    %dma_start3A_145 = tpu.memref_slice %arg12[%dma_start3A_143, %dma_start3A_144] : memref<32x512xf32, #tpu.memory_space<vmem>> -> memref<4x512xf32, #tpu.memory_space<vmem>>
    %dma_start3A_146 = arith.constant 0 : i32
    %dma_start3A_147 = tpu.memref_slice %arg2[%add3A, %dma_start3A_136, %add3A_109, %dma_start3A_146] : memref<16x4x512x512xf32, #tpu.memory_space<hbm>> -> memref<1x1x4x512xf32, #tpu.memory_space<hbm>>
    %dma_start3A_148 = tpu.memref_squeeze %dma_start3A_147 : memref<1x1x4x512xf32, #tpu.memory_space<hbm>> -> memref<4x512xf32, #tpu.memory_space<hbm>>
    tpu.enqueue_dma source(%dma_start3A_148 : memref<4x512xf32, #tpu.memory_space<hbm>>) target(%dma_start3A_145 : memref<4x512xf32, #tpu.memory_space<vmem>>) target_semaphore(%arg18 : memref<!tpu.dma_semaphore, #tpu.memory_space<semaphore_mem>>)
    %dma_start3A_149 = arith.constant 2 : i32
    %dma_start3A_150 = arith.constant 24 : i32
    %dma_start3A_151 = arith.constant 0 : i32
    %dma_start3A_152 = tpu.memref_slice %arg12[%dma_start3A_150, %dma_start3A_151] : memref<32x512xf32, #tpu.memory_space<vmem>> -> memref<4x512xf32, #tpu.memory_space<vmem>>
    %dma_start3A_153 = arith.constant 0 : i32
    %dma_start3A_154 = tpu.memref_slice %arg2[%add3A, %dma_start3A_149, %add3A_109, %dma_start3A_153] : memref<16x4x512x512xf32, #tpu.memory_space<hbm>> -> memref<1x1x4x512xf32, #tpu.memory_space<hbm>>
    %dma_start3A_155 = tpu.memref_squeeze %dma_start3A_154 : memref<1x1x4x512xf32, #tpu.memory_space<hbm>> -> memref<4x512xf32, #tpu.memory_space<hbm>>
    %dma_start3A_156 = arith.constant 24 : i32
    %dma_start3A_157 = arith.constant 0 : i32
    %dma_start3A_158 = tpu.memref_slice %arg12[%dma_start3A_156, %dma_start3A_157] : memref<32x512xf32, #tpu.memory_space<vmem>> -> memref<4x512xf32, #tpu.memory_space<vmem>>
    %dma_start3A_159 = arith.constant 0 : i32
    %dma_start3A_160 = tpu.memref_slice %arg2[%add3A, %dma_start3A_149, %add3A_109, %dma_start3A_159] : memref<16x4x512x512xf32, #tpu.memory_space<hbm>> -> memref<1x1x4x512xf32, #tpu.memory_space<hbm>>
    %dma_start3A_161 = tpu.memref_squeeze %dma_start3A_160 : memref<1x1x4x512xf32, #tpu.memory_space<hbm>> -> memref<4x512xf32, #tpu.memory_space<hbm>>
    tpu.enqueue_dma source(%dma_start3A_161 : memref<4x512xf32, #tpu.memory_space<hbm>>) target(%dma_start3A_158 : memref<4x512xf32, #tpu.memory_space<vmem>>) target_semaphore(%arg18 : memref<!tpu.dma_semaphore, #tpu.memory_space<semaphore_mem>>)
    %dma_start3A_162 = arith.constant 3 : i32
    %dma_start3A_163 = arith.constant 28 : i32
    %dma_start3A_164 = arith.constant 0 : i32
    %dma_start3A_165 = tpu.memref_slice %arg12[%dma_start3A_163, %dma_start3A_164] : memref<32x512xf32, #tpu.memory_space<vmem>> -> memref<4x512xf32, #tpu.memory_space<vmem>>
    %dma_start3A_166 = arith.constant 0 : i32
    %dma_start3A_167 = tpu.memref_slice %arg2[%add3A, %dma_start3A_162, %add3A_109, %dma_start3A_166] : memref<16x4x512x512xf32, #tpu.memory_space<hbm>> -> memref<1x1x4x512xf32, #tpu.memory_space<hbm>>
    %dma_start3A_168 = tpu.memref_squeeze %dma_start3A_167 : memref<1x1x4x512xf32, #tpu.memory_space<hbm>> -> memref<4x512xf32, #tpu.memory_space<hbm>>
    %dma_start3A_169 = arith.constant 28 : i32
    %dma_start3A_170 = arith.constant 0 : i32
    %dma_start3A_171 = tpu.memref_slice %arg12[%dma_start3A_169, %dma_start3A_170] : memref<32x512xf32, #tpu.memory_space<vmem>> -> memref<4x512xf32, #tpu.memory_space<vmem>>
    %dma_start3A_172 = arith.constant 0 : i32
    %dma_start3A_173 = tpu.memref_slice %arg2[%add3A, %dma_start3A_162, %add3A_109, %dma_start3A_172] : memref<16x4x512x512xf32, #tpu.memory_space<hbm>> -> memref<1x1x4x512xf32, #tpu.memory_space<hbm>>
    %dma_start3A_174 = tpu.memref_squeeze %dma_start3A_173 : memref<1x1x4x512xf32, #tpu.memory_space<hbm>> -> memref<4x512xf32, #tpu.memory_space<hbm>>
    tpu.enqueue_dma source(%dma_start3A_174 : memref<4x512xf32, #tpu.memory_space<hbm>>) target(%dma_start3A_171 : memref<4x512xf32, #tpu.memory_space<vmem>>) target_semaphore(%arg18 : memref<!tpu.dma_semaphore, #tpu.memory_space<semaphore_mem>>)
    %scan3A = arith.constant 0 : i32
    %scan3A_175 = arith.constant 32 : i32
    %scan3A_176 = arith.addi %scan3A, %scan3A_175 : i32
    %scan3A_177 = arith.constant 1 : i32
    scf.for %scan3A_361 = %scan3A to %scan3A_176 step %scan3A_177  : i32 {
      %mul3A_362 = arith.constant 2 : i32
      %mul3A_363 = arith.muli %scan3A_361, %mul3A_362 : i32
      %add3A_364 = arith.constant 0 : i32
      %add3A_365 = arith.addi %add3A_364, %mul3A_363 : i32
      %add3A_366 = arith.constant 0 : i32
      %add3A_367 = arith.addi %add3A_365, %add3A_366 : i32
      %mul3A_368 = arith.constant 4 : i32
      %mul3A_369 = arith.muli %add3A_367, %mul3A_368 : i32
      %add3A_370 = arith.addi %mul3A_32, %mul3A_369 : i32
      %dma_wait3A = arith.constant 0 : i32
      %dma_wait3A_371 = arith.constant 0 : i32
      %dma_wait3A_372 = arith.constant 0 : i32
      %dma_wait3A_373 = tpu.memref_slice %arg10[%dma_wait3A_371, %dma_wait3A_372] : memref<8x512xi32, #tpu.memory_space<vmem>> -> memref<4x512xi32, #tpu.memory_space<vmem>>
      %dma_wait3A_374 = arith.constant 0 : i32
      %dma_wait3A_375 = tpu.memref_slice %arg3[%add3A, %dma_wait3A, %add3A_370, %dma_wait3A_374] : memref<16x1x512x512xi32, #tpu.memory_space<hbm>> -> memref<1x1x4x512xi32, #tpu.memory_space<hbm>>
      %dma_wait3A_376 = tpu.memref_squeeze %dma_wait3A_375 : memref<1x1x4x512xi32, #tpu.memory_space<hbm>> -> memref<4x512xi32, #tpu.memory_space<hbm>>
      %dma_wait3A_377 = arith.constant 0 : i32
      %dma_wait3A_378 = arith.constant 0 : i32
      %dma_wait3A_379 = tpu.memref_slice %arg10[%dma_wait3A_377, %dma_wait3A_378] : memref<8x512xi32, #tpu.memory_space<vmem>> -> memref<4x512xi32, #tpu.memory_space<vmem>>
      %dma_wait3A_380 = arith.constant 0 : i32
      %dma_wait3A_381 = tpu.memref_slice %arg3[%add3A, %dma_wait3A, %add3A_370, %dma_wait3A_380] : memref<16x1x512x512xi32, #tpu.memory_space<hbm>> -> memref<1x1x4x512xi32, #tpu.memory_space<hbm>>
      %dma_wait3A_382 = tpu.memref_squeeze %dma_wait3A_381 : memref<1x1x4x512xi32, #tpu.memory_space<hbm>> -> memref<4x512xi32, #tpu.memory_space<hbm>>
      tpu.wait_dma2 semaphore(%arg17 : memref<!tpu.dma_semaphore, #tpu.memory_space<semaphore_mem>>) src(%dma_wait3A_382 : memref<4x512xi32, #tpu.memory_space<hbm>>) dst(%dma_wait3A_379 : memref<4x512xi32, #tpu.memory_space<vmem>>)
      %dma_wait3A_383 = arith.constant 0 : i32
      %dma_wait3A_384 = arith.constant 0 : i32
      %dma_wait3A_385 = arith.constant 0 : i32
      %dma_wait3A_386 = tpu.memref_slice %arg12[%dma_wait3A_384, %dma_wait3A_385] : memref<32x512xf32, #tpu.memory_space<vmem>> -> memref<4x512xf32, #tpu.memory_space<vmem>>
      %dma_wait3A_387 = arith.constant 0 : i32
      %dma_wait3A_388 = tpu.memref_slice %arg2[%add3A, %dma_wait3A_383, %add3A_370, %dma_wait3A_387] : memref<16x4x512x512xf32, #tpu.memory_space<hbm>> -> memref<1x1x4x512xf32, #tpu.memory_space<hbm>>
      %dma_wait3A_389 = tpu.memref_squeeze %dma_wait3A_388 : memref<1x1x4x512xf32, #tpu.memory_space<hbm>> -> memref<4x512xf32, #tpu.memory_space<hbm>>
      %dma_wait3A_390 = arith.constant 0 : i32
      %dma_wait3A_391 = arith.constant 0 : i32
      %dma_wait3A_392 = tpu.memref_slice %arg12[%dma_wait3A_390, %dma_wait3A_391] : memref<32x512xf32, #tpu.memory_space<vmem>> -> memref<4x512xf32, #tpu.memory_space<vmem>>
      %dma_wait3A_393 = arith.constant 0 : i32
      %dma_wait3A_394 = tpu.memref_slice %arg2[%add3A, %dma_wait3A_383, %add3A_370, %dma_wait3A_393] : memref<16x4x512x512xf32, #tpu.memory_space<hbm>> -> memref<1x1x4x512xf32, #tpu.memory_space<hbm>>
      %dma_wait3A_395 = tpu.memref_squeeze %dma_wait3A_394 : memref<1x1x4x512xf32, #tpu.memory_space<hbm>> -> memref<4x512xf32, #tpu.memory_space<hbm>>
      tpu.wait_dma2 semaphore(%arg17 : memref<!tpu.dma_semaphore, #tpu.memory_space<semaphore_mem>>) src(%dma_wait3A_395 : memref<4x512xf32, #tpu.memory_space<hbm>>) dst(%dma_wait3A_392 : memref<4x512xf32, #tpu.memory_space<vmem>>)
      %dma_wait3A_396 = arith.constant 1 : i32
      %dma_wait3A_397 = arith.constant 4 : i32
      %dma_wait3A_398 = arith.constant 0 : i32
      %dma_wait3A_399 = tpu.memref_slice %arg12[%dma_wait3A_397, %dma_wait3A_398] : memref<32x512xf32, #tpu.memory_space<vmem>> -> memref<4x512xf32, #tpu.memory_space<vmem>>
      %dma_wait3A_400 = arith.constant 0 : i32
      %dma_wait3A_401 = tpu.memref_slice %arg2[%add3A, %dma_wait3A_396, %add3A_370, %dma_wait3A_400] : memref<16x4x512x512xf32, #tpu.memory_space<hbm>> -> memref<1x1x4x512xf32, #tpu.memory_space<hbm>>
      %dma_wait3A_402 = tpu.memref_squeeze %dma_wait3A_401 : memref<1x1x4x512xf32, #tpu.memory_space<hbm>> -> memref<4x512xf32, #tpu.memory_space<hbm>>
      %dma_wait3A_403 = arith.constant 4 : i32
      %dma_wait3A_404 = arith.constant 0 : i32
      %dma_wait3A_405 = tpu.memref_slice %arg12[%dma_wait3A_403, %dma_wait3A_404] : memref<32x512xf32, #tpu.memory_space<vmem>> -> memref<4x512xf32, #tpu.memory_space<vmem>>
      %dma_wait3A_406 = arith.constant 0 : i32
      %dma_wait3A_407 = tpu.memref_slice %arg2[%add3A, %dma_wait3A_396, %add3A_370, %dma_wait3A_406] : memref<16x4x512x512xf32, #tpu.memory_space<hbm>> -> memref<1x1x4x512xf32, #tpu.memory_space<hbm>>
      %dma_wait3A_408 = tpu.memref_squeeze %dma_wait3A_407 : memref<1x1x4x512xf32, #tpu.memory_space<hbm>> -> memref<4x512xf32, #tpu.memory_space<hbm>>
      tpu.wait_dma2 semaphore(%arg17 : memref<!tpu.dma_semaphore, #tpu.memory_space<semaphore_mem>>) src(%dma_wait3A_408 : memref<4x512xf32, #tpu.memory_space<hbm>>) dst(%dma_wait3A_405 : memref<4x512xf32, #tpu.memory_space<vmem>>)
      %dma_wait3A_409 = arith.constant 2 : i32
      %dma_wait3A_410 = arith.constant 8 : i32
      %dma_wait3A_411 = arith.constant 0 : i32
      %dma_wait3A_412 = tpu.memref_slice %arg12[%dma_wait3A_410, %dma_wait3A_411] : memref<32x512xf32, #tpu.memory_space<vmem>> -> memref<4x512xf32, #tpu.memory_space<vmem>>
      %dma_wait3A_413 = arith.constant 0 : i32
      %dma_wait3A_414 = tpu.memref_slice %arg2[%add3A, %dma_wait3A_409, %add3A_370, %dma_wait3A_413] : memref<16x4x512x512xf32, #tpu.memory_space<hbm>> -> memref<1x1x4x512xf32, #tpu.memory_space<hbm>>
      %dma_wait3A_415 = tpu.memref_squeeze %dma_wait3A_414 : memref<1x1x4x512xf32, #tpu.memory_space<hbm>> -> memref<4x512xf32, #tpu.memory_space<hbm>>
      %dma_wait3A_416 = arith.constant 8 : i32
      %dma_wait3A_417 = arith.constant 0 : i32
      %dma_wait3A_418 = tpu.memref_slice %arg12[%dma_wait3A_416, %dma_wait3A_417] : memref<32x512xf32, #tpu.memory_space<vmem>> -> memref<4x512xf32, #tpu.memory_space<vmem>>
      %dma_wait3A_419 = arith.constant 0 : i32
      %dma_wait3A_420 = tpu.memref_slice %arg2[%add3A, %dma_wait3A_409, %add3A_370, %dma_wait3A_419] : memref<16x4x512x512xf32, #tpu.memory_space<hbm>> -> memref<1x1x4x512xf32, #tpu.memory_space<hbm>>
      %dma_wait3A_421 = tpu.memref_squeeze %dma_wait3A_420 : memref<1x1x4x512xf32, #tpu.memory_space<hbm>> -> memref<4x512xf32, #tpu.memory_space<hbm>>
      tpu.wait_dma2 semaphore(%arg17 : memref<!tpu.dma_semaphore, #tpu.memory_space<semaphore_mem>>) src(%dma_wait3A_421 : memref<4x512xf32, #tpu.memory_space<hbm>>) dst(%dma_wait3A_418 : memref<4x512xf32, #tpu.memory_space<vmem>>)
      %dma_wait3A_422 = arith.constant 3 : i32
      %dma_wait3A_423 = arith.constant 12 : i32
      %dma_wait3A_424 = arith.constant 0 : i32
      %dma_wait3A_425 = tpu.memref_slice %arg12[%dma_wait3A_423, %dma_wait3A_424] : memref<32x512xf32, #tpu.memory_space<vmem>> -> memref<4x512xf32, #tpu.memory_space<vmem>>
      %dma_wait3A_426 = arith.constant 0 : i32
      %dma_wait3A_427 = tpu.memref_slice %arg2[%add3A, %dma_wait3A_422, %add3A_370, %dma_wait3A_426] : memref<16x4x512x512xf32, #tpu.memory_space<hbm>> -> memref<1x1x4x512xf32, #tpu.memory_space<hbm>>
      %dma_wait3A_428 = tpu.memref_squeeze %dma_wait3A_427 : memref<1x1x4x512xf32, #tpu.memory_space<hbm>> -> memref<4x512xf32, #tpu.memory_space<hbm>>
      %dma_wait3A_429 = arith.constant 12 : i32
      %dma_wait3A_430 = arith.constant 0 : i32
      %dma_wait3A_431 = tpu.memref_slice %arg12[%dma_wait3A_429, %dma_wait3A_430] : memref<32x512xf32, #tpu.memory_space<vmem>> -> memref<4x512xf32, #tpu.memory_space<vmem>>
      %dma_wait3A_432 = arith.constant 0 : i32
      %dma_wait3A_433 = tpu.memref_slice %arg2[%add3A, %dma_wait3A_422, %add3A_370, %dma_wait3A_432] : memref<16x4x512x512xf32, #tpu.memory_space<hbm>> -> memref<1x1x4x512xf32, #tpu.memory_space<hbm>>
      %dma_wait3A_434 = tpu.memref_squeeze %dma_wait3A_433 : memref<1x1x4x512xf32, #tpu.memory_space<hbm>> -> memref<4x512xf32, #tpu.memory_space<hbm>>
      tpu.wait_dma2 semaphore(%arg17 : memref<!tpu.dma_semaphore, #tpu.memory_space<semaphore_mem>>) src(%dma_wait3A_434 : memref<4x512xf32, #tpu.memory_space<hbm>>) dst(%dma_wait3A_431 : memref<4x512xf32, #tpu.memory_space<vmem>>)
      %parallel_loop3A_435 = arith.constant 0 : i32
      %parallel_loop3A_436 = arith.constant 32 : i32
      %parallel_loop3A_437 = arith.constant 1 : i32
      scf.for %parallel_loop3A_523 = %parallel_loop3A_435 to %parallel_loop3A_436 step %parallel_loop3A_437  : i32 {
        %parallel_loop3A_524 = arith.constant 16 : i32
        %parallel_loop3A_525 = arith.muli %parallel_loop3A_523, %parallel_loop3A_524 : i32
        %parallel_loop3A_526 = arith.constant 0 : i32
        %parallel_loop3A_527 = arith.index_cast %parallel_loop3A_526 : i32 to index
        %parallel_loop3A_528 = arith.index_cast %parallel_loop3A_525 : i32 to index
        %parallel_loop3A_529 = tpu.vector_load %arg10[%parallel_loop3A_527, %parallel_loop3A_528] {strides = array<i32>} : memref<8x512xi32, #tpu.memory_space<vmem>>, vector<16xi32>,
        %parallel_loop3A_530 = arith.constant 4 : i32
        %parallel_loop3A_531 = vector.broadcast %parallel_loop3A_530 : i32 to vector<16xi32>
        %parallel_loop3A_532 = arith.shli %parallel_loop3A_529, %parallel_loop3A_531 : vector<16xi32>
        %parallel_loop3A_533 = arith.addi %parallel_loop3A_532, %iota3A : vector<16xi32>
        %parallel_loop3A_534 = arith.constant 16 : i32
        %parallel_loop3A_535 = arith.muli %parallel_loop3A_523, %parallel_loop3A_534 : i32
        %parallel_loop3A_536 = arith.constant 0 : i32
        %parallel_loop3A_537 = arith.index_cast %parallel_loop3A_536 : i32 to index
        %parallel_loop3A_538 = arith.index_cast %parallel_loop3A_535 : i32 to index
        %parallel_loop3A_539 = tpu.vector_load %arg12[%parallel_loop3A_537, %parallel_loop3A_538] {strides = array<i32>} : memref<32x512xf32, #tpu.memory_space<vmem>>, vector<16xf32>,
        %parallel_loop3A_540 = arith.constant 0 : i32
        %parallel_loop3A_541 = vector.broadcast %parallel_loop3A_540 : i32 to vector<16xi32>
        %parallel_loop3A_542 = arith.addi %parallel_loop3A_533, %parallel_loop3A_541 : vector<16xi32>
        tpu.vector_store_idx %arg7[%parallel_loop3A_542], %parallel_loop3A_539 {add = true} : memref<81920xf32, #tpu.memory_space<vmem>>[vector<16xi32>], vector<16xf32>,
        %parallel_loop3A_543 = arith.constant 16 : i32
        %parallel_loop3A_544 = arith.muli %parallel_loop3A_523, %parallel_loop3A_543 : i32
        %parallel_loop3A_545 = arith.constant 4 : i32
        %parallel_loop3A_546 = arith.index_cast %parallel_loop3A_545 : i32 to index
        %parallel_loop3A_547 = arith.index_cast %parallel_loop3A_544 : i32 to index
        %parallel_loop3A_548 = tpu.vector_load %arg12[%parallel_loop3A_546, %parallel_loop3A_547] {strides = array<i32>} : memref<32x512xf32, #tpu.memory_space<vmem>>, vector<16xf32>,
        %parallel_loop3A_549 = arith.constant 16384 : i32
        %parallel_loop3A_550 = vector.broadcast %parallel_loop3A_549 : i32 to vector<16xi32>
        %parallel_loop3A_551 = arith.addi %parallel_loop3A_533, %parallel_loop3A_550 : vector<16xi32>
        tpu.vector_store_idx %arg7[%parallel_loop3A_551], %parallel_loop3A_548 {add = true} : memref<81920xf32, #tpu.memory_space<vmem>>[vector<16xi32>], vector<16xf32>,
        %parallel_loop3A_552 = arith.constant 16 : i32
        %parallel_loop3A_553 = arith.muli %parallel_loop3A_523, %parallel_loop3A_552 : i32
        %parallel_loop3A_554 = arith.constant 8 : i32
        %parallel_loop3A_555 = arith.index_cast %parallel_loop3A_554 : i32 to index
        %parallel_loop3A_556 = arith.index_cast %parallel_loop3A_553 : i32 to index
        %parallel_loop3A_557 = tpu.vector_load %arg12[%parallel_loop3A_555, %parallel_loop3A_556] {strides = array<i32>} : memref<32x512xf32, #tpu.memory_space<vmem>>, vector<16xf32>,
        %parallel_loop3A_558 = arith.constant 32768 : i32
        %parallel_loop3A_559 = vector.broadcast %parallel_loop3A_558 : i32 to vector<16xi32>
        %parallel_loop3A_560 = arith.addi %parallel_loop3A_533, %parallel_loop3A_559 : vector<16xi32>
        tpu.vector_store_idx %arg7[%parallel_loop3A_560], %parallel_loop3A_557 {add = true} : memref<81920xf32, #tpu.memory_space<vmem>>[vector<16xi32>], vector<16xf32>,
        %parallel_loop3A_561 = arith.constant 16 : i32
        %parallel_loop3A_562 = arith.muli %parallel_loop3A_523, %parallel_loop3A_561 : i32
        %parallel_loop3A_563 = arith.constant 12 : i32
        %parallel_loop3A_564 = arith.index_cast %parallel_loop3A_563 : i32 to index
        %parallel_loop3A_565 = arith.index_cast %parallel_loop3A_562 : i32 to index
        %parallel_loop3A_566 = tpu.vector_load %arg12[%parallel_loop3A_564, %parallel_loop3A_565] {strides = array<i32>} : memref<32x512xf32, #tpu.memory_space<vmem>>, vector<16xf32>,
        %parallel_loop3A_567 = arith.constant 49152 : i32
        %parallel_loop3A_568 = vector.broadcast %parallel_loop3A_567 : i32 to vector<16xi32>
        %parallel_loop3A_569 = arith.addi %parallel_loop3A_533, %parallel_loop3A_568 : vector<16xi32>
        tpu.vector_store_idx %arg7[%parallel_loop3A_569], %parallel_loop3A_566 {add = true} : memref<81920xf32, #tpu.memory_space<vmem>>[vector<16xi32>], vector<16xf32>,
        %parallel_loop3A_570 = arith.constant 65536 : i32
        %parallel_loop3A_571 = vector.broadcast %parallel_loop3A_570 : i32 to vector<16xi32>
        %parallel_loop3A_572 = arith.addi %parallel_loop3A_533, %parallel_loop3A_571 : vector<16xi32>
        tpu.vector_store_idx %arg7[%parallel_loop3A_572], %broadcast_in_dim3A_41 {add = true} : memref<81920xf32, #tpu.memory_space<vmem>>[vector<16xi32>], vector<16xf32>,
        %parallel_loop3A_573 = arith.constant 16 : i32
        %parallel_loop3A_574 = arith.muli %parallel_loop3A_523, %parallel_loop3A_573 : i32
        %parallel_loop3A_575 = arith.constant 1 : i32
        %parallel_loop3A_576 = arith.index_cast %parallel_loop3A_575 : i32 to index
        %parallel_loop3A_577 = arith.index_cast %parallel_loop3A_574 : i32 to index
        %parallel_loop3A_578 = tpu.vector_load %arg10[%parallel_loop3A_576, %parallel_loop3A_577] {strides = array<i32>} : memref<8x512xi32, #tpu.memory_space<vmem>>, vector<16xi32>,
        %parallel_loop3A_579 = arith.constant 4 : i32
        %parallel_loop3A_580 = vector.broadcast %parallel_loop3A_579 : i32 to vector<16xi32>
        %parallel_loop3A_581 = arith.shli %parallel_loop3A_578, %parallel_loop3A_580 : vector<16xi32>
        %parallel_loop3A_582 = arith.addi %parallel_loop3A_581, %iota3A : vector<16xi32>
        %parallel_loop3A_583 = arith.constant 16 : i32
        %parallel_loop3A_584 = arith.muli %parallel_loop3A_523, %parallel_loop3A_583 : i32
        %parallel_loop3A_585 = arith.constant 1 : i32
        %parallel_loop3A_586 = arith.index_cast %parallel_loop3A_585 : i32 to index
        %parallel_loop3A_587 = arith.index_cast %parallel_loop3A_584 : i32 to index
        %parallel_loop3A_588 = tpu.vector_load %arg12[%parallel_loop3A_586, %parallel_loop3A_587] {strides = array<i32>} : memref<32x512xf32, #tpu.memory_space<vmem>>, vector<16xf32>,
        %parallel_loop3A_589 = arith.constant 0 : i32
        %parallel_loop3A_590 = vector.broadcast %parallel_loop3A_589 : i32 to vector<16xi32>
        %parallel_loop3A_591 = arith.addi %parallel_loop3A_582, %parallel_loop3A_590 : vector<16xi32>
        tpu.vector_store_idx %arg7[%parallel_loop3A_591], %parallel_loop3A_588 {add = true} : memref<81920xf32, #tpu.memory_space<vmem>>[vector<16xi32>], vector<16xf32>,
        %parallel_loop3A_592 = arith.constant 16 : i32
        %parallel_loop3A_593 = arith.muli %parallel_loop3A_523, %parallel_loop3A_592 : i32
        %parallel_loop3A_594 = arith.constant 5 : i32
        %parallel_loop3A_595 = arith.index_cast %parallel_loop3A_594 : i32 to index
        %parallel_loop3A_596 = arith.index_cast %parallel_loop3A_593 : i32 to index
        %parallel_loop3A_597 = tpu.vector_load %arg12[%parallel_loop3A_595, %parallel_loop3A_596] {strides = array<i32>} : memref<32x512xf32, #tpu.memory_space<vmem>>, vector<16xf32>,
        %parallel_loop3A_598 = arith.constant 16384 : i32
        %parallel_loop3A_599 = vector.broadcast %parallel_loop3A_598 : i32 to vector<16xi32>
        %parallel_loop3A_600 = arith.addi %parallel_loop3A_582, %parallel_loop3A_599 : vector<16xi32>
        tpu.vector_store_idx %arg7[%parallel_loop3A_600], %parallel_loop3A_597 {add = true} : memref<81920xf32, #tpu.memory_space<vmem>>[vector<16xi32>], vector<16xf32>,
        %parallel_loop3A_601 = arith.constant 16 : i32
        %parallel_loop3A_602 = arith.muli %parallel_loop3A_523, %parallel_loop3A_601 : i32
        %parallel_loop3A_603 = arith.constant 9 : i32
        %parallel_loop3A_604 = arith.index_cast %parallel_loop3A_603 : i32 to index
        %parallel_loop3A_605 = arith.index_cast %parallel_loop3A_602 : i32 to index
        %parallel_loop3A_606 = tpu.vector_load %arg12[%parallel_loop3A_604, %parallel_loop3A_605] {strides = array<i32>} : memref<32x512xf32, #tpu.memory_space<vmem>>, vector<16xf32>,
        %parallel_loop3A_607 = arith.constant 32768 : i32
        %parallel_loop3A_608 = vector.broadcast %parallel_loop3A_607 : i32 to vector<16xi32>
        %parallel_loop3A_609 = arith.addi %parallel_loop3A_582, %parallel_loop3A_608 : vector<16xi32>
        tpu.vector_store_idx %arg7[%parallel_loop3A_609], %parallel_loop3A_606 {add = true} : memref<81920xf32, #tpu.memory_space<vmem>>[vector<16xi32>], vector<16xf32>,
        %parallel_loop3A_610 = arith.constant 16 : i32
        %parallel_loop3A_611 = arith.muli %parallel_loop3A_523, %parallel_loop3A_610 : i32
        %parallel_loop3A_612 = arith.constant 13 : i32
        %parallel_loop3A_613 = arith.index_cast %parallel_loop3A_612 : i32 to index
        %parallel_loop3A_614 = arith.index_cast %parallel_loop3A_611 : i32 to index
        %parallel_loop3A_615 = tpu.vector_load %arg12[%parallel_loop3A_613, %parallel_loop3A_614] {strides = array<i32>} : memref<32x512xf32, #tpu.memory_space<vmem>>, vector<16xf32>,
        %parallel_loop3A_616 = arith.constant 49152 : i32
        %parallel_loop3A_617 = vector.broadcast %parallel_loop3A_616 : i32 to vector<16xi32>
        %parallel_loop3A_618 = arith.addi %parallel_loop3A_582, %parallel_loop3A_617 : vector<16xi32>
        tpu.vector_store_idx %arg7[%parallel_loop3A_618], %parallel_loop3A_615 {add = true} : memref<81920xf32, #tpu.memory_space<vmem>>[vector<16xi32>], vector<16xf32>,
        %parallel_loop3A_619 = arith.constant 65536 : i32
        %parallel_loop3A_620 = vector.broadcast %parallel_loop3A_619 : i32 to vector<16xi32>
        %parallel_loop3A_621 = arith.addi %parallel_loop3A_582, %parallel_loop3A_620 : vector<16xi32>
        tpu.vector_store_idx %arg7[%parallel_loop3A_621], %broadcast_in_dim3A_41 {add = true} : memref<81920xf32, #tpu.memory_space<vmem>>[vector<16xi32>], vector<16xf32>,
        %parallel_loop3A_622 = arith.constant 16 : i32
        %parallel_loop3A_623 = arith.muli %parallel_loop3A_523, %parallel_loop3A_622 : i32
        %parallel_loop3A_624 = arith.constant 2 : i32
        %parallel_loop3A_625 = arith.index_cast %parallel_loop3A_624 : i32 to index
        %parallel_loop3A_626 = arith.index_cast %parallel_loop3A_623 : i32 to index
        %parallel_loop3A_627 = tpu.vector_load %arg10[%parallel_loop3A_625, %parallel_loop3A_626] {strides = array<i32>} : memref<8x512xi32, #tpu.memory_space<vmem>>, vector<16xi32>,
        %parallel_loop3A_628 = arith.constant 4 : i32
        %parallel_loop3A_629 = vector.broadcast %parallel_loop3A_628 : i32 to vector<16xi32>
        %parallel_loop3A_630 = arith.shli %parallel_loop3A_627, %parallel_loop3A_629 : vector<16xi32>
        %parallel_loop3A_631 = arith.addi %parallel_loop3A_630, %iota3A : vector<16xi32>
        %parallel_loop3A_632 = arith.constant 16 : i32
        %parallel_loop3A_633 = arith.muli %parallel_loop3A_523, %parallel_loop3A_632 : i32
        %parallel_loop3A_634 = arith.constant 2 : i32
        %parallel_loop3A_635 = arith.index_cast %parallel_loop3A_634 : i32 to index
        %parallel_loop3A_636 = arith.index_cast %parallel_loop3A_633 : i32 to index
        %parallel_loop3A_637 = tpu.vector_load %arg12[%parallel_loop3A_635, %parallel_loop3A_636] {strides = array<i32>} : memref<32x512xf32, #tpu.memory_space<vmem>>, vector<16xf32>,
        %parallel_loop3A_638 = arith.constant 0 : i32
        %parallel_loop3A_639 = vector.broadcast %parallel_loop3A_638 : i32 to vector<16xi32>
        %parallel_loop3A_640 = arith.addi %parallel_loop3A_631, %parallel_loop3A_639 : vector<16xi32>
        tpu.vector_store_idx %arg7[%parallel_loop3A_640], %parallel_loop3A_637 {add = true} : memref<81920xf32, #tpu.memory_space<vmem>>[vector<16xi32>], vector<16xf32>,
        %parallel_loop3A_641 = arith.constant 16 : i32
        %parallel_loop3A_642 = arith.muli %parallel_loop3A_523, %parallel_loop3A_641 : i32
        %parallel_loop3A_643 = arith.constant 6 : i32
        %parallel_loop3A_644 = arith.index_cast %parallel_loop3A_643 : i32 to index
        %parallel_loop3A_645 = arith.index_cast %parallel_loop3A_642 : i32 to index
        %parallel_loop3A_646 = tpu.vector_load %arg12[%parallel_loop3A_644, %parallel_loop3A_645] {strides = array<i32>} : memref<32x512xf32, #tpu.memory_space<vmem>>, vector<16xf32>,
        %parallel_loop3A_647 = arith.constant 16384 : i32
        %parallel_loop3A_648 = vector.broadcast %parallel_loop3A_647 : i32 to vector<16xi32>
        %parallel_loop3A_649 = arith.addi %parallel_loop3A_631, %parallel_loop3A_648 : vector<16xi32>
        tpu.vector_store_idx %arg7[%parallel_loop3A_649], %parallel_loop3A_646 {add = true} : memref<81920xf32, #tpu.memory_space<vmem>>[vector<16xi32>], vector<16xf32>,
        %parallel_loop3A_650 = arith.constant 16 : i32
        %parallel_loop3A_651 = arith.muli %parallel_loop3A_523, %parallel_loop3A_650 : i32
        %parallel_loop3A_652 = arith.constant 10 : i32
        %parallel_loop3A_653 = arith.index_cast %parallel_loop3A_652 : i32 to index
        %parallel_loop3A_654 = arith.index_cast %parallel_loop3A_651 : i32 to index
        %parallel_loop3A_655 = tpu.vector_load %arg12[%parallel_loop3A_653, %parallel_loop3A_654] {strides = array<i32>} : memref<32x512xf32, #tpu.memory_space<vmem>>, vector<16xf32>,
        %parallel_loop3A_656 = arith.constant 32768 : i32
        %parallel_loop3A_657 = vector.broadcast %parallel_loop3A_656 : i32 to vector<16xi32>
        %parallel_loop3A_658 = arith.addi %parallel_loop3A_631, %parallel_loop3A_657 : vector<16xi32>
        tpu.vector_store_idx %arg7[%parallel_loop3A_658], %parallel_loop3A_655 {add = true} : memref<81920xf32, #tpu.memory_space<vmem>>[vector<16xi32>], vector<16xf32>,
        %parallel_loop3A_659 = arith.constant 16 : i32
        %parallel_loop3A_660 = arith.muli %parallel_loop3A_523, %parallel_loop3A_659 : i32
        %parallel_loop3A_661 = arith.constant 14 : i32
        %parallel_loop3A_662 = arith.index_cast %parallel_loop3A_661 : i32 to index
        %parallel_loop3A_663 = arith.index_cast %parallel_loop3A_660 : i32 to index
        %parallel_loop3A_664 = tpu.vector_load %arg12[%parallel_loop3A_662, %parallel_loop3A_663] {strides = array<i32>} : memref<32x512xf32, #tpu.memory_space<vmem>>, vector<16xf32>,
        %parallel_loop3A_665 = arith.constant 49152 : i32
        %parallel_loop3A_666 = vector.broadcast %parallel_loop3A_665 : i32 to vector<16xi32>
        %parallel_loop3A_667 = arith.addi %parallel_loop3A_631, %parallel_loop3A_666 : vector<16xi32>
        tpu.vector_store_idx %arg7[%parallel_loop3A_667], %parallel_loop3A_664 {add = true} : memref<81920xf32, #tpu.memory_space<vmem>>[vector<16xi32>], vector<16xf32>,
        %parallel_loop3A_668 = arith.constant 65536 : i32
        %parallel_loop3A_669 = vector.broadcast %parallel_loop3A_668 : i32 to vector<16xi32>
        %parallel_loop3A_670 = arith.addi %parallel_loop3A_631, %parallel_loop3A_669 : vector<16xi32>
        tpu.vector_store_idx %arg7[%parallel_loop3A_670], %broadcast_in_dim3A_41 {add = true} : memref<81920xf32, #tpu.memory_space<vmem>>[vector<16xi32>], vector<16xf32>,
        %parallel_loop3A_671 = arith.constant 16 : i32
        %parallel_loop3A_672 = arith.muli %parallel_loop3A_523, %parallel_loop3A_671 : i32
        %parallel_loop3A_673 = arith.constant 3 : i32
        %parallel_loop3A_674 = arith.index_cast %parallel_loop3A_673 : i32 to index
        %parallel_loop3A_675 = arith.index_cast %parallel_loop3A_672 : i32 to index
        %parallel_loop3A_676 = tpu.vector_load %arg10[%parallel_loop3A_674, %parallel_loop3A_675] {strides = array<i32>} : memref<8x512xi32, #tpu.memory_space<vmem>>, vector<16xi32>,
        %parallel_loop3A_677 = arith.constant 4 : i32
        %parallel_loop3A_678 = vector.broadcast %parallel_loop3A_677 : i32 to vector<16xi32>
        %parallel_loop3A_679 = arith.shli %parallel_loop3A_676, %parallel_loop3A_678 : vector<16xi32>
        %parallel_loop3A_680 = arith.addi %parallel_loop3A_679, %iota3A : vector<16xi32>
        %parallel_loop3A_681 = arith.constant 16 : i32
        %parallel_loop3A_682 = arith.muli %parallel_loop3A_523, %parallel_loop3A_681 : i32
        %parallel_loop3A_683 = arith.constant 3 : i32
        %parallel_loop3A_684 = arith.index_cast %parallel_loop3A_683 : i32 to index
        %parallel_loop3A_685 = arith.index_cast %parallel_loop3A_682 : i32 to index
        %parallel_loop3A_686 = tpu.vector_load %arg12[%parallel_loop3A_684, %parallel_loop3A_685] {strides = array<i32>} : memref<32x512xf32, #tpu.memory_space<vmem>>, vector<16xf32>,
        %parallel_loop3A_687 = arith.constant 0 : i32
        %parallel_loop3A_688 = vector.broadcast %parallel_loop3A_687 : i32 to vector<16xi32>
        %parallel_loop3A_689 = arith.addi %parallel_loop3A_680, %parallel_loop3A_688 : vector<16xi32>
        tpu.vector_store_idx %arg7[%parallel_loop3A_689], %parallel_loop3A_686 {add = true} : memref<81920xf32, #tpu.memory_space<vmem>>[vector<16xi32>], vector<16xf32>,
        %parallel_loop3A_690 = arith.constant 16 : i32
        %parallel_loop3A_691 = arith.muli %parallel_loop3A_523, %parallel_loop3A_690 : i32
        %parallel_loop3A_692 = arith.constant 7 : i32
        %parallel_loop3A_693 = arith.index_cast %parallel_loop3A_692 : i32 to index
        %parallel_loop3A_694 = arith.index_cast %parallel_loop3A_691 : i32 to index
        %parallel_loop3A_695 = tpu.vector_load %arg12[%parallel_loop3A_693, %parallel_loop3A_694] {strides = array<i32>} : memref<32x512xf32, #tpu.memory_space<vmem>>, vector<16xf32>,
        %parallel_loop3A_696 = arith.constant 16384 : i32
        %parallel_loop3A_697 = vector.broadcast %parallel_loop3A_696 : i32 to vector<16xi32>
        %parallel_loop3A_698 = arith.addi %parallel_loop3A_680, %parallel_loop3A_697 : vector<16xi32>
        tpu.vector_store_idx %arg7[%parallel_loop3A_698], %parallel_loop3A_695 {add = true} : memref<81920xf32, #tpu.memory_space<vmem>>[vector<16xi32>], vector<16xf32>,
        %parallel_loop3A_699 = arith.constant 16 : i32
        %parallel_loop3A_700 = arith.muli %parallel_loop3A_523, %parallel_loop3A_699 : i32
        %parallel_loop3A_701 = arith.constant 11 : i32
        %parallel_loop3A_702 = arith.index_cast %parallel_loop3A_701 : i32 to index
        %parallel_loop3A_703 = arith.index_cast %parallel_loop3A_700 : i32 to index
        %parallel_loop3A_704 = tpu.vector_load %arg12[%parallel_loop3A_702, %parallel_loop3A_703] {strides = array<i32>} : memref<32x512xf32, #tpu.memory_space<vmem>>, vector<16xf32>,
        %parallel_loop3A_705 = arith.constant 32768 : i32
        %parallel_loop3A_706 = vector.broadcast %parallel_loop3A_705 : i32 to vector<16xi32>
        %parallel_loop3A_707 = arith.addi %parallel_loop3A_680, %parallel_loop3A_706 : vector<16xi32>
        tpu.vector_store_idx %arg7[%parallel_loop3A_707], %parallel_loop3A_704 {add = true} : memref<81920xf32, #tpu.memory_space<vmem>>[vector<16xi32>], vector<16xf32>,
        %parallel_loop3A_708 = arith.constant 16 : i32
        %parallel_loop3A_709 = arith.muli %parallel_loop3A_523, %parallel_loop3A_708 : i32
        %parallel_loop3A_710 = arith.constant 15 : i32
        %parallel_loop3A_711 = arith.index_cast %parallel_loop3A_710 : i32 to index
        %parallel_loop3A_712 = arith.index_cast %parallel_loop3A_709 : i32 to index
        %parallel_loop3A_713 = tpu.vector_load %arg12[%parallel_loop3A_711, %parallel_loop3A_712] {strides = array<i32>} : memref<32x512xf32, #tpu.memory_space<vmem>>, vector<16xf32>,
        %parallel_loop3A_714 = arith.constant 49152 : i32
        %parallel_loop3A_715 = vector.broadcast %parallel_loop3A_714 : i32 to vector<16xi32>
        %parallel_loop3A_716 = arith.addi %parallel_loop3A_680, %parallel_loop3A_715 : vector<16xi32>
        tpu.vector_store_idx %arg7[%parallel_loop3A_716], %parallel_loop3A_713 {add = true} : memref<81920xf32, #tpu.memory_space<vmem>>[vector<16xi32>], vector<16xf32>,
        %parallel_loop3A_717 = arith.constant 65536 : i32
        %parallel_loop3A_718 = vector.broadcast %parallel_loop3A_717 : i32 to vector<16xi32>
        %parallel_loop3A_719 = arith.addi %parallel_loop3A_680, %parallel_loop3A_718 : vector<16xi32>
        tpu.vector_store_idx %arg7[%parallel_loop3A_719], %broadcast_in_dim3A_41 {add = true} : memref<81920xf32, #tpu.memory_space<vmem>>[vector<16xi32>], vector<16xf32>,
      } {sc.loop_unroll_factor = 4 : i64, sc.parallel_access}
      %add3A_438 = arith.constant 2 : i32
      %add3A_439 = arith.addi %add3A_367, %add3A_438 : i32
      %lt3A_440 = arith.constant 64 : i32
      %lt3A_441 = arith.cmpi slt, %add3A_439, %lt3A_440 : i32
      %convert_element_type3A = arith.extui %lt3A_441 : i1 to i32
      %cond3A = arith.constant 0 : i32
      %cond3A_442 = arith.cmpi ne, %convert_element_type3A, %cond3A : i32
      scf.if %cond3A_442 {
        %add3A_523 = arith.constant 2 : i32
        %add3A_524 = arith.addi %add3A_367, %add3A_523 : i32
        %mul3A_525 = arith.constant 4 : i32
        %mul3A_526 = arith.muli %add3A_524, %mul3A_525 : i32
        %add3A_527 = arith.addi %mul3A_32, %mul3A_526 : i32
        %dma_start3A_528 = arith.constant 0 : i32
        %dma_start3A_529 = arith.constant 0 : i32
        %dma_start3A_530 = arith.constant 0 : i32
        %dma_start3A_531 = tpu.memref_slice %arg10[%dma_start3A_529, %dma_start3A_530] : memref<8x512xi32, #tpu.memory_space<vmem>> -> memref<4x512xi32, #tpu.memory_space<vmem>>
        %dma_start3A_532 = arith.constant 0 : i32
        %dma_start3A_533 = tpu.memref_slice %arg3[%add3A, %dma_start3A_528, %add3A_527, %dma_start3A_532] : memref<16x1x512x512xi32, #tpu.memory_space<hbm>> -> memref<1x1x4x512xi32, #tpu.memory_space<hbm>>
        %dma_start3A_534 = tpu.memref_squeeze %dma_start3A_533 : memref<1x1x4x512xi32, #tpu.memory_space<hbm>> -> memref<4x512xi32, #tpu.memory_space<hbm>>
        %dma_start3A_535 = arith.constant 0 : i32
        %dma_start3A_536 = arith.constant 0 : i32
        %dma_start3A_537 = tpu.memref_slice %arg10[%dma_start3A_535, %dma_start3A_536] : memref<8x512xi32, #tpu.memory_space<vmem>> -> memref<4x512xi32, #tpu.memory_space<vmem>>
        %dma_start3A_538 = arith.constant 0 : i32
        %dma_start3A_539 = tpu.memref_slice %arg3[%add3A, %dma_start3A_528, %add3A_527, %dma_start3A_538] : memref<16x1x512x512xi32, #tpu.memory_space<hbm>> -> memref<1x1x4x512xi32, #tpu.memory_space<hbm>>
        %dma_start3A_540 = tpu.memref_squeeze %dma_start3A_539 : memref<1x1x4x512xi32, #tpu.memory_space<hbm>> -> memref<4x512xi32, #tpu.memory_space<hbm>>
        tpu.enqueue_dma source(%dma_start3A_540 : memref<4x512xi32, #tpu.memory_space<hbm>>) target(%dma_start3A_537 : memref<4x512xi32, #tpu.memory_space<vmem>>) target_semaphore(%arg17 : memref<!tpu.dma_semaphore, #tpu.memory_space<semaphore_mem>>)
        %dma_start3A_541 = arith.constant 0 : i32
        %dma_start3A_542 = arith.constant 0 : i32
        %dma_start3A_543 = arith.constant 0 : i32
        %dma_start3A_544 = tpu.memref_slice %arg12[%dma_start3A_542, %dma_start3A_543] : memref<32x512xf32, #tpu.memory_space<vmem>> -> memref<4x512xf32, #tpu.memory_space<vmem>>
        %dma_start3A_545 = arith.constant 0 : i32
        %dma_start3A_546 = tpu.memref_slice %arg2[%add3A, %dma_start3A_541, %add3A_527, %dma_start3A_545] : memref<16x4x512x512xf32, #tpu.memory_space<hbm>> -> memref<1x1x4x512xf32, #tpu.memory_space<hbm>>
        %dma_start3A_547 = tpu.memref_squeeze %dma_start3A_546 : memref<1x1x4x512xf32, #tpu.memory_space<hbm>> -> memref<4x512xf32, #tpu.memory_space<hbm>>
        %dma_start3A_548 = arith.constant 0 : i32
        %dma_start3A_549 = arith.constant 0 : i32
        %dma_start3A_550 = tpu.memref_slice %arg12[%dma_start3A_548, %dma_start3A_549] : memref<32x512xf32, #tpu.memory_space<vmem>> -> memref<4x512xf32, #tpu.memory_space<vmem>>
        %dma_start3A_551 = arith.constant 0 : i32
        %dma_start3A_552 = tpu.memref_slice %arg2[%add3A, %dma_start3A_541, %add3A_527, %dma_start3A_551] : memref<16x4x512x512xf32, #tpu.memory_space<hbm>> -> memref<1x1x4x512xf32, #tpu.memory_space<hbm>>
        %dma_start3A_553 = tpu.memref_squeeze %dma_start3A_552 : memref<1x1x4x512xf32, #tpu.memory_space<hbm>> -> memref<4x512xf32, #tpu.memory_space<hbm>>
        tpu.enqueue_dma source(%dma_start3A_553 : memref<4x512xf32, #tpu.memory_space<hbm>>) target(%dma_start3A_550 : memref<4x512xf32, #tpu.memory_space<vmem>>) target_semaphore(%arg17 : memref<!tpu.dma_semaphore, #tpu.memory_space<semaphore_mem>>)
        %dma_start3A_554 = arith.constant 1 : i32
        %dma_start3A_555 = arith.constant 4 : i32
        %dma_start3A_556 = arith.constant 0 : i32
        %dma_start3A_557 = tpu.memref_slice %arg12[%dma_start3A_555, %dma_start3A_556] : memref<32x512xf32, #tpu.memory_space<vmem>> -> memref<4x512xf32, #tpu.memory_space<vmem>>
        %dma_start3A_558 = arith.constant 0 : i32
        %dma_start3A_559 = tpu.memref_slice %arg2[%add3A, %dma_start3A_554, %add3A_527, %dma_start3A_558] : memref<16x4x512x512xf32, #tpu.memory_space<hbm>> -> memref<1x1x4x512xf32, #tpu.memory_space<hbm>>
        %dma_start3A_560 = tpu.memref_squeeze %dma_start3A_559 : memref<1x1x4x512xf32, #tpu.memory_space<hbm>> -> memref<4x512xf32, #tpu.memory_space<hbm>>
        %dma_start3A_561 = arith.constant 4 : i32
        %dma_start3A_562 = arith.constant 0 : i32
        %dma_start3A_563 = tpu.memref_slice %arg12[%dma_start3A_561, %dma_start3A_562] : memref<32x512xf32, #tpu.memory_space<vmem>> -> memref<4x512xf32, #tpu.memory_space<vmem>>
        %dma_start3A_564 = arith.constant 0 : i32
        %dma_start3A_565 = tpu.memref_slice %arg2[%add3A, %dma_start3A_554, %add3A_527, %dma_start3A_564] : memref<16x4x512x512xf32, #tpu.memory_space<hbm>> -> memref<1x1x4x512xf32, #tpu.memory_space<hbm>>
        %dma_start3A_566 = tpu.memref_squeeze %dma_start3A_565 : memref<1x1x4x512xf32, #tpu.memory_space<hbm>> -> memref<4x512xf32, #tpu.memory_space<hbm>>
        tpu.enqueue_dma source(%dma_start3A_566 : memref<4x512xf32, #tpu.memory_space<hbm>>) target(%dma_start3A_563 : memref<4x512xf32, #tpu.memory_space<vmem>>) target_semaphore(%arg17 : memref<!tpu.dma_semaphore, #tpu.memory_space<semaphore_mem>>)
        %dma_start3A_567 = arith.constant 2 : i32
        %dma_start3A_568 = arith.constant 8 : i32
        %dma_start3A_569 = arith.constant 0 : i32
        %dma_start3A_570 = tpu.memref_slice %arg12[%dma_start3A_568, %dma_start3A_569] : memref<32x512xf32, #tpu.memory_space<vmem>> -> memref<4x512xf32, #tpu.memory_space<vmem>>
        %dma_start3A_571 = arith.constant 0 : i32
        %dma_start3A_572 = tpu.memref_slice %arg2[%add3A, %dma_start3A_567, %add3A_527, %dma_start3A_571] : memref<16x4x512x512xf32, #tpu.memory_space<hbm>> -> memref<1x1x4x512xf32, #tpu.memory_space<hbm>>
        %dma_start3A_573 = tpu.memref_squeeze %dma_start3A_572 : memref<1x1x4x512xf32, #tpu.memory_space<hbm>> -> memref<4x512xf32, #tpu.memory_space<hbm>>
        %dma_start3A_574 = arith.constant 8 : i32
        %dma_start3A_575 = arith.constant 0 : i32
        %dma_start3A_576 = tpu.memref_slice %arg12[%dma_start3A_574, %dma_start3A_575] : memref<32x512xf32, #tpu.memory_space<vmem>> -> memref<4x512xf32, #tpu.memory_space<vmem>>
        %dma_start3A_577 = arith.constant 0 : i32
        %dma_start3A_578 = tpu.memref_slice %arg2[%add3A, %dma_start3A_567, %add3A_527, %dma_start3A_577] : memref<16x4x512x512xf32, #tpu.memory_space<hbm>> -> memref<1x1x4x512xf32, #tpu.memory_space<hbm>>
        %dma_start3A_579 = tpu.memref_squeeze %dma_start3A_578 : memref<1x1x4x512xf32, #tpu.memory_space<hbm>> -> memref<4x512xf32, #tpu.memory_space<hbm>>
        tpu.enqueue_dma source(%dma_start3A_579 : memref<4x512xf32, #tpu.memory_space<hbm>>) target(%dma_start3A_576 : memref<4x512xf32, #tpu.memory_space<vmem>>) target_semaphore(%arg17 : memref<!tpu.dma_semaphore, #tpu.memory_space<semaphore_mem>>)
        %dma_start3A_580 = arith.constant 3 : i32
        %dma_start3A_581 = arith.constant 12 : i32
        %dma_start3A_582 = arith.constant 0 : i32
        %dma_start3A_583 = tpu.memref_slice %arg12[%dma_start3A_581, %dma_start3A_582] : memref<32x512xf32, #tpu.memory_space<vmem>> -> memref<4x512xf32, #tpu.memory_space<vmem>>
        %dma_start3A_584 = arith.constant 0 : i32
        %dma_start3A_585 = tpu.memref_slice %arg2[%add3A, %dma_start3A_580, %add3A_527, %dma_start3A_584] : memref<16x4x512x512xf32, #tpu.memory_space<hbm>> -> memref<1x1x4x512xf32, #tpu.memory_space<hbm>>
        %dma_start3A_586 = tpu.memref_squeeze %dma_start3A_585 : memref<1x1x4x512xf32, #tpu.memory_space<hbm>> -> memref<4x512xf32, #tpu.memory_space<hbm>>
        %dma_start3A_587 = arith.constant 12 : i32
        %dma_start3A_588 = arith.constant 0 : i32
        %dma_start3A_589 = tpu.memref_slice %arg12[%dma_start3A_587, %dma_start3A_588] : memref<32x512xf32, #tpu.memory_space<vmem>> -> memref<4x512xf32, #tpu.memory_space<vmem>>
        %dma_start3A_590 = arith.constant 0 : i32
        %dma_start3A_591 = tpu.memref_slice %arg2[%add3A, %dma_start3A_580, %add3A_527, %dma_start3A_590] : memref<16x4x512x512xf32, #tpu.memory_space<hbm>> -> memref<1x1x4x512xf32, #tpu.memory_space<hbm>>
        %dma_start3A_592 = tpu.memref_squeeze %dma_start3A_591 : memref<1x1x4x512xf32, #tpu.memory_space<hbm>> -> memref<4x512xf32, #tpu.memory_space<hbm>>
        tpu.enqueue_dma source(%dma_start3A_592 : memref<4x512xf32, #tpu.memory_space<hbm>>) target(%dma_start3A_589 : memref<4x512xf32, #tpu.memory_space<vmem>>) target_semaphore(%arg17 : memref<!tpu.dma_semaphore, #tpu.memory_space<semaphore_mem>>)
      } else {
      }
      %add3A_443 = arith.constant 1 : i32
      %add3A_444 = arith.addi %add3A_365, %add3A_443 : i32
      %mul3A_445 = arith.constant 4 : i32
      %mul3A_446 = arith.muli %add3A_444, %mul3A_445 : i32
      %add3A_447 = arith.addi %mul3A_32, %mul3A_446 : i32
      %dma_wait3A_448 = arith.constant 0 : i32
      %dma_wait3A_449 = arith.constant 4 : i32
      %dma_wait3A_450 = arith.constant 0 : i32
      %dma_wait3A_451 = tpu.memref_slice %arg10[%dma_wait3A_449, %dma_wait3A_450] : memref<8x512xi32, #tpu.memory_space<vmem>> -> memref<4x512xi32, #tpu.memory_space<vmem>>
      %dma_wait3A_452 = arith.constant 0 : i32
      %dma_wait3A_453 = tpu.memref_slice %arg3[%add3A, %dma_wait3A_448, %add3A_447, %dma_wait3A_452] : memref<16x1x512x512xi32, #tpu.memory_space<hbm>> -> memref<1x1x4x512xi32, #tpu.memory_space<hbm>>
      %dma_wait3A_454 = tpu.memref_squeeze %dma_wait3A_453 : memref<1x1x4x512xi32, #tpu.memory_space<hbm>> -> memref<4x512xi32, #tpu.memory_space<hbm>>
      %dma_wait3A_455 = arith.constant 4 : i32
      %dma_wait3A_456 = arith.constant 0 : i32
      %dma_wait3A_457 = tpu.memref_slice %arg10[%dma_wait3A_455, %dma_wait3A_456] : memref<8x512xi32, #tpu.memory_space<vmem>> -> memref<4x512xi32, #tpu.memory_space<vmem>>
      %dma_wait3A_458 = arith.constant 0 : i32
      %dma_wait3A_459 = tpu.memref_slice %arg3[%add3A, %dma_wait3A_448, %add3A_447, %dma_wait3A_458] : memref<16x1x512x512xi32, #tpu.memory_space<hbm>> -> memref<1x1x4x512xi32, #tpu.memory_space<hbm>>
      %dma_wait3A_460 = tpu.memref_squeeze %dma_wait3A_459 : memref<1x1x4x512xi32, #tpu.memory_space<hbm>> -> memref<4x512xi32, #tpu.memory_space<hbm>>
      tpu.wait_dma2 semaphore(%arg18 : memref<!tpu.dma_semaphore, #tpu.memory_space<semaphore_mem>>) src(%dma_wait3A_460 : memref<4x512xi32, #tpu.memory_space<hbm>>) dst(%dma_wait3A_457 : memref<4x512xi32, #tpu.memory_space<vmem>>)
      %dma_wait3A_461 = arith.constant 0 : i32
      %dma_wait3A_462 = arith.constant 16 : i32
      %dma_wait3A_463 = arith.constant 0 : i32
      %dma_wait3A_464 = tpu.memref_slice %arg12[%dma_wait3A_462, %dma_wait3A_463] : memref<32x512xf32, #tpu.memory_space<vmem>> -> memref<4x512xf32, #tpu.memory_space<vmem>>
      %dma_wait3A_465 = arith.constant 0 : i32
      %dma_wait3A_466 = tpu.memref_slice %arg2[%add3A, %dma_wait3A_461, %add3A_447, %dma_wait3A_465] : memref<16x4x512x512xf32, #tpu.memory_space<hbm>> -> memref<1x1x4x512xf32, #tpu.memory_space<hbm>>
      %dma_wait3A_467 = tpu.memref_squeeze %dma_wait3A_466 : memref<1x1x4x512xf32, #tpu.memory_space<hbm>> -> memref<4x512xf32, #tpu.memory_space<hbm>>
      %dma_wait3A_468 = arith.constant 16 : i32
      %dma_wait3A_469 = arith.constant 0 : i32
      %dma_wait3A_470 = tpu.memref_slice %arg12[%dma_wait3A_468, %dma_wait3A_469] : memref<32x512xf32, #tpu.memory_space<vmem>> -> memref<4x512xf32, #tpu.memory_space<vmem>>
      %dma_wait3A_471 = arith.constant 0 : i32
      %dma_wait3A_472 = tpu.memref_slice %arg2[%add3A, %dma_wait3A_461, %add3A_447, %dma_wait3A_471] : memref<16x4x512x512xf32, #tpu.memory_space<hbm>> -> memref<1x1x4x512xf32, #tpu.memory_space<hbm>>
      %dma_wait3A_473 = tpu.memref_squeeze %dma_wait3A_472 : memref<1x1x4x512xf32, #tpu.memory_space<hbm>> -> memref<4x512xf32, #tpu.memory_space<hbm>>
      tpu.wait_dma2 semaphore(%arg18 : memref<!tpu.dma_semaphore, #tpu.memory_space<semaphore_mem>>) src(%dma_wait3A_473 : memref<4x512xf32, #tpu.memory_space<hbm>>) dst(%dma_wait3A_470 : memref<4x512xf32, #tpu.memory_space<vmem>>)
      %dma_wait3A_474 = arith.constant 1 : i32
      %dma_wait3A_475 = arith.constant 20 : i32
      %dma_wait3A_476 = arith.constant 0 : i32
      %dma_wait3A_477 = tpu.memref_slice %arg12[%dma_wait3A_475, %dma_wait3A_476] : memref<32x512xf32, #tpu.memory_space<vmem>> -> memref<4x512xf32, #tpu.memory_space<vmem>>
      %dma_wait3A_478 = arith.constant 0 : i32
      %dma_wait3A_479 = tpu.memref_slice %arg2[%add3A, %dma_wait3A_474, %add3A_447, %dma_wait3A_478] : memref<16x4x512x512xf32, #tpu.memory_space<hbm>> -> memref<1x1x4x512xf32, #tpu.memory_space<hbm>>
      %dma_wait3A_480 = tpu.memref_squeeze %dma_wait3A_479 : memref<1x1x4x512xf32, #tpu.memory_space<hbm>> -> memref<4x512xf32, #tpu.memory_space<hbm>>
      %dma_wait3A_481 = arith.constant 20 : i32
      %dma_wait3A_482 = arith.constant 0 : i32
      %dma_wait3A_483 = tpu.memref_slice %arg12[%dma_wait3A_481, %dma_wait3A_482] : memref<32x512xf32, #tpu.memory_space<vmem>> -> memref<4x512xf32, #tpu.memory_space<vmem>>
      %dma_wait3A_484 = arith.constant 0 : i32
      %dma_wait3A_485 = tpu.memref_slice %arg2[%add3A, %dma_wait3A_474, %add3A_447, %dma_wait3A_484] : memref<16x4x512x512xf32, #tpu.memory_space<hbm>> -> memref<1x1x4x512xf32, #tpu.memory_space<hbm>>
      %dma_wait3A_486 = tpu.memref_squeeze %dma_wait3A_485 : memref<1x1x4x512xf32, #tpu.memory_space<hbm>> -> memref<4x512xf32, #tpu.memory_space<hbm>>
      tpu.wait_dma2 semaphore(%arg18 : memref<!tpu.dma_semaphore, #tpu.memory_space<semaphore_mem>>) src(%dma_wait3A_486 : memref<4x512xf32, #tpu.memory_space<hbm>>) dst(%dma_wait3A_483 : memref<4x512xf32, #tpu.memory_space<vmem>>)
      %dma_wait3A_487 = arith.constant 2 : i32
      %dma_wait3A_488 = arith.constant 24 : i32
      %dma_wait3A_489 = arith.constant 0 : i32
      %dma_wait3A_490 = tpu.memref_slice %arg12[%dma_wait3A_488, %dma_wait3A_489] : memref<32x512xf32, #tpu.memory_space<vmem>> -> memref<4x512xf32, #tpu.memory_space<vmem>>
      %dma_wait3A_491 = arith.constant 0 : i32
      %dma_wait3A_492 = tpu.memref_slice %arg2[%add3A, %dma_wait3A_487, %add3A_447, %dma_wait3A_491] : memref<16x4x512x512xf32, #tpu.memory_space<hbm>> -> memref<1x1x4x512xf32, #tpu.memory_space<hbm>>
      %dma_wait3A_493 = tpu.memref_squeeze %dma_wait3A_492 : memref<1x1x4x512xf32, #tpu.memory_space<hbm>> -> memref<4x512xf32, #tpu.memory_space<hbm>>
      %dma_wait3A_494 = arith.constant 24 : i32
      %dma_wait3A_495 = arith.constant 0 : i32
      %dma_wait3A_496 = tpu.memref_slice %arg12[%dma_wait3A_494, %dma_wait3A_495] : memref<32x512xf32, #tpu.memory_space<vmem>> -> memref<4x512xf32, #tpu.memory_space<vmem>>
      %dma_wait3A_497 = arith.constant 0 : i32
      %dma_wait3A_498 = tpu.memref_slice %arg2[%add3A, %dma_wait3A_487, %add3A_447, %dma_wait3A_497] : memref<16x4x512x512xf32, #tpu.memory_space<hbm>> -> memref<1x1x4x512xf32, #tpu.memory_space<hbm>>
      %dma_wait3A_499 = tpu.memref_squeeze %dma_wait3A_498 : memref<1x1x4x512xf32, #tpu.memory_space<hbm>> -> memref<4x512xf32, #tpu.memory_space<hbm>>
      tpu.wait_dma2 semaphore(%arg18 : memref<!tpu.dma_semaphore, #tpu.memory_space<semaphore_mem>>) src(%dma_wait3A_499 : memref<4x512xf32, #tpu.memory_space<hbm>>) dst(%dma_wait3A_496 : memref<4x512xf32, #tpu.memory_space<vmem>>)
      %dma_wait3A_500 = arith.constant 3 : i32
      %dma_wait3A_501 = arith.constant 28 : i32
      %dma_wait3A_502 = arith.constant 0 : i32
      %dma_wait3A_503 = tpu.memref_slice %arg12[%dma_wait3A_501, %dma_wait3A_502] : memref<32x512xf32, #tpu.memory_space<vmem>> -> memref<4x512xf32, #tpu.memory_space<vmem>>
      %dma_wait3A_504 = arith.constant 0 : i32
      %dma_wait3A_505 = tpu.memref_slice %arg2[%add3A, %dma_wait3A_500, %add3A_447, %dma_wait3A_504] : memref<16x4x512x512xf32, #tpu.memory_space<hbm>> -> memref<1x1x4x512xf32, #tpu.memory_space<hbm>>
      %dma_wait3A_506 = tpu.memref_squeeze %dma_wait3A_505 : memref<1x1x4x512xf32, #tpu.memory_space<hbm>> -> memref<4x512xf32, #tpu.memory_space<hbm>>
      %dma_wait3A_507 = arith.constant 28 : i32
      %dma_wait3A_508 = arith.constant 0 : i32
      %dma_wait3A_509 = tpu.memref_slice %arg12[%dma_wait3A_507, %dma_wait3A_508] : memref<32x512xf32, #tpu.memory_space<vmem>> -> memref<4x512xf32, #tpu.memory_space<vmem>>
      %dma_wait3A_510 = arith.constant 0 : i32
      %dma_wait3A_511 = tpu.memref_slice %arg2[%add3A, %dma_wait3A_500, %add3A_447, %dma_wait3A_510] : memref<16x4x512x512xf32, #tpu.memory_space<hbm>> -> memref<1x1x4x512xf32, #tpu.memory_space<hbm>>
      %dma_wait3A_512 = tpu.memref_squeeze %dma_wait3A_511 : memref<1x1x4x512xf32, #tpu.memory_space<hbm>> -> memref<4x512xf32, #tpu.memory_space<hbm>>
      tpu.wait_dma2 semaphore(%arg18 : memref<!tpu.dma_semaphore, #tpu.memory_space<semaphore_mem>>) src(%dma_wait3A_512 : memref<4x512xf32, #tpu.memory_space<hbm>>) dst(%dma_wait3A_509 : memref<4x512xf32, #tpu.memory_space<vmem>>)
      %parallel_loop3A_513 = arith.constant 0 : i32
      %parallel_loop3A_514 = arith.constant 32 : i32
      %parallel_loop3A_515 = arith.constant 1 : i32
      scf.for %parallel_loop3A_523 = %parallel_loop3A_513 to %parallel_loop3A_514 step %parallel_loop3A_515  : i32 {
        %parallel_loop3A_524 = arith.constant 16 : i32
        %parallel_loop3A_525 = arith.muli %parallel_loop3A_523, %parallel_loop3A_524 : i32
        %parallel_loop3A_526 = arith.constant 4 : i32
        %parallel_loop3A_527 = arith.index_cast %parallel_loop3A_526 : i32 to index
        %parallel_loop3A_528 = arith.index_cast %parallel_loop3A_525 : i32 to index
        %parallel_loop3A_529 = tpu.vector_load %arg10[%parallel_loop3A_527, %parallel_loop3A_528] {strides = array<i32>} : memref<8x512xi32, #tpu.memory_space<vmem>>, vector<16xi32>,
        %parallel_loop3A_530 = arith.constant 4 : i32
        %parallel_loop3A_531 = vector.broadcast %parallel_loop3A_530 : i32 to vector<16xi32>
        %parallel_loop3A_532 = arith.shli %parallel_loop3A_529, %parallel_loop3A_531 : vector<16xi32>
        %parallel_loop3A_533 = arith.addi %parallel_loop3A_532, %iota3A : vector<16xi32>
        %parallel_loop3A_534 = arith.constant 16 : i32
        %parallel_loop3A_535 = arith.muli %parallel_loop3A_523, %parallel_loop3A_534 : i32
        %parallel_loop3A_536 = arith.constant 16 : i32
        %parallel_loop3A_537 = arith.index_cast %parallel_loop3A_536 : i32 to index
        %parallel_loop3A_538 = arith.index_cast %parallel_loop3A_535 : i32 to index
        %parallel_loop3A_539 = tpu.vector_load %arg12[%parallel_loop3A_537, %parallel_loop3A_538] {strides = array<i32>} : memref<32x512xf32, #tpu.memory_space<vmem>>, vector<16xf32>,
        %parallel_loop3A_540 = arith.constant 0 : i32
        %parallel_loop3A_541 = vector.broadcast %parallel_loop3A_540 : i32 to vector<16xi32>
        %parallel_loop3A_542 = arith.addi %parallel_loop3A_533, %parallel_loop3A_541 : vector<16xi32>
        tpu.vector_store_idx %arg7[%parallel_loop3A_542], %parallel_loop3A_539 {add = true} : memref<81920xf32, #tpu.memory_space<vmem>>[vector<16xi32>], vector<16xf32>,
        %parallel_loop3A_543 = arith.constant 16 : i32
        %parallel_loop3A_544 = arith.muli %parallel_loop3A_523, %parallel_loop3A_543 : i32
        %parallel_loop3A_545 = arith.constant 20 : i32
        %parallel_loop3A_546 = arith.index_cast %parallel_loop3A_545 : i32 to index
        %parallel_loop3A_547 = arith.index_cast %parallel_loop3A_544 : i32 to index
        %parallel_loop3A_548 = tpu.vector_load %arg12[%parallel_loop3A_546, %parallel_loop3A_547] {strides = array<i32>} : memref<32x512xf32, #tpu.memory_space<vmem>>, vector<16xf32>,
        %parallel_loop3A_549 = arith.constant 16384 : i32
        %parallel_loop3A_550 = vector.broadcast %parallel_loop3A_549 : i32 to vector<16xi32>
        %parallel_loop3A_551 = arith.addi %parallel_loop3A_533, %parallel_loop3A_550 : vector<16xi32>
        tpu.vector_store_idx %arg7[%parallel_loop3A_551], %parallel_loop3A_548 {add = true} : memref<81920xf32, #tpu.memory_space<vmem>>[vector<16xi32>], vector<16xf32>,
        %parallel_loop3A_552 = arith.constant 16 : i32
        %parallel_loop3A_553 = arith.muli %parallel_loop3A_523, %parallel_loop3A_552 : i32
        %parallel_loop3A_554 = arith.constant 24 : i32
        %parallel_loop3A_555 = arith.index_cast %parallel_loop3A_554 : i32 to index
        %parallel_loop3A_556 = arith.index_cast %parallel_loop3A_553 : i32 to index
        %parallel_loop3A_557 = tpu.vector_load %arg12[%parallel_loop3A_555, %parallel_loop3A_556] {strides = array<i32>} : memref<32x512xf32, #tpu.memory_space<vmem>>, vector<16xf32>,
        %parallel_loop3A_558 = arith.constant 32768 : i32
        %parallel_loop3A_559 = vector.broadcast %parallel_loop3A_558 : i32 to vector<16xi32>
        %parallel_loop3A_560 = arith.addi %parallel_loop3A_533, %parallel_loop3A_559 : vector<16xi32>
        tpu.vector_store_idx %arg7[%parallel_loop3A_560], %parallel_loop3A_557 {add = true} : memref<81920xf32, #tpu.memory_space<vmem>>[vector<16xi32>], vector<16xf32>,
        %parallel_loop3A_561 = arith.constant 16 : i32
        %parallel_loop3A_562 = arith.muli %parallel_loop3A_523, %parallel_loop3A_561 : i32
        %parallel_loop3A_563 = arith.constant 28 : i32
        %parallel_loop3A_564 = arith.index_cast %parallel_loop3A_563 : i32 to index
        %parallel_loop3A_565 = arith.index_cast %parallel_loop3A_562 : i32 to index
        %parallel_loop3A_566 = tpu.vector_load %arg12[%parallel_loop3A_564, %parallel_loop3A_565] {strides = array<i32>} : memref<32x512xf32, #tpu.memory_space<vmem>>, vector<16xf32>,
        %parallel_loop3A_567 = arith.constant 49152 : i32
        %parallel_loop3A_568 = vector.broadcast %parallel_loop3A_567 : i32 to vector<16xi32>
        %parallel_loop3A_569 = arith.addi %parallel_loop3A_533, %parallel_loop3A_568 : vector<16xi32>
        tpu.vector_store_idx %arg7[%parallel_loop3A_569], %parallel_loop3A_566 {add = true} : memref<81920xf32, #tpu.memory_space<vmem>>[vector<16xi32>], vector<16xf32>,
        %parallel_loop3A_570 = arith.constant 65536 : i32
        %parallel_loop3A_571 = vector.broadcast %parallel_loop3A_570 : i32 to vector<16xi32>
        %parallel_loop3A_572 = arith.addi %parallel_loop3A_533, %parallel_loop3A_571 : vector<16xi32>
        tpu.vector_store_idx %arg7[%parallel_loop3A_572], %broadcast_in_dim3A_41 {add = true} : memref<81920xf32, #tpu.memory_space<vmem>>[vector<16xi32>], vector<16xf32>,
        %parallel_loop3A_573 = arith.constant 16 : i32
        %parallel_loop3A_574 = arith.muli %parallel_loop3A_523, %parallel_loop3A_573 : i32
        %parallel_loop3A_575 = arith.constant 5 : i32
        %parallel_loop3A_576 = arith.index_cast %parallel_loop3A_575 : i32 to index
        %parallel_loop3A_577 = arith.index_cast %parallel_loop3A_574 : i32 to index
        %parallel_loop3A_578 = tpu.vector_load %arg10[%parallel_loop3A_576, %parallel_loop3A_577] {strides = array<i32>} : memref<8x512xi32, #tpu.memory_space<vmem>>, vector<16xi32>,
        %parallel_loop3A_579 = arith.constant 4 : i32
        %parallel_loop3A_580 = vector.broadcast %parallel_loop3A_579 : i32 to vector<16xi32>
        %parallel_loop3A_581 = arith.shli %parallel_loop3A_578, %parallel_loop3A_580 : vector<16xi32>
        %parallel_loop3A_582 = arith.addi %parallel_loop3A_581, %iota3A : vector<16xi32>
        %parallel_loop3A_583 = arith.constant 16 : i32
        %parallel_loop3A_584 = arith.muli %parallel_loop3A_523, %parallel_loop3A_583 : i32
        %parallel_loop3A_585 = arith.constant 17 : i32
        %parallel_loop3A_586 = arith.index_cast %parallel_loop3A_585 : i32 to index
        %parallel_loop3A_587 = arith.index_cast %parallel_loop3A_584 : i32 to index
        %parallel_loop3A_588 = tpu.vector_load %arg12[%parallel_loop3A_586, %parallel_loop3A_587] {strides = array<i32>} : memref<32x512xf32, #tpu.memory_space<vmem>>, vector<16xf32>,
        %parallel_loop3A_589 = arith.constant 0 : i32
        %parallel_loop3A_590 = vector.broadcast %parallel_loop3A_589 : i32 to vector<16xi32>
        %parallel_loop3A_591 = arith.addi %parallel_loop3A_582, %parallel_loop3A_590 : vector<16xi32>
        tpu.vector_store_idx %arg7[%parallel_loop3A_591], %parallel_loop3A_588 {add = true} : memref<81920xf32, #tpu.memory_space<vmem>>[vector<16xi32>], vector<16xf32>,
        %parallel_loop3A_592 = arith.constant 16 : i32
        %parallel_loop3A_593 = arith.muli %parallel_loop3A_523, %parallel_loop3A_592 : i32
        %parallel_loop3A_594 = arith.constant 21 : i32
        %parallel_loop3A_595 = arith.index_cast %parallel_loop3A_594 : i32 to index
        %parallel_loop3A_596 = arith.index_cast %parallel_loop3A_593 : i32 to index
        %parallel_loop3A_597 = tpu.vector_load %arg12[%parallel_loop3A_595, %parallel_loop3A_596] {strides = array<i32>} : memref<32x512xf32, #tpu.memory_space<vmem>>, vector<16xf32>,
        %parallel_loop3A_598 = arith.constant 16384 : i32
        %parallel_loop3A_599 = vector.broadcast %parallel_loop3A_598 : i32 to vector<16xi32>
        %parallel_loop3A_600 = arith.addi %parallel_loop3A_582, %parallel_loop3A_599 : vector<16xi32>
        tpu.vector_store_idx %arg7[%parallel_loop3A_600], %parallel_loop3A_597 {add = true} : memref<81920xf32, #tpu.memory_space<vmem>>[vector<16xi32>], vector<16xf32>,
        %parallel_loop3A_601 = arith.constant 16 : i32
        %parallel_loop3A_602 = arith.muli %parallel_loop3A_523, %parallel_loop3A_601 : i32
        %parallel_loop3A_603 = arith.constant 25 : i32
        %parallel_loop3A_604 = arith.index_cast %parallel_loop3A_603 : i32 to index
        %parallel_loop3A_605 = arith.index_cast %parallel_loop3A_602 : i32 to index
        %parallel_loop3A_606 = tpu.vector_load %arg12[%parallel_loop3A_604, %parallel_loop3A_605] {strides = array<i32>} : memref<32x512xf32, #tpu.memory_space<vmem>>, vector<16xf32>,
        %parallel_loop3A_607 = arith.constant 32768 : i32
        %parallel_loop3A_608 = vector.broadcast %parallel_loop3A_607 : i32 to vector<16xi32>
        %parallel_loop3A_609 = arith.addi %parallel_loop3A_582, %parallel_loop3A_608 : vector<16xi32>
        tpu.vector_store_idx %arg7[%parallel_loop3A_609], %parallel_loop3A_606 {add = true} : memref<81920xf32, #tpu.memory_space<vmem>>[vector<16xi32>], vector<16xf32>,
        %parallel_loop3A_610 = arith.constant 16 : i32
        %parallel_loop3A_611 = arith.muli %parallel_loop3A_523, %parallel_loop3A_610 : i32
        %parallel_loop3A_612 = arith.constant 29 : i32
        %parallel_loop3A_613 = arith.index_cast %parallel_loop3A_612 : i32 to index
        %parallel_loop3A_614 = arith.index_cast %parallel_loop3A_611 : i32 to index
        %parallel_loop3A_615 = tpu.vector_load %arg12[%parallel_loop3A_613, %parallel_loop3A_614] {strides = array<i32>} : memref<32x512xf32, #tpu.memory_space<vmem>>, vector<16xf32>,
        %parallel_loop3A_616 = arith.constant 49152 : i32
        %parallel_loop3A_617 = vector.broadcast %parallel_loop3A_616 : i32 to vector<16xi32>
        %parallel_loop3A_618 = arith.addi %parallel_loop3A_582, %parallel_loop3A_617 : vector<16xi32>
        tpu.vector_store_idx %arg7[%parallel_loop3A_618], %parallel_loop3A_615 {add = true} : memref<81920xf32, #tpu.memory_space<vmem>>[vector<16xi32>], vector<16xf32>,
        %parallel_loop3A_619 = arith.constant 65536 : i32
        %parallel_loop3A_620 = vector.broadcast %parallel_loop3A_619 : i32 to vector<16xi32>
        %parallel_loop3A_621 = arith.addi %parallel_loop3A_582, %parallel_loop3A_620 : vector<16xi32>
        tpu.vector_store_idx %arg7[%parallel_loop3A_621], %broadcast_in_dim3A_41 {add = true} : memref<81920xf32, #tpu.memory_space<vmem>>[vector<16xi32>], vector<16xf32>,
        %parallel_loop3A_622 = arith.constant 16 : i32
        %parallel_loop3A_623 = arith.muli %parallel_loop3A_523, %parallel_loop3A_622 : i32
        %parallel_loop3A_624 = arith.constant 6 : i32
        %parallel_loop3A_625 = arith.index_cast %parallel_loop3A_624 : i32 to index
        %parallel_loop3A_626 = arith.index_cast %parallel_loop3A_623 : i32 to index
        %parallel_loop3A_627 = tpu.vector_load %arg10[%parallel_loop3A_625, %parallel_loop3A_626] {strides = array<i32>} : memref<8x512xi32, #tpu.memory_space<vmem>>, vector<16xi32>,
        %parallel_loop3A_628 = arith.constant 4 : i32
        %parallel_loop3A_629 = vector.broadcast %parallel_loop3A_628 : i32 to vector<16xi32>
        %parallel_loop3A_630 = arith.shli %parallel_loop3A_627, %parallel_loop3A_629 : vector<16xi32>
        %parallel_loop3A_631 = arith.addi %parallel_loop3A_630, %iota3A : vector<16xi32>
        %parallel_loop3A_632 = arith.constant 16 : i32
        %parallel_loop3A_633 = arith.muli %parallel_loop3A_523, %parallel_loop3A_632 : i32
        %parallel_loop3A_634 = arith.constant 18 : i32
        %parallel_loop3A_635 = arith.index_cast %parallel_loop3A_634 : i32 to index
        %parallel_loop3A_636 = arith.index_cast %parallel_loop3A_633 : i32 to index
        %parallel_loop3A_637 = tpu.vector_load %arg12[%parallel_loop3A_635, %parallel_loop3A_636] {strides = array<i32>} : memref<32x512xf32, #tpu.memory_space<vmem>>, vector<16xf32>,
        %parallel_loop3A_638 = arith.constant 0 : i32
        %parallel_loop3A_639 = vector.broadcast %parallel_loop3A_638 : i32 to vector<16xi32>
        %parallel_loop3A_640 = arith.addi %parallel_loop3A_631, %parallel_loop3A_639 : vector<16xi32>
        tpu.vector_store_idx %arg7[%parallel_loop3A_640], %parallel_loop3A_637 {add = true} : memref<81920xf32, #tpu.memory_space<vmem>>[vector<16xi32>], vector<16xf32>,
        %parallel_loop3A_641 = arith.constant 16 : i32
        %parallel_loop3A_642 = arith.muli %parallel_loop3A_523, %parallel_loop3A_641 : i32
        %parallel_loop3A_643 = arith.constant 22 : i32
        %parallel_loop3A_644 = arith.index_cast %parallel_loop3A_643 : i32 to index
        %parallel_loop3A_645 = arith.index_cast %parallel_loop3A_642 : i32 to index
        %parallel_loop3A_646 = tpu.vector_load %arg12[%parallel_loop3A_644, %parallel_loop3A_645] {strides = array<i32>} : memref<32x512xf32, #tpu.memory_space<vmem>>, vector<16xf32>,
        %parallel_loop3A_647 = arith.constant 16384 : i32
        %parallel_loop3A_648 = vector.broadcast %parallel_loop3A_647 : i32 to vector<16xi32>
        %parallel_loop3A_649 = arith.addi %parallel_loop3A_631, %parallel_loop3A_648 : vector<16xi32>
        tpu.vector_store_idx %arg7[%parallel_loop3A_649], %parallel_loop3A_646 {add = true} : memref<81920xf32, #tpu.memory_space<vmem>>[vector<16xi32>], vector<16xf32>,
        %parallel_loop3A_650 = arith.constant 16 : i32
        %parallel_loop3A_651 = arith.muli %parallel_loop3A_523, %parallel_loop3A_650 : i32
        %parallel_loop3A_652 = arith.constant 26 : i32
        %parallel_loop3A_653 = arith.index_cast %parallel_loop3A_652 : i32 to index
        %parallel_loop3A_654 = arith.index_cast %parallel_loop3A_651 : i32 to index
        %parallel_loop3A_655 = tpu.vector_load %arg12[%parallel_loop3A_653, %parallel_loop3A_654] {strides = array<i32>} : memref<32x512xf32, #tpu.memory_space<vmem>>, vector<16xf32>,
        %parallel_loop3A_656 = arith.constant 32768 : i32
        %parallel_loop3A_657 = vector.broadcast %parallel_loop3A_656 : i32 to vector<16xi32>
        %parallel_loop3A_658 = arith.addi %parallel_loop3A_631, %parallel_loop3A_657 : vector<16xi32>
        tpu.vector_store_idx %arg7[%parallel_loop3A_658], %parallel_loop3A_655 {add = true} : memref<81920xf32, #tpu.memory_space<vmem>>[vector<16xi32>], vector<16xf32>,
        %parallel_loop3A_659 = arith.constant 16 : i32
        %parallel_loop3A_660 = arith.muli %parallel_loop3A_523, %parallel_loop3A_659 : i32
        %parallel_loop3A_661 = arith.constant 30 : i32
        %parallel_loop3A_662 = arith.index_cast %parallel_loop3A_661 : i32 to index
        %parallel_loop3A_663 = arith.index_cast %parallel_loop3A_660 : i32 to index
        %parallel_loop3A_664 = tpu.vector_load %arg12[%parallel_loop3A_662, %parallel_loop3A_663] {strides = array<i32>} : memref<32x512xf32, #tpu.memory_space<vmem>>, vector<16xf32>,
        %parallel_loop3A_665 = arith.constant 49152 : i32
        %parallel_loop3A_666 = vector.broadcast %parallel_loop3A_665 : i32 to vector<16xi32>
        %parallel_loop3A_667 = arith.addi %parallel_loop3A_631, %parallel_loop3A_666 : vector<16xi32>
        tpu.vector_store_idx %arg7[%parallel_loop3A_667], %parallel_loop3A_664 {add = true} : memref<81920xf32, #tpu.memory_space<vmem>>[vector<16xi32>], vector<16xf32>,
        %parallel_loop3A_668 = arith.constant 65536 : i32
        %parallel_loop3A_669 = vector.broadcast %parallel_loop3A_668 : i32 to vector<16xi32>
        %parallel_loop3A_670 = arith.addi %parallel_loop3A_631, %parallel_loop3A_669 : vector<16xi32>
        tpu.vector_store_idx %arg7[%parallel_loop3A_670], %broadcast_in_dim3A_41 {add = true} : memref<81920xf32, #tpu.memory_space<vmem>>[vector<16xi32>], vector<16xf32>,
        %parallel_loop3A_671 = arith.constant 16 : i32
        %parallel_loop3A_672 = arith.muli %parallel_loop3A_523, %parallel_loop3A_671 : i32
        %parallel_loop3A_673 = arith.constant 7 : i32
        %parallel_loop3A_674 = arith.index_cast %parallel_loop3A_673 : i32 to index
        %parallel_loop3A_675 = arith.index_cast %parallel_loop3A_672 : i32 to index
        %parallel_loop3A_676 = tpu.vector_load %arg10[%parallel_loop3A_674, %parallel_loop3A_675] {strides = array<i32>} : memref<8x512xi32, #tpu.memory_space<vmem>>, vector<16xi32>,
        %parallel_loop3A_677 = arith.constant 4 : i32
        %parallel_loop3A_678 = vector.broadcast %parallel_loop3A_677 : i32 to vector<16xi32>
        %parallel_loop3A_679 = arith.shli %parallel_loop3A_676, %parallel_loop3A_678 : vector<16xi32>
        %parallel_loop3A_680 = arith.addi %parallel_loop3A_679, %iota3A : vector<16xi32>
        %parallel_loop3A_681 = arith.constant 16 : i32
        %parallel_loop3A_682 = arith.muli %parallel_loop3A_523, %parallel_loop3A_681 : i32
        %parallel_loop3A_683 = arith.constant 19 : i32
        %parallel_loop3A_684 = arith.index_cast %parallel_loop3A_683 : i32 to index
        %parallel_loop3A_685 = arith.index_cast %parallel_loop3A_682 : i32 to index
        %parallel_loop3A_686 = tpu.vector_load %arg12[%parallel_loop3A_684, %parallel_loop3A_685] {strides = array<i32>} : memref<32x512xf32, #tpu.memory_space<vmem>>, vector<16xf32>,
        %parallel_loop3A_687 = arith.constant 0 : i32
        %parallel_loop3A_688 = vector.broadcast %parallel_loop3A_687 : i32 to vector<16xi32>
        %parallel_loop3A_689 = arith.addi %parallel_loop3A_680, %parallel_loop3A_688 : vector<16xi32>
        tpu.vector_store_idx %arg7[%parallel_loop3A_689], %parallel_loop3A_686 {add = true} : memref<81920xf32, #tpu.memory_space<vmem>>[vector<16xi32>], vector<16xf32>,
        %parallel_loop3A_690 = arith.constant 16 : i32
        %parallel_loop3A_691 = arith.muli %parallel_loop3A_523, %parallel_loop3A_690 : i32
        %parallel_loop3A_692 = arith.constant 23 : i32
        %parallel_loop3A_693 = arith.index_cast %parallel_loop3A_692 : i32 to index
        %parallel_loop3A_694 = arith.index_cast %parallel_loop3A_691 : i32 to index
        %parallel_loop3A_695 = tpu.vector_load %arg12[%parallel_loop3A_693, %parallel_loop3A_694] {strides = array<i32>} : memref<32x512xf32, #tpu.memory_space<vmem>>, vector<16xf32>,
        %parallel_loop3A_696 = arith.constant 16384 : i32
        %parallel_loop3A_697 = vector.broadcast %parallel_loop3A_696 : i32 to vector<16xi32>
        %parallel_loop3A_698 = arith.addi %parallel_loop3A_680, %parallel_loop3A_697 : vector<16xi32>
        tpu.vector_store_idx %arg7[%parallel_loop3A_698], %parallel_loop3A_695 {add = true} : memref<81920xf32, #tpu.memory_space<vmem>>[vector<16xi32>], vector<16xf32>,
        %parallel_loop3A_699 = arith.constant 16 : i32
        %parallel_loop3A_700 = arith.muli %parallel_loop3A_523, %parallel_loop3A_699 : i32
        %parallel_loop3A_701 = arith.constant 27 : i32
        %parallel_loop3A_702 = arith.index_cast %parallel_loop3A_701 : i32 to index
        %parallel_loop3A_703 = arith.index_cast %parallel_loop3A_700 : i32 to index
        %parallel_loop3A_704 = tpu.vector_load %arg12[%parallel_loop3A_702, %parallel_loop3A_703] {strides = array<i32>} : memref<32x512xf32, #tpu.memory_space<vmem>>, vector<16xf32>,
        %parallel_loop3A_705 = arith.constant 32768 : i32
        %parallel_loop3A_706 = vector.broadcast %parallel_loop3A_705 : i32 to vector<16xi32>
        %parallel_loop3A_707 = arith.addi %parallel_loop3A_680, %parallel_loop3A_706 : vector<16xi32>
        tpu.vector_store_idx %arg7[%parallel_loop3A_707], %parallel_loop3A_704 {add = true} : memref<81920xf32, #tpu.memory_space<vmem>>[vector<16xi32>], vector<16xf32>,
        %parallel_loop3A_708 = arith.constant 16 : i32
        %parallel_loop3A_709 = arith.muli %parallel_loop3A_523, %parallel_loop3A_708 : i32
        %parallel_loop3A_710 = arith.constant 31 : i32
        %parallel_loop3A_711 = arith.index_cast %parallel_loop3A_710 : i32 to index
        %parallel_loop3A_712 = arith.index_cast %parallel_loop3A_709 : i32 to index
        %parallel_loop3A_713 = tpu.vector_load %arg12[%parallel_loop3A_711, %parallel_loop3A_712] {strides = array<i32>} : memref<32x512xf32, #tpu.memory_space<vmem>>, vector<16xf32>,
        %parallel_loop3A_714 = arith.constant 49152 : i32
        %parallel_loop3A_715 = vector.broadcast %parallel_loop3A_714 : i32 to vector<16xi32>
        %parallel_loop3A_716 = arith.addi %parallel_loop3A_680, %parallel_loop3A_715 : vector<16xi32>
        tpu.vector_store_idx %arg7[%parallel_loop3A_716], %parallel_loop3A_713 {add = true} : memref<81920xf32, #tpu.memory_space<vmem>>[vector<16xi32>], vector<16xf32>,
        %parallel_loop3A_717 = arith.constant 65536 : i32
        %parallel_loop3A_718 = vector.broadcast %parallel_loop3A_717 : i32 to vector<16xi32>
        %parallel_loop3A_719 = arith.addi %parallel_loop3A_680, %parallel_loop3A_718 : vector<16xi32>
        tpu.vector_store_idx %arg7[%parallel_loop3A_719], %broadcast_in_dim3A_41 {add = true} : memref<81920xf32, #tpu.memory_space<vmem>>[vector<16xi32>], vector<16xf32>,
      } {sc.loop_unroll_factor = 4 : i64, sc.parallel_access}
      %add3A_516 = arith.constant 2 : i32
      %add3A_517 = arith.addi %add3A_444, %add3A_516 : i32
      %lt3A_518 = arith.constant 64 : i32
      %lt3A_519 = arith.cmpi slt, %add3A_517, %lt3A_518 : i32
      %convert_element_type3A_520 = arith.extui %lt3A_519 : i1 to i32
      %cond3A_521 = arith.constant 0 : i32
      %cond3A_522 = arith.cmpi ne, %convert_element_type3A_520, %cond3A_521 : i32
      scf.if %cond3A_522 {
        %add3A_523 = arith.constant 2 : i32
        %add3A_524 = arith.addi %add3A_444, %add3A_523 : i32
        %mul3A_525 = arith.constant 4 : i32
        %mul3A_526 = arith.muli %add3A_524, %mul3A_525 : i32
        %add3A_527 = arith.addi %mul3A_32, %mul3A_526 : i32
        %dma_start3A_528 = arith.constant 0 : i32
        %dma_start3A_529 = arith.constant 4 : i32
        %dma_start3A_530 = arith.constant 0 : i32
        %dma_start3A_531 = tpu.memref_slice %arg10[%dma_start3A_529, %dma_start3A_530] : memref<8x512xi32, #tpu.memory_space<vmem>> -> memref<4x512xi32, #tpu.memory_space<vmem>>
        %dma_start3A_532 = arith.constant 0 : i32
        %dma_start3A_533 = tpu.memref_slice %arg3[%add3A, %dma_start3A_528, %add3A_527, %dma_start3A_532] : memref<16x1x512x512xi32, #tpu.memory_space<hbm>> -> memref<1x1x4x512xi32, #tpu.memory_space<hbm>>
        %dma_start3A_534 = tpu.memref_squeeze %dma_start3A_533 : memref<1x1x4x512xi32, #tpu.memory_space<hbm>> -> memref<4x512xi32, #tpu.memory_space<hbm>>
        %dma_start3A_535 = arith.constant 4 : i32
        %dma_start3A_536 = arith.constant 0 : i32
        %dma_start3A_537 = tpu.memref_slice %arg10[%dma_start3A_535, %dma_start3A_536] : memref<8x512xi32, #tpu.memory_space<vmem>> -> memref<4x512xi32, #tpu.memory_space<vmem>>
        %dma_start3A_538 = arith.constant 0 : i32
        %dma_start3A_539 = tpu.memref_slice %arg3[%add3A, %dma_start3A_528, %add3A_527, %dma_start3A_538] : memref<16x1x512x512xi32, #tpu.memory_space<hbm>> -> memref<1x1x4x512xi32, #tpu.memory_space<hbm>>
        %dma_start3A_540 = tpu.memref_squeeze %dma_start3A_539 : memref<1x1x4x512xi32, #tpu.memory_space<hbm>> -> memref<4x512xi32, #tpu.memory_space<hbm>>
        tpu.enqueue_dma source(%dma_start3A_540 : memref<4x512xi32, #tpu.memory_space<hbm>>) target(%dma_start3A_537 : memref<4x512xi32, #tpu.memory_space<vmem>>) target_semaphore(%arg18 : memref<!tpu.dma_semaphore, #tpu.memory_space<semaphore_mem>>)
        %dma_start3A_541 = arith.constant 0 : i32
        %dma_start3A_542 = arith.constant 16 : i32
        %dma_start3A_543 = arith.constant 0 : i32
        %dma_start3A_544 = tpu.memref_slice %arg12[%dma_start3A_542, %dma_start3A_543] : memref<32x512xf32, #tpu.memory_space<vmem>> -> memref<4x512xf32, #tpu.memory_space<vmem>>
        %dma_start3A_545 = arith.constant 0 : i32
        %dma_start3A_546 = tpu.memref_slice %arg2[%add3A, %dma_start3A_541, %add3A_527, %dma_start3A_545] : memref<16x4x512x512xf32, #tpu.memory_space<hbm>> -> memref<1x1x4x512xf32, #tpu.memory_space<hbm>>
        %dma_start3A_547 = tpu.memref_squeeze %dma_start3A_546 : memref<1x1x4x512xf32, #tpu.memory_space<hbm>> -> memref<4x512xf32, #tpu.memory_space<hbm>>
        %dma_start3A_548 = arith.constant 16 : i32
        %dma_start3A_549 = arith.constant 0 : i32
        %dma_start3A_550 = tpu.memref_slice %arg12[%dma_start3A_548, %dma_start3A_549] : memref<32x512xf32, #tpu.memory_space<vmem>> -> memref<4x512xf32, #tpu.memory_space<vmem>>
        %dma_start3A_551 = arith.constant 0 : i32
        %dma_start3A_552 = tpu.memref_slice %arg2[%add3A, %dma_start3A_541, %add3A_527, %dma_start3A_551] : memref<16x4x512x512xf32, #tpu.memory_space<hbm>> -> memref<1x1x4x512xf32, #tpu.memory_space<hbm>>
        %dma_start3A_553 = tpu.memref_squeeze %dma_start3A_552 : memref<1x1x4x512xf32, #tpu.memory_space<hbm>> -> memref<4x512xf32, #tpu.memory_space<hbm>>
        tpu.enqueue_dma source(%dma_start3A_553 : memref<4x512xf32, #tpu.memory_space<hbm>>) target(%dma_start3A_550 : memref<4x512xf32, #tpu.memory_space<vmem>>) target_semaphore(%arg18 : memref<!tpu.dma_semaphore, #tpu.memory_space<semaphore_mem>>)
        %dma_start3A_554 = arith.constant 1 : i32
        %dma_start3A_555 = arith.constant 20 : i32
        %dma_start3A_556 = arith.constant 0 : i32
        %dma_start3A_557 = tpu.memref_slice %arg12[%dma_start3A_555, %dma_start3A_556] : memref<32x512xf32, #tpu.memory_space<vmem>> -> memref<4x512xf32, #tpu.memory_space<vmem>>
        %dma_start3A_558 = arith.constant 0 : i32
        %dma_start3A_559 = tpu.memref_slice %arg2[%add3A, %dma_start3A_554, %add3A_527, %dma_start3A_558] : memref<16x4x512x512xf32, #tpu.memory_space<hbm>> -> memref<1x1x4x512xf32, #tpu.memory_space<hbm>>
        %dma_start3A_560 = tpu.memref_squeeze %dma_start3A_559 : memref<1x1x4x512xf32, #tpu.memory_space<hbm>> -> memref<4x512xf32, #tpu.memory_space<hbm>>
        %dma_start3A_561 = arith.constant 20 : i32
        %dma_start3A_562 = arith.constant 0 : i32
        %dma_start3A_563 = tpu.memref_slice %arg12[%dma_start3A_561, %dma_start3A_562] : memref<32x512xf32, #tpu.memory_space<vmem>> -> memref<4x512xf32, #tpu.memory_space<vmem>>
        %dma_start3A_564 = arith.constant 0 : i32
        %dma_start3A_565 = tpu.memref_slice %arg2[%add3A, %dma_start3A_554, %add3A_527, %dma_start3A_564] : memref<16x4x512x512xf32, #tpu.memory_space<hbm>> -> memref<1x1x4x512xf32, #tpu.memory_space<hbm>>
        %dma_start3A_566 = tpu.memref_squeeze %dma_start3A_565 : memref<1x1x4x512xf32, #tpu.memory_space<hbm>> -> memref<4x512xf32, #tpu.memory_space<hbm>>
        tpu.enqueue_dma source(%dma_start3A_566 : memref<4x512xf32, #tpu.memory_space<hbm>>) target(%dma_start3A_563 : memref<4x512xf32, #tpu.memory_space<vmem>>) target_semaphore(%arg18 : memref<!tpu.dma_semaphore, #tpu.memory_space<semaphore_mem>>)
        %dma_start3A_567 = arith.constant 2 : i32
        %dma_start3A_568 = arith.constant 24 : i32
        %dma_start3A_569 = arith.constant 0 : i32
        %dma_start3A_570 = tpu.memref_slice %arg12[%dma_start3A_568, %dma_start3A_569] : memref<32x512xf32, #tpu.memory_space<vmem>> -> memref<4x512xf32, #tpu.memory_space<vmem>>
        %dma_start3A_571 = arith.constant 0 : i32
        %dma_start3A_572 = tpu.memref_slice %arg2[%add3A, %dma_start3A_567, %add3A_527, %dma_start3A_571] : memref<16x4x512x512xf32, #tpu.memory_space<hbm>> -> memref<1x1x4x512xf32, #tpu.memory_space<hbm>>
        %dma_start3A_573 = tpu.memref_squeeze %dma_start3A_572 : memref<1x1x4x512xf32, #tpu.memory_space<hbm>> -> memref<4x512xf32, #tpu.memory_space<hbm>>
        %dma_start3A_574 = arith.constant 24 : i32
        %dma_start3A_575 = arith.constant 0 : i32
        %dma_start3A_576 = tpu.memref_slice %arg12[%dma_start3A_574, %dma_start3A_575] : memref<32x512xf32, #tpu.memory_space<vmem>> -> memref<4x512xf32, #tpu.memory_space<vmem>>
        %dma_start3A_577 = arith.constant 0 : i32
        %dma_start3A_578 = tpu.memref_slice %arg2[%add3A, %dma_start3A_567, %add3A_527, %dma_start3A_577] : memref<16x4x512x512xf32, #tpu.memory_space<hbm>> -> memref<1x1x4x512xf32, #tpu.memory_space<hbm>>
        %dma_start3A_579 = tpu.memref_squeeze %dma_start3A_578 : memref<1x1x4x512xf32, #tpu.memory_space<hbm>> -> memref<4x512xf32, #tpu.memory_space<hbm>>
        tpu.enqueue_dma source(%dma_start3A_579 : memref<4x512xf32, #tpu.memory_space<hbm>>) target(%dma_start3A_576 : memref<4x512xf32, #tpu.memory_space<vmem>>) target_semaphore(%arg18 : memref<!tpu.dma_semaphore, #tpu.memory_space<semaphore_mem>>)
        %dma_start3A_580 = arith.constant 3 : i32
        %dma_start3A_581 = arith.constant 28 : i32
        %dma_start3A_582 = arith.constant 0 : i32
        %dma_start3A_583 = tpu.memref_slice %arg12[%dma_start3A_581, %dma_start3A_582] : memref<32x512xf32, #tpu.memory_space<vmem>> -> memref<4x512xf32, #tpu.memory_space<vmem>>
        %dma_start3A_584 = arith.constant 0 : i32
        %dma_start3A_585 = tpu.memref_slice %arg2[%add3A, %dma_start3A_580, %add3A_527, %dma_start3A_584] : memref<16x4x512x512xf32, #tpu.memory_space<hbm>> -> memref<1x1x4x512xf32, #tpu.memory_space<hbm>>
        %dma_start3A_586 = tpu.memref_squeeze %dma_start3A_585 : memref<1x1x4x512xf32, #tpu.memory_space<hbm>> -> memref<4x512xf32, #tpu.memory_space<hbm>>
        %dma_start3A_587 = arith.constant 28 : i32
        %dma_start3A_588 = arith.constant 0 : i32
        %dma_start3A_589 = tpu.memref_slice %arg12[%dma_start3A_587, %dma_start3A_588] : memref<32x512xf32, #tpu.memory_space<vmem>> -> memref<4x512xf32, #tpu.memory_space<vmem>>
        %dma_start3A_590 = arith.constant 0 : i32
        %dma_start3A_591 = tpu.memref_slice %arg2[%add3A, %dma_start3A_580, %add3A_527, %dma_start3A_590] : memref<16x4x512x512xf32, #tpu.memory_space<hbm>> -> memref<1x1x4x512xf32, #tpu.memory_space<hbm>>
        %dma_start3A_592 = tpu.memref_squeeze %dma_start3A_591 : memref<1x1x4x512xf32, #tpu.memory_space<hbm>> -> memref<4x512xf32, #tpu.memory_space<hbm>>
        tpu.enqueue_dma source(%dma_start3A_592 : memref<4x512xf32, #tpu.memory_space<hbm>>) target(%dma_start3A_589 : memref<4x512xf32, #tpu.memory_space<vmem>>) target_semaphore(%arg18 : memref<!tpu.dma_semaphore, #tpu.memory_space<semaphore_mem>>)
      } else {
      }
    }
    %scan3A_178 = arith.constant 32 : i32
    %eq3A_179 = arith.constant 15 : i32
    %eq3A_180 = vector.broadcast %eq3A_179 : i32 to vector<16xi32>
    %eq3A_181 = arith.cmpi eq, %iota3A, %eq3A_180 : vector<16xi32>
    %parallel_loop3A_182 = arith.constant 0 : i32
    %parallel_loop3A_183 = arith.constant 5120 : i32
    %parallel_loop3A_184 = arith.constant 1 : i32
    scf.for %parallel_loop3A_361 = %parallel_loop3A_182 to %parallel_loop3A_183 step %parallel_loop3A_184  : i32 {
      %parallel_loop3A_362 = arith.constant 16 : i32
      %parallel_loop3A_363 = arith.muli %parallel_loop3A_361, %parallel_loop3A_362 : i32
      %parallel_loop3A_364 = arith.index_cast %parallel_loop3A_363 : i32 to index
      %parallel_loop3A_365 = tpu.vector_load %arg7[%parallel_loop3A_364] {strides = array<i32>} : memref<81920xf32, #tpu.memory_space<vmem>>, vector<16xf32>,
      %parallel_loop3A_366 = arith.constant true
      %parallel_loop3A_367 = vector.broadcast %parallel_loop3A_366 : i1 to vector<16xi1>
      %parallel_loop3A_368 = tpu.scan <sum>, %parallel_loop3A_365 masked %parallel_loop3A_367 : vector<16xf32>, vector<16xi1> -> vector<16xf32>
      %parallel_loop3A_369 = arith.constant 15 : i32
      %parallel_loop3A_370 = arith.subi %parallel_loop3A_361, %parallel_loop3A_369 : i32
      %parallel_loop3A_371 = vector.broadcast %parallel_loop3A_370 : i32 to vector<16xi32>
      %parallel_loop3A_372 = arith.addi %iota3A, %parallel_loop3A_371 : vector<16xi32>
      tpu.vector_store_idx %arg8[%parallel_loop3A_372], %parallel_loop3A_368 masked %eq3A_181 : memref<5120xf32, #tpu.memory_space<vmem>>[vector<16xi32>], vector<16xf32>, vector<16xi1>
    } {sc.loop_unroll_factor = 4 : i64, sc.parallel_access}
    "tpu.region"() ({
      %run_scoped3A = tpu.sem_alloc : memref<!tpu.dma_semaphore, #tpu.memory_space<semaphore_mem>>
      %dma_start3A_361 = arith.constant 0 : i32
      %dma_start3A_362 = tpu.memref_slice %arg16[%arg1, %dma_start3A_361] : memref<16x5120xf32, #tpu.memory_space<vmem_shared>> -> memref<1x5120xf32, #tpu.memory_space<vmem_shared>>
      %dma_start3A_363 = tpu.memref_squeeze %dma_start3A_362 : memref<1x5120xf32, #tpu.memory_space<vmem_shared>> -> memref<5120xf32, #tpu.memory_space<vmem_shared>>
      %dma_start3A_364 = arith.constant 0 : i32
      %dma_start3A_365 = tpu.memref_slice %arg16[%arg1, %dma_start3A_364] : memref<16x5120xf32, #tpu.memory_space<vmem_shared>> -> memref<1x5120xf32, #tpu.memory_space<vmem_shared>>
      %dma_start3A_366 = tpu.memref_squeeze %dma_start3A_365 : memref<1x5120xf32, #tpu.memory_space<vmem_shared>> -> memref<5120xf32, #tpu.memory_space<vmem_shared>>
      tpu.enqueue_dma source(%arg8 : memref<5120xf32, #tpu.memory_space<vmem>>) target(%dma_start3A_366 : memref<5120xf32, #tpu.memory_space<vmem_shared>>) target_semaphore(%run_scoped3A : memref<!tpu.dma_semaphore, #tpu.memory_space<semaphore_mem>>)
      %dma_wait3A = arith.constant 0 : i32
      %dma_wait3A_367 = tpu.memref_slice %arg16[%arg1, %dma_wait3A] : memref<16x5120xf32, #tpu.memory_space<vmem_shared>> -> memref<1x5120xf32, #tpu.memory_space<vmem_shared>>
      %dma_wait3A_368 = tpu.memref_squeeze %dma_wait3A_367 : memref<1x5120xf32, #tpu.memory_space<vmem_shared>> -> memref<5120xf32, #tpu.memory_space<vmem_shared>>
      %dma_wait3A_369 = arith.constant 0 : i32
      %dma_wait3A_370 = tpu.memref_slice %arg16[%arg1, %dma_wait3A_369] : memref<16x5120xf32, #tpu.memory_space<vmem_shared>> -> memref<1x5120xf32, #tpu.memory_space<vmem_shared>>
      %dma_wait3A_371 = tpu.memref_squeeze %dma_wait3A_370 : memref<1x5120xf32, #tpu.memory_space<vmem_shared>> -> memref<5120xf32, #tpu.memory_space<vmem_shared>>
      tpu.wait_dma2 semaphore(%run_scoped3A : memref<!tpu.dma_semaphore, #tpu.memory_space<semaphore_mem>>) src(%arg8 : memref<5120xf32, #tpu.memory_space<vmem>>) dst(%dma_wait3A_371 : memref<5120xf32, #tpu.memory_space<vmem_shared>>)
      tpu.yield
    }) : () -> ()
    %barrier3A = arith.constant 0 : index
    tpu.barrier barrier_id(%barrier3A)
    %xor3A = arith.constant 1 : i32
    %xor3A_185 = arith.xori %arg1, %xor3A : i32
    "tpu.region"() ({
      %run_scoped3A = tpu.sem_alloc : memref<!tpu.dma_semaphore, #tpu.memory_space<semaphore_mem>>
      %dma_start3A_361 = arith.constant 0 : i32
      %dma_start3A_362 = tpu.memref_slice %arg16[%xor3A_185, %dma_start3A_361] : memref<16x5120xf32, #tpu.memory_space<vmem_shared>> -> memref<1x5120xf32, #tpu.memory_space<vmem_shared>>
      %dma_start3A_363 = tpu.memref_squeeze %dma_start3A_362 : memref<1x5120xf32, #tpu.memory_space<vmem_shared>> -> memref<5120xf32, #tpu.memory_space<vmem_shared>>
      %dma_start3A_364 = arith.constant 0 : i32
      %dma_start3A_365 = tpu.memref_slice %arg16[%xor3A_185, %dma_start3A_364] : memref<16x5120xf32, #tpu.memory_space<vmem_shared>> -> memref<1x5120xf32, #tpu.memory_space<vmem_shared>>
      %dma_start3A_366 = tpu.memref_squeeze %dma_start3A_365 : memref<1x5120xf32, #tpu.memory_space<vmem_shared>> -> memref<5120xf32, #tpu.memory_space<vmem_shared>>
      tpu.enqueue_dma source(%dma_start3A_366 : memref<5120xf32, #tpu.memory_space<vmem_shared>>) target(%arg9 : memref<5120xf32, #tpu.memory_space<vmem>>) target_semaphore(%run_scoped3A : memref<!tpu.dma_semaphore, #tpu.memory_space<semaphore_mem>>)
      %dma_wait3A = arith.constant 0 : i32
      %dma_wait3A_367 = tpu.memref_slice %arg16[%xor3A_185, %dma_wait3A] : memref<16x5120xf32, #tpu.memory_space<vmem_shared>> -> memref<1x5120xf32, #tpu.memory_space<vmem_shared>>
      %dma_wait3A_368 = tpu.memref_squeeze %dma_wait3A_367 : memref<1x5120xf32, #tpu.memory_space<vmem_shared>> -> memref<5120xf32, #tpu.memory_space<vmem_shared>>
      %dma_wait3A_369 = arith.constant 0 : i32
      %dma_wait3A_370 = tpu.memref_slice %arg16[%xor3A_185, %dma_wait3A_369] : memref<16x5120xf32, #tpu.memory_space<vmem_shared>> -> memref<1x5120xf32, #tpu.memory_space<vmem_shared>>
      %dma_wait3A_371 = tpu.memref_squeeze %dma_wait3A_370 : memref<1x5120xf32, #tpu.memory_space<vmem_shared>> -> memref<5120xf32, #tpu.memory_space<vmem_shared>>
      tpu.wait_dma2 semaphore(%run_scoped3A : memref<!tpu.dma_semaphore, #tpu.memory_space<semaphore_mem>>) src(%dma_wait3A_371 : memref<5120xf32, #tpu.memory_space<vmem_shared>>) dst(%arg9 : memref<5120xf32, #tpu.memory_space<vmem>>)
      tpu.yield
    }) : () -> ()
    %parallel_loop3A_186 = arith.constant 0 : i32
    %parallel_loop3A_187 = arith.constant 320 : i32
    %parallel_loop3A_188 = arith.constant 1 : i32
    scf.for %parallel_loop3A_361 = %parallel_loop3A_186 to %parallel_loop3A_187 step %parallel_loop3A_188  : i32 {
      %parallel_loop3A_362 = arith.constant 16 : i32
      %parallel_loop3A_363 = arith.muli %parallel_loop3A_361, %parallel_loop3A_362 : i32
      %parallel_loop3A_364 = arith.index_cast %parallel_loop3A_363 : i32 to index
      %parallel_loop3A_365 = tpu.vector_load %arg8[%parallel_loop3A_364] {strides = array<i32>} : memref<5120xf32, #tpu.memory_space<vmem>>, vector<16xf32>,
      %parallel_loop3A_366 = arith.index_cast %parallel_loop3A_363 : i32 to index
      %parallel_loop3A_367 = tpu.vector_load %arg9[%parallel_loop3A_366] {strides = array<i32>} : memref<5120xf32, #tpu.memory_space<vmem>>, vector<16xf32>,
      %parallel_loop3A_368 = arith.addf %parallel_loop3A_365, %parallel_loop3A_367 : vector<16xf32>
      %parallel_loop3A_369 = arith.index_cast %parallel_loop3A_363 : i32 to index
      %parallel_loop3A_370 = tpu.vector_load %arg8[%parallel_loop3A_369] {strides = array<i32>} : memref<5120xf32, #tpu.memory_space<vmem>>, vector<16xf32>,
      tpu.vector_store %arg8[%parallel_loop3A_369], %parallel_loop3A_368 {strides = array<i32>} : memref<5120xf32, #tpu.memory_space<vmem>>, vector<16xf32>,
    } {sc.loop_unroll_factor = 2 : i64, sc.parallel_access}
    %parallel_loop3A_189 = arith.constant 0 : i32
    %parallel_loop3A_190 = arith.constant 64 : i32
    %parallel_loop3A_191 = arith.constant 1 : i32
    scf.for %parallel_loop3A_361 = %parallel_loop3A_189 to %parallel_loop3A_190 step %parallel_loop3A_191  : i32 {
      %parallel_loop3A_362 = arith.constant 16 : i32
      %parallel_loop3A_363 = arith.muli %parallel_loop3A_361, %parallel_loop3A_362 : i32
      %parallel_loop3A_364 = arith.constant 4096 : i32
      %parallel_loop3A_365 = arith.addi %parallel_loop3A_364, %parallel_loop3A_363 : i32
      %parallel_loop3A_366 = arith.index_cast %parallel_loop3A_365 : i32 to index
      %parallel_loop3A_367 = tpu.vector_load %arg8[%parallel_loop3A_366] {strides = array<i32>} : memref<5120xf32, #tpu.memory_space<vmem>>, vector<16xf32>,
      %parallel_loop3A_368 = arith.constant 1.000000e+00 : f32
      %parallel_loop3A_369 = vector.broadcast %parallel_loop3A_368 : f32 to vector<16xf32>
      %parallel_loop3A_370 = arith.maximumf %parallel_loop3A_367, %parallel_loop3A_369 : vector<16xf32>
      %parallel_loop3A_371 = arith.constant 1.000000e+00 : f32
      %parallel_loop3A_372 = vector.broadcast %parallel_loop3A_371 : f32 to vector<16xf32>
      %parallel_loop3A_373 = arith.divf %parallel_loop3A_372, %parallel_loop3A_370 : vector<16xf32>
      %parallel_loop3A_374 = tpu.iota {dimensions = array<i32: 0>} : vector<16xi32>
      %parallel_loop3A_375 = vector.broadcast %parallel_loop3A_363 : i32 to vector<16xi32>
      %parallel_loop3A_376 = arith.addi %parallel_loop3A_375, %parallel_loop3A_374 : vector<16xi32>
      %parallel_loop3A_377 = arith.constant 0 : i32
      %parallel_loop3A_378 = vector.broadcast %parallel_loop3A_377 : i32 to vector<16xi32>
      %parallel_loop3A_379 = arith.cmpi ne, %parallel_loop3A_376, %parallel_loop3A_378 : vector<16xi32>
      %parallel_loop3A_380 = arith.constant 0 : i32
      %parallel_loop3A_381 = arith.addi %parallel_loop3A_380, %parallel_loop3A_363 : i32
      %parallel_loop3A_382 = arith.index_cast %parallel_loop3A_381 : i32 to index
      %parallel_loop3A_383 = tpu.vector_load %arg8[%parallel_loop3A_382] {strides = array<i32>} : memref<5120xf32, #tpu.memory_space<vmem>>, vector<16xf32>,
      %parallel_loop3A_384 = arith.mulf %parallel_loop3A_383, %parallel_loop3A_373 : vector<16xf32>
      %parallel_loop3A_385 = arith.constant 0.000000e+00 : f32
      %parallel_loop3A_386 = vector.broadcast %parallel_loop3A_385 : f32 to vector<16xf32>
      %parallel_loop3A_387 = arith.select %parallel_loop3A_379, %parallel_loop3A_384, %parallel_loop3A_386 : vector<16xi1>, vector<16xf32>
      %parallel_loop3A_388 = vector.bitcast %parallel_loop3A_387 : vector<16xf32> to vector<16xi32>
      %parallel_loop3A_389 = arith.constant 32767 : i32
      %parallel_loop3A_390 = vector.broadcast %parallel_loop3A_389 : i32 to vector<16xi32>
      %parallel_loop3A_391 = arith.addi %parallel_loop3A_388, %parallel_loop3A_390 : vector<16xi32>
      %parallel_loop3A_392 = arith.constant 16 : i32
      %parallel_loop3A_393 = vector.broadcast %parallel_loop3A_392 : i32 to vector<16xi32>
      %parallel_loop3A_394 = arith.shrui %parallel_loop3A_388, %parallel_loop3A_393 : vector<16xi32>
      %parallel_loop3A_395 = arith.constant 1 : i32
      %parallel_loop3A_396 = vector.broadcast %parallel_loop3A_395 : i32 to vector<16xi32>
      %parallel_loop3A_397 = arith.andi %parallel_loop3A_394, %parallel_loop3A_396 : vector<16xi32>
      %parallel_loop3A_398 = arith.addi %parallel_loop3A_391, %parallel_loop3A_397 : vector<16xi32>
      %parallel_loop3A_399 = arith.constant 16 : i32
      %parallel_loop3A_400 = vector.broadcast %parallel_loop3A_399 : i32 to vector<16xi32>
      %parallel_loop3A_401 = arith.shrui %parallel_loop3A_398, %parallel_loop3A_400 : vector<16xi32>
      %parallel_loop3A_402 = arith.constant 1024 : i32
      %parallel_loop3A_403 = arith.addi %parallel_loop3A_402, %parallel_loop3A_363 : i32
      %parallel_loop3A_404 = arith.index_cast %parallel_loop3A_403 : i32 to index
      %parallel_loop3A_405 = tpu.vector_load %arg8[%parallel_loop3A_404] {strides = array<i32>} : memref<5120xf32, #tpu.memory_space<vmem>>, vector<16xf32>,
      %parallel_loop3A_406 = arith.mulf %parallel_loop3A_405, %parallel_loop3A_373 : vector<16xf32>
      %parallel_loop3A_407 = arith.constant 0.000000e+00 : f32
      %parallel_loop3A_408 = vector.broadcast %parallel_loop3A_407 : f32 to vector<16xf32>
      %parallel_loop3A_409 = arith.select %parallel_loop3A_379, %parallel_loop3A_406, %parallel_loop3A_408 : vector<16xi1>, vector<16xf32>
      %parallel_loop3A_410 = vector.bitcast %parallel_loop3A_409 : vector<16xf32> to vector<16xi32>
      %parallel_loop3A_411 = arith.constant 32767 : i32
      %parallel_loop3A_412 = vector.broadcast %parallel_loop3A_411 : i32 to vector<16xi32>
      %parallel_loop3A_413 = arith.addi %parallel_loop3A_410, %parallel_loop3A_412 : vector<16xi32>
      %parallel_loop3A_414 = arith.constant 16 : i32
      %parallel_loop3A_415 = vector.broadcast %parallel_loop3A_414 : i32 to vector<16xi32>
      %parallel_loop3A_416 = arith.shrui %parallel_loop3A_410, %parallel_loop3A_415 : vector<16xi32>
      %parallel_loop3A_417 = arith.constant 1 : i32
      %parallel_loop3A_418 = vector.broadcast %parallel_loop3A_417 : i32 to vector<16xi32>
      %parallel_loop3A_419 = arith.andi %parallel_loop3A_416, %parallel_loop3A_418 : vector<16xi32>
      %parallel_loop3A_420 = arith.addi %parallel_loop3A_413, %parallel_loop3A_419 : vector<16xi32>
      %parallel_loop3A_421 = arith.constant 16 : i32
      %parallel_loop3A_422 = vector.broadcast %parallel_loop3A_421 : i32 to vector<16xi32>
      %parallel_loop3A_423 = arith.shrui %parallel_loop3A_420, %parallel_loop3A_422 : vector<16xi32>
      %parallel_loop3A_424 = arith.constant 2048 : i32
      %parallel_loop3A_425 = arith.addi %parallel_loop3A_424, %parallel_loop3A_363 : i32
      %parallel_loop3A_426 = arith.index_cast %parallel_loop3A_425 : i32 to index
      %parallel_loop3A_427 = tpu.vector_load %arg8[%parallel_loop3A_426] {strides = array<i32>} : memref<5120xf32, #tpu.memory_space<vmem>>, vector<16xf32>,
      %parallel_loop3A_428 = arith.mulf %parallel_loop3A_427, %parallel_loop3A_373 : vector<16xf32>
      %parallel_loop3A_429 = arith.constant 0.000000e+00 : f32
      %parallel_loop3A_430 = vector.broadcast %parallel_loop3A_429 : f32 to vector<16xf32>
      %parallel_loop3A_431 = arith.select %parallel_loop3A_379, %parallel_loop3A_428, %parallel_loop3A_430 : vector<16xi1>, vector<16xf32>
      %parallel_loop3A_432 = vector.bitcast %parallel_loop3A_431 : vector<16xf32> to vector<16xi32>
      %parallel_loop3A_433 = arith.constant 32767 : i32
      %parallel_loop3A_434 = vector.broadcast %parallel_loop3A_433 : i32 to vector<16xi32>
      %parallel_loop3A_435 = arith.addi %parallel_loop3A_432, %parallel_loop3A_434 : vector<16xi32>
      %parallel_loop3A_436 = arith.constant 16 : i32
      %parallel_loop3A_437 = vector.broadcast %parallel_loop3A_436 : i32 to vector<16xi32>
      %parallel_loop3A_438 = arith.shrui %parallel_loop3A_432, %parallel_loop3A_437 : vector<16xi32>
      %parallel_loop3A_439 = arith.constant 1 : i32
      %parallel_loop3A_440 = vector.broadcast %parallel_loop3A_439 : i32 to vector<16xi32>
      %parallel_loop3A_441 = arith.andi %parallel_loop3A_438, %parallel_loop3A_440 : vector<16xi32>
      %parallel_loop3A_442 = arith.addi %parallel_loop3A_435, %parallel_loop3A_441 : vector<16xi32>
      %parallel_loop3A_443 = arith.constant 16 : i32
      %parallel_loop3A_444 = vector.broadcast %parallel_loop3A_443 : i32 to vector<16xi32>
      %parallel_loop3A_445 = arith.shrui %parallel_loop3A_442, %parallel_loop3A_444 : vector<16xi32>
      %parallel_loop3A_446 = arith.constant 3072 : i32
      %parallel_loop3A_447 = arith.addi %parallel_loop3A_446, %parallel_loop3A_363 : i32
      %parallel_loop3A_448 = arith.index_cast %parallel_loop3A_447 : i32 to index
      %parallel_loop3A_449 = tpu.vector_load %arg8[%parallel_loop3A_448] {strides = array<i32>} : memref<5120xf32, #tpu.memory_space<vmem>>, vector<16xf32>,
      %parallel_loop3A_450 = arith.mulf %parallel_loop3A_449, %parallel_loop3A_373 : vector<16xf32>
      %parallel_loop3A_451 = arith.constant 0.000000e+00 : f32
      %parallel_loop3A_452 = vector.broadcast %parallel_loop3A_451 : f32 to vector<16xf32>
      %parallel_loop3A_453 = arith.select %parallel_loop3A_379, %parallel_loop3A_450, %parallel_loop3A_452 : vector<16xi1>, vector<16xf32>
      %parallel_loop3A_454 = vector.bitcast %parallel_loop3A_453 : vector<16xf32> to vector<16xi32>
      %parallel_loop3A_455 = arith.constant 32767 : i32
      %parallel_loop3A_456 = vector.broadcast %parallel_loop3A_455 : i32 to vector<16xi32>
      %parallel_loop3A_457 = arith.addi %parallel_loop3A_454, %parallel_loop3A_456 : vector<16xi32>
      %parallel_loop3A_458 = arith.constant 16 : i32
      %parallel_loop3A_459 = vector.broadcast %parallel_loop3A_458 : i32 to vector<16xi32>
      %parallel_loop3A_460 = arith.shrui %parallel_loop3A_454, %parallel_loop3A_459 : vector<16xi32>
      %parallel_loop3A_461 = arith.constant 1 : i32
      %parallel_loop3A_462 = vector.broadcast %parallel_loop3A_461 : i32 to vector<16xi32>
      %parallel_loop3A_463 = arith.andi %parallel_loop3A_460, %parallel_loop3A_462 : vector<16xi32>
      %parallel_loop3A_464 = arith.addi %parallel_loop3A_457, %parallel_loop3A_463 : vector<16xi32>
      %parallel_loop3A_465 = arith.constant 16 : i32
      %parallel_loop3A_466 = vector.broadcast %parallel_loop3A_465 : i32 to vector<16xi32>
      %parallel_loop3A_467 = arith.shrui %parallel_loop3A_464, %parallel_loop3A_466 : vector<16xi32>
      %parallel_loop3A_468 = arith.constant 16 : i32
      %parallel_loop3A_469 = vector.broadcast %parallel_loop3A_468 : i32 to vector<16xi32>
      %parallel_loop3A_470 = arith.shli %parallel_loop3A_401, %parallel_loop3A_469 : vector<16xi32>
      %parallel_loop3A_471 = arith.ori %parallel_loop3A_470, %parallel_loop3A_423 : vector<16xi32>
      %parallel_loop3A_472 = vector.bitcast %parallel_loop3A_471 : vector<16xi32> to vector<16xi32>
      %parallel_loop3A_473 = arith.index_cast %parallel_loop3A_363 : i32 to index
      %parallel_loop3A_474 = tpu.vector_load %arg13[%parallel_loop3A_473] {strides = array<i32>} : memref<2048xi32, #tpu.memory_space<vmem>>, vector<16xi32>,
      tpu.vector_store %arg13[%parallel_loop3A_473], %parallel_loop3A_472 {strides = array<i32>} : memref<2048xi32, #tpu.memory_space<vmem>>, vector<16xi32>,
      %parallel_loop3A_475 = arith.constant 16 : i32
      %parallel_loop3A_476 = vector.broadcast %parallel_loop3A_475 : i32 to vector<16xi32>
      %parallel_loop3A_477 = arith.shli %parallel_loop3A_445, %parallel_loop3A_476 : vector<16xi32>
      %parallel_loop3A_478 = arith.ori %parallel_loop3A_477, %parallel_loop3A_467 : vector<16xi32>
      %parallel_loop3A_479 = vector.bitcast %parallel_loop3A_478 : vector<16xi32> to vector<16xi32>
      %parallel_loop3A_480 = arith.constant 1024 : i32
      %parallel_loop3A_481 = arith.addi %parallel_loop3A_480, %parallel_loop3A_363 : i32
      %parallel_loop3A_482 = arith.index_cast %parallel_loop3A_481 : i32 to index
      %parallel_loop3A_483 = tpu.vector_load %arg13[%parallel_loop3A_482] {strides = array<i32>} : memref<2048xi32, #tpu.memory_space<vmem>>, vector<16xi32>,
      tpu.vector_store %arg13[%parallel_loop3A_482], %parallel_loop3A_479 {strides = array<i32>} : memref<2048xi32, #tpu.memory_space<vmem>>, vector<16xi32>,
    } {sc.loop_unroll_factor = 2 : i64, sc.parallel_access}
    %add3A_192 = arith.constant 0 : i32
    %add3A_193 = arith.addi %mul3A_32, %add3A_192 : i32
    %add3A_194 = arith.constant 0 : i32
    %add3A_195 = arith.addi %mul3A_32, %add3A_194 : i32
    %dma_start3A_196 = arith.constant 0 : i32
    %dma_start3A_197 = arith.constant 0 : i32
    %dma_start3A_198 = arith.constant 0 : i32
    %dma_start3A_199 = tpu.memref_slice %arg10[%dma_start3A_197, %dma_start3A_198] : memref<8x512xi32, #tpu.memory_space<vmem>> -> memref<4x512xi32, #tpu.memory_space<vmem>>
    %dma_start3A_200 = arith.constant 0 : i32
    %dma_start3A_201 = tpu.memref_slice %arg3[%add3A, %dma_start3A_196, %add3A_193, %dma_start3A_200] : memref<16x1x512x512xi32, #tpu.memory_space<hbm>> -> memref<1x1x4x512xi32, #tpu.memory_space<hbm>>
    %dma_start3A_202 = tpu.memref_squeeze %dma_start3A_201 : memref<1x1x4x512xi32, #tpu.memory_space<hbm>> -> memref<4x512xi32, #tpu.memory_space<hbm>>
    %dma_start3A_203 = arith.constant 0 : i32
    %dma_start3A_204 = arith.constant 0 : i32
    %dma_start3A_205 = tpu.memref_slice %arg10[%dma_start3A_203, %dma_start3A_204] : memref<8x512xi32, #tpu.memory_space<vmem>> -> memref<4x512xi32, #tpu.memory_space<vmem>>
    %dma_start3A_206 = arith.constant 0 : i32
    %dma_start3A_207 = tpu.memref_slice %arg3[%add3A, %dma_start3A_196, %add3A_193, %dma_start3A_206] : memref<16x1x512x512xi32, #tpu.memory_space<hbm>> -> memref<1x1x4x512xi32, #tpu.memory_space<hbm>>
    %dma_start3A_208 = tpu.memref_squeeze %dma_start3A_207 : memref<1x1x4x512xi32, #tpu.memory_space<hbm>> -> memref<4x512xi32, #tpu.memory_space<hbm>>
    tpu.enqueue_dma source(%dma_start3A_208 : memref<4x512xi32, #tpu.memory_space<hbm>>) target(%dma_start3A_205 : memref<4x512xi32, #tpu.memory_space<vmem>>) target_semaphore(%arg17 : memref<!tpu.dma_semaphore, #tpu.memory_space<semaphore_mem>>)
    %dma_start3A_209 = arith.constant 0 : i32
    %dma_start3A_210 = arith.constant 0 : i32
    %dma_start3A_211 = arith.constant 0 : i32
    %dma_start3A_212 = tpu.memref_slice %arg12[%dma_start3A_210, %dma_start3A_211] : memref<32x512xf32, #tpu.memory_space<vmem>> -> memref<4x512xf32, #tpu.memory_space<vmem>>
    %dma_start3A_213 = arith.constant 0 : i32
    %dma_start3A_214 = tpu.memref_slice %arg2[%add3A, %dma_start3A_209, %add3A_193, %dma_start3A_213] : memref<16x4x512x512xf32, #tpu.memory_space<hbm>> -> memref<1x1x4x512xf32, #tpu.memory_space<hbm>>
    %dma_start3A_215 = tpu.memref_squeeze %dma_start3A_214 : memref<1x1x4x512xf32, #tpu.memory_space<hbm>> -> memref<4x512xf32, #tpu.memory_space<hbm>>
    %dma_start3A_216 = arith.constant 0 : i32
    %dma_start3A_217 = arith.constant 0 : i32
    %dma_start3A_218 = tpu.memref_slice %arg12[%dma_start3A_216, %dma_start3A_217] : memref<32x512xf32, #tpu.memory_space<vmem>> -> memref<4x512xf32, #tpu.memory_space<vmem>>
    %dma_start3A_219 = arith.constant 0 : i32
    %dma_start3A_220 = tpu.memref_slice %arg2[%add3A, %dma_start3A_209, %add3A_193, %dma_start3A_219] : memref<16x4x512x512xf32, #tpu.memory_space<hbm>> -> memref<1x1x4x512xf32, #tpu.memory_space<hbm>>
    %dma_start3A_221 = tpu.memref_squeeze %dma_start3A_220 : memref<1x1x4x512xf32, #tpu.memory_space<hbm>> -> memref<4x512xf32, #tpu.memory_space<hbm>>
    tpu.enqueue_dma source(%dma_start3A_221 : memref<4x512xf32, #tpu.memory_space<hbm>>) target(%dma_start3A_218 : memref<4x512xf32, #tpu.memory_space<vmem>>) target_semaphore(%arg17 : memref<!tpu.dma_semaphore, #tpu.memory_space<semaphore_mem>>)
    %dma_start3A_222 = arith.constant 1 : i32
    %dma_start3A_223 = arith.constant 4 : i32
    %dma_start3A_224 = arith.constant 0 : i32
    %dma_start3A_225 = tpu.memref_slice %arg12[%dma_start3A_223, %dma_start3A_224] : memref<32x512xf32, #tpu.memory_space<vmem>> -> memref<4x512xf32, #tpu.memory_space<vmem>>
    %dma_start3A_226 = arith.constant 0 : i32
    %dma_start3A_227 = tpu.memref_slice %arg2[%add3A, %dma_start3A_222, %add3A_193, %dma_start3A_226] : memref<16x4x512x512xf32, #tpu.memory_space<hbm>> -> memref<1x1x4x512xf32, #tpu.memory_space<hbm>>
    %dma_start3A_228 = tpu.memref_squeeze %dma_start3A_227 : memref<1x1x4x512xf32, #tpu.memory_space<hbm>> -> memref<4x512xf32, #tpu.memory_space<hbm>>
    %dma_start3A_229 = arith.constant 4 : i32
    %dma_start3A_230 = arith.constant 0 : i32
    %dma_start3A_231 = tpu.memref_slice %arg12[%dma_start3A_229, %dma_start3A_230] : memref<32x512xf32, #tpu.memory_space<vmem>> -> memref<4x512xf32, #tpu.memory_space<vmem>>
    %dma_start3A_232 = arith.constant 0 : i32
    %dma_start3A_233 = tpu.memref_slice %arg2[%add3A, %dma_start3A_222, %add3A_193, %dma_start3A_232] : memref<16x4x512x512xf32, #tpu.memory_space<hbm>> -> memref<1x1x4x512xf32, #tpu.memory_space<hbm>>
    %dma_start3A_234 = tpu.memref_squeeze %dma_start3A_233 : memref<1x1x4x512xf32, #tpu.memory_space<hbm>> -> memref<4x512xf32, #tpu.memory_space<hbm>>
    tpu.enqueue_dma source(%dma_start3A_234 : memref<4x512xf32, #tpu.memory_space<hbm>>) target(%dma_start3A_231 : memref<4x512xf32, #tpu.memory_space<vmem>>) target_semaphore(%arg17 : memref<!tpu.dma_semaphore, #tpu.memory_space<semaphore_mem>>)
    %dma_start3A_235 = arith.constant 2 : i32
    %dma_start3A_236 = arith.constant 8 : i32
    %dma_start3A_237 = arith.constant 0 : i32
    %dma_start3A_238 = tpu.memref_slice %arg12[%dma_start3A_236, %dma_start3A_237] : memref<32x512xf32, #tpu.memory_space<vmem>> -> memref<4x512xf32, #tpu.memory_space<vmem>>
    %dma_start3A_239 = arith.constant 0 : i32
    %dma_start3A_240 = tpu.memref_slice %arg2[%add3A, %dma_start3A_235, %add3A_193, %dma_start3A_239] : memref<16x4x512x512xf32, #tpu.memory_space<hbm>> -> memref<1x1x4x512xf32, #tpu.memory_space<hbm>>
    %dma_start3A_241 = tpu.memref_squeeze %dma_start3A_240 : memref<1x1x4x512xf32, #tpu.memory_space<hbm>> -> memref<4x512xf32, #tpu.memory_space<hbm>>
    %dma_start3A_242 = arith.constant 8 : i32
    %dma_start3A_243 = arith.constant 0 : i32
    %dma_start3A_244 = tpu.memref_slice %arg12[%dma_start3A_242, %dma_start3A_243] : memref<32x512xf32, #tpu.memory_space<vmem>> -> memref<4x512xf32, #tpu.memory_space<vmem>>
    %dma_start3A_245 = arith.constant 0 : i32
    %dma_start3A_246 = tpu.memref_slice %arg2[%add3A, %dma_start3A_235, %add3A_193, %dma_start3A_245] : memref<16x4x512x512xf32, #tpu.memory_space<hbm>> -> memref<1x1x4x512xf32, #tpu.memory_space<hbm>>
    %dma_start3A_247 = tpu.memref_squeeze %dma_start3A_246 : memref<1x1x4x512xf32, #tpu.memory_space<hbm>> -> memref<4x512xf32, #tpu.memory_space<hbm>>
    tpu.enqueue_dma source(%dma_start3A_247 : memref<4x512xf32, #tpu.memory_space<hbm>>) target(%dma_start3A_244 : memref<4x512xf32, #tpu.memory_space<vmem>>) target_semaphore(%arg17 : memref<!tpu.dma_semaphore, #tpu.memory_space<semaphore_mem>>)
    %dma_start3A_248 = arith.constant 3 : i32
    %dma_start3A_249 = arith.constant 12 : i32
    %dma_start3A_250 = arith.constant 0 : i32
    %dma_start3A_251 = tpu.memref_slice %arg12[%dma_start3A_249, %dma_start3A_250] : memref<32x512xf32, #tpu.memory_space<vmem>> -> memref<4x512xf32, #tpu.memory_space<vmem>>
    %dma_start3A_252 = arith.constant 0 : i32
    %dma_start3A_253 = tpu.memref_slice %arg2[%add3A, %dma_start3A_248, %add3A_193, %dma_start3A_252] : memref<16x4x512x512xf32, #tpu.memory_space<hbm>> -> memref<1x1x4x512xf32, #tpu.memory_space<hbm>>
    %dma_start3A_254 = tpu.memref_squeeze %dma_start3A_253 : memref<1x1x4x512xf32, #tpu.memory_space<hbm>> -> memref<4x512xf32, #tpu.memory_space<hbm>>
    %dma_start3A_255 = arith.constant 12 : i32
    %dma_start3A_256 = arith.constant 0 : i32
    %dma_start3A_257 = tpu.memref_slice %arg12[%dma_start3A_255, %dma_start3A_256] : memref<32x512xf32, #tpu.memory_space<vmem>> -> memref<4x512xf32, #tpu.memory_space<vmem>>
    %dma_start3A_258 = arith.constant 0 : i32
    %dma_start3A_259 = tpu.memref_slice %arg2[%add3A, %dma_start3A_248, %add3A_193, %dma_start3A_258] : memref<16x4x512x512xf32, #tpu.memory_space<hbm>> -> memref<1x1x4x512xf32, #tpu.memory_space<hbm>>
    %dma_start3A_260 = tpu.memref_squeeze %dma_start3A_259 : memref<1x1x4x512xf32, #tpu.memory_space<hbm>> -> memref<4x512xf32, #tpu.memory_space<hbm>>
    tpu.enqueue_dma source(%dma_start3A_260 : memref<4x512xf32, #tpu.memory_space<hbm>>) target(%dma_start3A_257 : memref<4x512xf32, #tpu.memory_space<vmem>>) target_semaphore(%arg17 : memref<!tpu.dma_semaphore, #tpu.memory_space<semaphore_mem>>)
    %dma_start3A_261 = arith.constant 0 : i32
    %dma_start3A_262 = arith.constant 0 : i32
    %dma_start3A_263 = tpu.memref_slice %arg11[%dma_start3A_261, %dma_start3A_262] : memref<8x512xi32, #tpu.memory_space<vmem>> -> memref<4x512xi32, #tpu.memory_space<vmem>>
    %dma_start3A_264 = arith.constant 0 : i32
    %dma_start3A_265 = tpu.memref_slice %arg4[%add3A, %add3A_195, %dma_start3A_264] : memref<16x512x512xi32, #tpu.memory_space<hbm>> -> memref<1x4x512xi32, #tpu.memory_space<hbm>>
    %dma_start3A_266 = tpu.memref_squeeze %dma_start3A_265 : memref<1x4x512xi32, #tpu.memory_space<hbm>> -> memref<4x512xi32, #tpu.memory_space<hbm>>
    %dma_start3A_267 = arith.constant 0 : i32
    %dma_start3A_268 = arith.constant 0 : i32
    %dma_start3A_269 = tpu.memref_slice %arg11[%dma_start3A_267, %dma_start3A_268] : memref<8x512xi32, #tpu.memory_space<vmem>> -> memref<4x512xi32, #tpu.memory_space<vmem>>
    %dma_start3A_270 = arith.constant 0 : i32
    %dma_start3A_271 = tpu.memref_slice %arg4[%add3A, %add3A_195, %dma_start3A_270] : memref<16x512x512xi32, #tpu.memory_space<hbm>> -> memref<1x4x512xi32, #tpu.memory_space<hbm>>
    %dma_start3A_272 = tpu.memref_squeeze %dma_start3A_271 : memref<1x4x512xi32, #tpu.memory_space<hbm>> -> memref<4x512xi32, #tpu.memory_space<hbm>>
    tpu.enqueue_dma source(%dma_start3A_272 : memref<4x512xi32, #tpu.memory_space<hbm>>) target(%dma_start3A_269 : memref<4x512xi32, #tpu.memory_space<vmem>>) target_semaphore(%arg17 : memref<!tpu.dma_semaphore, #tpu.memory_space<semaphore_mem>>)
    %add3A_273 = arith.constant 4 : i32
    %add3A_274 = arith.addi %mul3A_32, %add3A_273 : i32
    %add3A_275 = arith.constant 4 : i32
    %add3A_276 = arith.addi %mul3A_32, %add3A_275 : i32
    %dma_start3A_277 = arith.constant 0 : i32
    %dma_start3A_278 = arith.constant 4 : i32
    %dma_start3A_279 = arith.constant 0 : i32
    %dma_start3A_280 = tpu.memref_slice %arg10[%dma_start3A_278, %dma_start3A_279] : memref<8x512xi32, #tpu.memory_space<vmem>> -> memref<4x512xi32, #tpu.memory_space<vmem>>
    %dma_start3A_281 = arith.constant 0 : i32
    %dma_start3A_282 = tpu.memref_slice %arg3[%add3A, %dma_start3A_277, %add3A_274, %dma_start3A_281] : memref<16x1x512x512xi32, #tpu.memory_space<hbm>> -> memref<1x1x4x512xi32, #tpu.memory_space<hbm>>
    %dma_start3A_283 = tpu.memref_squeeze %dma_start3A_282 : memref<1x1x4x512xi32, #tpu.memory_space<hbm>> -> memref<4x512xi32, #tpu.memory_space<hbm>>
    %dma_start3A_284 = arith.constant 4 : i32
    %dma_start3A_285 = arith.constant 0 : i32
    %dma_start3A_286 = tpu.memref_slice %arg10[%dma_start3A_284, %dma_start3A_285] : memref<8x512xi32, #tpu.memory_space<vmem>> -> memref<4x512xi32, #tpu.memory_space<vmem>>
    %dma_start3A_287 = arith.constant 0 : i32
    %dma_start3A_288 = tpu.memref_slice %arg3[%add3A, %dma_start3A_277, %add3A_274, %dma_start3A_287] : memref<16x1x512x512xi32, #tpu.memory_space<hbm>> -> memref<1x1x4x512xi32, #tpu.memory_space<hbm>>
    %dma_start3A_289 = tpu.memref_squeeze %dma_start3A_288 : memref<1x1x4x512xi32, #tpu.memory_space<hbm>> -> memref<4x512xi32, #tpu.memory_space<hbm>>
    tpu.enqueue_dma source(%dma_start3A_289 : memref<4x512xi32, #tpu.memory_space<hbm>>) target(%dma_start3A_286 : memref<4x512xi32, #tpu.memory_space<vmem>>) target_semaphore(%arg18 : memref<!tpu.dma_semaphore, #tpu.memory_space<semaphore_mem>>)
    %dma_start3A_290 = arith.constant 0 : i32
    %dma_start3A_291 = arith.constant 16 : i32
    %dma_start3A_292 = arith.constant 0 : i32
    %dma_start3A_293 = tpu.memref_slice %arg12[%dma_start3A_291, %dma_start3A_292] : memref<32x512xf32, #tpu.memory_space<vmem>> -> memref<4x512xf32, #tpu.memory_space<vmem>>
    %dma_start3A_294 = arith.constant 0 : i32
    %dma_start3A_295 = tpu.memref_slice %arg2[%add3A, %dma_start3A_290, %add3A_274, %dma_start3A_294] : memref<16x4x512x512xf32, #tpu.memory_space<hbm>> -> memref<1x1x4x512xf32, #tpu.memory_space<hbm>>
    %dma_start3A_296 = tpu.memref_squeeze %dma_start3A_295 : memref<1x1x4x512xf32, #tpu.memory_space<hbm>> -> memref<4x512xf32, #tpu.memory_space<hbm>>
    %dma_start3A_297 = arith.constant 16 : i32
    %dma_start3A_298 = arith.constant 0 : i32
    %dma_start3A_299 = tpu.memref_slice %arg12[%dma_start3A_297, %dma_start3A_298] : memref<32x512xf32, #tpu.memory_space<vmem>> -> memref<4x512xf32, #tpu.memory_space<vmem>>
    %dma_start3A_300 = arith.constant 0 : i32
    %dma_start3A_301 = tpu.memref_slice %arg2[%add3A, %dma_start3A_290, %add3A_274, %dma_start3A_300] : memref<16x4x512x512xf32, #tpu.memory_space<hbm>> -> memref<1x1x4x512xf32, #tpu.memory_space<hbm>>
    %dma_start3A_302 = tpu.memref_squeeze %dma_start3A_301 : memref<1x1x4x512xf32, #tpu.memory_space<hbm>> -> memref<4x512xf32, #tpu.memory_space<hbm>>
    tpu.enqueue_dma source(%dma_start3A_302 : memref<4x512xf32, #tpu.memory_space<hbm>>) target(%dma_start3A_299 : memref<4x512xf32, #tpu.memory_space<vmem>>) target_semaphore(%arg18 : memref<!tpu.dma_semaphore, #tpu.memory_space<semaphore_mem>>)
    %dma_start3A_303 = arith.constant 1 : i32
    %dma_start3A_304 = arith.constant 20 : i32
    %dma_start3A_305 = arith.constant 0 : i32
    %dma_start3A_306 = tpu.memref_slice %arg12[%dma_start3A_304, %dma_start3A_305] : memref<32x512xf32, #tpu.memory_space<vmem>> -> memref<4x512xf32, #tpu.memory_space<vmem>>
    %dma_start3A_307 = arith.constant 0 : i32
    %dma_start3A_308 = tpu.memref_slice %arg2[%add3A, %dma_start3A_303, %add3A_274, %dma_start3A_307] : memref<16x4x512x512xf32, #tpu.memory_space<hbm>> -> memref<1x1x4x512xf32, #tpu.memory_space<hbm>>
    %dma_start3A_309 = tpu.memref_squeeze %dma_start3A_308 : memref<1x1x4x512xf32, #tpu.memory_space<hbm>> -> memref<4x512xf32, #tpu.memory_space<hbm>>
    %dma_start3A_310 = arith.constant 20 : i32
    %dma_start3A_311 = arith.constant 0 : i32
    %dma_start3A_312 = tpu.memref_slice %arg12[%dma_start3A_310, %dma_start3A_311] : memref<32x512xf32, #tpu.memory_space<vmem>> -> memref<4x512xf32, #tpu.memory_space<vmem>>
    %dma_start3A_313 = arith.constant 0 : i32
    %dma_start3A_314 = tpu.memref_slice %arg2[%add3A, %dma_start3A_303, %add3A_274, %dma_start3A_313] : memref<16x4x512x512xf32, #tpu.memory_space<hbm>> -> memref<1x1x4x512xf32, #tpu.memory_space<hbm>>
    %dma_start3A_315 = tpu.memref_squeeze %dma_start3A_314 : memref<1x1x4x512xf32, #tpu.memory_space<hbm>> -> memref<4x512xf32, #tpu.memory_space<hbm>>
    tpu.enqueue_dma source(%dma_start3A_315 : memref<4x512xf32, #tpu.memory_space<hbm>>) target(%dma_start3A_312 : memref<4x512xf32, #tpu.memory_space<vmem>>) target_semaphore(%arg18 : memref<!tpu.dma_semaphore, #tpu.memory_space<semaphore_mem>>)
    %dma_start3A_316 = arith.constant 2 : i32
    %dma_start3A_317 = arith.constant 24 : i32
    %dma_start3A_318 = arith.constant 0 : i32
    %dma_start3A_319 = tpu.memref_slice %arg12[%dma_start3A_317, %dma_start3A_318] : memref<32x512xf32, #tpu.memory_space<vmem>> -> memref<4x512xf32, #tpu.memory_space<vmem>>
    %dma_start3A_320 = arith.constant 0 : i32
    %dma_start3A_321 = tpu.memref_slice %arg2[%add3A, %dma_start3A_316, %add3A_274, %dma_start3A_320] : memref<16x4x512x512xf32, #tpu.memory_space<hbm>> -> memref<1x1x4x512xf32, #tpu.memory_space<hbm>>
    %dma_start3A_322 = tpu.memref_squeeze %dma_start3A_321 : memref<1x1x4x512xf32, #tpu.memory_space<hbm>> -> memref<4x512xf32, #tpu.memory_space<hbm>>
    %dma_start3A_323 = arith.constant 24 : i32
    %dma_start3A_324 = arith.constant 0 : i32
    %dma_start3A_325 = tpu.memref_slice %arg12[%dma_start3A_323, %dma_start3A_324] : memref<32x512xf32, #tpu.memory_space<vmem>> -> memref<4x512xf32, #tpu.memory_space<vmem>>
    %dma_start3A_326 = arith.constant 0 : i32
    %dma_start3A_327 = tpu.memref_slice %arg2[%add3A, %dma_start3A_316, %add3A_274, %dma_start3A_326] : memref<16x4x512x512xf32, #tpu.memory_space<hbm>> -> memref<1x1x4x512xf32, #tpu.memory_space<hbm>>
    %dma_start3A_328 = tpu.memref_squeeze %dma_start3A_327 : memref<1x1x4x512xf32, #tpu.memory_space<hbm>> -> memref<4x512xf32, #tpu.memory_space<hbm>>
    tpu.enqueue_dma source(%dma_start3A_328 : memref<4x512xf32, #tpu.memory_space<hbm>>) target(%dma_start3A_325 : memref<4x512xf32, #tpu.memory_space<vmem>>) target_semaphore(%arg18 : memref<!tpu.dma_semaphore, #tpu.memory_space<semaphore_mem>>)
    %dma_start3A_329 = arith.constant 3 : i32
    %dma_start3A_330 = arith.constant 28 : i32
    %dma_start3A_331 = arith.constant 0 : i32
    %dma_start3A_332 = tpu.memref_slice %arg12[%dma_start3A_330, %dma_start3A_331] : memref<32x512xf32, #tpu.memory_space<vmem>> -> memref<4x512xf32, #tpu.memory_space<vmem>>
    %dma_start3A_333 = arith.constant 0 : i32
    %dma_start3A_334 = tpu.memref_slice %arg2[%add3A, %dma_start3A_329, %add3A_274, %dma_start3A_333] : memref<16x4x512x512xf32, #tpu.memory_space<hbm>> -> memref<1x1x4x512xf32, #tpu.memory_space<hbm>>
    %dma_start3A_335 = tpu.memref_squeeze %dma_start3A_334 : memref<1x1x4x512xf32, #tpu.memory_space<hbm>> -> memref<4x512xf32, #tpu.memory_space<hbm>>
    %dma_start3A_336 = arith.constant 28 : i32
    %dma_start3A_337 = arith.constant 0 : i32
    %dma_start3A_338 = tpu.memref_slice %arg12[%dma_start3A_336, %dma_start3A_337] : memref<32x512xf32, #tpu.memory_space<vmem>> -> memref<4x512xf32, #tpu.memory_space<vmem>>
    %dma_start3A_339 = arith.constant 0 : i32
    %dma_start3A_340 = tpu.memref_slice %arg2[%add3A, %dma_start3A_329, %add3A_274, %dma_start3A_339] : memref<16x4x512x512xf32, #tpu.memory_space<hbm>> -> memref<1x1x4x512xf32, #tpu.memory_space<hbm>>
    %dma_start3A_341 = tpu.memref_squeeze %dma_start3A_340 : memref<1x1x4x512xf32, #tpu.memory_space<hbm>> -> memref<4x512xf32, #tpu.memory_space<hbm>>
    tpu.enqueue_dma source(%dma_start3A_341 : memref<4x512xf32, #tpu.memory_space<hbm>>) target(%dma_start3A_338 : memref<4x512xf32, #tpu.memory_space<vmem>>) target_semaphore(%arg18 : memref<!tpu.dma_semaphore, #tpu.memory_space<semaphore_mem>>)
    %dma_start3A_342 = arith.constant 4 : i32
    %dma_start3A_343 = arith.constant 0 : i32
    %dma_start3A_344 = tpu.memref_slice %arg11[%dma_start3A_342, %dma_start3A_343] : memref<8x512xi32, #tpu.memory_space<vmem>> -> memref<4x512xi32, #tpu.memory_space<vmem>>
    %dma_start3A_345 = arith.constant 0 : i32
    %dma_start3A_346 = tpu.memref_slice %arg4[%add3A, %add3A_276, %dma_start3A_345] : memref<16x512x512xi32, #tpu.memory_space<hbm>> -> memref<1x4x512xi32, #tpu.memory_space<hbm>>
    %dma_start3A_347 = tpu.memref_squeeze %dma_start3A_346 : memref<1x4x512xi32, #tpu.memory_space<hbm>> -> memref<4x512xi32, #tpu.memory_space<hbm>>
    %dma_start3A_348 = arith.constant 4 : i32
    %dma_start3A_349 = arith.constant 0 : i32
    %dma_start3A_350 = tpu.memref_slice %arg11[%dma_start3A_348, %dma_start3A_349] : memref<8x512xi32, #tpu.memory_space<vmem>> -> memref<4x512xi32, #tpu.memory_space<vmem>>
    %dma_start3A_351 = arith.constant 0 : i32
    %dma_start3A_352 = tpu.memref_slice %arg4[%add3A, %add3A_276, %dma_start3A_351] : memref<16x512x512xi32, #tpu.memory_space<hbm>> -> memref<1x4x512xi32, #tpu.memory_space<hbm>>
    %dma_start3A_353 = tpu.memref_squeeze %dma_start3A_352 : memref<1x4x512xi32, #tpu.memory_space<hbm>> -> memref<4x512xi32, #tpu.memory_space<hbm>>
    tpu.enqueue_dma source(%dma_start3A_353 : memref<4x512xi32, #tpu.memory_space<hbm>>) target(%dma_start3A_350 : memref<4x512xi32, #tpu.memory_space<vmem>>) target_semaphore(%arg18 : memref<!tpu.dma_semaphore, #tpu.memory_space<semaphore_mem>>)
    %scan3A_354 = arith.constant 0 : i32
    %scan3A_355 = arith.constant 32 : i32
    %scan3A_356 = arith.addi %scan3A_354, %scan3A_355 : i32
    %scan3A_357 = arith.constant 1 : i32
    %scan3A_358 = scf.for %scan3A_361 = %scan3A_354 to %scan3A_356 step %scan3A_357 iter_args(%scan3A_362 = %broadcast_in_dim3A_36) -> (vector<16xf32>)  : i32 {
      %mul3A_363 = arith.constant 2 : i32
      %mul3A_364 = arith.muli %scan3A_361, %mul3A_363 : i32
      %add3A_365 = arith.constant 0 : i32
      %add3A_366 = arith.addi %mul3A_364, %add3A_365 : i32
      %mul3A_367 = arith.constant 4 : i32
      %mul3A_368 = arith.muli %add3A_366, %mul3A_367 : i32
      %add3A_369 = arith.addi %mul3A_32, %mul3A_368 : i32
      %mul3A_370 = arith.constant 4 : i32
      %mul3A_371 = arith.muli %add3A_366, %mul3A_370 : i32
      %add3A_372 = arith.addi %mul3A_32, %mul3A_371 : i32
      %dma_wait3A = arith.constant 0 : i32
      %dma_wait3A_373 = arith.constant 0 : i32
      %dma_wait3A_374 = arith.constant 0 : i32
      %dma_wait3A_375 = tpu.memref_slice %arg10[%dma_wait3A_373, %dma_wait3A_374] : memref<8x512xi32, #tpu.memory_space<vmem>> -> memref<4x512xi32, #tpu.memory_space<vmem>>
      %dma_wait3A_376 = arith.constant 0 : i32
      %dma_wait3A_377 = tpu.memref_slice %arg3[%add3A, %dma_wait3A, %add3A_369, %dma_wait3A_376] : memref<16x1x512x512xi32, #tpu.memory_space<hbm>> -> memref<1x1x4x512xi32, #tpu.memory_space<hbm>>
      %dma_wait3A_378 = tpu.memref_squeeze %dma_wait3A_377 : memref<1x1x4x512xi32, #tpu.memory_space<hbm>> -> memref<4x512xi32, #tpu.memory_space<hbm>>
      %dma_wait3A_379 = arith.constant 0 : i32
      %dma_wait3A_380 = arith.constant 0 : i32
      %dma_wait3A_381 = tpu.memref_slice %arg10[%dma_wait3A_379, %dma_wait3A_380] : memref<8x512xi32, #tpu.memory_space<vmem>> -> memref<4x512xi32, #tpu.memory_space<vmem>>
      %dma_wait3A_382 = arith.constant 0 : i32
      %dma_wait3A_383 = tpu.memref_slice %arg3[%add3A, %dma_wait3A, %add3A_369, %dma_wait3A_382] : memref<16x1x512x512xi32, #tpu.memory_space<hbm>> -> memref<1x1x4x512xi32, #tpu.memory_space<hbm>>
      %dma_wait3A_384 = tpu.memref_squeeze %dma_wait3A_383 : memref<1x1x4x512xi32, #tpu.memory_space<hbm>> -> memref<4x512xi32, #tpu.memory_space<hbm>>
      tpu.wait_dma2 semaphore(%arg17 : memref<!tpu.dma_semaphore, #tpu.memory_space<semaphore_mem>>) src(%dma_wait3A_384 : memref<4x512xi32, #tpu.memory_space<hbm>>) dst(%dma_wait3A_381 : memref<4x512xi32, #tpu.memory_space<vmem>>)
      %dma_wait3A_385 = arith.constant 0 : i32
      %dma_wait3A_386 = arith.constant 0 : i32
      %dma_wait3A_387 = arith.constant 0 : i32
      %dma_wait3A_388 = tpu.memref_slice %arg12[%dma_wait3A_386, %dma_wait3A_387] : memref<32x512xf32, #tpu.memory_space<vmem>> -> memref<4x512xf32, #tpu.memory_space<vmem>>
      %dma_wait3A_389 = arith.constant 0 : i32
      %dma_wait3A_390 = tpu.memref_slice %arg2[%add3A, %dma_wait3A_385, %add3A_369, %dma_wait3A_389] : memref<16x4x512x512xf32, #tpu.memory_space<hbm>> -> memref<1x1x4x512xf32, #tpu.memory_space<hbm>>
      %dma_wait3A_391 = tpu.memref_squeeze %dma_wait3A_390 : memref<1x1x4x512xf32, #tpu.memory_space<hbm>> -> memref<4x512xf32, #tpu.memory_space<hbm>>
      %dma_wait3A_392 = arith.constant 0 : i32
      %dma_wait3A_393 = arith.constant 0 : i32
      %dma_wait3A_394 = tpu.memref_slice %arg12[%dma_wait3A_392, %dma_wait3A_393] : memref<32x512xf32, #tpu.memory_space<vmem>> -> memref<4x512xf32, #tpu.memory_space<vmem>>
      %dma_wait3A_395 = arith.constant 0 : i32
      %dma_wait3A_396 = tpu.memref_slice %arg2[%add3A, %dma_wait3A_385, %add3A_369, %dma_wait3A_395] : memref<16x4x512x512xf32, #tpu.memory_space<hbm>> -> memref<1x1x4x512xf32, #tpu.memory_space<hbm>>
      %dma_wait3A_397 = tpu.memref_squeeze %dma_wait3A_396 : memref<1x1x4x512xf32, #tpu.memory_space<hbm>> -> memref<4x512xf32, #tpu.memory_space<hbm>>
      tpu.wait_dma2 semaphore(%arg17 : memref<!tpu.dma_semaphore, #tpu.memory_space<semaphore_mem>>) src(%dma_wait3A_397 : memref<4x512xf32, #tpu.memory_space<hbm>>) dst(%dma_wait3A_394 : memref<4x512xf32, #tpu.memory_space<vmem>>)
      %dma_wait3A_398 = arith.constant 1 : i32
      %dma_wait3A_399 = arith.constant 4 : i32
      %dma_wait3A_400 = arith.constant 0 : i32
      %dma_wait3A_401 = tpu.memref_slice %arg12[%dma_wait3A_399, %dma_wait3A_400] : memref<32x512xf32, #tpu.memory_space<vmem>> -> memref<4x512xf32, #tpu.memory_space<vmem>>
      %dma_wait3A_402 = arith.constant 0 : i32
      %dma_wait3A_403 = tpu.memref_slice %arg2[%add3A, %dma_wait3A_398, %add3A_369, %dma_wait3A_402] : memref<16x4x512x512xf32, #tpu.memory_space<hbm>> -> memref<1x1x4x512xf32, #tpu.memory_space<hbm>>
      %dma_wait3A_404 = tpu.memref_squeeze %dma_wait3A_403 : memref<1x1x4x512xf32, #tpu.memory_space<hbm>> -> memref<4x512xf32, #tpu.memory_space<hbm>>
      %dma_wait3A_405 = arith.constant 4 : i32
      %dma_wait3A_406 = arith.constant 0 : i32
      %dma_wait3A_407 = tpu.memref_slice %arg12[%dma_wait3A_405, %dma_wait3A_406] : memref<32x512xf32, #tpu.memory_space<vmem>> -> memref<4x512xf32, #tpu.memory_space<vmem>>
      %dma_wait3A_408 = arith.constant 0 : i32
      %dma_wait3A_409 = tpu.memref_slice %arg2[%add3A, %dma_wait3A_398, %add3A_369, %dma_wait3A_408] : memref<16x4x512x512xf32, #tpu.memory_space<hbm>> -> memref<1x1x4x512xf32, #tpu.memory_space<hbm>>
      %dma_wait3A_410 = tpu.memref_squeeze %dma_wait3A_409 : memref<1x1x4x512xf32, #tpu.memory_space<hbm>> -> memref<4x512xf32, #tpu.memory_space<hbm>>
      tpu.wait_dma2 semaphore(%arg17 : memref<!tpu.dma_semaphore, #tpu.memory_space<semaphore_mem>>) src(%dma_wait3A_410 : memref<4x512xf32, #tpu.memory_space<hbm>>) dst(%dma_wait3A_407 : memref<4x512xf32, #tpu.memory_space<vmem>>)
      %dma_wait3A_411 = arith.constant 2 : i32
      %dma_wait3A_412 = arith.constant 8 : i32
      %dma_wait3A_413 = arith.constant 0 : i32
      %dma_wait3A_414 = tpu.memref_slice %arg12[%dma_wait3A_412, %dma_wait3A_413] : memref<32x512xf32, #tpu.memory_space<vmem>> -> memref<4x512xf32, #tpu.memory_space<vmem>>
      %dma_wait3A_415 = arith.constant 0 : i32
      %dma_wait3A_416 = tpu.memref_slice %arg2[%add3A, %dma_wait3A_411, %add3A_369, %dma_wait3A_415] : memref<16x4x512x512xf32, #tpu.memory_space<hbm>> -> memref<1x1x4x512xf32, #tpu.memory_space<hbm>>
      %dma_wait3A_417 = tpu.memref_squeeze %dma_wait3A_416 : memref<1x1x4x512xf32, #tpu.memory_space<hbm>> -> memref<4x512xf32, #tpu.memory_space<hbm>>
      %dma_wait3A_418 = arith.constant 8 : i32
      %dma_wait3A_419 = arith.constant 0 : i32
      %dma_wait3A_420 = tpu.memref_slice %arg12[%dma_wait3A_418, %dma_wait3A_419] : memref<32x512xf32, #tpu.memory_space<vmem>> -> memref<4x512xf32, #tpu.memory_space<vmem>>
      %dma_wait3A_421 = arith.constant 0 : i32
      %dma_wait3A_422 = tpu.memref_slice %arg2[%add3A, %dma_wait3A_411, %add3A_369, %dma_wait3A_421] : memref<16x4x512x512xf32, #tpu.memory_space<hbm>> -> memref<1x1x4x512xf32, #tpu.memory_space<hbm>>
      %dma_wait3A_423 = tpu.memref_squeeze %dma_wait3A_422 : memref<1x1x4x512xf32, #tpu.memory_space<hbm>> -> memref<4x512xf32, #tpu.memory_space<hbm>>
      tpu.wait_dma2 semaphore(%arg17 : memref<!tpu.dma_semaphore, #tpu.memory_space<semaphore_mem>>) src(%dma_wait3A_423 : memref<4x512xf32, #tpu.memory_space<hbm>>) dst(%dma_wait3A_420 : memref<4x512xf32, #tpu.memory_space<vmem>>)
      %dma_wait3A_424 = arith.constant 3 : i32
      %dma_wait3A_425 = arith.constant 12 : i32
      %dma_wait3A_426 = arith.constant 0 : i32
      %dma_wait3A_427 = tpu.memref_slice %arg12[%dma_wait3A_425, %dma_wait3A_426] : memref<32x512xf32, #tpu.memory_space<vmem>> -> memref<4x512xf32, #tpu.memory_space<vmem>>
      %dma_wait3A_428 = arith.constant 0 : i32
      %dma_wait3A_429 = tpu.memref_slice %arg2[%add3A, %dma_wait3A_424, %add3A_369, %dma_wait3A_428] : memref<16x4x512x512xf32, #tpu.memory_space<hbm>> -> memref<1x1x4x512xf32, #tpu.memory_space<hbm>>
      %dma_wait3A_430 = tpu.memref_squeeze %dma_wait3A_429 : memref<1x1x4x512xf32, #tpu.memory_space<hbm>> -> memref<4x512xf32, #tpu.memory_space<hbm>>
      %dma_wait3A_431 = arith.constant 12 : i32
      %dma_wait3A_432 = arith.constant 0 : i32
      %dma_wait3A_433 = tpu.memref_slice %arg12[%dma_wait3A_431, %dma_wait3A_432] : memref<32x512xf32, #tpu.memory_space<vmem>> -> memref<4x512xf32, #tpu.memory_space<vmem>>
      %dma_wait3A_434 = arith.constant 0 : i32
      %dma_wait3A_435 = tpu.memref_slice %arg2[%add3A, %dma_wait3A_424, %add3A_369, %dma_wait3A_434] : memref<16x4x512x512xf32, #tpu.memory_space<hbm>> -> memref<1x1x4x512xf32, #tpu.memory_space<hbm>>
      %dma_wait3A_436 = tpu.memref_squeeze %dma_wait3A_435 : memref<1x1x4x512xf32, #tpu.memory_space<hbm>> -> memref<4x512xf32, #tpu.memory_space<hbm>>
      tpu.wait_dma2 semaphore(%arg17 : memref<!tpu.dma_semaphore, #tpu.memory_space<semaphore_mem>>) src(%dma_wait3A_436 : memref<4x512xf32, #tpu.memory_space<hbm>>) dst(%dma_wait3A_433 : memref<4x512xf32, #tpu.memory_space<vmem>>)
      %dma_wait3A_437 = arith.constant 0 : i32
      %dma_wait3A_438 = arith.constant 0 : i32
      %dma_wait3A_439 = tpu.memref_slice %arg11[%dma_wait3A_437, %dma_wait3A_438] : memref<8x512xi32, #tpu.memory_space<vmem>> -> memref<4x512xi32, #tpu.memory_space<vmem>>
      %dma_wait3A_440 = arith.constant 0 : i32
      %dma_wait3A_441 = tpu.memref_slice %arg4[%add3A, %add3A_372, %dma_wait3A_440] : memref<16x512x512xi32, #tpu.memory_space<hbm>> -> memref<1x4x512xi32, #tpu.memory_space<hbm>>
      %dma_wait3A_442 = tpu.memref_squeeze %dma_wait3A_441 : memref<1x4x512xi32, #tpu.memory_space<hbm>> -> memref<4x512xi32, #tpu.memory_space<hbm>>
      %dma_wait3A_443 = arith.constant 0 : i32
      %dma_wait3A_444 = arith.constant 0 : i32
      %dma_wait3A_445 = tpu.memref_slice %arg11[%dma_wait3A_443, %dma_wait3A_444] : memref<8x512xi32, #tpu.memory_space<vmem>> -> memref<4x512xi32, #tpu.memory_space<vmem>>
      %dma_wait3A_446 = arith.constant 0 : i32
      %dma_wait3A_447 = tpu.memref_slice %arg4[%add3A, %add3A_372, %dma_wait3A_446] : memref<16x512x512xi32, #tpu.memory_space<hbm>> -> memref<1x4x512xi32, #tpu.memory_space<hbm>>
      %dma_wait3A_448 = tpu.memref_squeeze %dma_wait3A_447 : memref<1x4x512xi32, #tpu.memory_space<hbm>> -> memref<4x512xi32, #tpu.memory_space<hbm>>
      tpu.wait_dma2 semaphore(%arg17 : memref<!tpu.dma_semaphore, #tpu.memory_space<semaphore_mem>>) src(%dma_wait3A_448 : memref<4x512xi32, #tpu.memory_space<hbm>>) dst(%dma_wait3A_445 : memref<4x512xi32, #tpu.memory_space<vmem>>)
      %parallel_loop3A_449 = arith.constant 0 : i32
      %parallel_loop3A_450 = arith.constant 32 : i32
      %parallel_loop3A_451 = arith.constant 1 : i32
      %parallel_loop3A_452 = scf.for %parallel_loop3A_556 = %parallel_loop3A_449 to %parallel_loop3A_450 step %parallel_loop3A_451 iter_args(%parallel_loop3A_557 = %scan3A_362) -> (vector<16xf32>)  : i32 {
        %parallel_loop3A_558 = arith.constant 16 : i32
        %parallel_loop3A_559 = arith.muli %parallel_loop3A_556, %parallel_loop3A_558 : i32
        %parallel_loop3A_560 = arith.constant 0 : i32
        %parallel_loop3A_561 = arith.index_cast %parallel_loop3A_560 : i32 to index
        %parallel_loop3A_562 = arith.index_cast %parallel_loop3A_559 : i32 to index
        %parallel_loop3A_563 = tpu.vector_load %arg10[%parallel_loop3A_561, %parallel_loop3A_562] {strides = array<i32>} : memref<8x512xi32, #tpu.memory_space<vmem>>, vector<16xi32>,
        %parallel_loop3A_564 = arith.constant 16 : i32
        %parallel_loop3A_565 = arith.muli %parallel_loop3A_556, %parallel_loop3A_564 : i32
        %parallel_loop3A_566 = arith.constant 0 : i32
        %parallel_loop3A_567 = arith.index_cast %parallel_loop3A_566 : i32 to index
        %parallel_loop3A_568 = arith.index_cast %parallel_loop3A_565 : i32 to index
        %parallel_loop3A_569 = tpu.vector_load %arg11[%parallel_loop3A_567, %parallel_loop3A_568] {strides = array<i32>} : memref<8x512xi32, #tpu.memory_space<vmem>>, vector<16xi32>,
        %parallel_loop3A_570 = tpu.vector_load_idx %arg13[%parallel_loop3A_563] : memref<2048xi32, #tpu.memory_space<vmem>>[vector<16xi32>], vector<16xi32>,
        %parallel_loop3A_571 = vector.bitcast %parallel_loop3A_570 : vector<16xi32> to vector<16xi32>
        %parallel_loop3A_572 = arith.constant 1024 : i32
        %parallel_loop3A_573 = vector.broadcast %parallel_loop3A_572 : i32 to vector<16xi32>
        %parallel_loop3A_574 = arith.addi %parallel_loop3A_563, %parallel_loop3A_573 : vector<16xi32>
        %parallel_loop3A_575 = tpu.vector_load_idx %arg13[%parallel_loop3A_574] : memref<2048xi32, #tpu.memory_space<vmem>>[vector<16xi32>], vector<16xi32>,
        %parallel_loop3A_576 = vector.bitcast %parallel_loop3A_575 : vector<16xi32> to vector<16xi32>
        %parallel_loop3A_577 = arith.constant -65536 : i32
        %parallel_loop3A_578 = vector.broadcast %parallel_loop3A_577 : i32 to vector<16xi32>
        %parallel_loop3A_579 = arith.andi %parallel_loop3A_571, %parallel_loop3A_578 : vector<16xi32>
        %parallel_loop3A_580 = vector.bitcast %parallel_loop3A_579 : vector<16xi32> to vector<16xf32>
        %parallel_loop3A_581 = arith.constant 16 : i32
        %parallel_loop3A_582 = vector.broadcast %parallel_loop3A_581 : i32 to vector<16xi32>
        %parallel_loop3A_583 = arith.shli %parallel_loop3A_571, %parallel_loop3A_582 : vector<16xi32>
        %parallel_loop3A_584 = vector.bitcast %parallel_loop3A_583 : vector<16xi32> to vector<16xf32>
        %parallel_loop3A_585 = arith.constant -65536 : i32
        %parallel_loop3A_586 = vector.broadcast %parallel_loop3A_585 : i32 to vector<16xi32>
        %parallel_loop3A_587 = arith.andi %parallel_loop3A_576, %parallel_loop3A_586 : vector<16xi32>
        %parallel_loop3A_588 = vector.bitcast %parallel_loop3A_587 : vector<16xi32> to vector<16xf32>
        %parallel_loop3A_589 = arith.constant 16 : i32
        %parallel_loop3A_590 = vector.broadcast %parallel_loop3A_589 : i32 to vector<16xi32>
        %parallel_loop3A_591 = arith.shli %parallel_loop3A_576, %parallel_loop3A_590 : vector<16xi32>
        %parallel_loop3A_592 = vector.bitcast %parallel_loop3A_591 : vector<16xi32> to vector<16xf32>
        %parallel_loop3A_593 = arith.constant 16 : i32
        %parallel_loop3A_594 = arith.muli %parallel_loop3A_556, %parallel_loop3A_593 : i32
        %parallel_loop3A_595 = arith.constant 0 : i32
        %parallel_loop3A_596 = arith.index_cast %parallel_loop3A_595 : i32 to index
        %parallel_loop3A_597 = arith.index_cast %parallel_loop3A_594 : i32 to index
        %parallel_loop3A_598 = tpu.vector_load %arg12[%parallel_loop3A_596, %parallel_loop3A_597] {strides = array<i32>} : memref<32x512xf32, #tpu.memory_space<vmem>>, vector<16xf32>,
        %parallel_loop3A_599 = arith.subf %parallel_loop3A_598, %parallel_loop3A_580 : vector<16xf32>
        %parallel_loop3A_600 = arith.mulf %parallel_loop3A_599, %parallel_loop3A_599 : vector<16xf32>
        %parallel_loop3A_601 = arith.addf %broadcast_in_dim3A_36, %parallel_loop3A_600 : vector<16xf32>
        %parallel_loop3A_602 = arith.constant 16 : i32
        %parallel_loop3A_603 = arith.muli %parallel_loop3A_556, %parallel_loop3A_602 : i32
        %parallel_loop3A_604 = arith.constant 4 : i32
        %parallel_loop3A_605 = arith.index_cast %parallel_loop3A_604 : i32 to index
        %parallel_loop3A_606 = arith.index_cast %parallel_loop3A_603 : i32 to index
        %parallel_loop3A_607 = tpu.vector_load %arg12[%parallel_loop3A_605, %parallel_loop3A_606] {strides = array<i32>} : memref<32x512xf32, #tpu.memory_space<vmem>>, vector<16xf32>,
        %parallel_loop3A_608 = arith.subf %parallel_loop3A_607, %parallel_loop3A_584 : vector<16xf32>
        %parallel_loop3A_609 = arith.mulf %parallel_loop3A_608, %parallel_loop3A_608 : vector<16xf32>
        %parallel_loop3A_610 = arith.addf %parallel_loop3A_601, %parallel_loop3A_609 : vector<16xf32>
        %parallel_loop3A_611 = arith.constant 16 : i32
        %parallel_loop3A_612 = arith.muli %parallel_loop3A_556, %parallel_loop3A_611 : i32
        %parallel_loop3A_613 = arith.constant 8 : i32
        %parallel_loop3A_614 = arith.index_cast %parallel_loop3A_613 : i32 to index
        %parallel_loop3A_615 = arith.index_cast %parallel_loop3A_612 : i32 to index
        %parallel_loop3A_616 = tpu.vector_load %arg12[%parallel_loop3A_614, %parallel_loop3A_615] {strides = array<i32>} : memref<32x512xf32, #tpu.memory_space<vmem>>, vector<16xf32>,
        %parallel_loop3A_617 = arith.subf %parallel_loop3A_616, %parallel_loop3A_588 : vector<16xf32>
        %parallel_loop3A_618 = arith.mulf %parallel_loop3A_617, %parallel_loop3A_617 : vector<16xf32>
        %parallel_loop3A_619 = arith.addf %parallel_loop3A_610, %parallel_loop3A_618 : vector<16xf32>
        %parallel_loop3A_620 = arith.constant 16 : i32
        %parallel_loop3A_621 = arith.muli %parallel_loop3A_556, %parallel_loop3A_620 : i32
        %parallel_loop3A_622 = arith.constant 12 : i32
        %parallel_loop3A_623 = arith.index_cast %parallel_loop3A_622 : i32 to index
        %parallel_loop3A_624 = arith.index_cast %parallel_loop3A_621 : i32 to index
        %parallel_loop3A_625 = tpu.vector_load %arg12[%parallel_loop3A_623, %parallel_loop3A_624] {strides = array<i32>} : memref<32x512xf32, #tpu.memory_space<vmem>>, vector<16xf32>,
        %parallel_loop3A_626 = arith.subf %parallel_loop3A_625, %parallel_loop3A_592 : vector<16xf32>
        %parallel_loop3A_627 = arith.mulf %parallel_loop3A_626, %parallel_loop3A_626 : vector<16xf32>
        %parallel_loop3A_628 = arith.addf %parallel_loop3A_619, %parallel_loop3A_627 : vector<16xf32>
        %parallel_loop3A_629 = arith.sitofp %parallel_loop3A_569 : vector<16xi32> to vector<16xf32>
        %parallel_loop3A_630 = arith.cmpf ogt, %parallel_loop3A_629, %get3A_37 : vector<16xf32>
        %parallel_loop3A_631 = arith.constant 1.000000e+00 : f32
        %parallel_loop3A_632 = arith.constant 0.000000e+00 : f32
        %parallel_loop3A_633 = vector.broadcast %parallel_loop3A_631 : f32 to vector<16xf32>
        %parallel_loop3A_634 = vector.broadcast %parallel_loop3A_632 : f32 to vector<16xf32>
        %parallel_loop3A_635 = arith.select %parallel_loop3A_630, %parallel_loop3A_633, %parallel_loop3A_634 : vector<16xi1>, vector<16xf32>
        %parallel_loop3A_636 = arith.mulf %parallel_loop3A_635, %parallel_loop3A_628 : vector<16xf32>
        %parallel_loop3A_637 = arith.addf %parallel_loop3A_557, %parallel_loop3A_636 : vector<16xf32>
        %parallel_loop3A_638 = arith.constant 16 : i32
        %parallel_loop3A_639 = arith.muli %parallel_loop3A_556, %parallel_loop3A_638 : i32
        %parallel_loop3A_640 = arith.constant 1 : i32
        %parallel_loop3A_641 = arith.index_cast %parallel_loop3A_640 : i32 to index
        %parallel_loop3A_642 = arith.index_cast %parallel_loop3A_639 : i32 to index
        %parallel_loop3A_643 = tpu.vector_load %arg10[%parallel_loop3A_641, %parallel_loop3A_642] {strides = array<i32>} : memref<8x512xi32, #tpu.memory_space<vmem>>, vector<16xi32>,
        %parallel_loop3A_644 = arith.constant 16 : i32
        %parallel_loop3A_645 = arith.muli %parallel_loop3A_556, %parallel_loop3A_644 : i32
        %parallel_loop3A_646 = arith.constant 1 : i32
        %parallel_loop3A_647 = arith.index_cast %parallel_loop3A_646 : i32 to index
        %parallel_loop3A_648 = arith.index_cast %parallel_loop3A_645 : i32 to index
        %parallel_loop3A_649 = tpu.vector_load %arg11[%parallel_loop3A_647, %parallel_loop3A_648] {strides = array<i32>} : memref<8x512xi32, #tpu.memory_space<vmem>>, vector<16xi32>,
        %parallel_loop3A_650 = tpu.vector_load_idx %arg13[%parallel_loop3A_643] : memref<2048xi32, #tpu.memory_space<vmem>>[vector<16xi32>], vector<16xi32>,
        %parallel_loop3A_651 = vector.bitcast %parallel_loop3A_650 : vector<16xi32> to vector<16xi32>
        %parallel_loop3A_652 = arith.constant 1024 : i32
        %parallel_loop3A_653 = vector.broadcast %parallel_loop3A_652 : i32 to vector<16xi32>
        %parallel_loop3A_654 = arith.addi %parallel_loop3A_643, %parallel_loop3A_653 : vector<16xi32>
        %parallel_loop3A_655 = tpu.vector_load_idx %arg13[%parallel_loop3A_654] : memref<2048xi32, #tpu.memory_space<vmem>>[vector<16xi32>], vector<16xi32>,
        %parallel_loop3A_656 = vector.bitcast %parallel_loop3A_655 : vector<16xi32> to vector<16xi32>
        %parallel_loop3A_657 = arith.constant -65536 : i32
        %parallel_loop3A_658 = vector.broadcast %parallel_loop3A_657 : i32 to vector<16xi32>
        %parallel_loop3A_659 = arith.andi %parallel_loop3A_651, %parallel_loop3A_658 : vector<16xi32>
        %parallel_loop3A_660 = vector.bitcast %parallel_loop3A_659 : vector<16xi32> to vector<16xf32>
        %parallel_loop3A_661 = arith.constant 16 : i32
        %parallel_loop3A_662 = vector.broadcast %parallel_loop3A_661 : i32 to vector<16xi32>
        %parallel_loop3A_663 = arith.shli %parallel_loop3A_651, %parallel_loop3A_662 : vector<16xi32>
        %parallel_loop3A_664 = vector.bitcast %parallel_loop3A_663 : vector<16xi32> to vector<16xf32>
        %parallel_loop3A_665 = arith.constant -65536 : i32
        %parallel_loop3A_666 = vector.broadcast %parallel_loop3A_665 : i32 to vector<16xi32>
        %parallel_loop3A_667 = arith.andi %parallel_loop3A_656, %parallel_loop3A_666 : vector<16xi32>
        %parallel_loop3A_668 = vector.bitcast %parallel_loop3A_667 : vector<16xi32> to vector<16xf32>
        %parallel_loop3A_669 = arith.constant 16 : i32
        %parallel_loop3A_670 = vector.broadcast %parallel_loop3A_669 : i32 to vector<16xi32>
        %parallel_loop3A_671 = arith.shli %parallel_loop3A_656, %parallel_loop3A_670 : vector<16xi32>
        %parallel_loop3A_672 = vector.bitcast %parallel_loop3A_671 : vector<16xi32> to vector<16xf32>
        %parallel_loop3A_673 = arith.constant 16 : i32
        %parallel_loop3A_674 = arith.muli %parallel_loop3A_556, %parallel_loop3A_673 : i32
        %parallel_loop3A_675 = arith.constant 1 : i32
        %parallel_loop3A_676 = arith.index_cast %parallel_loop3A_675 : i32 to index
        %parallel_loop3A_677 = arith.index_cast %parallel_loop3A_674 : i32 to index
        %parallel_loop3A_678 = tpu.vector_load %arg12[%parallel_loop3A_676, %parallel_loop3A_677] {strides = array<i32>} : memref<32x512xf32, #tpu.memory_space<vmem>>, vector<16xf32>,
        %parallel_loop3A_679 = arith.subf %parallel_loop3A_678, %parallel_loop3A_660 : vector<16xf32>
        %parallel_loop3A_680 = arith.mulf %parallel_loop3A_679, %parallel_loop3A_679 : vector<16xf32>
        %parallel_loop3A_681 = arith.addf %broadcast_in_dim3A_36, %parallel_loop3A_680 : vector<16xf32>
        %parallel_loop3A_682 = arith.constant 16 : i32
        %parallel_loop3A_683 = arith.muli %parallel_loop3A_556, %parallel_loop3A_682 : i32
        %parallel_loop3A_684 = arith.constant 5 : i32
        %parallel_loop3A_685 = arith.index_cast %parallel_loop3A_684 : i32 to index
        %parallel_loop3A_686 = arith.index_cast %parallel_loop3A_683 : i32 to index
        %parallel_loop3A_687 = tpu.vector_load %arg12[%parallel_loop3A_685, %parallel_loop3A_686] {strides = array<i32>} : memref<32x512xf32, #tpu.memory_space<vmem>>, vector<16xf32>,
        %parallel_loop3A_688 = arith.subf %parallel_loop3A_687, %parallel_loop3A_664 : vector<16xf32>
        %parallel_loop3A_689 = arith.mulf %parallel_loop3A_688, %parallel_loop3A_688 : vector<16xf32>
        %parallel_loop3A_690 = arith.addf %parallel_loop3A_681, %parallel_loop3A_689 : vector<16xf32>
        %parallel_loop3A_691 = arith.constant 16 : i32
        %parallel_loop3A_692 = arith.muli %parallel_loop3A_556, %parallel_loop3A_691 : i32
        %parallel_loop3A_693 = arith.constant 9 : i32
        %parallel_loop3A_694 = arith.index_cast %parallel_loop3A_693 : i32 to index
        %parallel_loop3A_695 = arith.index_cast %parallel_loop3A_692 : i32 to index
        %parallel_loop3A_696 = tpu.vector_load %arg12[%parallel_loop3A_694, %parallel_loop3A_695] {strides = array<i32>} : memref<32x512xf32, #tpu.memory_space<vmem>>, vector<16xf32>,
        %parallel_loop3A_697 = arith.subf %parallel_loop3A_696, %parallel_loop3A_668 : vector<16xf32>
        %parallel_loop3A_698 = arith.mulf %parallel_loop3A_697, %parallel_loop3A_697 : vector<16xf32>
        %parallel_loop3A_699 = arith.addf %parallel_loop3A_690, %parallel_loop3A_698 : vector<16xf32>
        %parallel_loop3A_700 = arith.constant 16 : i32
        %parallel_loop3A_701 = arith.muli %parallel_loop3A_556, %parallel_loop3A_700 : i32
        %parallel_loop3A_702 = arith.constant 13 : i32
        %parallel_loop3A_703 = arith.index_cast %parallel_loop3A_702 : i32 to index
        %parallel_loop3A_704 = arith.index_cast %parallel_loop3A_701 : i32 to index
        %parallel_loop3A_705 = tpu.vector_load %arg12[%parallel_loop3A_703, %parallel_loop3A_704] {strides = array<i32>} : memref<32x512xf32, #tpu.memory_space<vmem>>, vector<16xf32>,
        %parallel_loop3A_706 = arith.subf %parallel_loop3A_705, %parallel_loop3A_672 : vector<16xf32>
        %parallel_loop3A_707 = arith.mulf %parallel_loop3A_706, %parallel_loop3A_706 : vector<16xf32>
        %parallel_loop3A_708 = arith.addf %parallel_loop3A_699, %parallel_loop3A_707 : vector<16xf32>
        %parallel_loop3A_709 = arith.sitofp %parallel_loop3A_649 : vector<16xi32> to vector<16xf32>
        %parallel_loop3A_710 = arith.cmpf ogt, %parallel_loop3A_709, %get3A_37 : vector<16xf32>
        %parallel_loop3A_711 = arith.constant 1.000000e+00 : f32
        %parallel_loop3A_712 = arith.constant 0.000000e+00 : f32
        %parallel_loop3A_713 = vector.broadcast %parallel_loop3A_711 : f32 to vector<16xf32>
        %parallel_loop3A_714 = vector.broadcast %parallel_loop3A_712 : f32 to vector<16xf32>
        %parallel_loop3A_715 = arith.select %parallel_loop3A_710, %parallel_loop3A_713, %parallel_loop3A_714 : vector<16xi1>, vector<16xf32>
        %parallel_loop3A_716 = arith.mulf %parallel_loop3A_715, %parallel_loop3A_708 : vector<16xf32>
        %parallel_loop3A_717 = arith.addf %parallel_loop3A_637, %parallel_loop3A_716 : vector<16xf32>
        %parallel_loop3A_718 = arith.constant 16 : i32
        %parallel_loop3A_719 = arith.muli %parallel_loop3A_556, %parallel_loop3A_718 : i32
        %parallel_loop3A_720 = arith.constant 2 : i32
        %parallel_loop3A_721 = arith.index_cast %parallel_loop3A_720 : i32 to index
        %parallel_loop3A_722 = arith.index_cast %parallel_loop3A_719 : i32 to index
        %parallel_loop3A_723 = tpu.vector_load %arg10[%parallel_loop3A_721, %parallel_loop3A_722] {strides = array<i32>} : memref<8x512xi32, #tpu.memory_space<vmem>>, vector<16xi32>,
        %parallel_loop3A_724 = arith.constant 16 : i32
        %parallel_loop3A_725 = arith.muli %parallel_loop3A_556, %parallel_loop3A_724 : i32
        %parallel_loop3A_726 = arith.constant 2 : i32
        %parallel_loop3A_727 = arith.index_cast %parallel_loop3A_726 : i32 to index
        %parallel_loop3A_728 = arith.index_cast %parallel_loop3A_725 : i32 to index
        %parallel_loop3A_729 = tpu.vector_load %arg11[%parallel_loop3A_727, %parallel_loop3A_728] {strides = array<i32>} : memref<8x512xi32, #tpu.memory_space<vmem>>, vector<16xi32>,
        %parallel_loop3A_730 = tpu.vector_load_idx %arg13[%parallel_loop3A_723] : memref<2048xi32, #tpu.memory_space<vmem>>[vector<16xi32>], vector<16xi32>,
        %parallel_loop3A_731 = vector.bitcast %parallel_loop3A_730 : vector<16xi32> to vector<16xi32>
        %parallel_loop3A_732 = arith.constant 1024 : i32
        %parallel_loop3A_733 = vector.broadcast %parallel_loop3A_732 : i32 to vector<16xi32>
        %parallel_loop3A_734 = arith.addi %parallel_loop3A_723, %parallel_loop3A_733 : vector<16xi32>
        %parallel_loop3A_735 = tpu.vector_load_idx %arg13[%parallel_loop3A_734] : memref<2048xi32, #tpu.memory_space<vmem>>[vector<16xi32>], vector<16xi32>,
        %parallel_loop3A_736 = vector.bitcast %parallel_loop3A_735 : vector<16xi32> to vector<16xi32>
        %parallel_loop3A_737 = arith.constant -65536 : i32
        %parallel_loop3A_738 = vector.broadcast %parallel_loop3A_737 : i32 to vector<16xi32>
        %parallel_loop3A_739 = arith.andi %parallel_loop3A_731, %parallel_loop3A_738 : vector<16xi32>
        %parallel_loop3A_740 = vector.bitcast %parallel_loop3A_739 : vector<16xi32> to vector<16xf32>
        %parallel_loop3A_741 = arith.constant 16 : i32
        %parallel_loop3A_742 = vector.broadcast %parallel_loop3A_741 : i32 to vector<16xi32>
        %parallel_loop3A_743 = arith.shli %parallel_loop3A_731, %parallel_loop3A_742 : vector<16xi32>
        %parallel_loop3A_744 = vector.bitcast %parallel_loop3A_743 : vector<16xi32> to vector<16xf32>
        %parallel_loop3A_745 = arith.constant -65536 : i32
        %parallel_loop3A_746 = vector.broadcast %parallel_loop3A_745 : i32 to vector<16xi32>
        %parallel_loop3A_747 = arith.andi %parallel_loop3A_736, %parallel_loop3A_746 : vector<16xi32>
        %parallel_loop3A_748 = vector.bitcast %parallel_loop3A_747 : vector<16xi32> to vector<16xf32>
        %parallel_loop3A_749 = arith.constant 16 : i32
        %parallel_loop3A_750 = vector.broadcast %parallel_loop3A_749 : i32 to vector<16xi32>
        %parallel_loop3A_751 = arith.shli %parallel_loop3A_736, %parallel_loop3A_750 : vector<16xi32>
        %parallel_loop3A_752 = vector.bitcast %parallel_loop3A_751 : vector<16xi32> to vector<16xf32>
        %parallel_loop3A_753 = arith.constant 16 : i32
        %parallel_loop3A_754 = arith.muli %parallel_loop3A_556, %parallel_loop3A_753 : i32
        %parallel_loop3A_755 = arith.constant 2 : i32
        %parallel_loop3A_756 = arith.index_cast %parallel_loop3A_755 : i32 to index
        %parallel_loop3A_757 = arith.index_cast %parallel_loop3A_754 : i32 to index
        %parallel_loop3A_758 = tpu.vector_load %arg12[%parallel_loop3A_756, %parallel_loop3A_757] {strides = array<i32>} : memref<32x512xf32, #tpu.memory_space<vmem>>, vector<16xf32>,
        %parallel_loop3A_759 = arith.subf %parallel_loop3A_758, %parallel_loop3A_740 : vector<16xf32>
        %parallel_loop3A_760 = arith.mulf %parallel_loop3A_759, %parallel_loop3A_759 : vector<16xf32>
        %parallel_loop3A_761 = arith.addf %broadcast_in_dim3A_36, %parallel_loop3A_760 : vector<16xf32>
        %parallel_loop3A_762 = arith.constant 16 : i32
        %parallel_loop3A_763 = arith.muli %parallel_loop3A_556, %parallel_loop3A_762 : i32
        %parallel_loop3A_764 = arith.constant 6 : i32
        %parallel_loop3A_765 = arith.index_cast %parallel_loop3A_764 : i32 to index
        %parallel_loop3A_766 = arith.index_cast %parallel_loop3A_763 : i32 to index
        %parallel_loop3A_767 = tpu.vector_load %arg12[%parallel_loop3A_765, %parallel_loop3A_766] {strides = array<i32>} : memref<32x512xf32, #tpu.memory_space<vmem>>, vector<16xf32>,
        %parallel_loop3A_768 = arith.subf %parallel_loop3A_767, %parallel_loop3A_744 : vector<16xf32>
        %parallel_loop3A_769 = arith.mulf %parallel_loop3A_768, %parallel_loop3A_768 : vector<16xf32>
        %parallel_loop3A_770 = arith.addf %parallel_loop3A_761, %parallel_loop3A_769 : vector<16xf32>
        %parallel_loop3A_771 = arith.constant 16 : i32
        %parallel_loop3A_772 = arith.muli %parallel_loop3A_556, %parallel_loop3A_771 : i32
        %parallel_loop3A_773 = arith.constant 10 : i32
        %parallel_loop3A_774 = arith.index_cast %parallel_loop3A_773 : i32 to index
        %parallel_loop3A_775 = arith.index_cast %parallel_loop3A_772 : i32 to index
        %parallel_loop3A_776 = tpu.vector_load %arg12[%parallel_loop3A_774, %parallel_loop3A_775] {strides = array<i32>} : memref<32x512xf32, #tpu.memory_space<vmem>>, vector<16xf32>,
        %parallel_loop3A_777 = arith.subf %parallel_loop3A_776, %parallel_loop3A_748 : vector<16xf32>
        %parallel_loop3A_778 = arith.mulf %parallel_loop3A_777, %parallel_loop3A_777 : vector<16xf32>
        %parallel_loop3A_779 = arith.addf %parallel_loop3A_770, %parallel_loop3A_778 : vector<16xf32>
        %parallel_loop3A_780 = arith.constant 16 : i32
        %parallel_loop3A_781 = arith.muli %parallel_loop3A_556, %parallel_loop3A_780 : i32
        %parallel_loop3A_782 = arith.constant 14 : i32
        %parallel_loop3A_783 = arith.index_cast %parallel_loop3A_782 : i32 to index
        %parallel_loop3A_784 = arith.index_cast %parallel_loop3A_781 : i32 to index
        %parallel_loop3A_785 = tpu.vector_load %arg12[%parallel_loop3A_783, %parallel_loop3A_784] {strides = array<i32>} : memref<32x512xf32, #tpu.memory_space<vmem>>, vector<16xf32>,
        %parallel_loop3A_786 = arith.subf %parallel_loop3A_785, %parallel_loop3A_752 : vector<16xf32>
        %parallel_loop3A_787 = arith.mulf %parallel_loop3A_786, %parallel_loop3A_786 : vector<16xf32>
        %parallel_loop3A_788 = arith.addf %parallel_loop3A_779, %parallel_loop3A_787 : vector<16xf32>
        %parallel_loop3A_789 = arith.sitofp %parallel_loop3A_729 : vector<16xi32> to vector<16xf32>
        %parallel_loop3A_790 = arith.cmpf ogt, %parallel_loop3A_789, %get3A_37 : vector<16xf32>
        %parallel_loop3A_791 = arith.constant 1.000000e+00 : f32
        %parallel_loop3A_792 = arith.constant 0.000000e+00 : f32
        %parallel_loop3A_793 = vector.broadcast %parallel_loop3A_791 : f32 to vector<16xf32>
        %parallel_loop3A_794 = vector.broadcast %parallel_loop3A_792 : f32 to vector<16xf32>
        %parallel_loop3A_795 = arith.select %parallel_loop3A_790, %parallel_loop3A_793, %parallel_loop3A_794 : vector<16xi1>, vector<16xf32>
        %parallel_loop3A_796 = arith.mulf %parallel_loop3A_795, %parallel_loop3A_788 : vector<16xf32>
        %parallel_loop3A_797 = arith.addf %parallel_loop3A_717, %parallel_loop3A_796 : vector<16xf32>
        %parallel_loop3A_798 = arith.constant 16 : i32
        %parallel_loop3A_799 = arith.muli %parallel_loop3A_556, %parallel_loop3A_798 : i32
        %parallel_loop3A_800 = arith.constant 3 : i32
        %parallel_loop3A_801 = arith.index_cast %parallel_loop3A_800 : i32 to index
        %parallel_loop3A_802 = arith.index_cast %parallel_loop3A_799 : i32 to index
        %parallel_loop3A_803 = tpu.vector_load %arg10[%parallel_loop3A_801, %parallel_loop3A_802] {strides = array<i32>} : memref<8x512xi32, #tpu.memory_space<vmem>>, vector<16xi32>,
        %parallel_loop3A_804 = arith.constant 16 : i32
        %parallel_loop3A_805 = arith.muli %parallel_loop3A_556, %parallel_loop3A_804 : i32
        %parallel_loop3A_806 = arith.constant 3 : i32
        %parallel_loop3A_807 = arith.index_cast %parallel_loop3A_806 : i32 to index
        %parallel_loop3A_808 = arith.index_cast %parallel_loop3A_805 : i32 to index
        %parallel_loop3A_809 = tpu.vector_load %arg11[%parallel_loop3A_807, %parallel_loop3A_808] {strides = array<i32>} : memref<8x512xi32, #tpu.memory_space<vmem>>, vector<16xi32>,
        %parallel_loop3A_810 = tpu.vector_load_idx %arg13[%parallel_loop3A_803] : memref<2048xi32, #tpu.memory_space<vmem>>[vector<16xi32>], vector<16xi32>,
        %parallel_loop3A_811 = vector.bitcast %parallel_loop3A_810 : vector<16xi32> to vector<16xi32>
        %parallel_loop3A_812 = arith.constant 1024 : i32
        %parallel_loop3A_813 = vector.broadcast %parallel_loop3A_812 : i32 to vector<16xi32>
        %parallel_loop3A_814 = arith.addi %parallel_loop3A_803, %parallel_loop3A_813 : vector<16xi32>
        %parallel_loop3A_815 = tpu.vector_load_idx %arg13[%parallel_loop3A_814] : memref<2048xi32, #tpu.memory_space<vmem>>[vector<16xi32>], vector<16xi32>,
        %parallel_loop3A_816 = vector.bitcast %parallel_loop3A_815 : vector<16xi32> to vector<16xi32>
        %parallel_loop3A_817 = arith.constant -65536 : i32
        %parallel_loop3A_818 = vector.broadcast %parallel_loop3A_817 : i32 to vector<16xi32>
        %parallel_loop3A_819 = arith.andi %parallel_loop3A_811, %parallel_loop3A_818 : vector<16xi32>
        %parallel_loop3A_820 = vector.bitcast %parallel_loop3A_819 : vector<16xi32> to vector<16xf32>
        %parallel_loop3A_821 = arith.constant 16 : i32
        %parallel_loop3A_822 = vector.broadcast %parallel_loop3A_821 : i32 to vector<16xi32>
        %parallel_loop3A_823 = arith.shli %parallel_loop3A_811, %parallel_loop3A_822 : vector<16xi32>
        %parallel_loop3A_824 = vector.bitcast %parallel_loop3A_823 : vector<16xi32> to vector<16xf32>
        %parallel_loop3A_825 = arith.constant -65536 : i32
        %parallel_loop3A_826 = vector.broadcast %parallel_loop3A_825 : i32 to vector<16xi32>
        %parallel_loop3A_827 = arith.andi %parallel_loop3A_816, %parallel_loop3A_826 : vector<16xi32>
        %parallel_loop3A_828 = vector.bitcast %parallel_loop3A_827 : vector<16xi32> to vector<16xf32>
        %parallel_loop3A_829 = arith.constant 16 : i32
        %parallel_loop3A_830 = vector.broadcast %parallel_loop3A_829 : i32 to vector<16xi32>
        %parallel_loop3A_831 = arith.shli %parallel_loop3A_816, %parallel_loop3A_830 : vector<16xi32>
        %parallel_loop3A_832 = vector.bitcast %parallel_loop3A_831 : vector<16xi32> to vector<16xf32>
        %parallel_loop3A_833 = arith.constant 16 : i32
        %parallel_loop3A_834 = arith.muli %parallel_loop3A_556, %parallel_loop3A_833 : i32
        %parallel_loop3A_835 = arith.constant 3 : i32
        %parallel_loop3A_836 = arith.index_cast %parallel_loop3A_835 : i32 to index
        %parallel_loop3A_837 = arith.index_cast %parallel_loop3A_834 : i32 to index
        %parallel_loop3A_838 = tpu.vector_load %arg12[%parallel_loop3A_836, %parallel_loop3A_837] {strides = array<i32>} : memref<32x512xf32, #tpu.memory_space<vmem>>, vector<16xf32>,
        %parallel_loop3A_839 = arith.subf %parallel_loop3A_838, %parallel_loop3A_820 : vector<16xf32>
        %parallel_loop3A_840 = arith.mulf %parallel_loop3A_839, %parallel_loop3A_839 : vector<16xf32>
        %parallel_loop3A_841 = arith.addf %broadcast_in_dim3A_36, %parallel_loop3A_840 : vector<16xf32>
        %parallel_loop3A_842 = arith.constant 16 : i32
        %parallel_loop3A_843 = arith.muli %parallel_loop3A_556, %parallel_loop3A_842 : i32
        %parallel_loop3A_844 = arith.constant 7 : i32
        %parallel_loop3A_845 = arith.index_cast %parallel_loop3A_844 : i32 to index
        %parallel_loop3A_846 = arith.index_cast %parallel_loop3A_843 : i32 to index
        %parallel_loop3A_847 = tpu.vector_load %arg12[%parallel_loop3A_845, %parallel_loop3A_846] {strides = array<i32>} : memref<32x512xf32, #tpu.memory_space<vmem>>, vector<16xf32>,
        %parallel_loop3A_848 = arith.subf %parallel_loop3A_847, %parallel_loop3A_824 : vector<16xf32>
        %parallel_loop3A_849 = arith.mulf %parallel_loop3A_848, %parallel_loop3A_848 : vector<16xf32>
        %parallel_loop3A_850 = arith.addf %parallel_loop3A_841, %parallel_loop3A_849 : vector<16xf32>
        %parallel_loop3A_851 = arith.constant 16 : i32
        %parallel_loop3A_852 = arith.muli %parallel_loop3A_556, %parallel_loop3A_851 : i32
        %parallel_loop3A_853 = arith.constant 11 : i32
        %parallel_loop3A_854 = arith.index_cast %parallel_loop3A_853 : i32 to index
        %parallel_loop3A_855 = arith.index_cast %parallel_loop3A_852 : i32 to index
        %parallel_loop3A_856 = tpu.vector_load %arg12[%parallel_loop3A_854, %parallel_loop3A_855] {strides = array<i32>} : memref<32x512xf32, #tpu.memory_space<vmem>>, vector<16xf32>,
        %parallel_loop3A_857 = arith.subf %parallel_loop3A_856, %parallel_loop3A_828 : vector<16xf32>
        %parallel_loop3A_858 = arith.mulf %parallel_loop3A_857, %parallel_loop3A_857 : vector<16xf32>
        %parallel_loop3A_859 = arith.addf %parallel_loop3A_850, %parallel_loop3A_858 : vector<16xf32>
        %parallel_loop3A_860 = arith.constant 16 : i32
        %parallel_loop3A_861 = arith.muli %parallel_loop3A_556, %parallel_loop3A_860 : i32
        %parallel_loop3A_862 = arith.constant 15 : i32
        %parallel_loop3A_863 = arith.index_cast %parallel_loop3A_862 : i32 to index
        %parallel_loop3A_864 = arith.index_cast %parallel_loop3A_861 : i32 to index
        %parallel_loop3A_865 = tpu.vector_load %arg12[%parallel_loop3A_863, %parallel_loop3A_864] {strides = array<i32>} : memref<32x512xf32, #tpu.memory_space<vmem>>, vector<16xf32>,
        %parallel_loop3A_866 = arith.subf %parallel_loop3A_865, %parallel_loop3A_832 : vector<16xf32>
        %parallel_loop3A_867 = arith.mulf %parallel_loop3A_866, %parallel_loop3A_866 : vector<16xf32>
        %parallel_loop3A_868 = arith.addf %parallel_loop3A_859, %parallel_loop3A_867 : vector<16xf32>
        %parallel_loop3A_869 = arith.sitofp %parallel_loop3A_809 : vector<16xi32> to vector<16xf32>
        %parallel_loop3A_870 = arith.cmpf ogt, %parallel_loop3A_869, %get3A_37 : vector<16xf32>
        %parallel_loop3A_871 = arith.constant 1.000000e+00 : f32
        %parallel_loop3A_872 = arith.constant 0.000000e+00 : f32
        %parallel_loop3A_873 = vector.broadcast %parallel_loop3A_871 : f32 to vector<16xf32>
        %parallel_loop3A_874 = vector.broadcast %parallel_loop3A_872 : f32 to vector<16xf32>
        %parallel_loop3A_875 = arith.select %parallel_loop3A_870, %parallel_loop3A_873, %parallel_loop3A_874 : vector<16xi1>, vector<16xf32>
        %parallel_loop3A_876 = arith.mulf %parallel_loop3A_875, %parallel_loop3A_868 : vector<16xf32>
        %parallel_loop3A_877 = arith.addf %parallel_loop3A_797, %parallel_loop3A_876 : vector<16xf32>
        scf.yield %parallel_loop3A_877 : vector<16xf32>
      } {sc.loop_unroll_factor = 2 : i64, sc.parallel_access}
      %add3A_453 = arith.constant 2 : i32
      %add3A_454 = arith.addi %add3A_366, %add3A_453 : i32
      %lt3A_455 = arith.constant 64 : i32
      %lt3A_456 = arith.cmpi slt, %add3A_454, %lt3A_455 : i32
      %convert_element_type3A = arith.extui %lt3A_456 : i1 to i32
      %cond3A = arith.constant 0 : i32
      %cond3A_457 = arith.cmpi ne, %convert_element_type3A, %cond3A : i32
      scf.if %cond3A_457 {
        %add3A_556 = arith.constant 2 : i32
        %add3A_557 = arith.addi %add3A_366, %add3A_556 : i32
        %mul3A_558 = arith.constant 4 : i32
        %mul3A_559 = arith.muli %add3A_557, %mul3A_558 : i32
        %add3A_560 = arith.addi %mul3A_32, %mul3A_559 : i32
        %mul3A_561 = arith.constant 4 : i32
        %mul3A_562 = arith.muli %add3A_557, %mul3A_561 : i32
        %add3A_563 = arith.addi %mul3A_32, %mul3A_562 : i32
        %dma_start3A_564 = arith.constant 0 : i32
        %dma_start3A_565 = arith.constant 0 : i32
        %dma_start3A_566 = arith.constant 0 : i32
        %dma_start3A_567 = tpu.memref_slice %arg10[%dma_start3A_565, %dma_start3A_566] : memref<8x512xi32, #tpu.memory_space<vmem>> -> memref<4x512xi32, #tpu.memory_space<vmem>>
        %dma_start3A_568 = arith.constant 0 : i32
        %dma_start3A_569 = tpu.memref_slice %arg3[%add3A, %dma_start3A_564, %add3A_560, %dma_start3A_568] : memref<16x1x512x512xi32, #tpu.memory_space<hbm>> -> memref<1x1x4x512xi32, #tpu.memory_space<hbm>>
        %dma_start3A_570 = tpu.memref_squeeze %dma_start3A_569 : memref<1x1x4x512xi32, #tpu.memory_space<hbm>> -> memref<4x512xi32, #tpu.memory_space<hbm>>
        %dma_start3A_571 = arith.constant 0 : i32
        %dma_start3A_572 = arith.constant 0 : i32
        %dma_start3A_573 = tpu.memref_slice %arg10[%dma_start3A_571, %dma_start3A_572] : memref<8x512xi32, #tpu.memory_space<vmem>> -> memref<4x512xi32, #tpu.memory_space<vmem>>
        %dma_start3A_574 = arith.constant 0 : i32
        %dma_start3A_575 = tpu.memref_slice %arg3[%add3A, %dma_start3A_564, %add3A_560, %dma_start3A_574] : memref<16x1x512x512xi32, #tpu.memory_space<hbm>> -> memref<1x1x4x512xi32, #tpu.memory_space<hbm>>
        %dma_start3A_576 = tpu.memref_squeeze %dma_start3A_575 : memref<1x1x4x512xi32, #tpu.memory_space<hbm>> -> memref<4x512xi32, #tpu.memory_space<hbm>>
        tpu.enqueue_dma source(%dma_start3A_576 : memref<4x512xi32, #tpu.memory_space<hbm>>) target(%dma_start3A_573 : memref<4x512xi32, #tpu.memory_space<vmem>>) target_semaphore(%arg17 : memref<!tpu.dma_semaphore, #tpu.memory_space<semaphore_mem>>)
        %dma_start3A_577 = arith.constant 0 : i32
        %dma_start3A_578 = arith.constant 0 : i32
        %dma_start3A_579 = arith.constant 0 : i32
        %dma_start3A_580 = tpu.memref_slice %arg12[%dma_start3A_578, %dma_start3A_579] : memref<32x512xf32, #tpu.memory_space<vmem>> -> memref<4x512xf32, #tpu.memory_space<vmem>>
        %dma_start3A_581 = arith.constant 0 : i32
        %dma_start3A_582 = tpu.memref_slice %arg2[%add3A, %dma_start3A_577, %add3A_560, %dma_start3A_581] : memref<16x4x512x512xf32, #tpu.memory_space<hbm>> -> memref<1x1x4x512xf32, #tpu.memory_space<hbm>>
        %dma_start3A_583 = tpu.memref_squeeze %dma_start3A_582 : memref<1x1x4x512xf32, #tpu.memory_space<hbm>> -> memref<4x512xf32, #tpu.memory_space<hbm>>
        %dma_start3A_584 = arith.constant 0 : i32
        %dma_start3A_585 = arith.constant 0 : i32
        %dma_start3A_586 = tpu.memref_slice %arg12[%dma_start3A_584, %dma_start3A_585] : memref<32x512xf32, #tpu.memory_space<vmem>> -> memref<4x512xf32, #tpu.memory_space<vmem>>
        %dma_start3A_587 = arith.constant 0 : i32
        %dma_start3A_588 = tpu.memref_slice %arg2[%add3A, %dma_start3A_577, %add3A_560, %dma_start3A_587] : memref<16x4x512x512xf32, #tpu.memory_space<hbm>> -> memref<1x1x4x512xf32, #tpu.memory_space<hbm>>
        %dma_start3A_589 = tpu.memref_squeeze %dma_start3A_588 : memref<1x1x4x512xf32, #tpu.memory_space<hbm>> -> memref<4x512xf32, #tpu.memory_space<hbm>>
        tpu.enqueue_dma source(%dma_start3A_589 : memref<4x512xf32, #tpu.memory_space<hbm>>) target(%dma_start3A_586 : memref<4x512xf32, #tpu.memory_space<vmem>>) target_semaphore(%arg17 : memref<!tpu.dma_semaphore, #tpu.memory_space<semaphore_mem>>)
        %dma_start3A_590 = arith.constant 1 : i32
        %dma_start3A_591 = arith.constant 4 : i32
        %dma_start3A_592 = arith.constant 0 : i32
        %dma_start3A_593 = tpu.memref_slice %arg12[%dma_start3A_591, %dma_start3A_592] : memref<32x512xf32, #tpu.memory_space<vmem>> -> memref<4x512xf32, #tpu.memory_space<vmem>>
        %dma_start3A_594 = arith.constant 0 : i32
        %dma_start3A_595 = tpu.memref_slice %arg2[%add3A, %dma_start3A_590, %add3A_560, %dma_start3A_594] : memref<16x4x512x512xf32, #tpu.memory_space<hbm>> -> memref<1x1x4x512xf32, #tpu.memory_space<hbm>>
        %dma_start3A_596 = tpu.memref_squeeze %dma_start3A_595 : memref<1x1x4x512xf32, #tpu.memory_space<hbm>> -> memref<4x512xf32, #tpu.memory_space<hbm>>
        %dma_start3A_597 = arith.constant 4 : i32
        %dma_start3A_598 = arith.constant 0 : i32
        %dma_start3A_599 = tpu.memref_slice %arg12[%dma_start3A_597, %dma_start3A_598] : memref<32x512xf32, #tpu.memory_space<vmem>> -> memref<4x512xf32, #tpu.memory_space<vmem>>
        %dma_start3A_600 = arith.constant 0 : i32
        %dma_start3A_601 = tpu.memref_slice %arg2[%add3A, %dma_start3A_590, %add3A_560, %dma_start3A_600] : memref<16x4x512x512xf32, #tpu.memory_space<hbm>> -> memref<1x1x4x512xf32, #tpu.memory_space<hbm>>
        %dma_start3A_602 = tpu.memref_squeeze %dma_start3A_601 : memref<1x1x4x512xf32, #tpu.memory_space<hbm>> -> memref<4x512xf32, #tpu.memory_space<hbm>>
        tpu.enqueue_dma source(%dma_start3A_602 : memref<4x512xf32, #tpu.memory_space<hbm>>) target(%dma_start3A_599 : memref<4x512xf32, #tpu.memory_space<vmem>>) target_semaphore(%arg17 : memref<!tpu.dma_semaphore, #tpu.memory_space<semaphore_mem>>)
        %dma_start3A_603 = arith.constant 2 : i32
        %dma_start3A_604 = arith.constant 8 : i32
        %dma_start3A_605 = arith.constant 0 : i32
        %dma_start3A_606 = tpu.memref_slice %arg12[%dma_start3A_604, %dma_start3A_605] : memref<32x512xf32, #tpu.memory_space<vmem>> -> memref<4x512xf32, #tpu.memory_space<vmem>>
        %dma_start3A_607 = arith.constant 0 : i32
        %dma_start3A_608 = tpu.memref_slice %arg2[%add3A, %dma_start3A_603, %add3A_560, %dma_start3A_607] : memref<16x4x512x512xf32, #tpu.memory_space<hbm>> -> memref<1x1x4x512xf32, #tpu.memory_space<hbm>>
        %dma_start3A_609 = tpu.memref_squeeze %dma_start3A_608 : memref<1x1x4x512xf32, #tpu.memory_space<hbm>> -> memref<4x512xf32, #tpu.memory_space<hbm>>
        %dma_start3A_610 = arith.constant 8 : i32
        %dma_start3A_611 = arith.constant 0 : i32
        %dma_start3A_612 = tpu.memref_slice %arg12[%dma_start3A_610, %dma_start3A_611] : memref<32x512xf32, #tpu.memory_space<vmem>> -> memref<4x512xf32, #tpu.memory_space<vmem>>
        %dma_start3A_613 = arith.constant 0 : i32
        %dma_start3A_614 = tpu.memref_slice %arg2[%add3A, %dma_start3A_603, %add3A_560, %dma_start3A_613] : memref<16x4x512x512xf32, #tpu.memory_space<hbm>> -> memref<1x1x4x512xf32, #tpu.memory_space<hbm>>
        %dma_start3A_615 = tpu.memref_squeeze %dma_start3A_614 : memref<1x1x4x512xf32, #tpu.memory_space<hbm>> -> memref<4x512xf32, #tpu.memory_space<hbm>>
        tpu.enqueue_dma source(%dma_start3A_615 : memref<4x512xf32, #tpu.memory_space<hbm>>) target(%dma_start3A_612 : memref<4x512xf32, #tpu.memory_space<vmem>>) target_semaphore(%arg17 : memref<!tpu.dma_semaphore, #tpu.memory_space<semaphore_mem>>)
        %dma_start3A_616 = arith.constant 3 : i32
        %dma_start3A_617 = arith.constant 12 : i32
        %dma_start3A_618 = arith.constant 0 : i32
        %dma_start3A_619 = tpu.memref_slice %arg12[%dma_start3A_617, %dma_start3A_618] : memref<32x512xf32, #tpu.memory_space<vmem>> -> memref<4x512xf32, #tpu.memory_space<vmem>>
        %dma_start3A_620 = arith.constant 0 : i32
        %dma_start3A_621 = tpu.memref_slice %arg2[%add3A, %dma_start3A_616, %add3A_560, %dma_start3A_620] : memref<16x4x512x512xf32, #tpu.memory_space<hbm>> -> memref<1x1x4x512xf32, #tpu.memory_space<hbm>>
        %dma_start3A_622 = tpu.memref_squeeze %dma_start3A_621 : memref<1x1x4x512xf32, #tpu.memory_space<hbm>> -> memref<4x512xf32, #tpu.memory_space<hbm>>
        %dma_start3A_623 = arith.constant 12 : i32
        %dma_start3A_624 = arith.constant 0 : i32
        %dma_start3A_625 = tpu.memref_slice %arg12[%dma_start3A_623, %dma_start3A_624] : memref<32x512xf32, #tpu.memory_space<vmem>> -> memref<4x512xf32, #tpu.memory_space<vmem>>
        %dma_start3A_626 = arith.constant 0 : i32
        %dma_start3A_627 = tpu.memref_slice %arg2[%add3A, %dma_start3A_616, %add3A_560, %dma_start3A_626] : memref<16x4x512x512xf32, #tpu.memory_space<hbm>> -> memref<1x1x4x512xf32, #tpu.memory_space<hbm>>
        %dma_start3A_628 = tpu.memref_squeeze %dma_start3A_627 : memref<1x1x4x512xf32, #tpu.memory_space<hbm>> -> memref<4x512xf32, #tpu.memory_space<hbm>>
        tpu.enqueue_dma source(%dma_start3A_628 : memref<4x512xf32, #tpu.memory_space<hbm>>) target(%dma_start3A_625 : memref<4x512xf32, #tpu.memory_space<vmem>>) target_semaphore(%arg17 : memref<!tpu.dma_semaphore, #tpu.memory_space<semaphore_mem>>)
        %dma_start3A_629 = arith.constant 0 : i32
        %dma_start3A_630 = arith.constant 0 : i32
        %dma_start3A_631 = tpu.memref_slice %arg11[%dma_start3A_629, %dma_start3A_630] : memref<8x512xi32, #tpu.memory_space<vmem>> -> memref<4x512xi32, #tpu.memory_space<vmem>>
        %dma_start3A_632 = arith.constant 0 : i32
        %dma_start3A_633 = tpu.memref_slice %arg4[%add3A, %add3A_563, %dma_start3A_632] : memref<16x512x512xi32, #tpu.memory_space<hbm>> -> memref<1x4x512xi32, #tpu.memory_space<hbm>>
        %dma_start3A_634 = tpu.memref_squeeze %dma_start3A_633 : memref<1x4x512xi32, #tpu.memory_space<hbm>> -> memref<4x512xi32, #tpu.memory_space<hbm>>
        %dma_start3A_635 = arith.constant 0 : i32
        %dma_start3A_636 = arith.constant 0 : i32
        %dma_start3A_637 = tpu.memref_slice %arg11[%dma_start3A_635, %dma_start3A_636] : memref<8x512xi32, #tpu.memory_space<vmem>> -> memref<4x512xi32, #tpu.memory_space<vmem>>
        %dma_start3A_638 = arith.constant 0 : i32
        %dma_start3A_639 = tpu.memref_slice %arg4[%add3A, %add3A_563, %dma_start3A_638] : memref<16x512x512xi32, #tpu.memory_space<hbm>> -> memref<1x4x512xi32, #tpu.memory_space<hbm>>
        %dma_start3A_640 = tpu.memref_squeeze %dma_start3A_639 : memref<1x4x512xi32, #tpu.memory_space<hbm>> -> memref<4x512xi32, #tpu.memory_space<hbm>>
        tpu.enqueue_dma source(%dma_start3A_640 : memref<4x512xi32, #tpu.memory_space<hbm>>) target(%dma_start3A_637 : memref<4x512xi32, #tpu.memory_space<vmem>>) target_semaphore(%arg17 : memref<!tpu.dma_semaphore, #tpu.memory_space<semaphore_mem>>)
      } else {
      }
      %mul3A_458 = arith.constant 2 : i32
      %mul3A_459 = arith.muli %scan3A_361, %mul3A_458 : i32
      %add3A_460 = arith.constant 1 : i32
      %add3A_461 = arith.addi %mul3A_459, %add3A_460 : i32
      %mul3A_462 = arith.constant 4 : i32
      %mul3A_463 = arith.muli %add3A_461, %mul3A_462 : i32
      %add3A_464 = arith.addi %mul3A_32, %mul3A_463 : i32
      %mul3A_465 = arith.constant 4 : i32
      %mul3A_466 = arith.muli %add3A_461, %mul3A_465 : i32
      %add3A_467 = arith.addi %mul3A_32, %mul3A_466 : i32
      %dma_wait3A_468 = arith.constant 0 : i32
      %dma_wait3A_469 = arith.constant 4 : i32
      %dma_wait3A_470 = arith.constant 0 : i32
      %dma_wait3A_471 = tpu.memref_slice %arg10[%dma_wait3A_469, %dma_wait3A_470] : memref<8x512xi32, #tpu.memory_space<vmem>> -> memref<4x512xi32, #tpu.memory_space<vmem>>
      %dma_wait3A_472 = arith.constant 0 : i32
      %dma_wait3A_473 = tpu.memref_slice %arg3[%add3A, %dma_wait3A_468, %add3A_464, %dma_wait3A_472] : memref<16x1x512x512xi32, #tpu.memory_space<hbm>> -> memref<1x1x4x512xi32, #tpu.memory_space<hbm>>
      %dma_wait3A_474 = tpu.memref_squeeze %dma_wait3A_473 : memref<1x1x4x512xi32, #tpu.memory_space<hbm>> -> memref<4x512xi32, #tpu.memory_space<hbm>>
      %dma_wait3A_475 = arith.constant 4 : i32
      %dma_wait3A_476 = arith.constant 0 : i32
      %dma_wait3A_477 = tpu.memref_slice %arg10[%dma_wait3A_475, %dma_wait3A_476] : memref<8x512xi32, #tpu.memory_space<vmem>> -> memref<4x512xi32, #tpu.memory_space<vmem>>
      %dma_wait3A_478 = arith.constant 0 : i32
      %dma_wait3A_479 = tpu.memref_slice %arg3[%add3A, %dma_wait3A_468, %add3A_464, %dma_wait3A_478] : memref<16x1x512x512xi32, #tpu.memory_space<hbm>> -> memref<1x1x4x512xi32, #tpu.memory_space<hbm>>
      %dma_wait3A_480 = tpu.memref_squeeze %dma_wait3A_479 : memref<1x1x4x512xi32, #tpu.memory_space<hbm>> -> memref<4x512xi32, #tpu.memory_space<hbm>>
      tpu.wait_dma2 semaphore(%arg18 : memref<!tpu.dma_semaphore, #tpu.memory_space<semaphore_mem>>) src(%dma_wait3A_480 : memref<4x512xi32, #tpu.memory_space<hbm>>) dst(%dma_wait3A_477 : memref<4x512xi32, #tpu.memory_space<vmem>>)
      %dma_wait3A_481 = arith.constant 0 : i32
      %dma_wait3A_482 = arith.constant 16 : i32
      %dma_wait3A_483 = arith.constant 0 : i32
      %dma_wait3A_484 = tpu.memref_slice %arg12[%dma_wait3A_482, %dma_wait3A_483] : memref<32x512xf32, #tpu.memory_space<vmem>> -> memref<4x512xf32, #tpu.memory_space<vmem>>
      %dma_wait3A_485 = arith.constant 0 : i32
      %dma_wait3A_486 = tpu.memref_slice %arg2[%add3A, %dma_wait3A_481, %add3A_464, %dma_wait3A_485] : memref<16x4x512x512xf32, #tpu.memory_space<hbm>> -> memref<1x1x4x512xf32, #tpu.memory_space<hbm>>
      %dma_wait3A_487 = tpu.memref_squeeze %dma_wait3A_486 : memref<1x1x4x512xf32, #tpu.memory_space<hbm>> -> memref<4x512xf32, #tpu.memory_space<hbm>>
      %dma_wait3A_488 = arith.constant 16 : i32
      %dma_wait3A_489 = arith.constant 0 : i32
      %dma_wait3A_490 = tpu.memref_slice %arg12[%dma_wait3A_488, %dma_wait3A_489] : memref<32x512xf32, #tpu.memory_space<vmem>> -> memref<4x512xf32, #tpu.memory_space<vmem>>
      %dma_wait3A_491 = arith.constant 0 : i32
      %dma_wait3A_492 = tpu.memref_slice %arg2[%add3A, %dma_wait3A_481, %add3A_464, %dma_wait3A_491] : memref<16x4x512x512xf32, #tpu.memory_space<hbm>> -> memref<1x1x4x512xf32, #tpu.memory_space<hbm>>
      %dma_wait3A_493 = tpu.memref_squeeze %dma_wait3A_492 : memref<1x1x4x512xf32, #tpu.memory_space<hbm>> -> memref<4x512xf32, #tpu.memory_space<hbm>>
      tpu.wait_dma2 semaphore(%arg18 : memref<!tpu.dma_semaphore, #tpu.memory_space<semaphore_mem>>) src(%dma_wait3A_493 : memref<4x512xf32, #tpu.memory_space<hbm>>) dst(%dma_wait3A_490 : memref<4x512xf32, #tpu.memory_space<vmem>>)
      %dma_wait3A_494 = arith.constant 1 : i32
      %dma_wait3A_495 = arith.constant 20 : i32
      %dma_wait3A_496 = arith.constant 0 : i32
      %dma_wait3A_497 = tpu.memref_slice %arg12[%dma_wait3A_495, %dma_wait3A_496] : memref<32x512xf32, #tpu.memory_space<vmem>> -> memref<4x512xf32, #tpu.memory_space<vmem>>
      %dma_wait3A_498 = arith.constant 0 : i32
      %dma_wait3A_499 = tpu.memref_slice %arg2[%add3A, %dma_wait3A_494, %add3A_464, %dma_wait3A_498] : memref<16x4x512x512xf32, #tpu.memory_space<hbm>> -> memref<1x1x4x512xf32, #tpu.memory_space<hbm>>
      %dma_wait3A_500 = tpu.memref_squeeze %dma_wait3A_499 : memref<1x1x4x512xf32, #tpu.memory_space<hbm>> -> memref<4x512xf32, #tpu.memory_space<hbm>>
      %dma_wait3A_501 = arith.constant 20 : i32
      %dma_wait3A_502 = arith.constant 0 : i32
      %dma_wait3A_503 = tpu.memref_slice %arg12[%dma_wait3A_501, %dma_wait3A_502] : memref<32x512xf32, #tpu.memory_space<vmem>> -> memref<4x512xf32, #tpu.memory_space<vmem>>
      %dma_wait3A_504 = arith.constant 0 : i32
      %dma_wait3A_505 = tpu.memref_slice %arg2[%add3A, %dma_wait3A_494, %add3A_464, %dma_wait3A_504] : memref<16x4x512x512xf32, #tpu.memory_space<hbm>> -> memref<1x1x4x512xf32, #tpu.memory_space<hbm>>
      %dma_wait3A_506 = tpu.memref_squeeze %dma_wait3A_505 : memref<1x1x4x512xf32, #tpu.memory_space<hbm>> -> memref<4x512xf32, #tpu.memory_space<hbm>>
      tpu.wait_dma2 semaphore(%arg18 : memref<!tpu.dma_semaphore, #tpu.memory_space<semaphore_mem>>) src(%dma_wait3A_506 : memref<4x512xf32, #tpu.memory_space<hbm>>) dst(%dma_wait3A_503 : memref<4x512xf32, #tpu.memory_space<vmem>>)
      %dma_wait3A_507 = arith.constant 2 : i32
      %dma_wait3A_508 = arith.constant 24 : i32
      %dma_wait3A_509 = arith.constant 0 : i32
      %dma_wait3A_510 = tpu.memref_slice %arg12[%dma_wait3A_508, %dma_wait3A_509] : memref<32x512xf32, #tpu.memory_space<vmem>> -> memref<4x512xf32, #tpu.memory_space<vmem>>
      %dma_wait3A_511 = arith.constant 0 : i32
      %dma_wait3A_512 = tpu.memref_slice %arg2[%add3A, %dma_wait3A_507, %add3A_464, %dma_wait3A_511] : memref<16x4x512x512xf32, #tpu.memory_space<hbm>> -> memref<1x1x4x512xf32, #tpu.memory_space<hbm>>
      %dma_wait3A_513 = tpu.memref_squeeze %dma_wait3A_512 : memref<1x1x4x512xf32, #tpu.memory_space<hbm>> -> memref<4x512xf32, #tpu.memory_space<hbm>>
      %dma_wait3A_514 = arith.constant 24 : i32
      %dma_wait3A_515 = arith.constant 0 : i32
      %dma_wait3A_516 = tpu.memref_slice %arg12[%dma_wait3A_514, %dma_wait3A_515] : memref<32x512xf32, #tpu.memory_space<vmem>> -> memref<4x512xf32, #tpu.memory_space<vmem>>
      %dma_wait3A_517 = arith.constant 0 : i32
      %dma_wait3A_518 = tpu.memref_slice %arg2[%add3A, %dma_wait3A_507, %add3A_464, %dma_wait3A_517] : memref<16x4x512x512xf32, #tpu.memory_space<hbm>> -> memref<1x1x4x512xf32, #tpu.memory_space<hbm>>
      %dma_wait3A_519 = tpu.memref_squeeze %dma_wait3A_518 : memref<1x1x4x512xf32, #tpu.memory_space<hbm>> -> memref<4x512xf32, #tpu.memory_space<hbm>>
      tpu.wait_dma2 semaphore(%arg18 : memref<!tpu.dma_semaphore, #tpu.memory_space<semaphore_mem>>) src(%dma_wait3A_519 : memref<4x512xf32, #tpu.memory_space<hbm>>) dst(%dma_wait3A_516 : memref<4x512xf32, #tpu.memory_space<vmem>>)
      %dma_wait3A_520 = arith.constant 3 : i32
      %dma_wait3A_521 = arith.constant 28 : i32
      %dma_wait3A_522 = arith.constant 0 : i32
      %dma_wait3A_523 = tpu.memref_slice %arg12[%dma_wait3A_521, %dma_wait3A_522] : memref<32x512xf32, #tpu.memory_space<vmem>> -> memref<4x512xf32, #tpu.memory_space<vmem>>
      %dma_wait3A_524 = arith.constant 0 : i32
      %dma_wait3A_525 = tpu.memref_slice %arg2[%add3A, %dma_wait3A_520, %add3A_464, %dma_wait3A_524] : memref<16x4x512x512xf32, #tpu.memory_space<hbm>> -> memref<1x1x4x512xf32, #tpu.memory_space<hbm>>
      %dma_wait3A_526 = tpu.memref_squeeze %dma_wait3A_525 : memref<1x1x4x512xf32, #tpu.memory_space<hbm>> -> memref<4x512xf32, #tpu.memory_space<hbm>>
      %dma_wait3A_527 = arith.constant 28 : i32
      %dma_wait3A_528 = arith.constant 0 : i32
      %dma_wait3A_529 = tpu.memref_slice %arg12[%dma_wait3A_527, %dma_wait3A_528] : memref<32x512xf32, #tpu.memory_space<vmem>> -> memref<4x512xf32, #tpu.memory_space<vmem>>
      %dma_wait3A_530 = arith.constant 0 : i32
      %dma_wait3A_531 = tpu.memref_slice %arg2[%add3A, %dma_wait3A_520, %add3A_464, %dma_wait3A_530] : memref<16x4x512x512xf32, #tpu.memory_space<hbm>> -> memref<1x1x4x512xf32, #tpu.memory_space<hbm>>
      %dma_wait3A_532 = tpu.memref_squeeze %dma_wait3A_531 : memref<1x1x4x512xf32, #tpu.memory_space<hbm>> -> memref<4x512xf32, #tpu.memory_space<hbm>>
      tpu.wait_dma2 semaphore(%arg18 : memref<!tpu.dma_semaphore, #tpu.memory_space<semaphore_mem>>) src(%dma_wait3A_532 : memref<4x512xf32, #tpu.memory_space<hbm>>) dst(%dma_wait3A_529 : memref<4x512xf32, #tpu.memory_space<vmem>>)
      %dma_wait3A_533 = arith.constant 4 : i32
      %dma_wait3A_534 = arith.constant 0 : i32
      %dma_wait3A_535 = tpu.memref_slice %arg11[%dma_wait3A_533, %dma_wait3A_534] : memref<8x512xi32, #tpu.memory_space<vmem>> -> memref<4x512xi32, #tpu.memory_space<vmem>>
      %dma_wait3A_536 = arith.constant 0 : i32
      %dma_wait3A_537 = tpu.memref_slice %arg4[%add3A, %add3A_467, %dma_wait3A_536] : memref<16x512x512xi32, #tpu.memory_space<hbm>> -> memref<1x4x512xi32, #tpu.memory_space<hbm>>
      %dma_wait3A_538 = tpu.memref_squeeze %dma_wait3A_537 : memref<1x4x512xi32, #tpu.memory_space<hbm>> -> memref<4x512xi32, #tpu.memory_space<hbm>>
      %dma_wait3A_539 = arith.constant 4 : i32
      %dma_wait3A_540 = arith.constant 0 : i32
      %dma_wait3A_541 = tpu.memref_slice %arg11[%dma_wait3A_539, %dma_wait3A_540] : memref<8x512xi32, #tpu.memory_space<vmem>> -> memref<4x512xi32, #tpu.memory_space<vmem>>
      %dma_wait3A_542 = arith.constant 0 : i32
      %dma_wait3A_543 = tpu.memref_slice %arg4[%add3A, %add3A_467, %dma_wait3A_542] : memref<16x512x512xi32, #tpu.memory_space<hbm>> -> memref<1x4x512xi32, #tpu.memory_space<hbm>>
      %dma_wait3A_544 = tpu.memref_squeeze %dma_wait3A_543 : memref<1x4x512xi32, #tpu.memory_space<hbm>> -> memref<4x512xi32, #tpu.memory_space<hbm>>
      tpu.wait_dma2 semaphore(%arg18 : memref<!tpu.dma_semaphore, #tpu.memory_space<semaphore_mem>>) src(%dma_wait3A_544 : memref<4x512xi32, #tpu.memory_space<hbm>>) dst(%dma_wait3A_541 : memref<4x512xi32, #tpu.memory_space<vmem>>)
      %parallel_loop3A_545 = arith.constant 0 : i32
      %parallel_loop3A_546 = arith.constant 32 : i32
      %parallel_loop3A_547 = arith.constant 1 : i32
      %parallel_loop3A_548 = scf.for %parallel_loop3A_556 = %parallel_loop3A_545 to %parallel_loop3A_546 step %parallel_loop3A_547 iter_args(%parallel_loop3A_557 = %parallel_loop3A_452) -> (vector<16xf32>)  : i32 {
        %parallel_loop3A_558 = arith.constant 16 : i32
        %parallel_loop3A_559 = arith.muli %parallel_loop3A_556, %parallel_loop3A_558 : i32
        %parallel_loop3A_560 = arith.constant 4 : i32
        %parallel_loop3A_561 = arith.index_cast %parallel_loop3A_560 : i32 to index
        %parallel_loop3A_562 = arith.index_cast %parallel_loop3A_559 : i32 to index
        %parallel_loop3A_563 = tpu.vector_load %arg10[%parallel_loop3A_561, %parallel_loop3A_562] {strides = array<i32>} : memref<8x512xi32, #tpu.memory_space<vmem>>, vector<16xi32>,
        %parallel_loop3A_564 = arith.constant 16 : i32
        %parallel_loop3A_565 = arith.muli %parallel_loop3A_556, %parallel_loop3A_564 : i32
        %parallel_loop3A_566 = arith.constant 4 : i32
        %parallel_loop3A_567 = arith.index_cast %parallel_loop3A_566 : i32 to index
        %parallel_loop3A_568 = arith.index_cast %parallel_loop3A_565 : i32 to index
        %parallel_loop3A_569 = tpu.vector_load %arg11[%parallel_loop3A_567, %parallel_loop3A_568] {strides = array<i32>} : memref<8x512xi32, #tpu.memory_space<vmem>>, vector<16xi32>,
        %parallel_loop3A_570 = tpu.vector_load_idx %arg13[%parallel_loop3A_563] : memref<2048xi32, #tpu.memory_space<vmem>>[vector<16xi32>], vector<16xi32>,
        %parallel_loop3A_571 = vector.bitcast %parallel_loop3A_570 : vector<16xi32> to vector<16xi32>
        %parallel_loop3A_572 = arith.constant 1024 : i32
        %parallel_loop3A_573 = vector.broadcast %parallel_loop3A_572 : i32 to vector<16xi32>
        %parallel_loop3A_574 = arith.addi %parallel_loop3A_563, %parallel_loop3A_573 : vector<16xi32>
        %parallel_loop3A_575 = tpu.vector_load_idx %arg13[%parallel_loop3A_574] : memref<2048xi32, #tpu.memory_space<vmem>>[vector<16xi32>], vector<16xi32>,
        %parallel_loop3A_576 = vector.bitcast %parallel_loop3A_575 : vector<16xi32> to vector<16xi32>
        %parallel_loop3A_577 = arith.constant -65536 : i32
        %parallel_loop3A_578 = vector.broadcast %parallel_loop3A_577 : i32 to vector<16xi32>
        %parallel_loop3A_579 = arith.andi %parallel_loop3A_571, %parallel_loop3A_578 : vector<16xi32>
        %parallel_loop3A_580 = vector.bitcast %parallel_loop3A_579 : vector<16xi32> to vector<16xf32>
        %parallel_loop3A_581 = arith.constant 16 : i32
        %parallel_loop3A_582 = vector.broadcast %parallel_loop3A_581 : i32 to vector<16xi32>
        %parallel_loop3A_583 = arith.shli %parallel_loop3A_571, %parallel_loop3A_582 : vector<16xi32>
        %parallel_loop3A_584 = vector.bitcast %parallel_loop3A_583 : vector<16xi32> to vector<16xf32>
        %parallel_loop3A_585 = arith.constant -65536 : i32
        %parallel_loop3A_586 = vector.broadcast %parallel_loop3A_585 : i32 to vector<16xi32>
        %parallel_loop3A_587 = arith.andi %parallel_loop3A_576, %parallel_loop3A_586 : vector<16xi32>
        %parallel_loop3A_588 = vector.bitcast %parallel_loop3A_587 : vector<16xi32> to vector<16xf32>
        %parallel_loop3A_589 = arith.constant 16 : i32
        %parallel_loop3A_590 = vector.broadcast %parallel_loop3A_589 : i32 to vector<16xi32>
        %parallel_loop3A_591 = arith.shli %parallel_loop3A_576, %parallel_loop3A_590 : vector<16xi32>
        %parallel_loop3A_592 = vector.bitcast %parallel_loop3A_591 : vector<16xi32> to vector<16xf32>
        %parallel_loop3A_593 = arith.constant 16 : i32
        %parallel_loop3A_594 = arith.muli %parallel_loop3A_556, %parallel_loop3A_593 : i32
        %parallel_loop3A_595 = arith.constant 16 : i32
        %parallel_loop3A_596 = arith.index_cast %parallel_loop3A_595 : i32 to index
        %parallel_loop3A_597 = arith.index_cast %parallel_loop3A_594 : i32 to index
        %parallel_loop3A_598 = tpu.vector_load %arg12[%parallel_loop3A_596, %parallel_loop3A_597] {strides = array<i32>} : memref<32x512xf32, #tpu.memory_space<vmem>>, vector<16xf32>,
        %parallel_loop3A_599 = arith.subf %parallel_loop3A_598, %parallel_loop3A_580 : vector<16xf32>
        %parallel_loop3A_600 = arith.mulf %parallel_loop3A_599, %parallel_loop3A_599 : vector<16xf32>
        %parallel_loop3A_601 = arith.addf %broadcast_in_dim3A_36, %parallel_loop3A_600 : vector<16xf32>
        %parallel_loop3A_602 = arith.constant 16 : i32
        %parallel_loop3A_603 = arith.muli %parallel_loop3A_556, %parallel_loop3A_602 : i32
        %parallel_loop3A_604 = arith.constant 20 : i32
        %parallel_loop3A_605 = arith.index_cast %parallel_loop3A_604 : i32 to index
        %parallel_loop3A_606 = arith.index_cast %parallel_loop3A_603 : i32 to index
        %parallel_loop3A_607 = tpu.vector_load %arg12[%parallel_loop3A_605, %parallel_loop3A_606] {strides = array<i32>} : memref<32x512xf32, #tpu.memory_space<vmem>>, vector<16xf32>,
        %parallel_loop3A_608 = arith.subf %parallel_loop3A_607, %parallel_loop3A_584 : vector<16xf32>
        %parallel_loop3A_609 = arith.mulf %parallel_loop3A_608, %parallel_loop3A_608 : vector<16xf32>
        %parallel_loop3A_610 = arith.addf %parallel_loop3A_601, %parallel_loop3A_609 : vector<16xf32>
        %parallel_loop3A_611 = arith.constant 16 : i32
        %parallel_loop3A_612 = arith.muli %parallel_loop3A_556, %parallel_loop3A_611 : i32
        %parallel_loop3A_613 = arith.constant 24 : i32
        %parallel_loop3A_614 = arith.index_cast %parallel_loop3A_613 : i32 to index
        %parallel_loop3A_615 = arith.index_cast %parallel_loop3A_612 : i32 to index
        %parallel_loop3A_616 = tpu.vector_load %arg12[%parallel_loop3A_614, %parallel_loop3A_615] {strides = array<i32>} : memref<32x512xf32, #tpu.memory_space<vmem>>, vector<16xf32>,
        %parallel_loop3A_617 = arith.subf %parallel_loop3A_616, %parallel_loop3A_588 : vector<16xf32>
        %parallel_loop3A_618 = arith.mulf %parallel_loop3A_617, %parallel_loop3A_617 : vector<16xf32>
        %parallel_loop3A_619 = arith.addf %parallel_loop3A_610, %parallel_loop3A_618 : vector<16xf32>
        %parallel_loop3A_620 = arith.constant 16 : i32
        %parallel_loop3A_621 = arith.muli %parallel_loop3A_556, %parallel_loop3A_620 : i32
        %parallel_loop3A_622 = arith.constant 28 : i32
        %parallel_loop3A_623 = arith.index_cast %parallel_loop3A_622 : i32 to index
        %parallel_loop3A_624 = arith.index_cast %parallel_loop3A_621 : i32 to index
        %parallel_loop3A_625 = tpu.vector_load %arg12[%parallel_loop3A_623, %parallel_loop3A_624] {strides = array<i32>} : memref<32x512xf32, #tpu.memory_space<vmem>>, vector<16xf32>,
        %parallel_loop3A_626 = arith.subf %parallel_loop3A_625, %parallel_loop3A_592 : vector<16xf32>
        %parallel_loop3A_627 = arith.mulf %parallel_loop3A_626, %parallel_loop3A_626 : vector<16xf32>
        %parallel_loop3A_628 = arith.addf %parallel_loop3A_619, %parallel_loop3A_627 : vector<16xf32>
        %parallel_loop3A_629 = arith.sitofp %parallel_loop3A_569 : vector<16xi32> to vector<16xf32>
        %parallel_loop3A_630 = arith.cmpf ogt, %parallel_loop3A_629, %get3A_37 : vector<16xf32>
        %parallel_loop3A_631 = arith.constant 1.000000e+00 : f32
        %parallel_loop3A_632 = arith.constant 0.000000e+00 : f32
        %parallel_loop3A_633 = vector.broadcast %parallel_loop3A_631 : f32 to vector<16xf32>
        %parallel_loop3A_634 = vector.broadcast %parallel_loop3A_632 : f32 to vector<16xf32>
        %parallel_loop3A_635 = arith.select %parallel_loop3A_630, %parallel_loop3A_633, %parallel_loop3A_634 : vector<16xi1>, vector<16xf32>
        %parallel_loop3A_636 = arith.mulf %parallel_loop3A_635, %parallel_loop3A_628 : vector<16xf32>
        %parallel_loop3A_637 = arith.addf %parallel_loop3A_557, %parallel_loop3A_636 : vector<16xf32>
        %parallel_loop3A_638 = arith.constant 16 : i32
        %parallel_loop3A_639 = arith.muli %parallel_loop3A_556, %parallel_loop3A_638 : i32
        %parallel_loop3A_640 = arith.constant 5 : i32
        %parallel_loop3A_641 = arith.index_cast %parallel_loop3A_640 : i32 to index
        %parallel_loop3A_642 = arith.index_cast %parallel_loop3A_639 : i32 to index
        %parallel_loop3A_643 = tpu.vector_load %arg10[%parallel_loop3A_641, %parallel_loop3A_642] {strides = array<i32>} : memref<8x512xi32, #tpu.memory_space<vmem>>, vector<16xi32>,
        %parallel_loop3A_644 = arith.constant 16 : i32
        %parallel_loop3A_645 = arith.muli %parallel_loop3A_556, %parallel_loop3A_644 : i32
        %parallel_loop3A_646 = arith.constant 5 : i32
        %parallel_loop3A_647 = arith.index_cast %parallel_loop3A_646 : i32 to index
        %parallel_loop3A_648 = arith.index_cast %parallel_loop3A_645 : i32 to index
        %parallel_loop3A_649 = tpu.vector_load %arg11[%parallel_loop3A_647, %parallel_loop3A_648] {strides = array<i32>} : memref<8x512xi32, #tpu.memory_space<vmem>>, vector<16xi32>,
        %parallel_loop3A_650 = tpu.vector_load_idx %arg13[%parallel_loop3A_643] : memref<2048xi32, #tpu.memory_space<vmem>>[vector<16xi32>], vector<16xi32>,
        %parallel_loop3A_651 = vector.bitcast %parallel_loop3A_650 : vector<16xi32> to vector<16xi32>
        %parallel_loop3A_652 = arith.constant 1024 : i32
        %parallel_loop3A_653 = vector.broadcast %parallel_loop3A_652 : i32 to vector<16xi32>
        %parallel_loop3A_654 = arith.addi %parallel_loop3A_643, %parallel_loop3A_653 : vector<16xi32>
        %parallel_loop3A_655 = tpu.vector_load_idx %arg13[%parallel_loop3A_654] : memref<2048xi32, #tpu.memory_space<vmem>>[vector<16xi32>], vector<16xi32>,
        %parallel_loop3A_656 = vector.bitcast %parallel_loop3A_655 : vector<16xi32> to vector<16xi32>
        %parallel_loop3A_657 = arith.constant -65536 : i32
        %parallel_loop3A_658 = vector.broadcast %parallel_loop3A_657 : i32 to vector<16xi32>
        %parallel_loop3A_659 = arith.andi %parallel_loop3A_651, %parallel_loop3A_658 : vector<16xi32>
        %parallel_loop3A_660 = vector.bitcast %parallel_loop3A_659 : vector<16xi32> to vector<16xf32>
        %parallel_loop3A_661 = arith.constant 16 : i32
        %parallel_loop3A_662 = vector.broadcast %parallel_loop3A_661 : i32 to vector<16xi32>
        %parallel_loop3A_663 = arith.shli %parallel_loop3A_651, %parallel_loop3A_662 : vector<16xi32>
        %parallel_loop3A_664 = vector.bitcast %parallel_loop3A_663 : vector<16xi32> to vector<16xf32>
        %parallel_loop3A_665 = arith.constant -65536 : i32
        %parallel_loop3A_666 = vector.broadcast %parallel_loop3A_665 : i32 to vector<16xi32>
        %parallel_loop3A_667 = arith.andi %parallel_loop3A_656, %parallel_loop3A_666 : vector<16xi32>
        %parallel_loop3A_668 = vector.bitcast %parallel_loop3A_667 : vector<16xi32> to vector<16xf32>
        %parallel_loop3A_669 = arith.constant 16 : i32
        %parallel_loop3A_670 = vector.broadcast %parallel_loop3A_669 : i32 to vector<16xi32>
        %parallel_loop3A_671 = arith.shli %parallel_loop3A_656, %parallel_loop3A_670 : vector<16xi32>
        %parallel_loop3A_672 = vector.bitcast %parallel_loop3A_671 : vector<16xi32> to vector<16xf32>
        %parallel_loop3A_673 = arith.constant 16 : i32
        %parallel_loop3A_674 = arith.muli %parallel_loop3A_556, %parallel_loop3A_673 : i32
        %parallel_loop3A_675 = arith.constant 17 : i32
        %parallel_loop3A_676 = arith.index_cast %parallel_loop3A_675 : i32 to index
        %parallel_loop3A_677 = arith.index_cast %parallel_loop3A_674 : i32 to index
        %parallel_loop3A_678 = tpu.vector_load %arg12[%parallel_loop3A_676, %parallel_loop3A_677] {strides = array<i32>} : memref<32x512xf32, #tpu.memory_space<vmem>>, vector<16xf32>,
        %parallel_loop3A_679 = arith.subf %parallel_loop3A_678, %parallel_loop3A_660 : vector<16xf32>
        %parallel_loop3A_680 = arith.mulf %parallel_loop3A_679, %parallel_loop3A_679 : vector<16xf32>
        %parallel_loop3A_681 = arith.addf %broadcast_in_dim3A_36, %parallel_loop3A_680 : vector<16xf32>
        %parallel_loop3A_682 = arith.constant 16 : i32
        %parallel_loop3A_683 = arith.muli %parallel_loop3A_556, %parallel_loop3A_682 : i32
        %parallel_loop3A_684 = arith.constant 21 : i32
        %parallel_loop3A_685 = arith.index_cast %parallel_loop3A_684 : i32 to index
        %parallel_loop3A_686 = arith.index_cast %parallel_loop3A_683 : i32 to index
        %parallel_loop3A_687 = tpu.vector_load %arg12[%parallel_loop3A_685, %parallel_loop3A_686] {strides = array<i32>} : memref<32x512xf32, #tpu.memory_space<vmem>>, vector<16xf32>,
        %parallel_loop3A_688 = arith.subf %parallel_loop3A_687, %parallel_loop3A_664 : vector<16xf32>
        %parallel_loop3A_689 = arith.mulf %parallel_loop3A_688, %parallel_loop3A_688 : vector<16xf32>
        %parallel_loop3A_690 = arith.addf %parallel_loop3A_681, %parallel_loop3A_689 : vector<16xf32>
        %parallel_loop3A_691 = arith.constant 16 : i32
        %parallel_loop3A_692 = arith.muli %parallel_loop3A_556, %parallel_loop3A_691 : i32
        %parallel_loop3A_693 = arith.constant 25 : i32
        %parallel_loop3A_694 = arith.index_cast %parallel_loop3A_693 : i32 to index
        %parallel_loop3A_695 = arith.index_cast %parallel_loop3A_692 : i32 to index
        %parallel_loop3A_696 = tpu.vector_load %arg12[%parallel_loop3A_694, %parallel_loop3A_695] {strides = array<i32>} : memref<32x512xf32, #tpu.memory_space<vmem>>, vector<16xf32>,
        %parallel_loop3A_697 = arith.subf %parallel_loop3A_696, %parallel_loop3A_668 : vector<16xf32>
        %parallel_loop3A_698 = arith.mulf %parallel_loop3A_697, %parallel_loop3A_697 : vector<16xf32>
        %parallel_loop3A_699 = arith.addf %parallel_loop3A_690, %parallel_loop3A_698 : vector<16xf32>
        %parallel_loop3A_700 = arith.constant 16 : i32
        %parallel_loop3A_701 = arith.muli %parallel_loop3A_556, %parallel_loop3A_700 : i32
        %parallel_loop3A_702 = arith.constant 29 : i32
        %parallel_loop3A_703 = arith.index_cast %parallel_loop3A_702 : i32 to index
        %parallel_loop3A_704 = arith.index_cast %parallel_loop3A_701 : i32 to index
        %parallel_loop3A_705 = tpu.vector_load %arg12[%parallel_loop3A_703, %parallel_loop3A_704] {strides = array<i32>} : memref<32x512xf32, #tpu.memory_space<vmem>>, vector<16xf32>,
        %parallel_loop3A_706 = arith.subf %parallel_loop3A_705, %parallel_loop3A_672 : vector<16xf32>
        %parallel_loop3A_707 = arith.mulf %parallel_loop3A_706, %parallel_loop3A_706 : vector<16xf32>
        %parallel_loop3A_708 = arith.addf %parallel_loop3A_699, %parallel_loop3A_707 : vector<16xf32>
        %parallel_loop3A_709 = arith.sitofp %parallel_loop3A_649 : vector<16xi32> to vector<16xf32>
        %parallel_loop3A_710 = arith.cmpf ogt, %parallel_loop3A_709, %get3A_37 : vector<16xf32>
        %parallel_loop3A_711 = arith.constant 1.000000e+00 : f32
        %parallel_loop3A_712 = arith.constant 0.000000e+00 : f32
        %parallel_loop3A_713 = vector.broadcast %parallel_loop3A_711 : f32 to vector<16xf32>
        %parallel_loop3A_714 = vector.broadcast %parallel_loop3A_712 : f32 to vector<16xf32>
        %parallel_loop3A_715 = arith.select %parallel_loop3A_710, %parallel_loop3A_713, %parallel_loop3A_714 : vector<16xi1>, vector<16xf32>
        %parallel_loop3A_716 = arith.mulf %parallel_loop3A_715, %parallel_loop3A_708 : vector<16xf32>
        %parallel_loop3A_717 = arith.addf %parallel_loop3A_637, %parallel_loop3A_716 : vector<16xf32>
        %parallel_loop3A_718 = arith.constant 16 : i32
        %parallel_loop3A_719 = arith.muli %parallel_loop3A_556, %parallel_loop3A_718 : i32
        %parallel_loop3A_720 = arith.constant 6 : i32
        %parallel_loop3A_721 = arith.index_cast %parallel_loop3A_720 : i32 to index
        %parallel_loop3A_722 = arith.index_cast %parallel_loop3A_719 : i32 to index
        %parallel_loop3A_723 = tpu.vector_load %arg10[%parallel_loop3A_721, %parallel_loop3A_722] {strides = array<i32>} : memref<8x512xi32, #tpu.memory_space<vmem>>, vector<16xi32>,
        %parallel_loop3A_724 = arith.constant 16 : i32
        %parallel_loop3A_725 = arith.muli %parallel_loop3A_556, %parallel_loop3A_724 : i32
        %parallel_loop3A_726 = arith.constant 6 : i32
        %parallel_loop3A_727 = arith.index_cast %parallel_loop3A_726 : i32 to index
        %parallel_loop3A_728 = arith.index_cast %parallel_loop3A_725 : i32 to index
        %parallel_loop3A_729 = tpu.vector_load %arg11[%parallel_loop3A_727, %parallel_loop3A_728] {strides = array<i32>} : memref<8x512xi32, #tpu.memory_space<vmem>>, vector<16xi32>,
        %parallel_loop3A_730 = tpu.vector_load_idx %arg13[%parallel_loop3A_723] : memref<2048xi32, #tpu.memory_space<vmem>>[vector<16xi32>], vector<16xi32>,
        %parallel_loop3A_731 = vector.bitcast %parallel_loop3A_730 : vector<16xi32> to vector<16xi32>
        %parallel_loop3A_732 = arith.constant 1024 : i32
        %parallel_loop3A_733 = vector.broadcast %parallel_loop3A_732 : i32 to vector<16xi32>
        %parallel_loop3A_734 = arith.addi %parallel_loop3A_723, %parallel_loop3A_733 : vector<16xi32>
        %parallel_loop3A_735 = tpu.vector_load_idx %arg13[%parallel_loop3A_734] : memref<2048xi32, #tpu.memory_space<vmem>>[vector<16xi32>], vector<16xi32>,
        %parallel_loop3A_736 = vector.bitcast %parallel_loop3A_735 : vector<16xi32> to vector<16xi32>
        %parallel_loop3A_737 = arith.constant -65536 : i32
        %parallel_loop3A_738 = vector.broadcast %parallel_loop3A_737 : i32 to vector<16xi32>
        %parallel_loop3A_739 = arith.andi %parallel_loop3A_731, %parallel_loop3A_738 : vector<16xi32>
        %parallel_loop3A_740 = vector.bitcast %parallel_loop3A_739 : vector<16xi32> to vector<16xf32>
        %parallel_loop3A_741 = arith.constant 16 : i32
        %parallel_loop3A_742 = vector.broadcast %parallel_loop3A_741 : i32 to vector<16xi32>
        %parallel_loop3A_743 = arith.shli %parallel_loop3A_731, %parallel_loop3A_742 : vector<16xi32>
        %parallel_loop3A_744 = vector.bitcast %parallel_loop3A_743 : vector<16xi32> to vector<16xf32>
        %parallel_loop3A_745 = arith.constant -65536 : i32
        %parallel_loop3A_746 = vector.broadcast %parallel_loop3A_745 : i32 to vector<16xi32>
        %parallel_loop3A_747 = arith.andi %parallel_loop3A_736, %parallel_loop3A_746 : vector<16xi32>
        %parallel_loop3A_748 = vector.bitcast %parallel_loop3A_747 : vector<16xi32> to vector<16xf32>
        %parallel_loop3A_749 = arith.constant 16 : i32
        %parallel_loop3A_750 = vector.broadcast %parallel_loop3A_749 : i32 to vector<16xi32>
        %parallel_loop3A_751 = arith.shli %parallel_loop3A_736, %parallel_loop3A_750 : vector<16xi32>
        %parallel_loop3A_752 = vector.bitcast %parallel_loop3A_751 : vector<16xi32> to vector<16xf32>
        %parallel_loop3A_753 = arith.constant 16 : i32
        %parallel_loop3A_754 = arith.muli %parallel_loop3A_556, %parallel_loop3A_753 : i32
        %parallel_loop3A_755 = arith.constant 18 : i32
        %parallel_loop3A_756 = arith.index_cast %parallel_loop3A_755 : i32 to index
        %parallel_loop3A_757 = arith.index_cast %parallel_loop3A_754 : i32 to index
        %parallel_loop3A_758 = tpu.vector_load %arg12[%parallel_loop3A_756, %parallel_loop3A_757] {strides = array<i32>} : memref<32x512xf32, #tpu.memory_space<vmem>>, vector<16xf32>,
        %parallel_loop3A_759 = arith.subf %parallel_loop3A_758, %parallel_loop3A_740 : vector<16xf32>
        %parallel_loop3A_760 = arith.mulf %parallel_loop3A_759, %parallel_loop3A_759 : vector<16xf32>
        %parallel_loop3A_761 = arith.addf %broadcast_in_dim3A_36, %parallel_loop3A_760 : vector<16xf32>
        %parallel_loop3A_762 = arith.constant 16 : i32
        %parallel_loop3A_763 = arith.muli %parallel_loop3A_556, %parallel_loop3A_762 : i32
        %parallel_loop3A_764 = arith.constant 22 : i32
        %parallel_loop3A_765 = arith.index_cast %parallel_loop3A_764 : i32 to index
        %parallel_loop3A_766 = arith.index_cast %parallel_loop3A_763 : i32 to index
        %parallel_loop3A_767 = tpu.vector_load %arg12[%parallel_loop3A_765, %parallel_loop3A_766] {strides = array<i32>} : memref<32x512xf32, #tpu.memory_space<vmem>>, vector<16xf32>,
        %parallel_loop3A_768 = arith.subf %parallel_loop3A_767, %parallel_loop3A_744 : vector<16xf32>
        %parallel_loop3A_769 = arith.mulf %parallel_loop3A_768, %parallel_loop3A_768 : vector<16xf32>
        %parallel_loop3A_770 = arith.addf %parallel_loop3A_761, %parallel_loop3A_769 : vector<16xf32>
        %parallel_loop3A_771 = arith.constant 16 : i32
        %parallel_loop3A_772 = arith.muli %parallel_loop3A_556, %parallel_loop3A_771 : i32
        %parallel_loop3A_773 = arith.constant 26 : i32
        %parallel_loop3A_774 = arith.index_cast %parallel_loop3A_773 : i32 to index
        %parallel_loop3A_775 = arith.index_cast %parallel_loop3A_772 : i32 to index
        %parallel_loop3A_776 = tpu.vector_load %arg12[%parallel_loop3A_774, %parallel_loop3A_775] {strides = array<i32>} : memref<32x512xf32, #tpu.memory_space<vmem>>, vector<16xf32>,
        %parallel_loop3A_777 = arith.subf %parallel_loop3A_776, %parallel_loop3A_748 : vector<16xf32>
        %parallel_loop3A_778 = arith.mulf %parallel_loop3A_777, %parallel_loop3A_777 : vector<16xf32>
        %parallel_loop3A_779 = arith.addf %parallel_loop3A_770, %parallel_loop3A_778 : vector<16xf32>
        %parallel_loop3A_780 = arith.constant 16 : i32
        %parallel_loop3A_781 = arith.muli %parallel_loop3A_556, %parallel_loop3A_780 : i32
        %parallel_loop3A_782 = arith.constant 30 : i32
        %parallel_loop3A_783 = arith.index_cast %parallel_loop3A_782 : i32 to index
        %parallel_loop3A_784 = arith.index_cast %parallel_loop3A_781 : i32 to index
        %parallel_loop3A_785 = tpu.vector_load %arg12[%parallel_loop3A_783, %parallel_loop3A_784] {strides = array<i32>} : memref<32x512xf32, #tpu.memory_space<vmem>>, vector<16xf32>,
        %parallel_loop3A_786 = arith.subf %parallel_loop3A_785, %parallel_loop3A_752 : vector<16xf32>
        %parallel_loop3A_787 = arith.mulf %parallel_loop3A_786, %parallel_loop3A_786 : vector<16xf32>
        %parallel_loop3A_788 = arith.addf %parallel_loop3A_779, %parallel_loop3A_787 : vector<16xf32>
        %parallel_loop3A_789 = arith.sitofp %parallel_loop3A_729 : vector<16xi32> to vector<16xf32>
        %parallel_loop3A_790 = arith.cmpf ogt, %parallel_loop3A_789, %get3A_37 : vector<16xf32>
        %parallel_loop3A_791 = arith.constant 1.000000e+00 : f32
        %parallel_loop3A_792 = arith.constant 0.000000e+00 : f32
        %parallel_loop3A_793 = vector.broadcast %parallel_loop3A_791 : f32 to vector<16xf32>
        %parallel_loop3A_794 = vector.broadcast %parallel_loop3A_792 : f32 to vector<16xf32>
        %parallel_loop3A_795 = arith.select %parallel_loop3A_790, %parallel_loop3A_793, %parallel_loop3A_794 : vector<16xi1>, vector<16xf32>
        %parallel_loop3A_796 = arith.mulf %parallel_loop3A_795, %parallel_loop3A_788 : vector<16xf32>
        %parallel_loop3A_797 = arith.addf %parallel_loop3A_717, %parallel_loop3A_796 : vector<16xf32>
        %parallel_loop3A_798 = arith.constant 16 : i32
        %parallel_loop3A_799 = arith.muli %parallel_loop3A_556, %parallel_loop3A_798 : i32
        %parallel_loop3A_800 = arith.constant 7 : i32
        %parallel_loop3A_801 = arith.index_cast %parallel_loop3A_800 : i32 to index
        %parallel_loop3A_802 = arith.index_cast %parallel_loop3A_799 : i32 to index
        %parallel_loop3A_803 = tpu.vector_load %arg10[%parallel_loop3A_801, %parallel_loop3A_802] {strides = array<i32>} : memref<8x512xi32, #tpu.memory_space<vmem>>, vector<16xi32>,
        %parallel_loop3A_804 = arith.constant 16 : i32
        %parallel_loop3A_805 = arith.muli %parallel_loop3A_556, %parallel_loop3A_804 : i32
        %parallel_loop3A_806 = arith.constant 7 : i32
        %parallel_loop3A_807 = arith.index_cast %parallel_loop3A_806 : i32 to index
        %parallel_loop3A_808 = arith.index_cast %parallel_loop3A_805 : i32 to index
        %parallel_loop3A_809 = tpu.vector_load %arg11[%parallel_loop3A_807, %parallel_loop3A_808] {strides = array<i32>} : memref<8x512xi32, #tpu.memory_space<vmem>>, vector<16xi32>,
        %parallel_loop3A_810 = tpu.vector_load_idx %arg13[%parallel_loop3A_803] : memref<2048xi32, #tpu.memory_space<vmem>>[vector<16xi32>], vector<16xi32>,
        %parallel_loop3A_811 = vector.bitcast %parallel_loop3A_810 : vector<16xi32> to vector<16xi32>
        %parallel_loop3A_812 = arith.constant 1024 : i32
        %parallel_loop3A_813 = vector.broadcast %parallel_loop3A_812 : i32 to vector<16xi32>
        %parallel_loop3A_814 = arith.addi %parallel_loop3A_803, %parallel_loop3A_813 : vector<16xi32>
        %parallel_loop3A_815 = tpu.vector_load_idx %arg13[%parallel_loop3A_814] : memref<2048xi32, #tpu.memory_space<vmem>>[vector<16xi32>], vector<16xi32>,
        %parallel_loop3A_816 = vector.bitcast %parallel_loop3A_815 : vector<16xi32> to vector<16xi32>
        %parallel_loop3A_817 = arith.constant -65536 : i32
        %parallel_loop3A_818 = vector.broadcast %parallel_loop3A_817 : i32 to vector<16xi32>
        %parallel_loop3A_819 = arith.andi %parallel_loop3A_811, %parallel_loop3A_818 : vector<16xi32>
        %parallel_loop3A_820 = vector.bitcast %parallel_loop3A_819 : vector<16xi32> to vector<16xf32>
        %parallel_loop3A_821 = arith.constant 16 : i32
        %parallel_loop3A_822 = vector.broadcast %parallel_loop3A_821 : i32 to vector<16xi32>
        %parallel_loop3A_823 = arith.shli %parallel_loop3A_811, %parallel_loop3A_822 : vector<16xi32>
        %parallel_loop3A_824 = vector.bitcast %parallel_loop3A_823 : vector<16xi32> to vector<16xf32>
        %parallel_loop3A_825 = arith.constant -65536 : i32
        %parallel_loop3A_826 = vector.broadcast %parallel_loop3A_825 : i32 to vector<16xi32>
        %parallel_loop3A_827 = arith.andi %parallel_loop3A_816, %parallel_loop3A_826 : vector<16xi32>
        %parallel_loop3A_828 = vector.bitcast %parallel_loop3A_827 : vector<16xi32> to vector<16xf32>
        %parallel_loop3A_829 = arith.constant 16 : i32
        %parallel_loop3A_830 = vector.broadcast %parallel_loop3A_829 : i32 to vector<16xi32>
        %parallel_loop3A_831 = arith.shli %parallel_loop3A_816, %parallel_loop3A_830 : vector<16xi32>
        %parallel_loop3A_832 = vector.bitcast %parallel_loop3A_831 : vector<16xi32> to vector<16xf32>
        %parallel_loop3A_833 = arith.constant 16 : i32
        %parallel_loop3A_834 = arith.muli %parallel_loop3A_556, %parallel_loop3A_833 : i32
        %parallel_loop3A_835 = arith.constant 19 : i32
        %parallel_loop3A_836 = arith.index_cast %parallel_loop3A_835 : i32 to index
        %parallel_loop3A_837 = arith.index_cast %parallel_loop3A_834 : i32 to index
        %parallel_loop3A_838 = tpu.vector_load %arg12[%parallel_loop3A_836, %parallel_loop3A_837] {strides = array<i32>} : memref<32x512xf32, #tpu.memory_space<vmem>>, vector<16xf32>,
        %parallel_loop3A_839 = arith.subf %parallel_loop3A_838, %parallel_loop3A_820 : vector<16xf32>
        %parallel_loop3A_840 = arith.mulf %parallel_loop3A_839, %parallel_loop3A_839 : vector<16xf32>
        %parallel_loop3A_841 = arith.addf %broadcast_in_dim3A_36, %parallel_loop3A_840 : vector<16xf32>
        %parallel_loop3A_842 = arith.constant 16 : i32
        %parallel_loop3A_843 = arith.muli %parallel_loop3A_556, %parallel_loop3A_842 : i32
        %parallel_loop3A_844 = arith.constant 23 : i32
        %parallel_loop3A_845 = arith.index_cast %parallel_loop3A_844 : i32 to index
        %parallel_loop3A_846 = arith.index_cast %parallel_loop3A_843 : i32 to index
        %parallel_loop3A_847 = tpu.vector_load %arg12[%parallel_loop3A_845, %parallel_loop3A_846] {strides = array<i32>} : memref<32x512xf32, #tpu.memory_space<vmem>>, vector<16xf32>,
        %parallel_loop3A_848 = arith.subf %parallel_loop3A_847, %parallel_loop3A_824 : vector<16xf32>
        %parallel_loop3A_849 = arith.mulf %parallel_loop3A_848, %parallel_loop3A_848 : vector<16xf32>
        %parallel_loop3A_850 = arith.addf %parallel_loop3A_841, %parallel_loop3A_849 : vector<16xf32>
        %parallel_loop3A_851 = arith.constant 16 : i32
        %parallel_loop3A_852 = arith.muli %parallel_loop3A_556, %parallel_loop3A_851 : i32
        %parallel_loop3A_853 = arith.constant 27 : i32
        %parallel_loop3A_854 = arith.index_cast %parallel_loop3A_853 : i32 to index
        %parallel_loop3A_855 = arith.index_cast %parallel_loop3A_852 : i32 to index
        %parallel_loop3A_856 = tpu.vector_load %arg12[%parallel_loop3A_854, %parallel_loop3A_855] {strides = array<i32>} : memref<32x512xf32, #tpu.memory_space<vmem>>, vector<16xf32>,
        %parallel_loop3A_857 = arith.subf %parallel_loop3A_856, %parallel_loop3A_828 : vector<16xf32>
        %parallel_loop3A_858 = arith.mulf %parallel_loop3A_857, %parallel_loop3A_857 : vector<16xf32>
        %parallel_loop3A_859 = arith.addf %parallel_loop3A_850, %parallel_loop3A_858 : vector<16xf32>
        %parallel_loop3A_860 = arith.constant 16 : i32
        %parallel_loop3A_861 = arith.muli %parallel_loop3A_556, %parallel_loop3A_860 : i32
        %parallel_loop3A_862 = arith.constant 31 : i32
        %parallel_loop3A_863 = arith.index_cast %parallel_loop3A_862 : i32 to index
        %parallel_loop3A_864 = arith.index_cast %parallel_loop3A_861 : i32 to index
        %parallel_loop3A_865 = tpu.vector_load %arg12[%parallel_loop3A_863, %parallel_loop3A_864] {strides = array<i32>} : memref<32x512xf32, #tpu.memory_space<vmem>>, vector<16xf32>,
        %parallel_loop3A_866 = arith.subf %parallel_loop3A_865, %parallel_loop3A_832 : vector<16xf32>
        %parallel_loop3A_867 = arith.mulf %parallel_loop3A_866, %parallel_loop3A_866 : vector<16xf32>
        %parallel_loop3A_868 = arith.addf %parallel_loop3A_859, %parallel_loop3A_867 : vector<16xf32>
        %parallel_loop3A_869 = arith.sitofp %parallel_loop3A_809 : vector<16xi32> to vector<16xf32>
        %parallel_loop3A_870 = arith.cmpf ogt, %parallel_loop3A_869, %get3A_37 : vector<16xf32>
        %parallel_loop3A_871 = arith.constant 1.000000e+00 : f32
        %parallel_loop3A_872 = arith.constant 0.000000e+00 : f32
        %parallel_loop3A_873 = vector.broadcast %parallel_loop3A_871 : f32 to vector<16xf32>
        %parallel_loop3A_874 = vector.broadcast %parallel_loop3A_872 : f32 to vector<16xf32>
        %parallel_loop3A_875 = arith.select %parallel_loop3A_870, %parallel_loop3A_873, %parallel_loop3A_874 : vector<16xi1>, vector<16xf32>
        %parallel_loop3A_876 = arith.mulf %parallel_loop3A_875, %parallel_loop3A_868 : vector<16xf32>
        %parallel_loop3A_877 = arith.addf %parallel_loop3A_797, %parallel_loop3A_876 : vector<16xf32>
        scf.yield %parallel_loop3A_877 : vector<16xf32>
      } {sc.loop_unroll_factor = 2 : i64, sc.parallel_access}
      %add3A_549 = arith.constant 2 : i32
      %add3A_550 = arith.addi %add3A_461, %add3A_549 : i32
      %lt3A_551 = arith.constant 64 : i32
      %lt3A_552 = arith.cmpi slt, %add3A_550, %lt3A_551 : i32
      %convert_element_type3A_553 = arith.extui %lt3A_552 : i1 to i32
      %cond3A_554 = arith.constant 0 : i32
      %cond3A_555 = arith.cmpi ne, %convert_element_type3A_553, %cond3A_554 : i32
      scf.if %cond3A_555 {
        %add3A_556 = arith.constant 2 : i32
        %add3A_557 = arith.addi %add3A_461, %add3A_556 : i32
        %mul3A_558 = arith.constant 4 : i32
        %mul3A_559 = arith.muli %add3A_557, %mul3A_558 : i32
        %add3A_560 = arith.addi %mul3A_32, %mul3A_559 : i32
        %mul3A_561 = arith.constant 4 : i32
        %mul3A_562 = arith.muli %add3A_557, %mul3A_561 : i32
        %add3A_563 = arith.addi %mul3A_32, %mul3A_562 : i32
        %dma_start3A_564 = arith.constant 0 : i32
        %dma_start3A_565 = arith.constant 4 : i32
        %dma_start3A_566 = arith.constant 0 : i32
        %dma_start3A_567 = tpu.memref_slice %arg10[%dma_start3A_565, %dma_start3A_566] : memref<8x512xi32, #tpu.memory_space<vmem>> -> memref<4x512xi32, #tpu.memory_space<vmem>>
        %dma_start3A_568 = arith.constant 0 : i32
        %dma_start3A_569 = tpu.memref_slice %arg3[%add3A, %dma_start3A_564, %add3A_560, %dma_start3A_568] : memref<16x1x512x512xi32, #tpu.memory_space<hbm>> -> memref<1x1x4x512xi32, #tpu.memory_space<hbm>>
        %dma_start3A_570 = tpu.memref_squeeze %dma_start3A_569 : memref<1x1x4x512xi32, #tpu.memory_space<hbm>> -> memref<4x512xi32, #tpu.memory_space<hbm>>
        %dma_start3A_571 = arith.constant 4 : i32
        %dma_start3A_572 = arith.constant 0 : i32
        %dma_start3A_573 = tpu.memref_slice %arg10[%dma_start3A_571, %dma_start3A_572] : memref<8x512xi32, #tpu.memory_space<vmem>> -> memref<4x512xi32, #tpu.memory_space<vmem>>
        %dma_start3A_574 = arith.constant 0 : i32
        %dma_start3A_575 = tpu.memref_slice %arg3[%add3A, %dma_start3A_564, %add3A_560, %dma_start3A_574] : memref<16x1x512x512xi32, #tpu.memory_space<hbm>> -> memref<1x1x4x512xi32, #tpu.memory_space<hbm>>
        %dma_start3A_576 = tpu.memref_squeeze %dma_start3A_575 : memref<1x1x4x512xi32, #tpu.memory_space<hbm>> -> memref<4x512xi32, #tpu.memory_space<hbm>>
        tpu.enqueue_dma source(%dma_start3A_576 : memref<4x512xi32, #tpu.memory_space<hbm>>) target(%dma_start3A_573 : memref<4x512xi32, #tpu.memory_space<vmem>>) target_semaphore(%arg18 : memref<!tpu.dma_semaphore, #tpu.memory_space<semaphore_mem>>)
        %dma_start3A_577 = arith.constant 0 : i32
        %dma_start3A_578 = arith.constant 16 : i32
        %dma_start3A_579 = arith.constant 0 : i32
        %dma_start3A_580 = tpu.memref_slice %arg12[%dma_start3A_578, %dma_start3A_579] : memref<32x512xf32, #tpu.memory_space<vmem>> -> memref<4x512xf32, #tpu.memory_space<vmem>>
        %dma_start3A_581 = arith.constant 0 : i32
        %dma_start3A_582 = tpu.memref_slice %arg2[%add3A, %dma_start3A_577, %add3A_560, %dma_start3A_581] : memref<16x4x512x512xf32, #tpu.memory_space<hbm>> -> memref<1x1x4x512xf32, #tpu.memory_space<hbm>>
        %dma_start3A_583 = tpu.memref_squeeze %dma_start3A_582 : memref<1x1x4x512xf32, #tpu.memory_space<hbm>> -> memref<4x512xf32, #tpu.memory_space<hbm>>
        %dma_start3A_584 = arith.constant 16 : i32
        %dma_start3A_585 = arith.constant 0 : i32
        %dma_start3A_586 = tpu.memref_slice %arg12[%dma_start3A_584, %dma_start3A_585] : memref<32x512xf32, #tpu.memory_space<vmem>> -> memref<4x512xf32, #tpu.memory_space<vmem>>
        %dma_start3A_587 = arith.constant 0 : i32
        %dma_start3A_588 = tpu.memref_slice %arg2[%add3A, %dma_start3A_577, %add3A_560, %dma_start3A_587] : memref<16x4x512x512xf32, #tpu.memory_space<hbm>> -> memref<1x1x4x512xf32, #tpu.memory_space<hbm>>
        %dma_start3A_589 = tpu.memref_squeeze %dma_start3A_588 : memref<1x1x4x512xf32, #tpu.memory_space<hbm>> -> memref<4x512xf32, #tpu.memory_space<hbm>>
        tpu.enqueue_dma source(%dma_start3A_589 : memref<4x512xf32, #tpu.memory_space<hbm>>) target(%dma_start3A_586 : memref<4x512xf32, #tpu.memory_space<vmem>>) target_semaphore(%arg18 : memref<!tpu.dma_semaphore, #tpu.memory_space<semaphore_mem>>)
        %dma_start3A_590 = arith.constant 1 : i32
        %dma_start3A_591 = arith.constant 20 : i32
        %dma_start3A_592 = arith.constant 0 : i32
        %dma_start3A_593 = tpu.memref_slice %arg12[%dma_start3A_591, %dma_start3A_592] : memref<32x512xf32, #tpu.memory_space<vmem>> -> memref<4x512xf32, #tpu.memory_space<vmem>>
        %dma_start3A_594 = arith.constant 0 : i32
        %dma_start3A_595 = tpu.memref_slice %arg2[%add3A, %dma_start3A_590, %add3A_560, %dma_start3A_594] : memref<16x4x512x512xf32, #tpu.memory_space<hbm>> -> memref<1x1x4x512xf32, #tpu.memory_space<hbm>>
        %dma_start3A_596 = tpu.memref_squeeze %dma_start3A_595 : memref<1x1x4x512xf32, #tpu.memory_space<hbm>> -> memref<4x512xf32, #tpu.memory_space<hbm>>
        %dma_start3A_597 = arith.constant 20 : i32
        %dma_start3A_598 = arith.constant 0 : i32
        %dma_start3A_599 = tpu.memref_slice %arg12[%dma_start3A_597, %dma_start3A_598] : memref<32x512xf32, #tpu.memory_space<vmem>> -> memref<4x512xf32, #tpu.memory_space<vmem>>
        %dma_start3A_600 = arith.constant 0 : i32
        %dma_start3A_601 = tpu.memref_slice %arg2[%add3A, %dma_start3A_590, %add3A_560, %dma_start3A_600] : memref<16x4x512x512xf32, #tpu.memory_space<hbm>> -> memref<1x1x4x512xf32, #tpu.memory_space<hbm>>
        %dma_start3A_602 = tpu.memref_squeeze %dma_start3A_601 : memref<1x1x4x512xf32, #tpu.memory_space<hbm>> -> memref<4x512xf32, #tpu.memory_space<hbm>>
        tpu.enqueue_dma source(%dma_start3A_602 : memref<4x512xf32, #tpu.memory_space<hbm>>) target(%dma_start3A_599 : memref<4x512xf32, #tpu.memory_space<vmem>>) target_semaphore(%arg18 : memref<!tpu.dma_semaphore, #tpu.memory_space<semaphore_mem>>)
        %dma_start3A_603 = arith.constant 2 : i32
        %dma_start3A_604 = arith.constant 24 : i32
        %dma_start3A_605 = arith.constant 0 : i32
        %dma_start3A_606 = tpu.memref_slice %arg12[%dma_start3A_604, %dma_start3A_605] : memref<32x512xf32, #tpu.memory_space<vmem>> -> memref<4x512xf32, #tpu.memory_space<vmem>>
        %dma_start3A_607 = arith.constant 0 : i32
        %dma_start3A_608 = tpu.memref_slice %arg2[%add3A, %dma_start3A_603, %add3A_560, %dma_start3A_607] : memref<16x4x512x512xf32, #tpu.memory_space<hbm>> -> memref<1x1x4x512xf32, #tpu.memory_space<hbm>>
        %dma_start3A_609 = tpu.memref_squeeze %dma_start3A_608 : memref<1x1x4x512xf32, #tpu.memory_space<hbm>> -> memref<4x512xf32, #tpu.memory_space<hbm>>
        %dma_start3A_610 = arith.constant 24 : i32
        %dma_start3A_611 = arith.constant 0 : i32
        %dma_start3A_612 = tpu.memref_slice %arg12[%dma_start3A_610, %dma_start3A_611] : memref<32x512xf32, #tpu.memory_space<vmem>> -> memref<4x512xf32, #tpu.memory_space<vmem>>
        %dma_start3A_613 = arith.constant 0 : i32
        %dma_start3A_614 = tpu.memref_slice %arg2[%add3A, %dma_start3A_603, %add3A_560, %dma_start3A_613] : memref<16x4x512x512xf32, #tpu.memory_space<hbm>> -> memref<1x1x4x512xf32, #tpu.memory_space<hbm>>
        %dma_start3A_615 = tpu.memref_squeeze %dma_start3A_614 : memref<1x1x4x512xf32, #tpu.memory_space<hbm>> -> memref<4x512xf32, #tpu.memory_space<hbm>>
        tpu.enqueue_dma source(%dma_start3A_615 : memref<4x512xf32, #tpu.memory_space<hbm>>) target(%dma_start3A_612 : memref<4x512xf32, #tpu.memory_space<vmem>>) target_semaphore(%arg18 : memref<!tpu.dma_semaphore, #tpu.memory_space<semaphore_mem>>)
        %dma_start3A_616 = arith.constant 3 : i32
        %dma_start3A_617 = arith.constant 28 : i32
        %dma_start3A_618 = arith.constant 0 : i32
        %dma_start3A_619 = tpu.memref_slice %arg12[%dma_start3A_617, %dma_start3A_618] : memref<32x512xf32, #tpu.memory_space<vmem>> -> memref<4x512xf32, #tpu.memory_space<vmem>>
        %dma_start3A_620 = arith.constant 0 : i32
        %dma_start3A_621 = tpu.memref_slice %arg2[%add3A, %dma_start3A_616, %add3A_560, %dma_start3A_620] : memref<16x4x512x512xf32, #tpu.memory_space<hbm>> -> memref<1x1x4x512xf32, #tpu.memory_space<hbm>>
        %dma_start3A_622 = tpu.memref_squeeze %dma_start3A_621 : memref<1x1x4x512xf32, #tpu.memory_space<hbm>> -> memref<4x512xf32, #tpu.memory_space<hbm>>
        %dma_start3A_623 = arith.constant 28 : i32
        %dma_start3A_624 = arith.constant 0 : i32
        %dma_start3A_625 = tpu.memref_slice %arg12[%dma_start3A_623, %dma_start3A_624] : memref<32x512xf32, #tpu.memory_space<vmem>> -> memref<4x512xf32, #tpu.memory_space<vmem>>
        %dma_start3A_626 = arith.constant 0 : i32
        %dma_start3A_627 = tpu.memref_slice %arg2[%add3A, %dma_start3A_616, %add3A_560, %dma_start3A_626] : memref<16x4x512x512xf32, #tpu.memory_space<hbm>> -> memref<1x1x4x512xf32, #tpu.memory_space<hbm>>
        %dma_start3A_628 = tpu.memref_squeeze %dma_start3A_627 : memref<1x1x4x512xf32, #tpu.memory_space<hbm>> -> memref<4x512xf32, #tpu.memory_space<hbm>>
        tpu.enqueue_dma source(%dma_start3A_628 : memref<4x512xf32, #tpu.memory_space<hbm>>) target(%dma_start3A_625 : memref<4x512xf32, #tpu.memory_space<vmem>>) target_semaphore(%arg18 : memref<!tpu.dma_semaphore, #tpu.memory_space<semaphore_mem>>)
        %dma_start3A_629 = arith.constant 4 : i32
        %dma_start3A_630 = arith.constant 0 : i32
        %dma_start3A_631 = tpu.memref_slice %arg11[%dma_start3A_629, %dma_start3A_630] : memref<8x512xi32, #tpu.memory_space<vmem>> -> memref<4x512xi32, #tpu.memory_space<vmem>>
        %dma_start3A_632 = arith.constant 0 : i32
        %dma_start3A_633 = tpu.memref_slice %arg4[%add3A, %add3A_563, %dma_start3A_632] : memref<16x512x512xi32, #tpu.memory_space<hbm>> -> memref<1x4x512xi32, #tpu.memory_space<hbm>>
        %dma_start3A_634 = tpu.memref_squeeze %dma_start3A_633 : memref<1x4x512xi32, #tpu.memory_space<hbm>> -> memref<4x512xi32, #tpu.memory_space<hbm>>
        %dma_start3A_635 = arith.constant 4 : i32
        %dma_start3A_636 = arith.constant 0 : i32
        %dma_start3A_637 = tpu.memref_slice %arg11[%dma_start3A_635, %dma_start3A_636] : memref<8x512xi32, #tpu.memory_space<vmem>> -> memref<4x512xi32, #tpu.memory_space<vmem>>
        %dma_start3A_638 = arith.constant 0 : i32
        %dma_start3A_639 = tpu.memref_slice %arg4[%add3A, %add3A_563, %dma_start3A_638] : memref<16x512x512xi32, #tpu.memory_space<hbm>> -> memref<1x4x512xi32, #tpu.memory_space<hbm>>
        %dma_start3A_640 = tpu.memref_squeeze %dma_start3A_639 : memref<1x4x512xi32, #tpu.memory_space<hbm>> -> memref<4x512xi32, #tpu.memory_space<hbm>>
        tpu.enqueue_dma source(%dma_start3A_640 : memref<4x512xi32, #tpu.memory_space<hbm>>) target(%dma_start3A_637 : memref<4x512xi32, #tpu.memory_space<vmem>>) target_semaphore(%arg18 : memref<!tpu.dma_semaphore, #tpu.memory_space<semaphore_mem>>)
      } else {
      }
      scf.yield %parallel_loop3A_548 : vector<16xf32>
    }
    %scan3A_359 = arith.constant 32 : i32
    %swap3A = arith.constant 0 : index
    %swap3A_360 = tpu.vector_load %arg15[%swap3A] {strides = array<i32>} : memref<16xf32, #tpu.memory_space<vmem>>, vector<16xf32>,
    tpu.vector_store %arg15[%swap3A], %scan3A_358 {strides = array<i32>} : memref<16xf32, #tpu.memory_space<vmem>>, vector<16xf32>,
    "tpu.region"() ({
      %run_scoped3A = tpu.sem_alloc : memref<!tpu.dma_semaphore, #tpu.memory_space<semaphore_mem>>
      %dma_start3A_361 = arith.constant 0 : i32
      %dma_start3A_362 = tpu.memref_slice %arg6[%add3A_35, %dma_start3A_361] : memref<32x16xf32, #tpu.memory_space<hbm>> -> memref<1x16xf32, #tpu.memory_space<hbm>>
      %dma_start3A_363 = tpu.memref_squeeze %dma_start3A_362 : memref<1x16xf32, #tpu.memory_space<hbm>> -> memref<16xf32, #tpu.memory_space<hbm>>
      %dma_start3A_364 = arith.constant 0 : i32
      %dma_start3A_365 = tpu.memref_slice %arg6[%add3A_35, %dma_start3A_364] : memref<32x16xf32, #tpu.memory_space<hbm>> -> memref<1x16xf32, #tpu.memory_space<hbm>>
      %dma_start3A_366 = tpu.memref_squeeze %dma_start3A_365 : memref<1x16xf32, #tpu.memory_space<hbm>> -> memref<16xf32, #tpu.memory_space<hbm>>
      tpu.enqueue_dma source(%arg15 : memref<16xf32, #tpu.memory_space<vmem>>) target(%dma_start3A_366 : memref<16xf32, #tpu.memory_space<hbm>>) target_semaphore(%run_scoped3A : memref<!tpu.dma_semaphore, #tpu.memory_space<semaphore_mem>>)
      %dma_wait3A = arith.constant 0 : i32
      %dma_wait3A_367 = tpu.memref_slice %arg6[%add3A_35, %dma_wait3A] : memref<32x16xf32, #tpu.memory_space<hbm>> -> memref<1x16xf32, #tpu.memory_space<hbm>>
      %dma_wait3A_368 = tpu.memref_squeeze %dma_wait3A_367 : memref<1x16xf32, #tpu.memory_space<hbm>> -> memref<16xf32, #tpu.memory_space<hbm>>
      %dma_wait3A_369 = arith.constant 0 : i32
      %dma_wait3A_370 = tpu.memref_slice %arg6[%add3A_35, %dma_wait3A_369] : memref<32x16xf32, #tpu.memory_space<hbm>> -> memref<1x16xf32, #tpu.memory_space<hbm>>
      %dma_wait3A_371 = tpu.memref_squeeze %dma_wait3A_370 : memref<1x16xf32, #tpu.memory_space<hbm>> -> memref<16xf32, #tpu.memory_space<hbm>>
      tpu.wait_dma2 semaphore(%run_scoped3A : memref<!tpu.dma_semaphore, #tpu.memory_space<semaphore_mem>>) src(%arg15 : memref<16xf32, #tpu.memory_space<vmem>>) dst(%dma_wait3A_371 : memref<16xf32, #tpu.memory_space<hbm>>)
      tpu.yield
    }) : () -> ()
    return
  }
}

</mosaic_0001>

<sc_bundles>
// kernel: kernel.3.cloned.1.call-start
scs
__scs_entry_jumppad:
0x0: {  	(pc) =	sbr.rel $0x88, $3  }
0x1: {  	(tag) =	ssettag $0x0;
	lr =	simm.s32 $0x1  }
0x2: {  	[smem:$0x3F9D] =	sst lr;
	_ =	strace $0xD0000000  }
0x3: {  	_ = 	snop  }
0x4: {  	_ = 	snop  }
0x5: {  	_ = 	snop  }
0x6: {  	_ = 	snop  }
0x7: {  	_ = 	snop  }
__scs_overlays_trampoline_lowered:
0x8: {  	[smem:$0x3FAC] =	sst s0  }
0x9: {  	[smem:$0x3FAD] =	sst s1  }
0xa: {  	[smem:$0x3FAE] =	sst s2  }
0xb: {  	[smem:$0x3FAF] =	sst s3  }
0xc: {  	[smem:$0x3FB0] =	sst s4  }
0xd: {  	[smem:$0x3FB1] =	sst s5  }
0xe: {  	[smem:$0x3FB2] =	sst s6  }
0xf: {  	[smem:$0x3FB3] =	sst s7  }
0x10: {  	[smem:$0x3FB4] =	sst s8  }
0x11: {  	[smem:$0x3FB5] =	sst s9;
	s0 =	simm.s32 @!p0 $0x0  }
0x12: {  	s1 =	sld [smem:$0x3F9B];
	s0 =	simm.s32 @p0 $0x1  }
0x13: {  	[smem:$0x3FB6] =	sst s0;
	s0 =	simm.s32 @!p1 $0x0  }
0x14: {  	s2 =	sld [smem:$0x3F9A];
	s0 =	simm.s32 @p1 $0x1  }
0x15: {  	[smem:$0x3FB7] =	sst s0;
	s0 =	simm.s32 @!p2 $0x0  }
0x16: {  	s3 =	sld [smem:$0x3FDB];
	s0 =	simm.s32 @p2 $0x1  }
0x17: {  	s4 =	simm.s32 $0x1BF5;
	[smem:$0x3FB9] =	sst s0  }
0x18: {  	s0 =	sld [smem:$0x3F9C];
	_ =	swait.ge [sflag:s4], $0x0  }
0x19: {  	s7 =	sld [smem:$0x3F9D]  }
0x1a: {  	s8 =	sadd.s32 $0xFFFFE003, lr  }
0x1b: {  	s9 =	sadd.s32 $0xFFFFFEF7, lr;
	s5 =	simm.s32 $0xFFFFFFFF;
	p2 =	slt.u32 s8, $0xFFFFF086  }
0x1c: {  	p1 =	slt.u32 s9, $0xF7A;
	s5 =	simm.s32 @!p2 $0x0  }
0x1d: {  	s5 =	simm.s32 @p1 $0x1;
	p0 =	seq.s32 s7, s2  }
0x1e: {  	s7 =	smul.u32 @!p0 $0xF7A, s2;
	p2 =	seq.s32 @!p0 s5, $0x0  }
0x1f: {  	s9 =	smul.u32 $0xF7A, s1;
	s8 =	simm.s32 @!p0 $0x1BF5;
	p2 =	por !p2, p0  }
0x20: {  	[sflag:s8] =	ssyncset.s32 @!p0 $0xFFFFF086;
	s6 =	sadd.s32 @!p0 s3, s7;
	s7 =	simm.s32 @!p0 $0x108  }
0x21: {  	s3 =	sadd.s32 s3, s9;
	s6 =	sadd.s32 @!p0 $0x88, s6;
	s7 =	simm.s32 @p2 $0x1082  }
0x22: {  	[simem:s7], [sflag:s8] =	dma.local @!p0 [hbm:s6], $0xF7A  }
0x23: {  	s9 =	sor.u32 $0xD0000000, s2;
	s6 =	simm.s32 $0x108;
	_ =	swait.ge @!p0 [sflag:s8], $0x0  }
0x24: {  	s3 =	sadd.s32 $0x88, s3;
	s6 =	simm.s32 @!p1 $0x1082;
	[sflag:s4] =	ssyncset.s32 $0xFFFFF086  }
0x25: {  	[simem:s6], [sflag:s4] =	dma.local [hbm:s3], $0xF7A  }
0x26: {  	[smem:$0x3F9D] =	sst s1;
	(tag) =	ssettag s2;
	_ =	strace s9  }
0x27: {  	s1 =	sld [smem:$0x3FAD]  }
0x28: {  	s2 =	sld [smem:$0x3FAE]  }
0x29: {  	s4 =	sld [smem:$0x3FB0]  }
0x2a: {  	p0 =	seq.s32 s5, $0x0;
	s5 =	sld [smem:$0x3FB1]  }
0x2b: {  	s6 =	sld [smem:$0x3FB2]  }
0x2c: {  	s7 =	sld [smem:$0x3FB3]  }
0x2d: {  	s3 =	simm.s32 $0x108;
	s8 =	sld [smem:$0x3FB4]  }
0x2e: {  	s3 =	simm.s32 @!p0 $0x1082;
	s9 =	sld [smem:$0x3FB5]  }
0x2f: {  	lr =	sadd.s32 s0, s3;
	s0 =	sld [smem:$0x3FAC]  }
0x30: {  	s3 =	sld [smem:$0x3FAF]  }
0x31: {  	[smem:$0x3FB8] =	sst s10  }
0x32: {  	s10 =	sld [smem:$0x3FB6];
	_ =	sdelay $0x3  }
0x33: {  	p0 =	seq.s32 s10, $0x1;
	s10 =	sld [smem:$0x3FB8];
	_ =	sdelay $0x3  }
0x34: {  	[smem:$0x3FB8] =	sst s10  }
0x35: {  	s10 =	sld [smem:$0x3FB7];
	_ =	sdelay $0x3  }
0x36: {  	p1 =	seq.s32 s10, $0x1;
	s10 =	sld [smem:$0x3FB8];
	_ =	sdelay $0x3  }
0x37: {  	[smem:$0x3FB8] =	sst s10  }
0x38: {  	s10 =	sld [smem:$0x3FB9]  }
0x39: {  	_ = 	snop;
	(pc) =	sbr.ind lr, $3  }
0x3a: {  	_ = 	snop  }
0x3b: {  	_ = 	snop  }
0x3c: {  	p2 =	seq.s32 s10, $0x1;
	s10 =	sld [smem:$0x3FB8]  }
0x3d: {  	_ =	shalt  }
0x3e: {  	_ =	shalt  }
0x3f: {  	_ =	shalt  }
0x40: {  	_ =	shalt  }
0x41: {  	_ =	shalt  }
0x42: {  	_ =	shalt  }
0x43: {  	_ =	shalt  }
0x44: {  	_ =	shalt  }
0x45: {  	_ =	shalt  }
0x46: {  	_ =	shalt  }
0x47: {  	_ =	shalt  }
0x48: {  	_ =	shalt  }
0x49: {  	_ =	shalt  }
0x4a: {  	_ =	shalt  }
0x4b: {  	_ =	shalt  }
0x4c: {  	_ =	shalt  }
0x4d: {  	_ =	shalt  }
0x4e: {  	_ =	shalt  }
0x4f: {  	_ =	shalt  }
0x50: {  	_ =	shalt  }
0x51: {  	_ =	shalt  }
0x52: {  	_ =	shalt  }
0x53: {  	_ =	shalt  }
0x54: {  	_ =	shalt  }
0x55: {  	_ =	shalt  }
0x56: {  	_ =	shalt  }
0x57: {  	_ =	shalt  }
0x58: {  	_ =	shalt  }
0x59: {  	_ =	shalt  }
0x5a: {  	_ =	shalt  }
0x5b: {  	_ =	shalt  }
0x5c: {  	_ =	shalt  }
0x5d: {  	_ =	shalt  }
0x5e: {  	_ =	shalt  }
0x5f: {  	_ =	shalt  }
0x60: {  	_ =	shalt  }
0x61: {  	_ =	shalt  }
0x62: {  	_ =	shalt  }
0x63: {  	_ =	shalt  }
0x64: {  	_ =	shalt  }
0x65: {  	_ =	shalt  }
0x66: {  	_ =	shalt  }
0x67: {  	_ =	shalt  }
0x68: {  	_ =	shalt  }
0x69: {  	_ =	shalt  }
0x6a: {  	_ =	shalt  }
0x6b: {  	_ =	shalt  }
0x6c: {  	_ =	shalt  }
0x6d: {  	_ =	shalt  }
0x6e: {  	_ =	shalt  }
0x6f: {  	_ =	shalt  }
0x70: {  	_ =	shalt  }
0x71: {  	_ =	shalt  }
0x72: {  	_ =	shalt  }
0x73: {  	_ =	shalt  }
0x74: {  	_ =	shalt  }
0x75: {  	_ =	shalt  }
0x76: {  	_ =	shalt  }
0x77: {  	_ =	shalt  }
0x78: {  	_ =	shalt  }
0x79: {  	_ =	shalt  }
0x7a: {  	_ =	shalt  }
0x7b: {  	_ =	shalt  }
0x7c: {  	_ =	shalt  }
0x7d: {  	_ =	shalt  }
0x7e: {  	_ =	shalt  }
0x7f: {  	_ =	shalt  }
0x80: {  	_ =	shalt  }
0x81: {  	_ =	shalt  }
0x82: {  	_ =	shalt  }
0x83: {  	_ =	shalt  }
0x84: {  	_ =	shalt  }
0x85: {  	_ =	shalt  }
0x86: {  	_ =	shalt  }
0x87: {  	_ =	shalt  }
.Lfunc_end0:
.L_simem_size_0:
called_computation_lowered:
.L_overlay_start_0:
0x88: {  	s2 =	sld [smem:$0x3FD9]  }
0x89: {  	s3 =	sld [smem:$0x3FFE];
	_ =	sdelay $0x1  }
0x8a: {  	s1 =	srdreg.scid  }
0x8b: {  	s0 =	sand.u32 $0x1, s1  }
0x8c: {  	s17 =	sshll.u32 s0, $0xA;
	s2 =	sadd.s32 s3, s2  }
0x8d: {  	s2 =	sadd.s32 s2, s17  }
0x8e: {  	[smem:$0x3FC4] =	sst s2  }
0x8f: {  	_ = 	snop  }
0x90: {  	s2 =	sld [smem:$0x3FC9]  }
0x91: {  	s18 =	sld [smem:$0x3FC8]  }
0x92: {  	s4 =	sld [smem:$0x3FC7]  }
0x93: {  	s5 =	sld [smem:$0x3FD0];
	(tm) =	ssettm $0x1  }
0x94: {  	s6 =	sld [smem:$0x3FFB];
	_ =	sdelay $0x3  }
0x95: {  	_ =	strace s6  }
0x96: {  	s6 =	sld [smem:$0x3FFC];
	_ =	sdelay $0x3  }
0x97: {  	_ =	strace s6  }
0x98: {  	s6 =	sld [smem:$0x3FFD];
	_ =	sdelay $0x3  }
0x99: {  	_ =	strace s6  }
0x9a: {  	_ =	strace $0x8FFFFFFF  }
0x9b: {  	s19 =	sld [smem:$0x3FDB];
	_ =	sdelay $0x1  }
0x9c: {  	s7 =	simm.s32 $_scs_section_size  }
0x9d: {  	s8 =	simm.s32 $_size__tile_overlayer_lowered;
	s9 =	simm.s32 $_tile_overlayer_lowered  }
0x9e: {  	s22 =	simm.s32 $0x1BFF;
	s21 =	sshll.u32 s9, $0x1;
	s6 =	sadd.s32 s7, s19  }
0x9f: {  	s10 =	simm.s32 $0x0;
	s20 =	sshll.u32 s8, $0x1;
	s8 =	sadd.s32 s21, s6  }
0xa0: {  	[timem:s10], [sflag:s22] =	dma.local [hbm:s8], s20  }
0xa1: {  	_ =	swait.ge [sflag:s22], s20  }
0xa2: {  	s7 =	ssub.s32 $0x0, s20;
	[sflag:s22] =	ssyncset.done $0x0  }
0xa3: {  	[sflag:s22] =	ssyncadd.s32 s7;
	_ =	sdelay $0x1  }
0xa4: {  	s23 =	simm.s32 $0x1B8B  }
0xa5: {  	_ =	swait.ge [sflag:s23], $0x1  }
0xa6: {  	[sflag:s23] =	ssyncset.done $0x0  }
0xa7: {  	s25 =	simm.s32 $0x1B8E;
	s24 =	sld [smem:$0x3FFE];
	[sflag:s23] =	ssyncadd.s32 $0xFFFFFFFF  }
0xa8: {  	s26 =	simm.s32 $execute0_lowered;
	[smem:$0x3FD2] =	sst s25  }
0xa9: {  	s8 =	sshll.u32 s26, $0x1;
	_ =	strace $0x80000046;
	[dreg:$0x1] =	wrdreg $0xFFFFFFFF  }
0xaa: {  	s28 =	simm.s32 $_size_execute0_lowered;
	s6 =	sadd.s32 s6, s8;
	[dreg:$0x0] =	wrdreg $0x0  }
0xab: {  	s8 =	sshll.u32 s28, $0x1;
	[dreg:$0x2] =	wrdreg s6  }
0xac: {  	[dreg:$0x3] =	wrdreg s8  }
0xad: {  	[dreg:$0x4] =	wrdreg $0xC0  }
0xae: {  	_ =	task [dreg:s10], $0x5FFFF  }
0xaf: {  	[dreg:$0x1] =	wrdreg $0xFFFFFFFF  }
0xb0: {  	[dreg:$0x0] =	wrdreg $0x60  }
0xb1: {  	[dreg:$0x2] =	wrdreg s2  }
0xb2: {  	[dreg:$0x3] =	wrdreg s18  }
0xb3: {  	[dreg:$0x4] =	wrdreg s4  }
0xb4: {  	[dreg:$0x5] =	wrdreg s5  }
0xb5: {  	[dreg:$0x6] =	wrdreg s24  }
0xb6: {  	[dreg:$0x7] =	wrdreg $0x1D1000  }
0xb7: {  	[dreg:$0x8] =	wrdreg $0x9  }
0xb8: {  	_ =	task.clear_ibuf [dreg:s10], $0x9FFFF;
	_ =	strace $0x90000046  }
0xb9: {  	s29 =	simm.s32 $0x9;
	_ =	strace $0x80000048  }
0xba: {  	_ =	swait.ge [sflag:s29], $0x1  }
0xbb: {  	[sflag:s29] =	ssyncadd.s32 $0xFFFFFFFF  }
0xbc: {  	_ =	strace $0x90000048  }
0xbd: {  	_ =	sfence  }
0xbe: {  	s30 =	sld [smem:$0x0];
	_ =	sdelay $0x2  }
0xbf: {  	s31 =	sshll.u32 s1, $0xD;
	s1 =	sshrl.u32 s1, $0x2  }
0xc0: {  	s3 =	sand.u32 $0x4000, s31;
	s1 =	sadd.s32 s1, s30  }
0xc1: {  	s0 =	sor.u32 s3, s0;
	s1 =	sshll.u32 s1, $0x11  }
0xc2: {  	s0 =	sor.u32 s1, s0  }
0xc3: {  	s0 =	sadd.s32 $0x8F2B, s0  }
0xc4: {  	[sflag:s0] =	ssyncadd.remote.s32 $0x1  }
0xc5: {  	_ =	sfence.sel $0xFFFF  }
0xc6: {  	[dreg:$0x0] =	wrdreg $0xFFFFFFFF;
	(pc) =	sbr.abs _section_cstart, $3  }
0xc7: {  	[dreg:$0x1] =	wrdreg $0xFFFFFFFF  }
0xc8: {  	_ =	task.clear_ibuf [dreg:s10], $0x2FFFF;
	_ =	strace $0x9FFFFFFF  }
0xc9: {  	(tm) =	ssettm $0x7FFFFFFF  }
tec
execute0_lowered:
.L_overlay_start_1:
0x0: {  	(tag) =	ssettag $0x1  }
0x1: {  	s14 =	rddreg [dreg:$0x0]  }
0x2: {  	s15 =	rddreg [dreg:$0x1]  }
0x3: {  	s16 =	rddreg [dreg:$0x2]  }
0x4: {  	s0 =	rddreg [dreg:$0x4]  }
0x5: {  	s1 =	rddreg [dreg:$0x5];
	s6 =	simm.s32 $0x0;
	s2 =	srdreg.scid  }
0x6: {  	s12 =	stileid.u32;
	[smem:$0x7FF] =	sst s6;
	s2 =	sand.u32 $0x1, s2  }
0x7: {  	s4 =	sshrl.u32 s12, $0x1;
	s21 =	sshll.u32 s12, $0x11;
	s9 =	sshrl.u32 s12, $0x3  }
0x8: {  	s12 =	sshll.u32 s12, $0x7;
	_ =	strace $0x80000047;
	s10 =	smul.u32 $0x28000, s9  }
0x9: {  	s3 =	sshll.u32 s2, $0x3;
	s5 =	ssub.s32 $0x2, s2;
	s9 =	smul.u32 $0xA000, s9  }
0xa: {  	s2 =	sshll.u32 s2, $0xB;
	s13 =	sand.u32 $0x400, s12;
	s12 =	sand.u32 $0x380, s12  }
0xb: {  	s3 =	sor.u32 s4, s3;
	s7 =	sshrl.u32 s5, $0x1;
	s4 =	sand.u32 $0x20000, s21  }
0xc: {  	s2 =	sor.u32 s2, s13;
	s13 =	sadd.s32 $0x40, s14;
	s8 =	sshll.u32 s3, $0x12  }
0xd: {  	s5 =	ssub.s32 s5, s7;
	s17 =	sshll.u32 s3, $0x14;
	[dreg:$0x14] =	wrdreg s13  }
0xe: {  	s10 =	sshrl.u32 s10, $0x2;
	s9 =	sor.u32 s9, s12;
	[dreg:$0x9] =	wrdreg s8  }
0xf: {  	s2 =	sor.u32 s12, s2;
	s20 =	sor.u32 $0x1000, s4;
	[dreg:$0xa] =	wrdreg s17  }
0x10: {  	s22 =	sor.u32 s4, s8;
	s29 =	sor.u32 $0x40000, s17;
	[dreg:$0x1a] =	wrdreg s20  }
0x11: {  	s26 =	sor.u32 s4, s17;
	s11 =	sor.u32 $0x80000, s17;
	[dreg:$0xb] =	wrdreg s29  }
0x12: {  	s10 =	sadd.s32 s10, s1;
	s30 =	sor.u32 $0xC0000, s17;
	[dreg:$0xc] =	wrdreg s11  }
0x13: {  	s9 =	sxor.u32 $0x80, s9;
	s10 =	sadd.s32 s12, s10;
	[dreg:$0x11] =	wrdreg s30  }
0x14: {  	s2 =	sshrl.u32 s2, $0x3;
	s1 =	sadd.s32 s9, s1;
	[dreg:$0x10] =	wrdreg s10  }
0x15: {  	s23 =	sshrl.u32 s22, $0x3;
	s0 =	sadd.s32 s0, s2;
	[dreg:$0x12] =	wrdreg s1  }
0x16: {  	s8 =	sor.u32 s4, s29;
	s29 =	smax.u32 s5, $0x1;
	[dreg:$0x13] =	wrdreg s0  }
0x17: {  	s12 =	sor.u32 s4, s30;
	s30 =	sadd.s32 $0x40, s15;
	[dreg:$0x1f] =	wrdreg s29  }
0x18: {  	s7 =	sshrl.u32 s26, $0x3;
	s21 =	sadd.s32 s15, s23;
	[smem:$0x7FD] =	sst s30  }
0x19: {  	s22 =	sor.u32 $0x40, s23;
	s23 =	sadd.s32 s16, s23;
	[dreg:$0x1b] =	wrdreg s21  }
0x1a: {  	s11 =	sor.u32 s4, s11;
	s24 =	sadd.s32 s14, s7;
	[dreg:$0x1c] =	wrdreg s23  }
0x1b: {  	s8 =	sshrl.u32 s8, $0x3;
	s31 =	sadd.s32 s7, s13;
	[dreg:$0xd] =	wrdreg s24  }
0x1c: {  	s11 =	sshrl.u32 s11, $0x3;
	s17 =	sadd.s32 s8, s13;
	[dreg:$0x15] =	wrdreg s31  }
0x1d: {  	s1 =	sshrl.u32 s12, $0x3;
	s18 =	sadd.s32 s11, s13;
	[dreg:$0x16] =	wrdreg s17  }
0x1e: {  	s19 =	sadd.s32 s14, s1;
	[dreg:$0x17] =	wrdreg s18  }
0x1f: {  	s0 =	sadd.s32 s1, s13;
	[dreg:$0x18] =	wrdreg s19  }
.Ltmp0:
0x20: {  	vm0 =	vcmask $0x3F3C;
	s26 =	sadd.s32 s15, s22;
	[dreg:$0x19] =	wrdreg s0;
	(pc) =	sbr.rel .LBB2_1-.Ltmp0, $4  }
0x21: {  	s25 =	sadd.s32 s14, s8;
	[dreg:$0x1d] =	wrdreg s26  }
0x22: {  	v1 =	vlaneseq.u32;
	s28 =	sadd.s32 s14, s11;
	[dreg:$0xe] =	wrdreg s25  }
0x23: {  	v0 =	vimm.f32 $0.0e+00;
	v6 =	vimm.f32 $1.000000000e+00;
	v2 =	vor.u32 $0x4000, v1;
	s0 =	sadd.s32 s16, s22;
	[dreg:$0xf] =	wrdreg s28  }
0x24: {  	v3 =	vor.u32 $0x8000, v1;
	v4 =	vor.u32 $0xC000, v1;
	v5 =	vor.u32 $0x10000, v1;
	s2 =	simm.s32 $0x3;
	s1 =	simm.s32 $0x0;
	[dreg:$0x1e] =	wrdreg s0  }
.LBB2_26:
0x25: {  	[tilespmem:$0x1D080] =	vst v8;
	s0 =	rddreg [dreg:$0x13];
	s1 =	simm.s32 $0x1D080;
	s2 =	simm.s32 $0x3  }
0x26: {  	[hbm4b:s0+s6] =	stream.linear.scatter [tilespmem:s1], [sflag:$0x3], $0x80, $0x38;
	[tilespmem:$0x1E500] =	vst v63  }
0x27: {  	_ =	swait.ge [sflag:s2], $0x80  }
0x28: {  	s29 =	sld [smem:$0x7FC];
	_ =	sdelay $0x2  }
0x29: {  	s30 =	rddreg [dreg:$0x1f];
	s1 =	sadd.s32 $0x1, s29  }
0x2a: {  	p0 =	sne.s32 s1, s30  }
.Ltmp1:
0x2b: {  	_ = 	snop;
	(pc) =	sbr.rel @!p0 .LBB2_27-.Ltmp1, $3  }
0x2c: {  	_ =	sdelay $0x1  }
0x2d: {  	[sflag:s2] =	ssyncset.done $0x0  }
0x2e: {  	[sflag:s2] =	ssyncadd.s32 $0xFFFFFF80  }
.LBB2_1:
0x2f: {  	[smem:$0x7FC] =	sst s1  }
0x30: {  	s0 =	rddreg [dreg:$0x3];
	s30 =	simm.s32 $0x1D000  }
0x31: {  	[tilespmem:s30], [sflag:$0x3] =	stream.linear.gather [hbm4b:s0+s6], $0x80, $0x38;
	[tilespmem:$0x1E500] =	vst v63  }
0x32: {  	_ =	swait.ge [sflag:s2], $0x80  }
0x33: {  	[sflag:s2] =	ssyncset.done $0x0  }
0x34: {  	s0 =	simm.s32 $0x40;
	[sflag:s2] =	ssyncadd.s32 $0xFFFFFF80  }
0x35: {  	v7 =	vld [tilespmem:$0x1D000];
	[tilespmem:s0+$0xFFFFFFC0] =	vst v0  }
0x36: {  	[tilespmem:s0+$0x30] =	vst v0  }
0x37: {  	[tilespmem:s0+$0x20] =	vst v0  }
0x38: {  	[tilespmem:s0+$0x10] =	vst v0  }
0x39: {  	[tilespmem:s0+$0x0] =	vst v0  }
0x3a: {  	[tilespmem:s0+$0xFFFFFFF0] =	vst v0  }
0x3b: {  	s1 =	simm.s32 $0x0;
	[tilespmem:s0+$0xFFFFFFE0] =	vst v0  }
.LBB2_2:
0x3c: {  	s1 =	sadd.s32 $0x8, s1;
	[tilespmem:s0+$0xFFFFFFD0] =	vst v0;
	s0 =	sadd.s32 $0x80, s0  }
0x3d: {  	[tilespmem:s0+$0xFFFFFFC0] =	vst v0;
	p0 =	slt.u32 s1, $0x13F8  }
0x3e: {  	[tilespmem:s0+$0x30] =	vst v0  }
.Ltmp2:
0x3f: {  	[tilespmem:s0+$0x20] =	vst v0;
	(pc) =	sbr.rel @p0 .LBB2_2-.Ltmp2, $4  }
0x40: {  	[tilespmem:s0+$0x10] =	vst v0  }
0x41: {  	[tilespmem:s0+$0x0] =	vst v0  }
0x42: {  	[tilespmem:s0+$0xFFFFFFF0] =	vst v0  }
0x43: {  	[tilespmem:s0+$0xFFFFFFE0] =	vst v0  }
0x44: {  	[tilespmem:s0+$0xFFFFFFD0] =	vst v0  }
0x45: {  	s3 =	simm.s32 $0x0;
	s1 =	simm.s32 $0x16800;
	s0 =	rddreg [dreg:$0x1b]  }
0x46: {  	[tilespmem:s1], [sflag:$0x1] =	stream.linear.gather [hbm4b:s0+s3], $0x200, $0x38;
	[tilespmem:$0x1E500] =	vst v63  }
0x47: {  	s8 =	simm.s32 $0x16C00;
	s2 =	sadd.s32 $0x80, s0  }
0x48: {  	[tilespmem:s8], [sflag:$0x1] =	stream.linear.gather [hbm4b:s2+s3], $0x200, $0x38;
	[tilespmem:$0x1E500] =	vst v63  }
0x49: {  	s10 =	simm.s32 $0x17000;
	s9 =	sadd.s32 $0x100, s0  }
0x4a: {  	[tilespmem:s10], [sflag:$0x1] =	stream.linear.gather [hbm4b:s9+s3], $0x200, $0x38;
	[tilespmem:$0x1E500] =	vst v63  }
0x4b: {  	s12 =	simm.s32 $0x17400;
	s14 =	sadd.s32 $0x80, s24;
	s11 =	sadd.s32 $0x180, s0  }
0x4c: {  	[tilespmem:s12], [sflag:$0x1] =	stream.linear.gather [hbm4b:s11+s3], $0x200, $0x38;
	[tilespmem:$0x1E500] =	vst v63  }
0x4d: {  	s13 =	simm.s32 $0x18800;
	s16 =	sadd.s32 $0x100, s24;
	[smem:$0x7E0] =	sst s14  }
0x4e: {  	[tilespmem:s13], [sflag:$0x1] =	stream.linear.gather [hbm4b:s24+s3], $0x200, $0x38;
	[tilespmem:$0x1E500] =	vst v63  }
0x4f: {  	s15 =	simm.s32 $0x18C00;
	s18 =	sadd.s32 $0x180, s24;
	[smem:$0x7E1] =	sst s16  }
0x50: {  	[tilespmem:s15], [sflag:$0x1] =	stream.linear.gather [hbm4b:s14+s3], $0x200, $0x38;
	[tilespmem:$0x1E500] =	vst v63  }
0x51: {  	s17 =	simm.s32 $0x19000;
	s21 =	sadd.s32 $0x80, s25;
	[smem:$0x7E2] =	sst s18  }
0x52: {  	[tilespmem:s17], [sflag:$0x1] =	stream.linear.gather [hbm4b:s16+s3], $0x200, $0x38;
	[tilespmem:$0x1E500] =	vst v63  }
0x53: {  	s19 =	simm.s32 $0x19400;
	s23 =	sadd.s32 $0x100, s25;
	[smem:$0x7E3] =	sst s21  }
0x54: {  	[tilespmem:s19], [sflag:$0x1] =	stream.linear.gather [hbm4b:s18+s3], $0x200, $0x38;
	[tilespmem:$0x1E500] =	vst v63  }
0x55: {  	s20 =	simm.s32 $0x18A00;
	s26 =	sadd.s32 $0x180, s25;
	[smem:$0x7E4] =	sst s23  }
0x56: {  	[tilespmem:s20], [sflag:$0x1] =	stream.linear.gather [hbm4b:s25+s3], $0x200, $0x38;
	[tilespmem:$0x1E500] =	vst v63  }
0x57: {  	s22 =	simm.s32 $0x18E00;
	s4 =	sadd.s32 $0x100, s28;
	[smem:$0x7E5] =	sst s26  }
0x58: {  	[tilespmem:s22], [sflag:$0x1] =	stream.linear.gather [hbm4b:s21+s3], $0x200, $0x38;
	[tilespmem:$0x1E500] =	vst v63  }
0x59: {  	s7 =	sadd.s32 $0x180, s28;
	[smem:$0x7E7] =	sst s4;
	s24 =	simm.s32 $0x19200  }
0x5a: {  	[tilespmem:s24], [sflag:$0x1] =	stream.linear.gather [hbm4b:s23+s3], $0x200, $0x38;
	[tilespmem:$0x1E500] =	vst v63  }
0x5b: {  	s29 =	simm.s32 $0x19600;
	[smem:$0x7E8] =	sst s7  }
0x5c: {  	[tilespmem:s29], [sflag:$0x1] =	stream.linear.gather [hbm4b:s26+s3], $0x200, $0x38;
	[tilespmem:$0x1E500] =	vst v63  }
0x5d: {  	s30 =	simm.s32 $0x19800;
	[smem:$0x7DD] =	sst s2  }
0x5e: {  	[tilespmem:s30], [sflag:$0x1] =	stream.linear.gather [hbm4b:s28+s3], $0x200, $0x38;
	[tilespmem:$0x1E500] =	vst v63  }
0x5f: {  	s0 =	sadd.s32 $0x80, s28;
	[smem:$0x7DE] =	sst s9;
	s2 =	simm.s32 $0x19C00  }
0x60: {  	[tilespmem:s2], [sflag:$0x1] =	stream.linear.gather [hbm4b:s0+s3], $0x200, $0x38;
	[tilespmem:$0x1E500] =	vst v63  }
0x61: {  	s5 =	simm.s32 $0x1A000;
	[smem:$0x7DF] =	sst s11  }
0x62: {  	[tilespmem:s5], [sflag:$0x1] =	stream.linear.gather [hbm4b:s4+s3], $0x200, $0x38;
	[tilespmem:$0x1E500] =	vst v63  }
0x63: {  	s8 =	simm.s32 $0x1A400;
	s9 =	rddreg [dreg:$0x18]  }
0x64: {  	[tilespmem:s8], [sflag:$0x1] =	stream.linear.gather [hbm4b:s7+s3], $0x200, $0x38;
	[tilespmem:$0x1E500] =	vst v63  }
0x65: {  	[smem:$0x7E6] =	sst s0;
	s10 =	simm.s32 $0x19A00;
	s11 =	sadd.s32 $0x80, s9  }
0x66: {  	[tilespmem:s10], [sflag:$0x1] =	stream.linear.gather [hbm4b:s9+s3], $0x200, $0x38;
	[tilespmem:$0x1E500] =	vst v63  }
0x67: {  	s12 =	simm.s32 $0x19E00;
	[smem:$0x7E9] =	sst s11;
	s13 =	sadd.s32 $0x100, s9  }
0x68: {  	[tilespmem:s12], [sflag:$0x1] =	stream.linear.gather [hbm4b:s11+s3], $0x200, $0x38;
	[tilespmem:$0x1E500] =	vst v63  }
0x69: {  	[smem:$0x7EA] =	sst s13;
	s14 =	simm.s32 $0x1A200  }
0x6a: {  	[tilespmem:s14], [sflag:$0x1] =	stream.linear.gather [hbm4b:s13+s3], $0x200, $0x38;
	[tilespmem:$0x1E500] =	vst v63  }
0x6b: {  	s15 =	sadd.s32 $0x180, s9;
	s16 =	simm.s32 $0x1A600;
	s17 =	rddreg [dreg:$0x1d]  }
0x6c: {  	[tilespmem:s16], [sflag:$0x1] =	stream.linear.gather [hbm4b:s15+s3], $0x200, $0x38;
	[tilespmem:$0x1E500] =	vst v63  }
0x6d: {  	[smem:$0x7EB] =	sst s15;
	s18 =	simm.s32 $0x16A00;
	s19 =	sadd.s32 $0x80, s17  }
0x6e: {  	[tilespmem:s18], [sflag:$0x2] =	stream.linear.gather [hbm4b:s17+s3], $0x200, $0x38;
	[tilespmem:$0x1E500] =	vst v63  }
0x6f: {  	[smem:$0x7EC] =	sst s19;
	s20 =	simm.s32 $0x16E00;
	s21 =	sadd.s32 $0x100, s17  }
0x70: {  	[tilespmem:s20], [sflag:$0x2] =	stream.linear.gather [hbm4b:s19+s3], $0x200, $0x38;
	[tilespmem:$0x1E500] =	vst v63  }
0x71: {  	s22 =	simm.s32 $0x17200;
	[smem:$0x7ED] =	sst s21;
	s23 =	sadd.s32 $0x180, s17  }
0x72: {  	[tilespmem:s22], [sflag:$0x2] =	stream.linear.gather [hbm4b:s21+s3], $0x200, $0x38;
	[tilespmem:$0x1E500] =	vst v63  }
0x73: {  	s24 =	simm.s32 $0x17600;
	[smem:$0x7EE] =	sst s23;
	s26 =	sadd.s32 $0x80, s31  }
0x74: {  	[tilespmem:s24], [sflag:$0x2] =	stream.linear.gather [hbm4b:s23+s3], $0x200, $0x38;
	[tilespmem:$0x1E500] =	vst v63  }
0x75: {  	s25 =	simm.s32 $0x1A800;
	s29 =	sadd.s32 $0x100, s31;
	[smem:$0x7EF] =	sst s26  }
0x76: {  	[tilespmem:s25], [sflag:$0x2] =	stream.linear.gather [hbm4b:s31+s3], $0x200, $0x38;
	[tilespmem:$0x1E500] =	vst v63  }
0x77: {  	[smem:$0x7F0] =	sst s29;
	s28 =	simm.s32 $0x1AC00  }
0x78: {  	[tilespmem:s28], [sflag:$0x2] =	stream.linear.gather [hbm4b:s26+s3], $0x200, $0x38;
	[tilespmem:$0x1E500] =	vst v63  }
0x79: {  	s30 =	simm.s32 $0x1B000;
	s2 =	sadd.s32 $0x180, s31;
	s5 =	rddreg [dreg:$0x16]  }
0x7a: {  	[tilespmem:s30], [sflag:$0x2] =	stream.linear.gather [hbm4b:s29+s3], $0x200, $0x38;
	[tilespmem:$0x1E500] =	vst v63  }
0x7b: {  	[smem:$0x7F1] =	sst s2;
	s4 =	simm.s32 $0x1B400;
	s8 =	sadd.s32 $0x80, s5  }
0x7c: {  	[tilespmem:s4], [sflag:$0x2] =	stream.linear.gather [hbm4b:s2+s3], $0x200, $0x38;
	[tilespmem:$0x1E500] =	vst v63  }
0x7d: {  	s7 =	simm.s32 $0x1AA00;
	[smem:$0x7F2] =	sst s8;
	s10 =	sadd.s32 $0x100, s5  }
0x7e: {  	[tilespmem:s7], [sflag:$0x2] =	stream.linear.gather [hbm4b:s5+s3], $0x200, $0x38;
	[tilespmem:$0x1E500] =	vst v63  }
0x7f: {  	s9 =	simm.s32 $0x1AE00;
	[smem:$0x7F3] =	sst s10  }
0x80: {  	[tilespmem:s9], [sflag:$0x2] =	stream.linear.gather [hbm4b:s8+s3], $0x200, $0x38;
	[tilespmem:$0x1E500] =	vst v63  }
0x81: {  	s11 =	simm.s32 $0x1B200;
	s12 =	sadd.s32 $0x180, s5;
	s14 =	rddreg [dreg:$0x17]  }
0x82: {  	[tilespmem:s11], [sflag:$0x2] =	stream.linear.gather [hbm4b:s10+s3], $0x200, $0x38;
	[tilespmem:$0x1E500] =	vst v63  }
0x83: {  	[smem:$0x7F4] =	sst s12;
	s13 =	simm.s32 $0x1B600;
	s16 =	sadd.s32 $0x80, s14  }
0x84: {  	[tilespmem:s13], [sflag:$0x2] =	stream.linear.gather [hbm4b:s12+s3], $0x200, $0x38;
	[tilespmem:$0x1E500] =	vst v63  }
0x85: {  	s15 =	simm.s32 $0x1B800;
	[smem:$0x7F5] =	sst s16;
	s18 =	sadd.s32 $0x100, s14  }
0x86: {  	[tilespmem:s15], [sflag:$0x2] =	stream.linear.gather [hbm4b:s14+s3], $0x200, $0x38;
	[tilespmem:$0x1E500] =	vst v63  }
0x87: {  	s17 =	simm.s32 $0x1BC00;
	[smem:$0x7F6] =	sst s18  }
0x88: {  	[tilespmem:s17], [sflag:$0x2] =	stream.linear.gather [hbm4b:s16+s3], $0x200, $0x38;
	[tilespmem:$0x1E500] =	vst v63  }
0x89: {  	s19 =	simm.s32 $0x1C000;
	s20 =	sadd.s32 $0x180, s14;
	s22 =	rddreg [dreg:$0x19]  }
0x8a: {  	[tilespmem:s19], [sflag:$0x2] =	stream.linear.gather [hbm4b:s18+s3], $0x200, $0x38;
	[tilespmem:$0x1E500] =	vst v63  }
0x8b: {  	[smem:$0x7F7] =	sst s20;
	s21 =	simm.s32 $0x1C400;
	s24 =	sadd.s32 $0x80, s22  }
0x8c: {  	[tilespmem:s21], [sflag:$0x2] =	stream.linear.gather [hbm4b:s20+s3], $0x200, $0x38;
	[tilespmem:$0x1E500] =	vst v63  }
0x8d: {  	s23 =	simm.s32 $0x1BA00;
	[smem:$0x7F8] =	sst s24;
	s31 =	simm.s32 $0x0  }
0x8e: {  	[tilespmem:s23], [sflag:$0x2] =	stream.linear.gather [hbm4b:s22+s3], $0x200, $0x38;
	[tilespmem:$0x1E500] =	vst v63  }
0x8f: {  	s25 =	simm.s32 $0x1BE00;
	[smem:$0x7FB] =	sst s31;
	s26 =	sadd.s32 $0x100, s22  }
0x90: {  	[tilespmem:s25], [sflag:$0x2] =	stream.linear.gather [hbm4b:s24+s3], $0x200, $0x38;
	[tilespmem:$0x1E500] =	vst v63  }
0x91: {  	s28 =	simm.s32 $0x1C200;
	[smem:$0x7F9] =	sst s26;
	s29 =	sadd.s32 $0x180, s22  }
0x92: {  	[tilespmem:s28], [sflag:$0x2] =	stream.linear.gather [hbm4b:s26+s3], $0x200, $0x38;
	[tilespmem:$0x1E500] =	vst v63  }
0x93: {  	s30 =	simm.s32 $0x1C600;
	[smem:$0x7FA] =	sst s29  }
0x94: {  	[tilespmem:s30], [sflag:$0x2] =	stream.linear.gather [hbm4b:s29+s3], $0x200, $0x38;
	[tilespmem:$0x1E500] =	vst v63  }
.LBB2_4:
0x95: {  	s0 =	simm.s32 $0x1  }
0x96: {  	_ =	swait.ge [sflag:s0], $0x800  }
0x97: {  	[sflag:s0] =	ssyncset.done $0x0  }
0x98: {  	[sflag:s0] =	ssyncadd.s32 $0xFFFFF800  }
0x99: {  	_ =	swait.ge [sflag:s0], $0x800  }
0x9a: {  	[sflag:s0] =	ssyncset.done $0x0  }
0x9b: {  	[sflag:s0] =	ssyncadd.s32 $0xFFFFF800  }
0x9c: {  	_ =	swait.ge [sflag:s0], $0x800  }
0x9d: {  	[sflag:s0] =	ssyncset.done $0x0  }
0x9e: {  	[sflag:s0] =	ssyncadd.s32 $0xFFFFF800  }
0x9f: {  	_ =	swait.ge [sflag:s0], $0x800  }
0xa0: {  	[sflag:s0] =	ssyncset.done $0x0  }
0xa1: {  	s16 =	simm.s32 $0x0;
	[sflag:s0] =	ssyncadd.s32 $0xFFFFF800  }
0xa2: {  	s1 =	sand.u32 $0x40, s16;
	_ =	swait.ge [sflag:s0], $0x800  }
0xa3: {  	s7 =	sand.u32 $0xC00, s16;
	s4 =	sor.u32 $0x30, s1;
	[sflag:s0] =	ssyncset.done $0x0  }
0xa4: {  	s19 =	sor.u32 s7, s4;
	[sflag:s0] =	ssyncadd.s32 $0xFFFFF800  }
0xa5: {  	v8 =	vld [tilespmem:s19+$0x16800];
	_ =	sdelay $0x2  }
0xa6: {  	s3 =	sor.u32 $0x10, s1  }
0xa7: {  	s8 =	sor.u32 s7, s3  }
0xa8: {  	v11 =	vld [tilespmem:s8+$0x16800];
	v8 =	vshll.u32 v8, $0x4  }
0xa9: {  	p0 =	por $0x0, $0x0;
	s5 =	sor.u32 $0x20, s1;
	s0 =	simm.s32 $0x1;
	v9 =	vld [tilespmem:s19+$0x18800];
	v10 =	vor.u32 v1, v8  }
0xaa: {  	s9 =	sor.u32 s7, s5;
	s0 =	simm.s32 @!p0 $0x0  }
0xab: {  	s13 =	sor.u32 s1, s7;
	v12 =	vld [tilespmem:s9+$0x16800];
	s0 =	sshll.u32 s0, $0x6  }
0xac: {  	v13 =	vld [tilespmem:s13+$0x16800];
	s12 =	sadd.s32 $0x0, s0  }
0xad: {  	v14 =	vld [tilespmem:s8+$0x18800];
	s20 =	sadd.s32 $0x30, s12;
	v11 =	vshll.u32 v11, $0x4  }
0xae: {  	s17 =	sor.u32 $0x200, s20;
	v15 =	vor.u32 v1, v11;
	[tilespmem:v10+s6+$0x0] =	vst.idx.add.f32.msk $0xffff, v9  }
0xaf: {  	v10 =	vadd.s32 v2, v8;
	v9 =	vld [tilespmem:s17+$0x18800]  }
0xb0: {  	v12 =	vshll.u32 v12, $0x4  }
0xb1: {  	v16 =	vld [tilespmem:s9+$0x18800];
	v13 =	vshll.u32 v13, $0x4;
	v17 =	vor.u32 v1, v12  }
0xb2: {  	v18 =	vld [tilespmem:s13+$0x18800];
	v19 =	vor.u32 v1, v13  }
0xb3: {  	s18 =	sadd.s32 $0x19800, s7;
	[tilespmem:v15+s6+$0x0] =	vst.idx.add.f32.msk $0xffff, v14  }
0xb4: {  	s2 =	sor.u32 s4, s18;
	[tilespmem:v10+s6+$0x0] =	vst.idx.add.f32.msk $0xffff, v9  }
0xb5: {  	v10 =	vadd.s32 v3, v8;
	v9 =	vld [tilespmem:s2+$0x0]  }
0xb6: {  	s10 =	sadd.s32 $0x10, s12;
	[tilespmem:v17+s6+$0x0] =	vst.idx.add.f32.msk $0xffff, v16  }
0xb7: {  	s11 =	sadd.s32 $0x20, s12;
	s21 =	sor.u32 $0x200, s10;
	[tilespmem:v19+s6+$0x0] =	vst.idx.add.f32.msk $0xffff, v18  }
0xb8: {  	s15 =	sor.u32 $0x200, s11;
	v15 =	vld [tilespmem:s21+$0x18800]  }
0xb9: {  	s22 =	sadd.s32 $0x19A00, s7;
	v14 =	vadd.s32 v2, v11;
	v16 =	vld [tilespmem:s15+$0x18800]  }
0xba: {  	s14 =	sor.u32 s4, s22;
	v18 =	vadd.s32 v2, v12;
	[tilespmem:v10+s6+$0x0] =	vst.idx.add.f32.msk $0xffff, v9  }
0xbb: {  	v10 =	vadd.s32 v4, v8;
	v9 =	vld [tilespmem:s14+$0x0]  }
0xbc: {  	s23 =	sor.u32 $0x200, s12;
	v8 =	vadd.s32 v5, v8  }
0xbd: {  	v17 =	vld [tilespmem:s23+$0x18800]  }
0xbe: {  	[tilespmem:v14+s6+$0x0] =	vst.idx.add.f32.msk $0xffff, v15  }
0xbf: {  	v14 =	vadd.s32 v2, v13;
	[tilespmem:v18+s6+$0x0] =	vst.idx.add.f32.msk $0xffff, v16  }
0xc0: {  	[tilespmem:v10+s6+$0x0] =	vst.idx.add.f32.msk $0xffff, v9  }
0xc1: {  	[tilespmem:v8+s6+$0x0] =	vst.idx.add.f32.msk $0xffff, v6  }
0xc2: {  	s24 =	sor.u32 s3, s18;
	v8 =	vld [tilespmem:s19+$0x16880]  }
0xc3: {  	v15 =	vld [tilespmem:s24+$0x0]  }
0xc4: {  	s25 =	sor.u32 s5, s18;
	[tilespmem:v14+s6+$0x0] =	vst.idx.add.f32.msk $0xffff, v17;
	v9 =	vadd.s32 v3, v11  }
0xc5: {  	v14 =	vld [tilespmem:s25+$0x0];
	v10 =	vadd.s32 v3, v12  }
0xc6: {  	s0 =	sor.u32 s1, s18  }
0xc7: {  	v16 =	vadd.s32 v3, v13;
	v17 =	vld [tilespmem:s0+$0x0];
	v8 =	vshll.u32 v8, $0x4  }
0xc8: {  	v18 =	vld [tilespmem:s19+$0x18880];
	v19 =	vor.u32 v1, v8  }
0xc9: {  	[tilespmem:v9+s6+$0x0] =	vst.idx.add.f32.msk $0xffff, v15  }
0xca: {  	s26 =	sor.u32 s3, s22;
	[tilespmem:v10+s6+$0x0] =	vst.idx.add.f32.msk $0xffff, v14  }
0xcb: {  	v9 =	vadd.s32 v4, v11;
	v10 =	vld [tilespmem:s26+$0x0]  }
0xcc: {  	[tilespmem:v16+s6+$0x0] =	vst.idx.add.f32.msk $0xffff, v17;
	v11 =	vadd.s32 v5, v11  }
0xcd: {  	s28 =	sor.u32 $0x280, s20;
	[tilespmem:v19+s6+$0x0] =	vst.idx.add.f32.msk $0xffff, v18  }
0xce: {  	s29 =	sor.u32 s5, s22;
	v15 =	vadd.s32 v2, v8;
	v14 =	vld [tilespmem:s28+$0x18800]  }
0xcf: {  	v16 =	vld [tilespmem:s29+$0x0]  }
0xd0: {  	v17 =	vadd.s32 v4, v12;
	[tilespmem:v9+s6+$0x0] =	vst.idx.add.f32.msk $0xffff, v10  }
0xd1: {  	s30 =	sor.u32 s1, s22;
	v12 =	vadd.s32 v5, v12;
	[tilespmem:v11+s6+$0x0] =	vst.idx.add.f32.msk $0xffff, v6  }
0xd2: {  	s31 =	sadd.s32 $0x19880, s7;
	v9 =	vadd.s32 v4, v13;
	v18 =	vld [tilespmem:s30+$0x0]  }
0xd3: {  	s2 =	sor.u32 s4, s31;
	v10 =	vadd.s32 v5, v13;
	[tilespmem:v15+s6+$0x0] =	vst.idx.add.f32.msk $0xffff, v14  }
0xd4: {  	v13 =	vadd.s32 v3, v8;
	v11 =	vld [tilespmem:s2+$0x0]  }
0xd5: {  	[tilespmem:v17+s6+$0x0] =	vst.idx.add.f32.msk $0xffff, v16  }
0xd6: {  	[tilespmem:v12+s6+$0x0] =	vst.idx.add.f32.msk $0xffff, v6  }
0xd7: {  	[tilespmem:v9+s6+$0x0] =	vst.idx.add.f32.msk $0xffff, v18  }
0xd8: {  	[tilespmem:v10+s6+$0x0] =	vst.idx.add.f32.msk $0xffff, v6  }
0xd9: {  	s0 =	sadd.s32 $0x19A80, s7;
	[tilespmem:v13+s6+$0x0] =	vst.idx.add.f32.msk $0xffff, v11  }
0xda: {  	s15 =	sor.u32 s4, s0;
	v13 =	vld [tilespmem:s13+$0x16880]  }
0xdb: {  	v10 =	vadd.s32 v4, v8;
	v9 =	vld [tilespmem:s15+$0x0]  }
0xdc: {  	v8 =	vadd.s32 v5, v8;
	v11 =	vld [tilespmem:s8+$0x16880]  }
0xdd: {  	v12 =	vld [tilespmem:s9+$0x16880]  }
0xde: {  	v14 =	vld [tilespmem:s8+$0x18880]  }
0xdf: {  	v16 =	vld [tilespmem:s13+$0x18880]  }
0xe0: {  	v13 =	vshll.u32 v13, $0x4;
	[tilespmem:v10+s6+$0x0] =	vst.idx.add.f32.msk $0xffff, v9  }
0xe1: {  	v9 =	vshll.u32 v11, $0x4;
	v17 =	vor.u32 v1, v13;
	[tilespmem:v8+s6+$0x0] =	vst.idx.add.f32.msk $0xffff, v6  }
0xe2: {  	v8 =	vor.u32 v1, v9;
	v10 =	vld [tilespmem:s19+$0x16900]  }
0xe3: {  	v11 =	vshll.u32 v12, $0x4  }
0xe4: {  	v12 =	vld [tilespmem:s9+$0x18880];
	v15 =	vor.u32 v1, v11;
	_ =	sdelay $0x1  }
0xe5: {  	[tilespmem:v17+s6+$0x0] =	vst.idx.add.f32.msk $0xffff, v16  }
0xe6: {  	[tilespmem:v8+s6+$0x0] =	vst.idx.add.f32.msk $0xffff, v14;
	v8 =	vshll.u32 v10, $0x4  }
0xe7: {  	v10 =	vld [tilespmem:s19+$0x18900];
	v14 =	vor.u32 v1, v8  }
0xe8: {  	s17 =	sor.u32 $0x280, s10;
	[tilespmem:v15+s6+$0x0] =	vst.idx.add.f32.msk $0xffff, v12  }
0xe9: {  	s18 =	sor.u32 $0x280, s11;
	v12 =	vadd.s32 v2, v9;
	v15 =	vld [tilespmem:s17+$0x18800]  }
0xea: {  	s22 =	sor.u32 $0x280, s12;
	v16 =	vadd.s32 v2, v11;
	v17 =	vld [tilespmem:s18+$0x18800]  }
0xeb: {  	v18 =	vld [tilespmem:s22+$0x18800]  }
0xec: {  	s21 =	sor.u32 $0x300, s20;
	[tilespmem:v14+s6+$0x0] =	vst.idx.add.f32.msk $0xffff, v10  }
0xed: {  	v14 =	vadd.s32 v2, v8;
	v10 =	vld [tilespmem:s21+$0x18800]  }
0xee: {  	[tilespmem:v12+s6+$0x0] =	vst.idx.add.f32.msk $0xffff, v15  }
0xef: {  	s23 =	sor.u32 s3, s31;
	v19 =	vadd.s32 v2, v13;
	[tilespmem:v16+s6+$0x0] =	vst.idx.add.f32.msk $0xffff, v17  }
0xf0: {  	s26 =	sor.u32 s5, s31;
	v12 =	vld [tilespmem:s23+$0x0]  }
0xf1: {  	s24 =	sadd.s32 $0x19900, s7;
	v15 =	vadd.s32 v3, v9;
	v16 =	vld [tilespmem:s26+$0x0]  }
0xf2: {  	s25 =	sor.u32 s4, s24;
	v17 =	vadd.s32 v3, v11;
	[tilespmem:v14+s6+$0x0] =	vst.idx.add.f32.msk $0xffff, v10  }
0xf3: {  	v14 =	vadd.s32 v3, v8;
	v10 =	vld [tilespmem:s25+$0x0]  }
0xf4: {  	s14 =	sor.u32 s1, s31;
	[tilespmem:v19+s6+$0x0] =	vst.idx.add.f32.msk $0xffff, v18  }
0xf5: {  	v18 =	vld [tilespmem:s14+$0x0]  }
0xf6: {  	[tilespmem:v15+s6+$0x0] =	vst.idx.add.f32.msk $0xffff, v12  }
0xf7: {  	s29 =	sadd.s32 $0x19B00, s7;
	v12 =	vadd.s32 v3, v13;
	[tilespmem:v17+s6+$0x0] =	vst.idx.add.f32.msk $0xffff, v16  }
0xf8: {  	s30 =	sor.u32 s4, s29;
	[tilespmem:v14+s6+$0x0] =	vst.idx.add.f32.msk $0xffff, v10  }
0xf9: {  	s28 =	sor.u32 s3, s0;
	v14 =	vadd.s32 v4, v8;
	v10 =	vld [tilespmem:s30+$0x0]  }
0xfa: {  	s31 =	sor.u32 s5, s0;
	v15 =	vld [tilespmem:s28+$0x0];
	v8 =	vadd.s32 v5, v8  }
0xfb: {  	v16 =	vld [tilespmem:s31+$0x0]  }
0xfc: {  	s0 =	sor.u32 s1, s0;
	v17 =	vadd.s32 v4, v9;
	[tilespmem:v12+s6+$0x0] =	vst.idx.add.f32.msk $0xffff, v18  }
0xfd: {  	v9 =	vadd.s32 v5, v9;
	v12 =	vld [tilespmem:s0+$0x0]  }
0xfe: {  	[tilespmem:v14+s6+$0x0] =	vst.idx.add.f32.msk $0xffff, v10  }
0xff: {  	v10 =	vadd.s32 v4, v11;
	[tilespmem:v8+s6+$0x0] =	vst.idx.add.f32.msk $0xffff, v6  }
0x100: {  	v8 =	vadd.s32 v5, v11;
	v11 =	vld [tilespmem:s19+$0x16980]  }
0x101: {  	[tilespmem:v17+s6+$0x0] =	vst.idx.add.f32.msk $0xffff, v15  }
0x102: {  	[tilespmem:v9+s6+$0x0] =	vst.idx.add.f32.msk $0xffff, v6  }
0x103: {  	v18 =	vadd.s32 v4, v13;
	v14 =	vld [tilespmem:s19+$0x18980]  }
0x104: {  	v13 =	vadd.s32 v5, v13;
	[tilespmem:v10+s6+$0x0] =	vst.idx.add.f32.msk $0xffff, v16  }
0x105: {  	[tilespmem:v8+s6+$0x0] =	vst.idx.add.f32.msk $0xffff, v6;
	v8 =	vshll.u32 v11, $0x4  }
0x106: {  	v10 =	vld [tilespmem:s8+$0x16900];
	v9 =	vor.u32 v1, v8  }
0x107: {  	v11 =	vld [tilespmem:s9+$0x16900]  }
0x108: {  	[tilespmem:v18+s6+$0x0] =	vst.idx.add.f32.msk $0xffff, v12  }
0x109: {  	[tilespmem:v13+s6+$0x0] =	vst.idx.add.f32.msk $0xffff, v6  }
0x10a: {  	v12 =	vld [tilespmem:s13+$0x16900]  }
0x10b: {  	v10 =	vshll.u32 v10, $0x4;
	[tilespmem:v9+s6+$0x0] =	vst.idx.add.f32.msk $0xffff, v14  }
0x10c: {  	v15 =	vor.u32 v1, v10;
	v11 =	vshll.u32 v11, $0x4;
	v14 =	vld [tilespmem:s8+$0x18900]  }
0x10d: {  	s15 =	sor.u32 $0x380, s20;
	v16 =	vld [tilespmem:s9+$0x18900];
	v18 =	vor.u32 v1, v11  }
0x10e: {  	v13 =	vadd.s32 v2, v8;
	v9 =	vld [tilespmem:s15+$0x18800];
	_ =	sdelay $0x1  }
0x10f: {  	v17 =	vld [tilespmem:s13+$0x18900]  }
0x110: {  	[tilespmem:v15+s6+$0x0] =	vst.idx.add.f32.msk $0xffff, v14  }
0x111: {  	v12 =	vshll.u32 v12, $0x4;
	[tilespmem:v18+s6+$0x0] =	vst.idx.add.f32.msk $0xffff, v16  }
0x112: {  	s19 =	sor.u32 $0x300, s10;
	[tilespmem:v13+s6+$0x0] =	vst.idx.add.f32.msk $0xffff, v9;
	v9 =	vor.u32 v1, v12  }
0x113: {  	s20 =	sor.u32 $0x300, s11;
	v14 =	vadd.s32 v2, v10;
	v15 =	vld [tilespmem:s19+$0x18800]  }
0x114: {  	v18 =	vadd.s32 v2, v11;
	v16 =	vld [tilespmem:s20+$0x18800];
	_ =	sdelay $0x2  }
0x115: {  	[tilespmem:v9+s6+$0x0] =	vst.idx.add.f32.msk $0xffff, v17  }
0x116: {  	[tilespmem:v14+s6+$0x0] =	vst.idx.add.f32.msk $0xffff, v15  }
0x117: {  	s12 =	sor.u32 $0x300, s12;
	[tilespmem:v18+s6+$0x0] =	vst.idx.add.f32.msk $0xffff, v16  }
0x118: {  	s21 =	sor.u32 s3, s24;
	v9 =	vadd.s32 v2, v12;
	v17 =	vld [tilespmem:s12+$0x18800]  }
0x119: {  	s22 =	sor.u32 s5, s24;
	v14 =	vadd.s32 v3, v10;
	v15 =	vld [tilespmem:s21+$0x0]  }
0x11a: {  	v18 =	vadd.s32 v3, v11;
	v16 =	vld [tilespmem:s22+$0x0];
	_ =	sdelay $0x2  }
0x11b: {  	[tilespmem:v9+s6+$0x0] =	vst.idx.add.f32.msk $0xffff, v17  }
0x11c: {  	[tilespmem:v14+s6+$0x0] =	vst.idx.add.f32.msk $0xffff, v15  }
0x11d: {  	s2 =	sor.u32 s1, s24;
	[tilespmem:v18+s6+$0x0] =	vst.idx.add.f32.msk $0xffff, v16  }
0x11e: {  	s23 =	sor.u32 s3, s29;
	v9 =	vadd.s32 v3, v12;
	v17 =	vld [tilespmem:s2+$0x0]  }
0x11f: {  	s24 =	sor.u32 s5, s29;
	v14 =	vadd.s32 v4, v10;
	v15 =	vld [tilespmem:s23+$0x0]  }
0x120: {  	s17 =	sadd.s32 $0x19980, s7;
	v18 =	vadd.s32 v4, v11;
	v16 =	vld [tilespmem:s24+$0x0]  }
0x121: {  	s18 =	sor.u32 s4, s17  }
0x122: {  	v13 =	vld [tilespmem:s18+$0x0];
	v10 =	vadd.s32 v5, v10  }
0x123: {  	[tilespmem:v9+s6+$0x0] =	vst.idx.add.f32.msk $0xffff, v17  }
0x124: {  	v9 =	vadd.s32 v5, v11;
	[tilespmem:v14+s6+$0x0] =	vst.idx.add.f32.msk $0xffff, v15  }
0x125: {  	s25 =	sor.u32 s1, s29;
	[tilespmem:v18+s6+$0x0] =	vst.idx.add.f32.msk $0xffff, v16;
	v14 =	vadd.s32 v3, v8  }
0x126: {  	v17 =	vadd.s32 v4, v12;
	v11 =	vld [tilespmem:s25+$0x0]  }
0x127: {  	[tilespmem:v10+s6+$0x0] =	vst.idx.add.f32.msk $0xffff, v6  }
0x128: {  	v12 =	vadd.s32 v5, v12;
	v10 =	vld [tilespmem:s8+$0x16980]  }
0x129: {  	[tilespmem:v9+s6+$0x0] =	vst.idx.add.f32.msk $0xffff, v6  }
0x12a: {  	[tilespmem:v14+s6+$0x0] =	vst.idx.add.f32.msk $0xffff, v13  }
0x12b: {  	[tilespmem:v17+s6+$0x0] =	vst.idx.add.f32.msk $0xffff, v11  }
0x12c: {  	s26 =	sor.u32 s7, s16;
	v9 =	vld [tilespmem:s9+$0x16980]  }
0x12d: {  	s7 =	sadd.s32 $0x19B80, s7;
	s2 =	sor.u32 $0x180, s26;
	[tilespmem:v12+s6+$0x0] =	vst.idx.add.f32.msk $0xffff, v6  }
0x12e: {  	s4 =	sor.u32 s4, s7;
	v11 =	vld [tilespmem:s2+$0x16800]  }
0x12f: {  	v13 =	vadd.s32 v4, v8;
	v12 =	vld [tilespmem:s4+$0x0];
	v10 =	vshll.u32 v10, $0x4  }
0x130: {  	v14 =	vld [tilespmem:s8+$0x18980];
	v15 =	vor.u32 v1, v10  }
0x131: {  	v19 =	vshll.u32 v9, $0x4  }
0x132: {  	v9 =	vld [tilespmem:s9+$0x18980];
	v16 =	vor.u32 v1, v19  }
0x133: {  	v17 =	vld [tilespmem:s2+$0x18800];
	v11 =	vshll.u32 v11, $0x4  }
0x134: {  	[tilespmem:v13+s6+$0x0] =	vst.idx.add.f32.msk $0xffff, v12;
	v18 =	vor.u32 v1, v11  }
0x135: {  	s28 =	sor.u32 $0x380, s10;
	[tilespmem:v15+s6+$0x0] =	vst.idx.add.f32.msk $0xffff, v14  }
0x136: {  	v8 =	vadd.s32 v5, v8;
	v12 =	vld [tilespmem:s28+$0x18800]  }
0x137: {  	s30 =	sor.u32 $0x380, s11;
	v13 =	vadd.s32 v2, v10;
	[tilespmem:v16+s6+$0x0] =	vst.idx.add.f32.msk $0xffff, v9  }
0x138: {  	s29 =	sor.u32 s16, s16;
	v15 =	vld [tilespmem:s30+$0x18800]  }
0x139: {  	s2 =	sor.u32 $0x380, s29;
	v9 =	vadd.s32 v2, v19;
	[tilespmem:v18+s6+$0x0] =	vst.idx.add.f32.msk $0xffff, v17  }
0x13a: {  	v20 =	vadd.s32 v2, v11;
	v21 =	vld [tilespmem:s2+$0x18800]  }
0x13b: {  	[tilespmem:v8+s6+$0x0] =	vst.idx.add.f32.msk $0xffff, v6  }
0x13c: {  	s31 =	sor.u32 s3, s17;
	v14 =	vadd.s32 v4, v10;
	v8 =	vadd.s32 v4, v11;
	[tilespmem:v13+s6+$0x0] =	vst.idx.add.f32.msk $0xffff, v12  }
0x13d: {  	s11 =	simm.s32 $0x0;
	s13 =	sor.u32 s1, s7;
	v16 =	vadd.s32 v3, v11;
	v17 =	vadd.s32 v3, v10;
	v12 =	vadd.s32 v5, v10;
	v18 =	vld [tilespmem:s31+$0x0]  }
0x13e: {  	s10 =	sor.u32 s1, s17;
	s15 =	sor.u32 s5, s17;
	s12 =	simm.s32 $0x40;
	v13 =	vadd.s32 v3, v19;
	v10 =	vadd.s32 v4, v19;
	[tilespmem:v9+s6+$0x0] =	vst.idx.add.f32.msk $0xffff, v15  }
0x13f: {  	s26 =	simm.s32 $0x0;
	s8 =	sor.u32 s5, s7;
	s9 =	sor.u32 s3, s7;
	v9 =	vadd.s32 v5, v11;
	v11 =	vadd.s32 v5, v19;
	[tilespmem:v20+s6+$0x0] =	vst.idx.add.f32.msk $0xffff, v21  }
.LBB2_5:
0x140: {  	s21 =	sand.u32 $0x40, s12;
	s26 =	sadd.s32 $0x200, s26  }
0x141: {  	v19 =	vld [tilespmem:s15+$0x0];
	s5 =	sand.u32 $0xC00, s26;
	s22 =	sor.u32 $0x30, s21  }
0x142: {  	s1 =	sor.u32 s5, s22;
	[tilespmem:v17+s6+$0x0] =	vst.idx.add.f32.msk $0xffff, v18  }
0x143: {  	s28 =	sor.u32 $0x20, s21;
	v17 =	vld [tilespmem:s1+$0x16800]  }
0x144: {  	v15 =	vld [tilespmem:s10+$0x0];
	s29 =	sor.u32 s5, s28  }
0x145: {  	s3 =	sor.u32 s21, s5;
	v20 =	vld [tilespmem:s29+$0x16800]  }
0x146: {  	v21 =	vld [tilespmem:s3+$0x16800]  }
0x147: {  	p0 =	por !p0, !p0;
	s2 =	sor.u32 s26, s12;
	s0 =	sor.u32 s5, s12;
	v23 =	vld [tilespmem:s29+$0x18800]  }
0x148: {  	s23 =	sor.u32 $0x10, s21;
	s30 =	sor.u32 $0x180, s0;
	s0 =	sor.u32 $0x380, s2;
	v25 =	vld [tilespmem:s1+$0x18800];
	v24 =	vshll.u32 v17, $0x4  }
0x149: {  	s19 =	sor.u32 s5, s23;
	v27 =	vld [tilespmem:s3+$0x18800];
	[dreg:$0x7] =	wrdreg s0;
	s0 =	simm.s32 $0x1;
	v26 =	vor.u32 v1, v24  }
0x14a: {  	v18 =	vld [tilespmem:s19+$0x16800];
	s0 =	simm.s32 @!p0 $0x0  }
0x14b: {  	v22 =	vld [tilespmem:s19+$0x18800];
	s0 =	sshll.u32 s0, $0x6;
	v20 =	vshll.u32 v20, $0x4  }
0x14c: {  	[tilespmem:v13+s6+$0x0] =	vst.idx.add.f32.msk $0xffff, v19;
	s0 =	sadd.s32 s0, s26;
	v21 =	vshll.u32 v21, $0x4;
	v30 =	vor.u32 v1, v20  }
0x14d: {  	v13 =	vld [tilespmem:s8+$0x0];
	s10 =	sadd.s32 $0x30, s0;
	v19 =	vor.u32 v1, v21  }
0x14e: {  	s7 =	sor.u32 $0x200, s10;
	[tilespmem:v26+s6+$0x0] =	vst.idx.add.f32.msk $0xffff, v25  }
0x14f: {  	v38 =	vadd.s32 v2, v24;
	v26 =	vld [tilespmem:s7+$0x18800]  }
0x150: {  	v17 =	vld [tilespmem:s9+$0x0]  }
0x151: {  	s14 =	sadd.s32 $0x20, s0;
	v18 =	vshll.u32 v18, $0x4;
	[tilespmem:v30+s6+$0x0] =	vst.idx.add.f32.msk $0xffff, v23  }
0x152: {  	s2 =	sadd.s32 $0x10, s0;
	s31 =	sor.u32 $0x200, s0;
	s18 =	sor.u32 $0x200, s14;
	v28 =	vor.u32 v1, v18;
	[tilespmem:v19+s6+$0x0] =	vst.idx.add.f32.msk $0xffff, v27  }
0x153: {  	s15 =	sor.u32 $0x280, s0;
	v39 =	vld [tilespmem:s18+$0x18800];
	s7 =	sor.u32 $0x300, s0;
	s0 =	sadd.s32 $0x19800, s5  }
0x154: {  	v31 =	vadd.s32 v2, v20;
	s4 =	sor.u32 s22, s0;
	[tilespmem:v38+s6+$0x0] =	vst.idx.add.f32.msk $0xffff, v26  }
0x155: {  	v38 =	vadd.s32 v3, v24;
	v30 =	vld [tilespmem:s4+$0x0]  }
0x156: {  	v27 =	vld [tilespmem:s31+$0x18800]  }
0x157: {  	v32 =	vadd.s32 v2, v21;
	s17 =	sor.u32 $0x200, s2;
	[tilespmem:v28+s6+$0x0] =	vst.idx.add.f32.msk $0xffff, v22  }
0x158: {  	v19 =	vld [tilespmem:s17+$0x18800]  }
0x159: {  	s24 =	sor.u32 $0x280, s2;
	s17 =	sadd.s32 $0x19A00, s5;
	[tilespmem:v31+s6+$0x0] =	vst.idx.add.f32.msk $0xffff, v39  }
0x15a: {  	s16 =	sor.u32 $0x280, s14;
	s8 =	sor.u32 $0x300, s2;
	v29 =	vadd.s32 v2, v18;
	s4 =	sor.u32 s22, s17;
	[tilespmem:v38+s6+$0x0] =	vst.idx.add.f32.msk $0xffff, v30  }
0x15b: {  	s9 =	sor.u32 $0x300, s14;
	s25 =	sor.u32 $0x380, s2;
	s20 =	sor.u32 $0x380, s14;
	v40 =	vadd.s32 v4, v24;
	v22 =	vld [tilespmem:s4+$0x0]  }
0x15c: {  	s2 =	sor.u32 s21, s0;
	s14 =	sor.u32 s23, s0;
	s0 =	sor.u32 s28, s0;
	[tilespmem:v32+s6+$0x0] =	vst.idx.add.f32.msk $0xffff, v27;
	v24 =	vadd.s32 v5, v24  }
0x15d: {  	v26 =	vld [tilespmem:s0+$0x0]  }
0x15e: {  	v27 =	vld [tilespmem:s2+$0x0]  }
0x15f: {  	v36 =	vadd.s32 v3, v20;
	[tilespmem:v29+s6+$0x0] =	vst.idx.add.f32.msk $0xffff, v19  }
0x160: {  	v34 =	vadd.s32 v3, v21;
	[tilespmem:v40+s6+$0x0] =	vst.idx.add.f32.msk $0xffff, v22  }
0x161: {  	[tilespmem:v24+s6+$0x0] =	vst.idx.add.f32.msk $0xffff, v6  }
0x162: {  	v22 =	vld [tilespmem:s1+$0x16880]  }
0x163: {  	v19 =	vld [tilespmem:s14+$0x0]  }
0x164: {  	[tilespmem:v36+s6+$0x0] =	vst.idx.add.f32.msk $0xffff, v26  }
0x165: {  	v33 =	vadd.s32 v3, v18;
	s18 =	sor.u32 s23, s17;
	s14 =	sor.u32 s21, s17;
	s17 =	sor.u32 s28, s17;
	[tilespmem:v34+s6+$0x0] =	vst.idx.add.f32.msk $0xffff, v27  }
0x166: {  	v41 =	vld [tilespmem:s17+$0x0]  }
0x167: {  	v37 =	vadd.s32 v4, v20;
	v27 =	vld [tilespmem:s14+$0x0];
	v22 =	vshll.u32 v22, $0x4  }
0x168: {  	v24 =	vld [tilespmem:s1+$0x18880];
	v42 =	vor.u32 v1, v22  }
0x169: {  	[tilespmem:v16+s6+$0x0] =	vst.idx.add.f32.msk $0xffff, v15  }
0x16a: {  	v20 =	vadd.s32 v5, v20;
	[tilespmem:v33+s6+$0x0] =	vst.idx.add.f32.msk $0xffff, v19  }
0x16b: {  	v35 =	vadd.s32 v4, v18;
	v19 =	vld [tilespmem:s18+$0x0]  }
0x16c: {  	[tilespmem:v37+s6+$0x0] =	vst.idx.add.f32.msk $0xffff, v41  }
0x16d: {  	v18 =	vadd.s32 v5, v18;
	s18 =	sor.u32 $0x280, s10;
	[tilespmem:v42+s6+$0x0] =	vst.idx.add.f32.msk $0xffff, v24  }
0x16e: {  	v16 =	vadd.s32 v2, v22;
	v15 =	vld [tilespmem:s18+$0x18800]  }
0x16f: {  	[tilespmem:v20+s6+$0x0] =	vst.idx.add.f32.msk $0xffff, v6  }
0x170: {  	[tilespmem:v35+s6+$0x0] =	vst.idx.add.f32.msk $0xffff, v19  }
0x171: {  	v63 =	vadd.s32 v4, v21;
	v19 =	vld [tilespmem:s29+$0x16880]  }
0x172: {  	v21 =	vadd.s32 v5, v21;
	s31 =	sadd.s32 $0x19880, s5;
	[tilespmem:v18+s6+$0x0] =	vst.idx.add.f32.msk $0xffff, v6  }
0x173: {  	s4 =	sor.u32 s22, s31;
	[tilespmem:v16+s6+$0x0] =	vst.idx.add.f32.msk $0xffff, v15  }
0x174: {  	v16 =	vadd.s32 v3, v22;
	v15 =	vld [tilespmem:s4+$0x0]  }
0x175: {  	v18 =	vld [tilespmem:s19+$0x16880]  }
0x176: {  	[tilespmem:v63+s6+$0x0] =	vst.idx.add.f32.msk $0xffff, v27  }
0x177: {  	s0 =	sor.u32 s21, s31;
	[tilespmem:v21+s6+$0x0] =	vst.idx.add.f32.msk $0xffff, v6;
	v19 =	vshll.u32 v19, $0x4  }
0x178: {  	s2 =	sor.u32 s23, s31;
	v46 =	vld [tilespmem:s29+$0x18880];
	v49 =	vor.u32 v1, v19;
	s18 =	sor.u32 s28, s31;
	s31 =	sadd.s32 $0x19A80, s5  }
0x179: {  	s4 =	sor.u32 s22, s31;
	[tilespmem:v16+s6+$0x0] =	vst.idx.add.f32.msk $0xffff, v15  }
0x17a: {  	v44 =	vadd.s32 v4, v22;
	v16 =	vshll.u32 v18, $0x4;
	v18 =	vld [tilespmem:s4+$0x0]  }
0x17b: {  	v20 =	vld [tilespmem:s3+$0x16880];
	v22 =	vadd.s32 v5, v22  }
0x17c: {  	v47 =	vld [tilespmem:s3+$0x18880]  }
0x17d: {  	[tilespmem:v49+s6+$0x0] =	vst.idx.add.f32.msk $0xffff, v46  }
0x17e: {  	v52 =	vadd.s32 v2, v19;
	v58 =	vld [tilespmem:s16+$0x18800]  }
0x17f: {  	[tilespmem:v44+s6+$0x0] =	vst.idx.add.f32.msk $0xffff, v18  }
0x180: {  	v20 =	vshll.u32 v20, $0x4;
	[tilespmem:v22+s6+$0x0] =	vst.idx.add.f32.msk $0xffff, v6  }
0x181: {  	v50 =	vor.u32 v1, v20;
	v23 =	vld [tilespmem:s1+$0x16900]  }
0x182: {  	v43 =	vld [tilespmem:s19+$0x18880]  }
0x183: {  	[tilespmem:v52+s6+$0x0] =	vst.idx.add.f32.msk $0xffff, v58  }
0x184: {  	v24 =	vld [tilespmem:s18+$0x0];
	v45 =	vor.u32 v1, v16  }
0x185: {  	v15 =	vld [tilespmem:s13+$0x0]  }
0x186: {  	[tilespmem:v50+s6+$0x0] =	vst.idx.add.f32.msk $0xffff, v47;
	v23 =	vshll.u32 v23, $0x4  }
0x187: {  	v59 =	vld [tilespmem:s1+$0x18900];
	v60 =	vor.u32 v1, v23  }
0x188: {  	v61 =	vld [tilespmem:s15+$0x18800]  }
0x189: {  	v55 =	vadd.s32 v3, v19;
	[tilespmem:v45+s6+$0x0] =	vst.idx.add.f32.msk $0xffff, v43  }
0x18a: {  	v21 =	vld [tilespmem:s24+$0x18800]  }
0x18b: {  	v51 =	vadd.s32 v2, v20;
	[tilespmem:v14+s6+$0x0] =	vst.idx.add.f32.msk $0xffff, v17  }
0x18c: {  	s16 =	sor.u32 $0x300, s10;
	[tilespmem:v60+s6+$0x0] =	vst.idx.add.f32.msk $0xffff, v59  }
0x18d: {  	v17 =	vadd.s32 v2, v23;
	v14 =	vld [tilespmem:s16+$0x18800]  }
0x18e: {  	s14 =	sor.u32 s21, s31;
	s17 =	sor.u32 s23, s31;
	s31 =	sor.u32 s28, s31;
	[tilespmem:v55+s6+$0x0] =	vst.idx.add.f32.msk $0xffff, v24  }
0x18f: {  	v24 =	vld [tilespmem:s31+$0x0];
	v18 =	vadd.s32 v4, v19  }
0x190: {  	v48 =	vadd.s32 v2, v16;
	[tilespmem:v51+s6+$0x0] =	vst.idx.add.f32.msk $0xffff, v61  }
0x191: {  	v53 =	vadd.s32 v3, v20;
	s18 =	sadd.s32 $0x19900, s5;
	v62 =	vld [tilespmem:s0+$0x0]  }
0x192: {  	s24 =	sor.u32 s22, s18;
	[tilespmem:v17+s6+$0x0] =	vst.idx.add.f32.msk $0xffff, v14  }
0x193: {  	v17 =	vadd.s32 v3, v23;
	v14 =	vld [tilespmem:s24+$0x0]  }
0x194: {  	[tilespmem:v18+s6+$0x0] =	vst.idx.add.f32.msk $0xffff, v24  }
0x195: {  	v19 =	vadd.s32 v5, v19;
	[tilespmem:v48+s6+$0x0] =	vst.idx.add.f32.msk $0xffff, v21  }
0x196: {  	[tilespmem:v53+s6+$0x0] =	vst.idx.add.f32.msk $0xffff, v62  }
0x197: {  	s13 =	sadd.s32 $0x19B00, s5;
	v54 =	vadd.s32 v3, v16;
	v21 =	vld [tilespmem:s2+$0x0]  }
0x198: {  	s15 =	sor.u32 s22, s13;
	[tilespmem:v17+s6+$0x0] =	vst.idx.add.f32.msk $0xffff, v14  }
0x199: {  	v17 =	vadd.s32 v4, v23;
	v14 =	vld [tilespmem:s15+$0x0]  }
0x19a: {  	[tilespmem:v19+s6+$0x0] =	vst.idx.add.f32.msk $0xffff, v6;
	v23 =	vadd.s32 v5, v23  }
0x19b: {  	v25 =	vld [tilespmem:s14+$0x0]  }
0x19c: {  	[tilespmem:v54+s6+$0x0] =	vst.idx.add.f32.msk $0xffff, v21  }
0x19d: {  	v57 =	vadd.s32 v4, v20;
	v21 =	vld [tilespmem:s17+$0x0]  }
0x19e: {  	v20 =	vadd.s32 v5, v20;
	[tilespmem:v17+s6+$0x0] =	vst.idx.add.f32.msk $0xffff, v14  }
0x19f: {  	[tilespmem:v23+s6+$0x0] =	vst.idx.add.f32.msk $0xffff, v6  }
0x1a0: {  	v56 =	vadd.s32 v4, v16;
	v14 =	vld [tilespmem:s1+$0x16980]  }
0x1a1: {  	v19 =	vld [tilespmem:s29+$0x16900]  }
0x1a2: {  	v16 =	vadd.s32 v5, v16;
	[tilespmem:v57+s6+$0x0] =	vst.idx.add.f32.msk $0xffff, v25  }
0x1a3: {  	[tilespmem:v20+s6+$0x0] =	vst.idx.add.f32.msk $0xffff, v6  }
0x1a4: {  	v20 =	vld [tilespmem:s3+$0x16900]  }
0x1a5: {  	[tilespmem:v56+s6+$0x0] =	vst.idx.add.f32.msk $0xffff, v21;
	v14 =	vshll.u32 v14, $0x4  }
0x1a6: {  	v17 =	vld [tilespmem:s1+$0x18980];
	v18 =	vor.u32 v1, v14  }
0x1a7: {  	[tilespmem:v16+s6+$0x0] =	vst.idx.add.f32.msk $0xffff, v6  }
0x1a8: {  	v16 =	vld [tilespmem:s19+$0x16900]  }
0x1a9: {  	v20 =	vshll.u32 v20, $0x4  }
0x1aa: {  	v39 =	vld [tilespmem:s3+$0x18900];
	v42 =	vor.u32 v1, v20  }
0x1ab: {  	s31 =	sor.u32 $0x380, s10;
	[tilespmem:v18+s6+$0x0] =	vst.idx.add.f32.msk $0xffff, v17  }
0x1ac: {  	v38 =	vadd.s32 v2, v14;
	v18 =	vshll.u32 v19, $0x4;
	v19 =	vld [tilespmem:s31+$0x18800]  }
0x1ad: {  	v63 =	vld [tilespmem:s29+$0x18900];
	v16 =	vshll.u32 v16, $0x4  }
0x1ae: {  	v21 =	vld [tilespmem:s19+$0x18900];
	v36 =	vor.u32 v1, v16  }
0x1af: {  	s4 =	sadd.s32 $0x19980, s5;
	s0 =	sor.u32 s28, s18;
	[tilespmem:v42+s6+$0x0] =	vst.idx.add.f32.msk $0xffff, v39  }
0x1b0: {  	s2 =	sor.u32 s23, s18;
	s17 =	sor.u32 s21, s13;
	s16 =	sor.u32 s21, s18;
	v53 =	vld [tilespmem:s7+$0x18800];
	v40 =	vor.u32 v1, v18  }
0x1b1: {  	s18 =	sor.u32 s28, s13;
	s24 =	sor.u32 s23, s13;
	s13 =	sor.u32 s22, s4;
	[tilespmem:v38+s6+$0x0] =	vst.idx.add.f32.msk $0xffff, v19  }
0x1b2: {  	v49 =	vadd.s32 v3, v14;
	v19 =	vld [tilespmem:s13+$0x0]  }
0x1b3: {  	[tilespmem:v36+s6+$0x0] =	vst.idx.add.f32.msk $0xffff, v21  }
0x1b4: {  	v43 =	vadd.s32 v2, v20;
	v50 =	vld [tilespmem:s8+$0x18800]  }
0x1b5: {  	v37 =	vadd.s32 v2, v16;
	[tilespmem:v40+s6+$0x0] =	vst.idx.add.f32.msk $0xffff, v63  }
0x1b6: {  	s14 =	sadd.s32 $0x19B80, s5;
	v51 =	vld [tilespmem:s9+$0x18800]  }
0x1b7: {  	s1 =	sor.u32 s23, s4;
	v41 =	vadd.s32 v2, v18;
	s9 =	sor.u32 s23, s14;
	s23 =	sor.u32 s22, s14;
	[tilespmem:v49+s6+$0x0] =	vst.idx.add.f32.msk $0xffff, v19  }
0x1b8: {  	v52 =	vadd.s32 v4, v14;
	v19 =	vld [tilespmem:s23+$0x0]  }
0x1b9: {  	[tilespmem:v43+s6+$0x0] =	vst.idx.add.f32.msk $0xffff, v53  }
0x1ba: {  	[tilespmem:v37+s6+$0x0] =	vst.idx.add.f32.msk $0xffff, v50;
	v14 =	vadd.s32 v5, v14  }
0x1bb: {  	v22 =	vld [tilespmem:s2+$0x0]  }
0x1bc: {  	v17 =	vadd.s32 v3, v16;
	[tilespmem:v41+s6+$0x0] =	vst.idx.add.f32.msk $0xffff, v51  }
0x1bd: {  	[tilespmem:v52+s6+$0x0] =	vst.idx.add.f32.msk $0xffff, v19  }
0x1be: {  	v19 =	vld [tilespmem:s16+$0x0]  }
0x1bf: {  	v45 =	vadd.s32 v3, v20;
	[tilespmem:v14+s6+$0x0] =	vst.idx.add.f32.msk $0xffff, v6  }
0x1c0: {  	v44 =	vadd.s32 v3, v18;
	v14 =	vld [tilespmem:s0+$0x0]  }
0x1c1: {  	[tilespmem:v17+s6+$0x0] =	vst.idx.add.f32.msk $0xffff, v22  }
0x1c2: {  	v17 =	vld [tilespmem:s24+$0x0]  }
0x1c3: {  	v46 =	vadd.s32 v4, v16;
	[tilespmem:v12+s6+$0x0] =	vst.idx.add.f32.msk $0xffff, v6  }
0x1c4: {  	v16 =	vadd.s32 v5, v16;
	[tilespmem:v45+s6+$0x0] =	vst.idx.add.f32.msk $0xffff, v19  }
0x1c5: {  	[tilespmem:v44+s6+$0x0] =	vst.idx.add.f32.msk $0xffff, v14  }
0x1c6: {  	v48 =	vadd.s32 v4, v20;
	v14 =	vld [tilespmem:s17+$0x0]  }
0x1c7: {  	v47 =	vadd.s32 v4, v18;
	v12 =	vld [tilespmem:s18+$0x0]  }
0x1c8: {  	v20 =	vadd.s32 v5, v20;
	[tilespmem:v46+s6+$0x0] =	vst.idx.add.f32.msk $0xffff, v17  }
0x1c9: {  	v18 =	vadd.s32 v5, v18;
	[tilespmem:v16+s6+$0x0] =	vst.idx.add.f32.msk $0xffff, v6  }
0x1ca: {  	v16 =	vld [tilespmem:s19+$0x16980]  }
0x1cb: {  	[tilespmem:v48+s6+$0x0] =	vst.idx.add.f32.msk $0xffff, v14  }
0x1cc: {  	[tilespmem:v47+s6+$0x0] =	vst.idx.add.f32.msk $0xffff, v12  }
0x1cd: {  	[tilespmem:v20+s6+$0x0] =	vst.idx.add.f32.msk $0xffff, v6  }
0x1ce: {  	[tilespmem:v18+s6+$0x0] =	vst.idx.add.f32.msk $0xffff, v6  }
0x1cf: {  	v18 =	vld [tilespmem:s30+$0x16800]  }
0x1d0: {  	v12 =	vshll.u32 v16, $0x4;
	v16 =	vld [tilespmem:s29+$0x16980];
	_ =	sdelay $0x1  }
0x1d1: {  	v54 =	vld [tilespmem:s19+$0x18980]  }
0x1d2: {  	v19 =	vor.u32 v1, v12;
	v23 =	vld [tilespmem:s30+$0x18800]  }
0x1d3: {  	[tilespmem:v8+s6+$0x0] =	vst.idx.add.f32.msk $0xffff, v15;
	v18 =	vshll.u32 v18, $0x4  }
0x1d4: {  	v55 =	vld [tilespmem:s29+$0x18980];
	v56 =	vshll.u32 v16, $0x4;
	v59 =	vor.u32 v1, v18  }
0x1d5: {  	[tilespmem:v10+s6+$0x0] =	vst.idx.add.f32.msk $0xffff, v13;
	v57 =	vor.u32 v1, v56  }
0x1d6: {  	[tilespmem:v11+s6+$0x0] =	vst.idx.add.f32.msk $0xffff, v6  }
0x1d7: {  	[tilespmem:v19+s6+$0x0] =	vst.idx.add.f32.msk $0xffff, v54  }
0x1d8: {  	v20 =	vadd.s32 v2, v12;
	v19 =	vld [tilespmem:s25+$0x18800]  }
0x1d9: {  	[tilespmem:v59+s6+$0x0] =	vst.idx.add.f32.msk $0xffff, v23  }
0x1da: {  	s31 =	rddreg [dreg:$0x7];
	[tilespmem:v57+s6+$0x0] =	vst.idx.add.f32.msk $0xffff, v55  }
0x1db: {  	s11 =	sadd.s32 $0x4, s11;
	v60 =	vadd.s32 v2, v18;
	v63 =	vld [tilespmem:s31+$0x18800]  }
0x1dc: {  	p1 =	slt.u32 s11, $0x1C;
	v58 =	vadd.s32 v2, v56;
	v15 =	vld [tilespmem:s20+$0x18800]  }
.Ltmp3:
0x1dd: {  	v17 =	vadd.s32 v3, v12;
	[tilespmem:v20+s6+$0x0] =	vst.idx.add.f32.msk $0xffff, v19;
	(pc) =	sbr.rel @p1 .LBB2_5-.Ltmp3, $4  }
0x1de: {  	v16 =	vadd.s32 v3, v18;
	v61 =	vadd.s32 v4, v18;
	v62 =	vadd.s32 v5, v18;
	v18 =	vld [tilespmem:s1+$0x0]  }
0x1df: {  	v14 =	vadd.s32 v4, v12;
	v12 =	vadd.s32 v5, v12;
	[tilespmem:v9+s6+$0x0] =	vst.idx.add.f32.msk $0xffff, v6  }
0x1e0: {  	s12 =	sadd.s32 $0x40, s12;
	s10 =	sor.u32 s21, s4;
	v13 =	vadd.s32 v3, v56;
	v10 =	vadd.s32 v4, v56;
	[tilespmem:v60+s6+$0x0] =	vst.idx.add.f32.msk $0xffff, v63  }
0x1e1: {  	s15 =	sor.u32 s28, s4;
	s8 =	sor.u32 s28, s14;
	s13 =	sor.u32 s21, s14;
	v11 =	vadd.s32 v5, v56;
	v8 =	vmov v61;
	v9 =	vmov v62;
	[tilespmem:v58+s6+$0x0] =	vst.idx.add.f32.msk $0xffff, v15  }
0x1e2: {  	_ = 	snop  }
0x1e3: {  	v15 =	vld [tilespmem:s15+$0x0]  }
0x1e4: {  	v19 =	vld [tilespmem:s10+$0x0];
	_ =	sdelay $0x1  }
0x1e5: {  	[tilespmem:v17+s6+$0x0] =	vst.idx.add.f32.msk $0xffff, v18  }
0x1e6: {  	v17 =	vld [tilespmem:s9+$0x0]  }
0x1e7: {  	[tilespmem:v13+s6+$0x0] =	vst.idx.add.f32.msk $0xffff, v15  }
0x1e8: {  	[tilespmem:v16+s6+$0x0] =	vst.idx.add.f32.msk $0xffff, v19  }
0x1e9: {  	v13 =	vld [tilespmem:s8+$0x0]  }
0x1ea: {  	v63 =	vld [tilespmem:s13+$0x0];
	_ =	sdelay $0x1  }
0x1eb: {  	[tilespmem:v14+s6+$0x0] =	vst.idx.add.f32.msk $0xffff, v17  }
0x1ec: {  	[tilespmem:v12+s6+$0x0] =	vst.idx.add.f32.msk $0xffff, v6  }
0x1ed: {  	[tilespmem:v10+s6+$0x0] =	vst.idx.add.f32.msk $0xffff, v13  }
0x1ee: {  	[tilespmem:v8+s6+$0x0] =	vst.idx.add.f32.msk $0xffff, v63  }
0x1ef: {  	[tilespmem:v11+s6+$0x0] =	vst.idx.add.f32.msk $0xffff, v6  }
0x1f0: {  	s0 =	sld [smem:$0x7FB];
	_ =	sdelay $0x2  }
0x1f1: {  	p0 =	seq.s32 s0, $0x1F  }
.Ltmp4:
0x1f2: {  	_ = 	snop;
	(pc) =	sbr.rel @p0 .LBB2_8-.Ltmp4, $2  }
0x1f3: {  	_ =	sdelay $0x2  }
0x1f4: {  	[tilespmem:v9+s6+$0x0] =	vst.idx.add.f32.msk $0xffff, v6;
	s5 =	sshll.u32 s0, $0xC  }
0x1f5: {  	s0 =	rddreg [dreg:$0x1a]  }
0x1f6: {  	s1 =	rddreg [dreg:$0x9];
	s0 =	sadd.s32 s5, s0  }
0x1f7: {  	s1 =	sadd.s32 s1, s0  }
0x1f8: {  	s2 =	rddreg [dreg:$0x1];
	s1 =	sshrl.u32 s1, $0x3  }
0x1f9: {  	s22 =	simm.s32 $0x16800;
	s1 =	sadd.s32 s2, s1  }
0x1fa: {  	[tilespmem:s22], [sflag:$0x1] =	stream.linear.gather [hbm4b:s1+s6], $0x200, $0x38;
	[tilespmem:$0x1E500] =	vst v63  }
0x1fb: {  	s3 =	simm.s32 $0x16C00;
	s23 =	sadd.s32 $0x80, s1  }
0x1fc: {  	[tilespmem:s3], [sflag:$0x1] =	stream.linear.gather [hbm4b:s23+s6], $0x200, $0x38;
	[tilespmem:$0x1E500] =	vst v63  }
0x1fd: {  	s25 =	simm.s32 $0x17000;
	s24 =	sadd.s32 $0x100, s1  }
0x1fe: {  	[tilespmem:s25], [sflag:$0x1] =	stream.linear.gather [hbm4b:s24+s6], $0x200, $0x38;
	[tilespmem:$0x1E500] =	vst v63  }
0x1ff: {  	s26 =	simm.s32 $0x17400;
	s28 =	rddreg [dreg:$0xa];
	s1 =	sadd.s32 $0x180, s1  }
0x200: {  	[tilespmem:s26], [sflag:$0x1] =	stream.linear.gather [hbm4b:s1+s6], $0x200, $0x38;
	[tilespmem:$0x1E500] =	vst v63  }
0x201: {  	s1 =	sor.u32 s28, s0  }
0x202: {  	s29 =	rddreg [dreg:$0x0];
	s1 =	sshrl.u32 s1, $0x3  }
0x203: {  	s30 =	simm.s32 $0x18800;
	s1 =	sadd.s32 s29, s1  }
0x204: {  	[tilespmem:s30], [sflag:$0x1] =	stream.linear.gather [hbm4b:s1+s6], $0x200, $0x38;
	[tilespmem:$0x1E500] =	vst v63  }
0x205: {  	s4 =	simm.s32 $0x18C00;
	s31 =	sadd.s32 $0x80, s1  }
0x206: {  	[tilespmem:s4], [sflag:$0x1] =	stream.linear.gather [hbm4b:s31+s6], $0x200, $0x38;
	[tilespmem:$0x1E500] =	vst v63  }
0x207: {  	s8 =	simm.s32 $0x19000;
	s7 =	sadd.s32 $0x100, s1  }
0x208: {  	[tilespmem:s8], [sflag:$0x1] =	stream.linear.gather [hbm4b:s7+s6], $0x200, $0x38;
	[tilespmem:$0x1E500] =	vst v63  }
0x209: {  	s9 =	simm.s32 $0x19400;
	s10 =	rddreg [dreg:$0xb];
	s1 =	sadd.s32 $0x180, s1  }
0x20a: {  	[tilespmem:s9], [sflag:$0x1] =	stream.linear.gather [hbm4b:s1+s6], $0x200, $0x38;
	[tilespmem:$0x1E500] =	vst v63  }
0x20b: {  	s1 =	sadd.s32 s10, s0  }
0x20c: {  	s1 =	sshrl.u32 s1, $0x3  }
0x20d: {  	s11 =	simm.s32 $0x18A00;
	s1 =	sadd.s32 s29, s1  }
0x20e: {  	[tilespmem:s11], [sflag:$0x1] =	stream.linear.gather [hbm4b:s1+s6], $0x200, $0x38;
	[tilespmem:$0x1E500] =	vst v63  }
0x20f: {  	s13 =	simm.s32 $0x18E00;
	s12 =	sadd.s32 $0x80, s1  }
0x210: {  	[tilespmem:s13], [sflag:$0x1] =	stream.linear.gather [hbm4b:s12+s6], $0x200, $0x38;
	[tilespmem:$0x1E500] =	vst v63  }
0x211: {  	s15 =	simm.s32 $0x19200;
	s14 =	sadd.s32 $0x100, s1  }
0x212: {  	[tilespmem:s15], [sflag:$0x1] =	stream.linear.gather [hbm4b:s14+s6], $0x200, $0x38;
	[tilespmem:$0x1E500] =	vst v63  }
0x213: {  	s16 =	simm.s32 $0x19600;
	s17 =	rddreg [dreg:$0xc];
	s1 =	sadd.s32 $0x180, s1  }
0x214: {  	[tilespmem:s16], [sflag:$0x1] =	stream.linear.gather [hbm4b:s1+s6], $0x200, $0x38;
	[tilespmem:$0x1E500] =	vst v63  }
0x215: {  	s1 =	sor.u32 s17, s0  }
0x216: {  	s1 =	sshrl.u32 s1, $0x3  }
0x217: {  	s18 =	simm.s32 $0x19800;
	s1 =	sadd.s32 s29, s1  }
0x218: {  	[tilespmem:s18], [sflag:$0x1] =	stream.linear.gather [hbm4b:s1+s6], $0x200, $0x38;
	[tilespmem:$0x1E500] =	vst v63  }
0x219: {  	s20 =	simm.s32 $0x19C00;
	s24 =	rddreg [dreg:$0x11];
	s19 =	sadd.s32 $0x80, s1  }
0x21a: {  	[tilespmem:s20], [sflag:$0x1] =	stream.linear.gather [hbm4b:s19+s6], $0x200, $0x38;
	[tilespmem:$0x1E500] =	vst v63  }
0x21b: {  	s22 =	simm.s32 $0x1A000;
	s0 =	sadd.s32 s24, s0;
	s21 =	sadd.s32 $0x100, s1  }
0x21c: {  	[tilespmem:s22], [sflag:$0x1] =	stream.linear.gather [hbm4b:s21+s6], $0x200, $0x38;
	[tilespmem:$0x1E500] =	vst v63  }
0x21d: {  	s23 =	simm.s32 $0x1A400;
	s0 =	sshrl.u32 s0, $0x3;
	s1 =	sadd.s32 $0x180, s1  }
0x21e: {  	[tilespmem:s23], [sflag:$0x1] =	stream.linear.gather [hbm4b:s1+s6], $0x200, $0x38;
	[tilespmem:$0x1E500] =	vst v63  }
0x21f: {  	s25 =	simm.s32 $0x19A00;
	s0 =	sadd.s32 s29, s0  }
0x220: {  	[tilespmem:s25], [sflag:$0x1] =	stream.linear.gather [hbm4b:s0+s6], $0x200, $0x38;
	[tilespmem:$0x1E500] =	vst v63  }
0x221: {  	s28 =	simm.s32 $0x19E00;
	s26 =	sadd.s32 $0x80, s0  }
0x222: {  	[tilespmem:s28], [sflag:$0x1] =	stream.linear.gather [hbm4b:s26+s6], $0x200, $0x38;
	[tilespmem:$0x1E500] =	vst v63  }
0x223: {  	s30 =	simm.s32 $0x1A200;
	s29 =	sadd.s32 $0x100, s0  }
0x224: {  	[tilespmem:s30], [sflag:$0x1] =	stream.linear.gather [hbm4b:s29+s6], $0x200, $0x38;
	[tilespmem:$0x1E500] =	vst v63  }
0x225: {  	s31 =	simm.s32 $0x1A600;
	s0 =	sadd.s32 $0x180, s0  }
0x226: {  	[tilespmem:s31], [sflag:$0x1] =	stream.linear.gather [hbm4b:s0+s6], $0x200, $0x38;
	[tilespmem:$0x1E500] =	vst v63  }
.LBB2_8:
0x227: {  	[smem:$0x7DC] =	sst s5;
	s1 =	simm.s32 $0x2  }
0x228: {  	_ =	swait.ge [sflag:s1], $0x800  }
0x229: {  	[sflag:s1] =	ssyncset.done $0x0  }
0x22a: {  	[sflag:s1] =	ssyncadd.s32 $0xFFFFF800  }
0x22b: {  	_ =	swait.ge [sflag:s1], $0x800  }
0x22c: {  	[sflag:s1] =	ssyncset.done $0x0  }
0x22d: {  	[sflag:s1] =	ssyncadd.s32 $0xFFFFF800  }
0x22e: {  	_ =	swait.ge [sflag:s1], $0x800  }
0x22f: {  	[sflag:s1] =	ssyncset.done $0x0  }
0x230: {  	[sflag:s1] =	ssyncadd.s32 $0xFFFFF800  }
0x231: {  	p1 =	por $0x0, $0x0;
	s0 =	simm.s32 $0x1;
	_ =	swait.ge [sflag:s1], $0x800  }
0x232: {  	s0 =	simm.s32 @!p1 $0x0;
	[sflag:s1] =	ssyncset.done $0x0  }
0x233: {  	s0 =	sshll.u32 s0, $0x6;
	[sflag:s1] =	ssyncadd.s32 $0xFFFFF800  }
0x234: {  	s8 =	sadd.s32 $0x0, s0;
	_ =	swait.ge [sflag:s1], $0x800  }
0x235: {  	s9 =	sadd.s32 $0x30, s8;
	[sflag:s1] =	ssyncset.done $0x0  }
0x236: {  	s14 =	sor.u32 $0x200, s9;
	[sflag:s1] =	ssyncadd.s32 $0xFFFFF800  }
0x237: {  	s5 =	sadd.s32 $0x10, s8;
	v8 =	vld [tilespmem:s14+$0x16800]  }
0x238: {  	s7 =	sadd.s32 $0x20, s8;
	s15 =	sor.u32 $0x200, s5  }
0x239: {  	s4 =	simm.s32 $0x0;
	s17 =	sor.u32 $0x200, s7;
	v9 =	vld [tilespmem:s15+$0x16800]  }
0x23a: {  	s11 =	sand.u32 $0x40, s4;
	s3 =	sand.u32 $0xC00, s4;
	v12 =	vld [tilespmem:s17+$0x16800]  }
0x23b: {  	s2 =	sadd.s32 $0x1A800, s3;
	s1 =	sor.u32 $0x30, s11  }
0x23c: {  	s16 =	sor.u32 s1, s2;
	v8 =	vshll.u32 v8, $0x4  }
0x23d: {  	s13 =	sor.u32 $0x10, s11;
	s10 =	sor.u32 $0x200, s8;
	v10 =	vld [tilespmem:s16+$0x0];
	v11 =	vor.u32 v1, v8  }
0x23e: {  	s18 =	sor.u32 s13, s2;
	s0 =	sor.u32 $0x20, s11;
	v13 =	vld [tilespmem:s10+$0x16800];
	v9 =	vshll.u32 v9, $0x4  }
0x23f: {  	s20 =	sor.u32 s0, s2;
	v14 =	vld [tilespmem:s18+$0x0];
	v12 =	vshll.u32 v12, $0x4;
	v15 =	vor.u32 v1, v9  }
0x240: {  	s2 =	sor.u32 s11, s2;
	v17 =	vld [tilespmem:s20+$0x0];
	v16 =	vor.u32 v1, v12  }
0x241: {  	s19 =	sadd.s32 $0x1AA00, s3;
	v18 =	vld [tilespmem:s2+$0x0]  }
0x242: {  	s12 =	sor.u32 s1, s19;
	[tilespmem:v11+s6+$0x0] =	vst.idx.add.f32.msk $0xffff, v10  }
0x243: {  	v11 =	vadd.s32 v2, v8;
	v10 =	vld [tilespmem:s12+$0x0]  }
0x244: {  	v13 =	vshll.u32 v13, $0x4;
	[tilespmem:v15+s6+$0x0] =	vst.idx.add.f32.msk $0xffff, v14  }
0x245: {  	s23 =	sor.u32 s13, s19;
	v19 =	vor.u32 v1, v13;
	[tilespmem:v16+s6+$0x0] =	vst.idx.add.f32.msk $0xffff, v17  }
0x246: {  	s14 =	sor.u32 s0, s19;
	v15 =	vld [tilespmem:s23+$0x0]  }
0x247: {  	s21 =	sadd.s32 $0x1B800, s3;
	v14 =	vadd.s32 v2, v9;
	v16 =	vld [tilespmem:s14+$0x0]  }
0x248: {  	s22 =	sor.u32 s1, s21;
	v17 =	vadd.s32 v2, v12;
	[tilespmem:v11+s6+$0x0] =	vst.idx.add.f32.msk $0xffff, v10  }
0x249: {  	v11 =	vadd.s32 v3, v8;
	v10 =	vld [tilespmem:s22+$0x0]  }
0x24a: {  	s10 =	sor.u32 s11, s19;
	[tilespmem:v19+s6+$0x0] =	vst.idx.add.f32.msk $0xffff, v18  }
0x24b: {  	v18 =	vld [tilespmem:s10+$0x0]  }
0x24c: {  	[tilespmem:v14+s6+$0x0] =	vst.idx.add.f32.msk $0xffff, v15;
	v14 =	vadd.s32 v2, v13  }
0x24d: {  	s24 =	sadd.s32 $0x1BA00, s3;
	[tilespmem:v17+s6+$0x0] =	vst.idx.add.f32.msk $0xffff, v16  }
0x24e: {  	s25 =	sor.u32 s1, s24;
	[tilespmem:v11+s6+$0x0] =	vst.idx.add.f32.msk $0xffff, v10  }
0x24f: {  	s26 =	sor.u32 s13, s21;
	v11 =	vadd.s32 v4, v8;
	v10 =	vld [tilespmem:s25+$0x0]  }
0x250: {  	v15 =	vld [tilespmem:s26+$0x0];
	v8 =	vadd.s32 v5, v8  }
0x251: {  	s2 =	sor.u32 s11, s21;
	[tilespmem:v14+s6+$0x0] =	vst.idx.add.f32.msk $0xffff, v18  }
0x252: {  	s30 =	sor.u32 s0, s21;
	v16 =	vadd.s32 v3, v13;
	v17 =	vld [tilespmem:s2+$0x0]  }
0x253: {  	v14 =	vld [tilespmem:s30+$0x0]  }
0x254: {  	[tilespmem:v11+s6+$0x0] =	vst.idx.add.f32.msk $0xffff, v10;
	v11 =	vadd.s32 v3, v12  }
0x255: {  	[tilespmem:v8+s6+$0x0] =	vst.idx.add.f32.msk $0xffff, v6;
	v8 =	vadd.s32 v3, v9;
	_ =	sdelay $0x1  }
0x256: {  	s29 =	sor.u32 $0x280, s9;
	[tilespmem:v16+s6+$0x0] =	vst.idx.add.f32.msk $0xffff, v17  }
0x257: {  	v10 =	vld [tilespmem:s29+$0x16800]  }
0x258: {  	[tilespmem:v11+s6+$0x0] =	vst.idx.add.f32.msk $0xffff, v14  }
0x259: {  	s19 =	sor.u32 s0, s24;
	[tilespmem:v8+s6+$0x0] =	vst.idx.add.f32.msk $0xffff, v15  }
0x25a: {  	s18 =	sor.u32 s13, s24;
	v17 =	vadd.s32 v4, v12;
	v16 =	vld [tilespmem:s19+$0x0]  }
0x25b: {  	s31 =	sadd.s32 $0x1A880, s3;
	v11 =	vadd.s32 v4, v9;
	v14 =	vld [tilespmem:s18+$0x0]  }
0x25c: {  	s17 =	sor.u32 s1, s31;
	v12 =	vadd.s32 v5, v12;
	v8 =	vshll.u32 v10, $0x4  }
0x25d: {  	v10 =	vld [tilespmem:s17+$0x0];
	v15 =	vor.u32 v1, v8;
	_ =	sdelay $0x1  }
0x25e: {  	[tilespmem:v17+s6+$0x0] =	vst.idx.add.f32.msk $0xffff, v16  }
0x25f: {  	[tilespmem:v11+s6+$0x0] =	vst.idx.add.f32.msk $0xffff, v14  }
0x260: {  	[tilespmem:v12+s6+$0x0] =	vst.idx.add.f32.msk $0xffff, v6  }
0x261: {  	s20 =	sadd.s32 $0x1AA80, s3;
	s15 =	sor.u32 $0x280, s7;
	v9 =	vadd.s32 v5, v9;
	[tilespmem:v15+s6+$0x0] =	vst.idx.add.f32.msk $0xffff, v10  }
0x262: {  	s21 =	sor.u32 s1, s20;
	v11 =	vadd.s32 v4, v13;
	v12 =	vadd.s32 v5, v13;
	v13 =	vld [tilespmem:s15+$0x16800]  }
0x263: {  	v15 =	vadd.s32 v2, v8;
	v10 =	vld [tilespmem:s21+$0x0]  }
0x264: {  	s12 =	sor.u32 s11, s24  }
0x265: {  	v18 =	vld [tilespmem:s12+$0x0]  }
0x266: {  	s26 =	sor.u32 s0, s31;
	[tilespmem:v9+s6+$0x0] =	vst.idx.add.f32.msk $0xffff, v6  }
0x267: {  	s2 =	sadd.s32 $0x1B880, s3;
	v16 =	vld [tilespmem:s26+$0x0];
	v13 =	vshll.u32 v13, $0x4  }
0x268: {  	s22 =	sor.u32 s1, s2;
	[tilespmem:v15+s6+$0x0] =	vst.idx.add.f32.msk $0xffff, v10;
	v17 =	vor.u32 v1, v13  }
0x269: {  	v10 =	vadd.s32 v3, v8;
	v9 =	vld [tilespmem:s22+$0x0];
	_ =	sdelay $0x1  }
0x26a: {  	s23 =	sor.u32 $0x280, s5;
	[tilespmem:v11+s6+$0x0] =	vst.idx.add.f32.msk $0xffff, v18  }
0x26b: {  	v11 =	vld [tilespmem:s23+$0x16800]  }
0x26c: {  	s16 =	sor.u32 s13, s31;
	[tilespmem:v17+s6+$0x0] =	vst.idx.add.f32.msk $0xffff, v16  }
0x26d: {  	s14 =	sor.u32 s11, s31;
	s31 =	sor.u32 s0, s20;
	s15 =	sadd.s32 $0x1BA80, s3;
	[tilespmem:v10+s6+$0x0] =	vst.idx.add.f32.msk $0xffff, v9  }
0x26e: {  	s24 =	sor.u32 s1, s15;
	v16 =	vadd.s32 v2, v13;
	v17 =	vld [tilespmem:s31+$0x0]  }
0x26f: {  	v10 =	vadd.s32 v4, v8;
	v9 =	vld [tilespmem:s24+$0x0]  }
0x270: {  	v14 =	vld [tilespmem:s16+$0x0];
	v8 =	vadd.s32 v5, v8  }
0x271: {  	s25 =	sor.u32 $0x280, s8;
	[tilespmem:v12+s6+$0x0] =	vst.idx.add.f32.msk $0xffff, v6  }
0x272: {  	v12 =	vld [tilespmem:s25+$0x16800]  }
0x273: {  	v11 =	vshll.u32 v11, $0x4;
	[tilespmem:v16+s6+$0x0] =	vst.idx.add.f32.msk $0xffff, v17  }
0x274: {  	v15 =	vor.u32 v1, v11;
	[tilespmem:v10+s6+$0x0] =	vst.idx.add.f32.msk $0xffff, v9  }
0x275: {  	s29 =	sor.u32 $0x300, s9;
	[tilespmem:v8+s6+$0x0] =	vst.idx.add.f32.msk $0xffff, v6  }
0x276: {  	s21 =	sor.u32 s0, s2;
	v8 =	vld [tilespmem:s29+$0x16800]  }
0x277: {  	v16 =	vadd.s32 v3, v13;
	v9 =	vshll.u32 v12, $0x4;
	v17 =	vld [tilespmem:s21+$0x0]  }
0x278: {  	v10 =	vld [tilespmem:s14+$0x0];
	v12 =	vor.u32 v1, v9  }
0x279: {  	s30 =	sor.u32 s13, s20;
	s12 =	sadd.s32 $0x1A900, s3;
	[tilespmem:v15+s6+$0x0] =	vst.idx.add.f32.msk $0xffff, v14  }
0x27a: {  	s17 =	sor.u32 s1, s12;
	v15 =	vld [tilespmem:s30+$0x0]  }
0x27b: {  	v14 =	vadd.s32 v2, v11;
	v18 =	vld [tilespmem:s17+$0x0];
	v8 =	vshll.u32 v8, $0x4  }
0x27c: {  	[tilespmem:v16+s6+$0x0] =	vst.idx.add.f32.msk $0xffff, v17;
	v19 =	vor.u32 v1, v8  }
0x27d: {  	s17 =	sor.u32 s0, s15;
	[tilespmem:v12+s6+$0x0] =	vst.idx.add.f32.msk $0xffff, v10  }
0x27e: {  	s10 =	sor.u32 s11, s20;
	v17 =	vadd.s32 v4, v13;
	v16 =	vld [tilespmem:s17+$0x0]  }
0x27f: {  	v10 =	vadd.s32 v2, v9;
	v12 =	vld [tilespmem:s10+$0x0]  }
0x280: {  	s18 =	sadd.s32 $0x1AB00, s3;
	[tilespmem:v14+s6+$0x0] =	vst.idx.add.f32.msk $0xffff, v15  }
0x281: {  	s19 =	sor.u32 s1, s18;
	[tilespmem:v19+s6+$0x0] =	vst.idx.add.f32.msk $0xffff, v18  }
0x282: {  	v15 =	vadd.s32 v2, v8;
	v14 =	vld [tilespmem:s19+$0x0]  }
0x283: {  	[tilespmem:v17+s6+$0x0] =	vst.idx.add.f32.msk $0xffff, v16  }
0x284: {  	s20 =	sor.u32 s13, s2;
	v13 =	vadd.s32 v5, v13;
	[tilespmem:v10+s6+$0x0] =	vst.idx.add.f32.msk $0xffff, v12  }
0x285: {  	s2 =	sor.u32 s11, s2;
	v10 =	vadd.s32 v3, v11;
	v12 =	vld [tilespmem:s20+$0x0]  }
0x286: {  	s22 =	sadd.s32 $0x1B900, s3;
	v19 =	vld [tilespmem:s2+$0x0]  }
0x287: {  	s23 =	sor.u32 s1, s22;
	v18 =	vadd.s32 v3, v9;
	[tilespmem:v15+s6+$0x0] =	vst.idx.add.f32.msk $0xffff, v14  }
0x288: {  	v15 =	vadd.s32 v3, v8;
	v14 =	vld [tilespmem:s23+$0x0]  }
0x289: {  	[tilespmem:v13+s6+$0x0] =	vst.idx.add.f32.msk $0xffff, v6  }
0x28a: {  	s24 =	sor.u32 s13, s15;
	[tilespmem:v10+s6+$0x0] =	vst.idx.add.f32.msk $0xffff, v12  }
0x28b: {  	v10 =	vadd.s32 v4, v11;
	v12 =	vld [tilespmem:s24+$0x0]  }
0x28c: {  	s2 =	sadd.s32 $0x1BB00, s3;
	v11 =	vadd.s32 v5, v11;
	[tilespmem:v18+s6+$0x0] =	vst.idx.add.f32.msk $0xffff, v19  }
0x28d: {  	s25 =	sor.u32 s1, s2;
	[tilespmem:v15+s6+$0x0] =	vst.idx.add.f32.msk $0xffff, v14  }
0x28e: {  	s15 =	sor.u32 s11, s15;
	v15 =	vadd.s32 v4, v8;
	v14 =	vld [tilespmem:s25+$0x0]  }
0x28f: {  	v18 =	vld [tilespmem:s15+$0x0];
	v8 =	vadd.s32 v5, v8  }
0x290: {  	[tilespmem:v10+s6+$0x0] =	vst.idx.add.f32.msk $0xffff, v12  }
0x291: {  	s29 =	sor.u32 $0x300, s7;
	[tilespmem:v11+s6+$0x0] =	vst.idx.add.f32.msk $0xffff, v6  }
0x292: {  	v10 =	vadd.s32 v4, v9;
	v11 =	vld [tilespmem:s29+$0x16800]  }
0x293: {  	[tilespmem:v15+s6+$0x0] =	vst.idx.add.f32.msk $0xffff, v14  }
0x294: {  	[tilespmem:v8+s6+$0x0] =	vst.idx.add.f32.msk $0xffff, v6;
	v8 =	vadd.s32 v5, v9  }
0x295: {  	s26 =	sor.u32 $0x300, s5  }
0x296: {  	v9 =	vld [tilespmem:s26+$0x16800]  }
0x297: {  	s31 =	sor.u32 s0, s12;
	[tilespmem:v10+s6+$0x0] =	vst.idx.add.f32.msk $0xffff, v18;
	v11 =	vshll.u32 v11, $0x4  }
0x298: {  	v14 =	vld [tilespmem:s31+$0x0];
	v15 =	vor.u32 v1, v11  }
0x299: {  	s8 =	sor.u32 $0x300, s8;
	[tilespmem:v8+s6+$0x0] =	vst.idx.add.f32.msk $0xffff, v6  }
0x29a: {  	s9 =	sor.u32 $0x380, s9;
	v8 =	vld [tilespmem:s8+$0x16800]  }
0x29b: {  	s30 =	sor.u32 s13, s12;
	v10 =	vld [tilespmem:s9+$0x16800];
	v9 =	vshll.u32 v9, $0x4  }
0x29c: {  	v12 =	vld [tilespmem:s30+$0x0];
	v13 =	vor.u32 v1, v9  }
0x29d: {  	s17 =	sor.u32 s0, s18;
	[tilespmem:v15+s6+$0x0] =	vst.idx.add.f32.msk $0xffff, v14  }
0x29e: {  	s12 =	sor.u32 s11, s12;
	v14 =	vadd.s32 v2, v11;
	v15 =	vld [tilespmem:s17+$0x0];
	s8 =	sadd.s32 $0x1A980, s3  }
0x29f: {  	v18 =	vld [tilespmem:s12+$0x0];
	s15 =	sor.u32 s1, s8;
	v17 =	vshll.u32 v8, $0x4  }
0x2a0: {  	v16 =	vld [tilespmem:s15+$0x0];
	v8 =	vshll.u32 v10, $0x4;
	v19 =	vor.u32 v1, v17  }
0x2a1: {  	s16 =	sor.u32 s13, s18;
	[tilespmem:v13+s6+$0x0] =	vst.idx.add.f32.msk $0xffff, v12;
	v10 =	vor.u32 v1, v8  }
0x2a2: {  	v12 =	vadd.s32 v2, v9;
	v13 =	vld [tilespmem:s16+$0x0]  }
0x2a3: {  	s20 =	sor.u32 s0, s22;
	[tilespmem:v14+s6+$0x0] =	vst.idx.add.f32.msk $0xffff, v15  }
0x2a4: {  	v14 =	vld [tilespmem:s20+$0x0]  }
0x2a5: {  	[tilespmem:v19+s6+$0x0] =	vst.idx.add.f32.msk $0xffff, v18  }
0x2a6: {  	[tilespmem:v10+s6+$0x0] =	vst.idx.add.f32.msk $0xffff, v16  }
0x2a7: {  	s18 =	sor.u32 s11, s18;
	[tilespmem:v12+s6+$0x0] =	vst.idx.add.f32.msk $0xffff, v13;
	v13 =	vadd.s32 v3, v11  }
0x2a8: {  	s19 =	sor.u32 s13, s22;
	v18 =	vadd.s32 v2, v17;
	v19 =	vld [tilespmem:s18+$0x0]  }
0x2a9: {  	v10 =	vadd.s32 v3, v9;
	v12 =	vld [tilespmem:s19+$0x0];
	_ =	sdelay $0x2  }
0x2aa: {  	[tilespmem:v13+s6+$0x0] =	vst.idx.add.f32.msk $0xffff, v14  }
0x2ab: {  	[tilespmem:v18+s6+$0x0] =	vst.idx.add.f32.msk $0xffff, v19  }
0x2ac: {  	s25 =	sor.u32 s0, s2;
	[tilespmem:v10+s6+$0x0] =	vst.idx.add.f32.msk $0xffff, v12  }
0x2ad: {  	s21 =	sor.u32 s11, s22;
	v13 =	vadd.s32 v4, v11;
	v14 =	vld [tilespmem:s25+$0x0]  }
0x2ae: {  	s24 =	sor.u32 s13, s2;
	v15 =	vadd.s32 v3, v17;
	v16 =	vld [tilespmem:s21+$0x0]  }
0x2af: {  	s22 =	sadd.s32 $0x1AB80, s3;
	v10 =	vadd.s32 v4, v9;
	v12 =	vld [tilespmem:s24+$0x0]  }
0x2b0: {  	s23 =	sor.u32 s1, s22;
	v11 =	vadd.s32 v5, v11  }
0x2b1: {  	v18 =	vld [tilespmem:s23+$0x0]  }
0x2b2: {  	v9 =	vadd.s32 v5, v9;
	[tilespmem:v13+s6+$0x0] =	vst.idx.add.f32.msk $0xffff, v14  }
0x2b3: {  	[tilespmem:v15+s6+$0x0] =	vst.idx.add.f32.msk $0xffff, v16  }
0x2b4: {  	[tilespmem:v10+s6+$0x0] =	vst.idx.add.f32.msk $0xffff, v12  }
0x2b5: {  	s2 =	sor.u32 s11, s2;
	v12 =	vadd.s32 v2, v8;
	[tilespmem:v11+s6+$0x0] =	vst.idx.add.f32.msk $0xffff, v6  }
0x2b6: {  	v16 =	vadd.s32 v4, v17;
	v15 =	vld [tilespmem:s2+$0x0]  }
0x2b7: {  	s30 =	sor.u32 $0x380, s7;
	[tilespmem:v9+s6+$0x0] =	vst.idx.add.f32.msk $0xffff, v6  }
0x2b8: {  	s26 =	sor.u32 $0x380, s5;
	v10 =	vadd.s32 v5, v17;
	v11 =	vld [tilespmem:s30+$0x16800]  }
0x2b9: {  	v9 =	vld [tilespmem:s26+$0x16800]  }
0x2ba: {  	s31 =	sadd.s32 $0x1B980, s3;
	[tilespmem:v12+s6+$0x0] =	vst.idx.add.f32.msk $0xffff, v18  }
0x2bb: {  	s5 =	sor.u32 s1, s31;
	[tilespmem:v16+s6+$0x0] =	vst.idx.add.f32.msk $0xffff, v15  }
0x2bc: {  	s29 =	sor.u32 s4, s4;
	v12 =	vld [tilespmem:s5+$0x0]  }
0x2bd: {  	s2 =	sor.u32 $0x380, s29;
	[tilespmem:v10+s6+$0x0] =	vst.idx.add.f32.msk $0xffff, v6  }
0x2be: {  	v14 =	vadd.s32 v3, v8;
	v13 =	vld [tilespmem:s2+$0x16800]  }
0x2bf: {  	p1 =	por !p1, !p1;
	s9 =	sor.u32 s0, s8;
	s5 =	simm.s32 $0x1  }
0x2c0: {  	s7 =	sor.u32 s13, s8;
	v17 =	vld [tilespmem:s9+$0x0];
	v10 =	vshll.u32 v9, $0x4;
	s5 =	simm.s32 @!p1 $0x0  }
0x2c1: {  	s12 =	sor.u32 s11, s8;
	v16 =	vld [tilespmem:s7+$0x0];
	v15 =	vor.u32 v1, v10;
	s15 =	sshll.u32 s5, $0x6  }
0x2c2: {  	v11 =	vshll.u32 v11, $0x4;
	v18 =	vld [tilespmem:s12+$0x0];
	s9 =	sadd.s32 $0x200, s15  }
0x2c3: {  	s15 =	sadd.s32 $0x1BB80, s3;
	s29 =	sor.u32 $0x200, s9;
	[tilespmem:v14+s6+$0x0] =	vst.idx.add.f32.msk $0xffff, v12;
	v9 =	vshll.u32 v13, $0x4;
	v13 =	vor.u32 v1, v11  }
0x2c4: {  	s1 =	sor.u32 s1, s15;
	v22 =	vld [tilespmem:s29+$0x16800];
	v19 =	vor.u32 v1, v9  }
0x2c5: {  	v12 =	vld [tilespmem:s1+$0x0]  }
0x2c6: {  	s14 =	sor.u32 s13, s22;
	[tilespmem:v15+s6+$0x0] =	vst.idx.add.f32.msk $0xffff, v16  }
0x2c7: {  	v14 =	vld [tilespmem:s14+$0x0]  }
0x2c8: {  	[tilespmem:v13+s6+$0x0] =	vst.idx.add.f32.msk $0xffff, v17  }
0x2c9: {  	s16 =	sor.u32 s0, s22;
	s10 =	sadd.s32 $0x30, s9;
	[tilespmem:v19+s6+$0x0] =	vst.idx.add.f32.msk $0xffff, v18  }
0x2ca: {  	s18 =	sor.u32 $0x200, s10;
	v13 =	vadd.s32 v2, v10;
	v15 =	vld [tilespmem:s16+$0x0]  }
0x2cb: {  	s17 =	sor.u32 s11, s22;
	s3 =	sadd.s32 $0x10, s9;
	v16 =	vadd.s32 v2, v11;
	v19 =	vld [tilespmem:s18+$0x16800]  }
0x2cc: {  	s22 =	sor.u32 $0x200, s3;
	s1 =	sadd.s32 $0x20, s9;
	v18 =	vadd.s32 v2, v9;
	v17 =	vld [tilespmem:s17+$0x0]  }
0x2cd: {  	v20 =	vld [tilespmem:s22+$0x16800];
	s23 =	sor.u32 $0x200, s1  }
0x2ce: {  	s26 =	simm.s32 $0x200;
	s12 =	simm.s32 $0x40;
	v21 =	vld [tilespmem:s23+$0x16800]  }
0x2cf: {  	s7 =	sand.u32 $0xC00, s26;
	s5 =	sand.u32 $0x40, s12;
	[tilespmem:v13+s6+$0x0] =	vst.idx.add.f32.msk $0xffff, v14  }
0x2d0: {  	s2 =	sadd.s32 $0x1A800, s7;
	s8 =	sor.u32 $0x30, s5;
	[tilespmem:v16+s6+$0x0] =	vst.idx.add.f32.msk $0xffff, v15  }
0x2d1: {  	s20 =	sor.u32 s8, s2;
	v16 =	vshll.u32 v19, $0x4;
	[tilespmem:v18+s6+$0x0] =	vst.idx.add.f32.msk $0xffff, v17  }
0x2d2: {  	s19 =	sor.u32 s13, s31;
	v17 =	vld [tilespmem:s20+$0x0];
	v18 =	vor.u32 v1, v16  }
0x2d3: {  	s4 =	sor.u32 s11, s31;
	v13 =	vld [tilespmem:s19+$0x0]  }
0x2d4: {  	s21 =	sor.u32 s0, s31;
	v14 =	vld [tilespmem:s4+$0x0];
	s4 =	sor.u32 $0x20, s5  }
0x2d5: {  	v19 =	vadd.s32 v3, v10;
	v15 =	vld [tilespmem:s21+$0x0];
	s31 =	sor.u32 s4, s2  }
0x2d6: {  	s24 =	sadd.s32 $0x1AA00, s7;
	v21 =	vshll.u32 v21, $0x4;
	v24 =	vld [tilespmem:s31+$0x0]  }
0x2d7: {  	s25 =	sor.u32 s8, s24;
	v25 =	vor.u32 v1, v21;
	s19 =	sor.u32 $0x10, s5;
	[tilespmem:v18+s6+$0x0] =	vst.idx.add.f32.msk $0xffff, v17  }
0x2d8: {  	s30 =	sor.u32 s19, s2;
	s2 =	sor.u32 s5, s2;
	v18 =	vadd.s32 v2, v16;
	v17 =	vld [tilespmem:s25+$0x0]  }
0x2d9: {  	v22 =	vshll.u32 v22, $0x4;
	v26 =	vld [tilespmem:s2+$0x0]  }
0x2da: {  	v27 =	vor.u32 v1, v22;
	[tilespmem:v19+s6+$0x0] =	vst.idx.add.f32.msk $0xffff, v13  }
0x2db: {  	v19 =	vshll.u32 v20, $0x4;
	v20 =	vld [tilespmem:s30+$0x0]  }
0x2dc: {  	s16 =	sadd.s32 $0x1B800, s7;
	v23 =	vor.u32 v1, v19;
	[tilespmem:v25+s6+$0x0] =	vst.idx.add.f32.msk $0xffff, v24  }
0x2dd: {  	s18 =	sor.u32 s8, s16;
	[tilespmem:v18+s6+$0x0] =	vst.idx.add.f32.msk $0xffff, v17  }
0x2de: {  	v18 =	vadd.s32 v3, v16;
	v17 =	vld [tilespmem:s18+$0x0]  }
0x2df: {  	s23 =	sor.u32 s4, s24;
	[tilespmem:v27+s6+$0x0] =	vst.idx.add.f32.msk $0xffff, v26  }
0x2e0: {  	v40 =	vadd.s32 v2, v21;
	v24 =	vld [tilespmem:s23+$0x0]  }
0x2e1: {  	s22 =	sor.u32 s19, s24;
	[tilespmem:v23+s6+$0x0] =	vst.idx.add.f32.msk $0xffff, v20  }
0x2e2: {  	s20 =	sadd.s32 $0x1BA00, s7;
	v23 =	vadd.s32 v2, v19;
	v20 =	vld [tilespmem:s22+$0x0]  }
0x2e3: {  	s21 =	sor.u32 s8, s20;
	[tilespmem:v18+s6+$0x0] =	vst.idx.add.f32.msk $0xffff, v17  }
0x2e4: {  	v18 =	vadd.s32 v4, v16;
	v17 =	vld [tilespmem:s21+$0x0]  }
0x2e5: {  	s30 =	sor.u32 s4, s16;
	[tilespmem:v40+s6+$0x0] =	vst.idx.add.f32.msk $0xffff, v24;
	v16 =	vadd.s32 v5, v16  }
0x2e6: {  	v24 =	vld [tilespmem:s30+$0x0]  }
0x2e7: {  	s24 =	sor.u32 s5, s24;
	[tilespmem:v23+s6+$0x0] =	vst.idx.add.f32.msk $0xffff, v20;
	v23 =	vadd.s32 v3, v21  }
0x2e8: {  	v39 =	vld [tilespmem:s24+$0x0]  }
0x2e9: {  	[tilespmem:v18+s6+$0x0] =	vst.idx.add.f32.msk $0xffff, v17  }
0x2ea: {  	s25 =	sor.u32 $0x280, s10;
	[tilespmem:v16+s6+$0x0] =	vst.idx.add.f32.msk $0xffff, v6  }
0x2eb: {  	v16 =	vadd.s32 v2, v22;
	v17 =	vld [tilespmem:s25+$0x16800]  }
0x2ec: {  	s18 =	sor.u32 s4, s20;
	[tilespmem:v23+s6+$0x0] =	vst.idx.add.f32.msk $0xffff, v24  }
0x2ed: {  	s13 =	sor.u32 s13, s15;
	v44 =	vadd.s32 v4, v21;
	v24 =	vld [tilespmem:s18+$0x0]  }
0x2ee: {  	s29 =	sor.u32 s19, s16;
	v13 =	vld [tilespmem:s13+$0x0]  }
0x2ef: {  	s14 =	sadd.s32 $0x1A880, s7;
	v20 =	vadd.s32 v3, v19;
	v18 =	vld [tilespmem:s29+$0x0]  }
0x2f0: {  	s31 =	sor.u32 s8, s14;
	[tilespmem:v16+s6+$0x0] =	vst.idx.add.f32.msk $0xffff, v39;
	v16 =	vshll.u32 v17, $0x4  }
0x2f1: {  	v17 =	vld [tilespmem:s31+$0x0];
	v41 =	vor.u32 v1, v16  }
0x2f2: {  	s16 =	sor.u32 s5, s16;
	[tilespmem:v44+s6+$0x0] =	vst.idx.add.f32.msk $0xffff, v24  }
0x2f3: {  	v43 =	vadd.s32 v3, v22;
	v42 =	vld [tilespmem:s16+$0x0]  }
0x2f4: {  	[tilespmem:v20+s6+$0x0] =	vst.idx.add.f32.msk $0xffff, v18;
	s16 =	sor.u32 s19, s20  }
0x2f5: {  	s13 =	sadd.s32 $0x1AA80, s7;
	v20 =	vadd.s32 v4, v19;
	v18 =	vld [tilespmem:s16+$0x0]  }
0x2f6: {  	s17 =	sor.u32 s8, s13;
	v19 =	vadd.s32 v5, v19;
	[tilespmem:v41+s6+$0x0] =	vst.idx.add.f32.msk $0xffff, v17  }
0x2f7: {  	v23 =	vadd.s32 v2, v16;
	v17 =	vld [tilespmem:s17+$0x0]  }
0x2f8: {  	s2 =	sor.u32 s5, s20;
	[tilespmem:v43+s6+$0x0] =	vst.idx.add.f32.msk $0xffff, v42  }
0x2f9: {  	v21 =	vadd.s32 v5, v21;
	v26 =	vld [tilespmem:s2+$0x0]  }
0x2fa: {  	[tilespmem:v20+s6+$0x0] =	vst.idx.add.f32.msk $0xffff, v18  }
0x2fb: {  	s16 =	sadd.s32 $0x1B880, s7;
	[tilespmem:v19+s6+$0x0] =	vst.idx.add.f32.msk $0xffff, v6;
	v19 =	vadd.s32 v4, v22  }
0x2fc: {  	s20 =	sor.u32 s8, s16;
	v20 =	vadd.s32 v5, v22;
	[tilespmem:v23+s6+$0x0] =	vst.idx.add.f32.msk $0xffff, v17  }
0x2fd: {  	v18 =	vadd.s32 v3, v16;
	v17 =	vld [tilespmem:s20+$0x0]  }
0x2fe: {  	s21 =	sor.u32 $0x280, s3;
	[tilespmem:v21+s6+$0x0] =	vst.idx.add.f32.msk $0xffff, v6  }
0x2ff: {  	v21 =	vld [tilespmem:s21+$0x16800]  }
0x300: {  	[tilespmem:v19+s6+$0x0] =	vst.idx.add.f32.msk $0xffff, v26  }
0x301: {  	s2 =	sadd.s32 $0x1BA80, s7;
	[tilespmem:v20+s6+$0x0] =	vst.idx.add.f32.msk $0xffff, v6  }
0x302: {  	s22 =	sor.u32 s8, s2;
	[tilespmem:v18+s6+$0x0] =	vst.idx.add.f32.msk $0xffff, v17  }
0x303: {  	s24 =	sor.u32 $0x280, s9;
	v18 =	vadd.s32 v4, v16;
	v17 =	vld [tilespmem:s22+$0x0]  }
0x304: {  	v20 =	vld [tilespmem:s24+$0x16800];
	v16 =	vadd.s32 v5, v16  }
0x305: {  	s29 =	sor.u32 s19, s14  }
0x306: {  	s23 =	sor.u32 $0x280, s1;
	v22 =	vld [tilespmem:s29+$0x0]  }
0x307: {  	v19 =	vld [tilespmem:s23+$0x16800];
	v21 =	vshll.u32 v21, $0x4  }
0x308: {  	v47 =	vor.u32 v1, v21;
	[tilespmem:v18+s6+$0x0] =	vst.idx.add.f32.msk $0xffff, v17  }
0x309: {  	s18 =	sor.u32 s5, s14;
	v20 =	vshll.u32 v20, $0x4;
	[tilespmem:v16+s6+$0x0] =	vst.idx.add.f32.msk $0xffff, v6;
	v16 =	vadd.s32 v3, v11  }
0x30a: {  	s25 =	sor.u32 $0x300, s10;
	v45 =	vld [tilespmem:s18+$0x0];
	v48 =	vor.u32 v1, v20  }
0x30b: {  	s30 =	sor.u32 s4, s14;
	v17 =	vld [tilespmem:s25+$0x16800]  }
0x30c: {  	v23 =	vld [tilespmem:s30+$0x0];
	v18 =	vadd.s32 v3, v9  }
0x30d: {  	v19 =	vshll.u32 v19, $0x4;
	[tilespmem:v47+s6+$0x0] =	vst.idx.add.f32.msk $0xffff, v22  }
0x30e: {  	s14 =	sadd.s32 $0x1A900, s7;
	[tilespmem:v16+s6+$0x0] =	vst.idx.add.f32.msk $0xffff, v15;
	v16 =	vor.u32 v1, v19  }
0x30f: {  	s31 =	sor.u32 s8, s14;
	[tilespmem:v48+s6+$0x0] =	vst.idx.add.f32.msk $0xffff, v45  }
0x310: {  	v46 =	vld [tilespmem:s31+$0x0];
	v17 =	vshll.u32 v17, $0x4  }
0x311: {  	s11 =	sor.u32 s11, s15;
	[tilespmem:v18+s6+$0x0] =	vst.idx.add.f32.msk $0xffff, v14;
	v18 =	vor.u32 v1, v17  }
0x312: {  	v14 =	vld [tilespmem:s11+$0x0]  }
0x313: {  	s20 =	sor.u32 s19, s13;
	[tilespmem:v16+s6+$0x0] =	vst.idx.add.f32.msk $0xffff, v23  }
0x314: {  	s21 =	sor.u32 s4, s13;
	v22 =	vadd.s32 v2, v21;
	v23 =	vld [tilespmem:s20+$0x0]  }
0x315: {  	v49 =	vadd.s32 v2, v19;
	s11 =	sadd.s32 $0x1AB00, s7;
	v50 =	vld [tilespmem:s21+$0x0]  }
0x316: {  	s18 =	sor.u32 s8, s11;
	[tilespmem:v18+s6+$0x0] =	vst.idx.add.f32.msk $0xffff, v46  }
0x317: {  	s22 =	sor.u32 s5, s13;
	v18 =	vadd.s32 v2, v17;
	v16 =	vld [tilespmem:s18+$0x0]  }
0x318: {  	v51 =	vld [tilespmem:s22+$0x0]  }
0x319: {  	[tilespmem:v22+s6+$0x0] =	vst.idx.add.f32.msk $0xffff, v23  }
0x31a: {  	s24 =	sor.u32 s19, s16;
	v22 =	vadd.s32 v2, v20;
	[tilespmem:v49+s6+$0x0] =	vst.idx.add.f32.msk $0xffff, v50  }
0x31b: {  	s0 =	sor.u32 s0, s15;
	s15 =	sadd.s32 $0x1B900, s7;
	v23 =	vld [tilespmem:s24+$0x0]  }
0x31c: {  	s23 =	sor.u32 s8, s15;
	v52 =	vadd.s32 v3, v21;
	[tilespmem:v18+s6+$0x0] =	vst.idx.add.f32.msk $0xffff, v16  }
0x31d: {  	s25 =	sor.u32 s4, s16;
	v18 =	vadd.s32 v3, v17;
	v16 =	vld [tilespmem:s23+$0x0]  }
0x31e: {  	v25 =	vld [tilespmem:s25+$0x0]  }
0x31f: {  	s30 =	sor.u32 s5, s16;
	[tilespmem:v22+s6+$0x0] =	vst.idx.add.f32.msk $0xffff, v51  }
0x320: {  	v53 =	vadd.s32 v3, v19;
	v22 =	vld [tilespmem:s30+$0x0]  }
0x321: {  	s13 =	sadd.s32 $0x1BB00, s7;
	[tilespmem:v52+s6+$0x0] =	vst.idx.add.f32.msk $0xffff, v23  }
0x322: {  	s29 =	sor.u32 s8, s13;
	v23 =	vadd.s32 v3, v20;
	[tilespmem:v18+s6+$0x0] =	vst.idx.add.f32.msk $0xffff, v16  }
0x323: {  	v18 =	vadd.s32 v4, v17;
	v16 =	vld [tilespmem:s29+$0x0]  }
0x324: {  	v15 =	vld [tilespmem:s0+$0x0];
	v17 =	vadd.s32 v5, v17  }
0x325: {  	s31 =	sor.u32 s19, s2;
	[tilespmem:v53+s6+$0x0] =	vst.idx.add.f32.msk $0xffff, v25  }
0x326: {  	v24 =	vld [tilespmem:s31+$0x0]  }
0x327: {  	[tilespmem:v23+s6+$0x0] =	vst.idx.add.f32.msk $0xffff, v22  }
0x328: {  	[tilespmem:v18+s6+$0x0] =	vst.idx.add.f32.msk $0xffff, v16;
	v16 =	vadd.s32 v4, v21  }
0x329: {  	s17 =	sor.u32 s4, s2;
	[tilespmem:v17+s6+$0x0] =	vst.idx.add.f32.msk $0xffff, v6;
	v17 =	vadd.s32 v5, v21  }
0x32a: {  	s2 =	sor.u32 s5, s2;
	v22 =	vld [tilespmem:s17+$0x0];
	v21 =	vadd.s32 v4, v19  }
0x32b: {  	s16 =	sor.u32 $0x380, s10;
	v23 =	vld [tilespmem:s2+$0x0]  }
0x32c: {  	v19 =	vadd.s32 v5, v19;
	v18 =	vld [tilespmem:s16+$0x16800]  }
0x32d: {  	[tilespmem:v16+s6+$0x0] =	vst.idx.add.f32.msk $0xffff, v24  }
0x32e: {  	s2 =	sadd.s32 $0x1A980, s7;
	[tilespmem:v17+s6+$0x0] =	vst.idx.add.f32.msk $0xffff, v6  }
0x32f: {  	s18 =	sor.u32 s8, s2;
	[tilespmem:v21+s6+$0x0] =	vst.idx.add.f32.msk $0xffff, v22;
	v21 =	vadd.s32 v4, v20  }
0x330: {  	v17 =	vld [tilespmem:s18+$0x0]  }
0x331: {  	s20 =	sor.u32 $0x300, s3;
	v16 =	vshll.u32 v18, $0x4;
	[tilespmem:v19+s6+$0x0] =	vst.idx.add.f32.msk $0xffff, v6;
	v19 =	vadd.s32 v5, v20  }
0x332: {  	s21 =	sor.u32 $0x300, s1;
	v20 =	vld [tilespmem:s20+$0x16800];
	v18 =	vor.u32 v1, v16  }
0x333: {  	v22 =	vld [tilespmem:s21+$0x16800]  }
0x334: {  	s23 =	sor.u32 s19, s14;
	[tilespmem:v21+s6+$0x0] =	vst.idx.add.f32.msk $0xffff, v23  }
0x335: {  	v21 =	vld [tilespmem:s23+$0x0]  }
0x336: {  	[tilespmem:v19+s6+$0x0] =	vst.idx.add.f32.msk $0xffff, v6  }
0x337: {  	s9 =	sor.u32 $0x300, s9;
	s0 =	sadd.s32 $0x1AB80, s7;
	v20 =	vshll.u32 v20, $0x4;
	[tilespmem:v18+s6+$0x0] =	vst.idx.add.f32.msk $0xffff, v17  }
0x338: {  	s22 =	sor.u32 s8, s0;
	v19 =	vld [tilespmem:s9+$0x16800];
	v23 =	vor.u32 v1, v20  }
0x339: {  	v18 =	vadd.s32 v2, v16;
	v17 =	vld [tilespmem:s22+$0x0]  }
0x33a: {  	s24 =	sor.u32 s4, s14  }
0x33b: {  	s25 =	sor.u32 s5, s14;
	v54 =	vld [tilespmem:s24+$0x0];
	v22 =	vshll.u32 v22, $0x4  }
0x33c: {  	v55 =	vld [tilespmem:s25+$0x0];
	v56 =	vor.u32 v1, v22  }
0x33d: {  	v19 =	vshll.u32 v19, $0x4;
	[tilespmem:v23+s6+$0x0] =	vst.idx.add.f32.msk $0xffff, v21  }
0x33e: {  	s30 =	sor.u32 s19, s11;
	s9 =	sadd.s32 $0x1B980, s7;
	[tilespmem:v18+s6+$0x0] =	vst.idx.add.f32.msk $0xffff, v17;
	v21 =	vor.u32 v1, v19  }
0x33f: {  	v57 =	vadd.s32 v2, v20;
	s29 =	sor.u32 s8, s9;
	v23 =	vld [tilespmem:s30+$0x0]  }
0x340: {  	v18 =	vadd.s32 v3, v16;
	v17 =	vld [tilespmem:s29+$0x0]  }
0x341: {  	s31 =	sor.u32 s4, s11;
	[tilespmem:v56+s6+$0x0] =	vst.idx.add.f32.msk $0xffff, v54  }
0x342: {  	v24 =	vld [tilespmem:s31+$0x0]  }
0x343: {  	[tilespmem:v21+s6+$0x0] =	vst.idx.add.f32.msk $0xffff, v55  }
0x344: {  	[tilespmem:v57+s6+$0x0] =	vst.idx.add.f32.msk $0xffff, v23  }
0x345: {  	s11 =	sor.u32 s5, s11;
	[tilespmem:v18+s6+$0x0] =	vst.idx.add.f32.msk $0xffff, v17;
	v18 =	vadd.s32 v2, v22  }
0x346: {  	s14 =	sor.u32 s19, s15;
	v21 =	vadd.s32 v2, v19;
	v25 =	vld [tilespmem:s11+$0x0]  }
0x347: {  	s7 =	sadd.s32 $0x1BB80, s7;
	v23 =	vadd.s32 v3, v20;
	v26 =	vld [tilespmem:s14+$0x0]  }
0x348: {  	s8 =	sor.u32 s8, s7  }
0x349: {  	v17 =	vld [tilespmem:s8+$0x0]  }
0x34a: {  	[tilespmem:v18+s6+$0x0] =	vst.idx.add.f32.msk $0xffff, v24  }
0x34b: {  	v63 =	vadd.s32 v4, v9;
	[tilespmem:v21+s6+$0x0] =	vst.idx.add.f32.msk $0xffff, v25  }
0x34c: {  	s16 =	sor.u32 s4, s15;
	v60 =	vadd.s32 v4, v16;
	[tilespmem:v23+s6+$0x0] =	vst.idx.add.f32.msk $0xffff, v26  }
0x34d: {  	s17 =	sor.u32 s5, s15;
	v58 =	vadd.s32 v3, v22;
	v18 =	vld [tilespmem:s16+$0x0]  }
0x34e: {  	s18 =	sor.u32 s19, s13;
	v21 =	vadd.s32 v3, v19;
	v25 =	vld [tilespmem:s17+$0x0]  }
0x34f: {  	v23 =	vadd.s32 v4, v20;
	v26 =	vld [tilespmem:s18+$0x0]  }
0x350: {  	[tilespmem:v63+s6+$0x0] =	vst.idx.add.f32.msk $0xffff, v14  }
0x351: {  	[tilespmem:v60+s6+$0x0] =	vst.idx.add.f32.msk $0xffff, v17  }
0x352: {  	v16 =	vadd.s32 v5, v16;
	[tilespmem:v58+s6+$0x0] =	vst.idx.add.f32.msk $0xffff, v18  }
0x353: {  	v20 =	vadd.s32 v5, v20;
	[tilespmem:v21+s6+$0x0] =	vst.idx.add.f32.msk $0xffff, v25  }
0x354: {  	s20 =	sor.u32 s4, s13;
	[tilespmem:v23+s6+$0x0] =	vst.idx.add.f32.msk $0xffff, v26  }
0x355: {  	s21 =	sor.u32 s5, s13;
	v59 =	vadd.s32 v4, v22;
	v18 =	vld [tilespmem:s20+$0x0]  }
0x356: {  	v23 =	vadd.s32 v4, v19;
	v21 =	vld [tilespmem:s21+$0x0]  }
0x357: {  	v22 =	vadd.s32 v5, v22;
	[tilespmem:v16+s6+$0x0] =	vst.idx.add.f32.msk $0xffff, v6  }
0x358: {  	s3 =	sor.u32 $0x380, s3;
	[tilespmem:v20+s6+$0x0] =	vst.idx.add.f32.msk $0xffff, v6  }
0x359: {  	v19 =	vadd.s32 v5, v19;
	v20 =	vld [tilespmem:s3+$0x16800]  }
0x35a: {  	[tilespmem:v59+s6+$0x0] =	vst.idx.add.f32.msk $0xffff, v18  }
0x35b: {  	[tilespmem:v23+s6+$0x0] =	vst.idx.add.f32.msk $0xffff, v21  }
0x35c: {  	s23 =	sor.u32 s19, s2;
	[tilespmem:v22+s6+$0x0] =	vst.idx.add.f32.msk $0xffff, v6;
	v22 =	vadd.s32 v4, v8  }
0x35d: {  	v23 =	vld [tilespmem:s23+$0x0];
	v8 =	vadd.s32 v5, v8  }
0x35e: {  	s1 =	sor.u32 $0x380, s1;
	s22 =	sor.u32 s26, s12;
	[tilespmem:v19+s6+$0x0] =	vst.idx.add.f32.msk $0xffff, v6;
	v19 =	vadd.s32 v4, v10  }
0x35f: {  	v18 =	vld [tilespmem:s1+$0x16800];
	s1 =	sor.u32 $0x380, s22  }
0x360: {  	v10 =	vadd.s32 v5, v10;
	v21 =	vld [tilespmem:s1+$0x16800]  }
0x361: {  	[tilespmem:v22+s6+$0x0] =	vst.idx.add.f32.msk $0xffff, v12  }
0x362: {  	v12 =	vshll.u32 v20, $0x4;
	[tilespmem:v8+s6+$0x0] =	vst.idx.add.f32.msk $0xffff, v6;
	v8 =	vadd.s32 v4, v11  }
0x363: {  	s24 =	sor.u32 s4, s2;
	[tilespmem:v19+s6+$0x0] =	vst.idx.add.f32.msk $0xffff, v13;
	v13 =	vor.u32 v1, v12  }
0x364: {  	v61 =	vld [tilespmem:s24+$0x0];
	v11 =	vadd.s32 v5, v11  }
0x365: {  	s25 =	sor.u32 s5, s2;
	[tilespmem:v10+s6+$0x0] =	vst.idx.add.f32.msk $0xffff, v6;
	v62 =	vshll.u32 v18, $0x4  }
0x366: {  	v10 =	vld [tilespmem:s25+$0x0];
	v16 =	vor.u32 v1, v62  }
0x367: {  	v21 =	vshll.u32 v21, $0x4;
	[tilespmem:v8+s6+$0x0] =	vst.idx.add.f32.msk $0xffff, v15  }
0x368: {  	v8 =	vor.u32 v1, v21;
	[tilespmem:v13+s6+$0x0] =	vst.idx.add.f32.msk $0xffff, v23  }
0x369: {  	s29 =	sor.u32 s19, s0;
	[tilespmem:v11+s6+$0x0] =	vst.idx.add.f32.msk $0xffff, v6  }
0x36a: {  	v11 =	vadd.s32 v2, v12;
	v17 =	vld [tilespmem:s29+$0x0]  }
0x36b: {  	s30 =	sor.u32 s4, s0;
	[tilespmem:v16+s6+$0x0] =	vst.idx.add.f32.msk $0xffff, v61  }
0x36c: {  	v19 =	vadd.s32 v2, v62;
	v20 =	vadd.s32 v2, v21;
	v22 =	vld [tilespmem:s30+$0x0]  }
0x36d: {  	s0 =	sor.u32 s5, s0;
	v13 =	vadd.s32 v4, v12;
	v15 =	vadd.s32 v3, v21;
	[tilespmem:v8+s6+$0x0] =	vst.idx.add.f32.msk $0xffff, v10  }
0x36e: {  	p1 =	por !p1, !p1;
	s28 =	sor.u32 s4, s7;
	v16 =	vadd.s32 v3, v12;
	v12 =	vadd.s32 v5, v12;
	v8 =	vadd.s32 v5, v9;
	v23 =	vld [tilespmem:s0+$0x0]  }
0x36f: {  	s31 =	sor.u32 s19, s9;
	s11 =	simm.s32 $0x4;
	s8 =	sor.u32 s19, s7;
	v10 =	vadd.s32 v4, v62;
	v9 =	vadd.s32 v4, v21;
	[tilespmem:v11+s6+$0x0] =	vst.idx.add.f32.msk $0xffff, v17  }
0x370: {  	s3 =	sor.u32 s4, s9;
	s1 =	sor.u32 s5, s9;
	s5 =	sor.u32 s5, s7;
	v21 =	vadd.s32 v5, v21;
	v17 =	vadd.s32 v3, v62;
	v11 =	vadd.s32 v5, v62;
	v18 =	vld [tilespmem:s31+$0x0]  }
.LBB2_9:
0x371: {  	_ =	sdelay $0x1  }
0x372: {  	s0 =	simm.s32 $0x1  }
0x373: {  	[tilespmem:v8+s6+$0x0] =	vst.idx.add.f32.msk $0xffff, v6;
	s0 =	simm.s32 @!p1 $0x0  }
0x374: {  	s26 =	sadd.s32 $0x200, s26;
	s0 =	sshll.u32 s0, $0x6;
	[tilespmem:v19+s6+$0x0] =	vst.idx.add.f32.msk $0xffff, v22  }
0x375: {  	s0 =	sadd.s32 s0, s26;
	[tilespmem:v20+s6+$0x0] =	vst.idx.add.f32.msk $0xffff, v23  }
0x376: {  	s4 =	sadd.s32 $0x30, s0;
	v19 =	vld [tilespmem:s3+$0x0]  }
0x377: {  	s9 =	sor.u32 $0x200, s4;
	v14 =	vld [tilespmem:s1+$0x0]  }
0x378: {  	s2 =	sadd.s32 $0x10, s0;
	s23 =	sor.u32 $0x200, s0;
	v20 =	vld [tilespmem:s9+$0x16800]  }
0x379: {  	s7 =	sadd.s32 $0x20, s0;
	s22 =	sor.u32 $0x200, s2;
	v23 =	vld [tilespmem:s23+$0x16800]  }
0x37a: {  	v8 =	vmov v21;
	s12 =	sadd.s32 $0x40, s12;
	s13 =	sor.u32 $0x200, s7;
	v21 =	vld [tilespmem:s22+$0x16800]  }
0x37b: {  	s20 =	sand.u32 $0x40, s12;
	s21 =	sand.u32 $0xC00, s26;
	v22 =	vld [tilespmem:s13+$0x16800]  }
0x37c: {  	s24 =	sadd.s32 $0x1A800, s21;
	s22 =	sor.u32 $0x30, s20;
	[tilespmem:v16+s6+$0x0] =	vst.idx.add.f32.msk $0xffff, v18  }
0x37d: {  	s23 =	sor.u32 $0x10, s20;
	s14 =	sor.u32 s22, s24;
	[tilespmem:v17+s6+$0x0] =	vst.idx.add.f32.msk $0xffff, v19;
	v18 =	vshll.u32 v20, $0x4  }
0x37e: {  	s17 =	sor.u32 s23, s24;
	v19 =	vld [tilespmem:s14+$0x0];
	v20 =	vor.u32 v1, v18  }
0x37f: {  	s29 =	sor.u32 s20, s24;
	v26 =	vld [tilespmem:s17+$0x0];
	v23 =	vshll.u32 v23, $0x4  }
0x380: {  	s25 =	sor.u32 $0x20, s20;
	s10 =	sor.u32 $0x280, s7;
	v17 =	vshll.u32 v21, $0x4;
	v21 =	vld [tilespmem:s29+$0x0];
	v29 =	vor.u32 v1, v23  }
0x381: {  	s1 =	sor.u32 $0x300, s0;
	s9 =	sor.u32 $0x280, s0;
	s0 =	sor.u32 s25, s24;
	v16 =	vld [tilespmem:s8+$0x0];
	v22 =	vshll.u32 v22, $0x4;
	v24 =	vor.u32 v1, v17  }
0x382: {  	s3 =	sor.u32 $0x300, s7;
	s13 =	sor.u32 $0x380, s7;
	s7 =	sadd.s32 $0x1AA00, s21;
	v32 =	vld [tilespmem:s0+$0x0];
	v27 =	vor.u32 v1, v22  }
0x383: {  	s18 =	sor.u32 s22, s7;
	v28 =	vadd.s32 v2, v22;
	v35 =	vadd.s32 v3, v22;
	[tilespmem:v20+s6+$0x0] =	vst.idx.add.f32.msk $0xffff, v19  }
0x384: {  	v36 =	vadd.s32 v4, v22;
	v37 =	vadd.s32 v2, v18;
	v20 =	vadd.s32 v5, v22;
	v22 =	vld [tilespmem:s18+$0x0]  }
0x385: {  	[tilespmem:v29+s6+$0x0] =	vst.idx.add.f32.msk $0xffff, v21  }
0x386: {  	s14 =	sor.u32 s20, s7;
	[tilespmem:v24+s6+$0x0] =	vst.idx.add.f32.msk $0xffff, v26  }
0x387: {  	s16 =	sor.u32 s26, s12;
	s17 =	sor.u32 s23, s7;
	v51 =	vld [tilespmem:s14+$0x0]  }
0x388: {  	s30 =	sor.u32 $0x380, s16;
	s24 =	sadd.s32 $0x1B800, s21;
	v30 =	vadd.s32 v2, v23;
	v21 =	vld [tilespmem:s17+$0x0]  }
0x389: {  	[dreg:$0x8] =	wrdreg s30;
	s30 =	sor.u32 s22, s24;
	v25 =	vadd.s32 v2, v17;
	[tilespmem:v37+s6+$0x0] =	vst.idx.add.f32.msk $0xffff, v22  }
0x38a: {  	v49 =	vadd.s32 v3, v18;
	v22 =	vld [tilespmem:s30+$0x0]  }
0x38b: {  	s0 =	sor.u32 s25, s7;
	[tilespmem:v27+s6+$0x0] =	vst.idx.add.f32.msk $0xffff, v32  }
0x38c: {  	v50 =	vld [tilespmem:s0+$0x0]  }
0x38d: {  	[tilespmem:v30+s6+$0x0] =	vst.idx.add.f32.msk $0xffff, v51  }
0x38e: {  	s16 =	sadd.s32 $0x1BA00, s21;
	s8 =	sor.u32 s25, s24;
	[tilespmem:v25+s6+$0x0] =	vst.idx.add.f32.msk $0xffff, v21  }
0x38f: {  	s7 =	sor.u32 s20, s24;
	s29 =	sor.u32 s23, s24;
	s24 =	sor.u32 s22, s16;
	[tilespmem:v49+s6+$0x0] =	vst.idx.add.f32.msk $0xffff, v22  }
0x390: {  	v52 =	vadd.s32 v4, v18;
	v22 =	vld [tilespmem:s24+$0x0]  }
0x391: {  	v18 =	vadd.s32 v5, v18;
	[tilespmem:v28+s6+$0x0] =	vst.idx.add.f32.msk $0xffff, v50  }
0x392: {  	v54 =	vld [tilespmem:s7+$0x0]  }
0x393: {  	v33 =	vadd.s32 v3, v23;
	v21 =	vld [tilespmem:s29+$0x0]  }
0x394: {  	v31 =	vadd.s32 v3, v17;
	v53 =	vld [tilespmem:s8+$0x0]  }
0x395: {  	[tilespmem:v52+s6+$0x0] =	vst.idx.add.f32.msk $0xffff, v22  }
0x396: {  	s29 =	sor.u32 $0x280, s4;
	[tilespmem:v18+s6+$0x0] =	vst.idx.add.f32.msk $0xffff, v6  }
0x397: {  	v18 =	vld [tilespmem:s29+$0x16800]  }
0x398: {  	[tilespmem:v33+s6+$0x0] =	vst.idx.add.f32.msk $0xffff, v54  }
0x399: {  	s17 =	sor.u32 s20, s16;
	[tilespmem:v31+s6+$0x0] =	vst.idx.add.f32.msk $0xffff, v21  }
0x39a: {  	v19 =	vadd.s32 v4, v23;
	v26 =	vld [tilespmem:s17+$0x0]  }
0x39b: {  	s18 =	sor.u32 s23, s16;
	s30 =	sadd.s32 $0x1A880, s21;
	[tilespmem:v35+s6+$0x0] =	vst.idx.add.f32.msk $0xffff, v53  }
0x39c: {  	v34 =	vadd.s32 v4, v17;
	s8 =	sor.u32 s22, s30;
	v21 =	vld [tilespmem:s18+$0x0];
	v18 =	vshll.u32 v18, $0x4  }
0x39d: {  	v24 =	vld [tilespmem:s8+$0x0];
	v55 =	vor.u32 v1, v18  }
0x39e: {  	[tilespmem:v15+s6+$0x0] =	vst.idx.add.f32.msk $0xffff, v14  }
0x39f: {  	v23 =	vadd.s32 v5, v23;
	s0 =	sor.u32 s25, s16;
	[tilespmem:v19+s6+$0x0] =	vst.idx.add.f32.msk $0xffff, v26  }
0x3a0: {  	v17 =	vadd.s32 v5, v17;
	v22 =	vld [tilespmem:s0+$0x0]  }
0x3a1: {  	s14 =	sadd.s32 $0x1AA80, s21;
	[tilespmem:v34+s6+$0x0] =	vst.idx.add.f32.msk $0xffff, v21  }
0x3a2: {  	s16 =	sor.u32 s22, s14;
	[tilespmem:v55+s6+$0x0] =	vst.idx.add.f32.msk $0xffff, v24  }
0x3a3: {  	v15 =	vadd.s32 v2, v18;
	v14 =	vld [tilespmem:s16+$0x0]  }
0x3a4: {  	[tilespmem:v23+s6+$0x0] =	vst.idx.add.f32.msk $0xffff, v6  }
0x3a5: {  	s15 =	sor.u32 $0x280, s2;
	[tilespmem:v17+s6+$0x0] =	vst.idx.add.f32.msk $0xffff, v6  }
0x3a6: {  	s29 =	sor.u32 s23, s30;
	v17 =	vld [tilespmem:s15+$0x16800]  }
0x3a7: {  	s17 =	sadd.s32 $0x1B880, s21;
	v21 =	vld [tilespmem:s29+$0x0]  }
0x3a8: {  	s31 =	sor.u32 $0x300, s2;
	s19 =	sor.u32 $0x380, s2;
	s2 =	sor.u32 s22, s17;
	[tilespmem:v15+s6+$0x0] =	vst.idx.add.f32.msk $0xffff, v14  }
0x3a9: {  	v15 =	vadd.s32 v3, v18;
	v14 =	vld [tilespmem:s2+$0x0]  }
0x3aa: {  	[tilespmem:v36+s6+$0x0] =	vst.idx.add.f32.msk $0xffff, v22  }
0x3ab: {  	[tilespmem:v20+s6+$0x0] =	vst.idx.add.f32.msk $0xffff, v6  }
0x3ac: {  	v20 =	vld [tilespmem:s9+$0x16800];
	v17 =	vshll.u32 v17, $0x4  }
0x3ad: {  	s9 =	sadd.s32 $0x1BA80, s21;
	v19 =	vld [tilespmem:s10+$0x16800];
	v56 =	vor.u32 v1, v17  }
0x3ae: {  	s10 =	sor.u32 s22, s9;
	[tilespmem:v15+s6+$0x0] =	vst.idx.add.f32.msk $0xffff, v14  }
0x3af: {  	s24 =	sor.u32 s20, s30;
	v23 =	vadd.s32 v4, v18;
	v22 =	vld [tilespmem:s10+$0x0]  }
0x3b0: {  	v26 =	vld [tilespmem:s24+$0x0];
	s30 =	sor.u32 s25, s30;
	v18 =	vadd.s32 v5, v18  }
0x3b1: {  	v57 =	vld [tilespmem:s30+$0x0]  }
0x3b2: {  	s7 =	sor.u32 s23, s14;
	[tilespmem:v56+s6+$0x0] =	vst.idx.add.f32.msk $0xffff, v21  }
0x3b3: {  	v58 =	vadd.s32 v2, v17;
	v21 =	vld [tilespmem:s7+$0x0]  }
0x3b4: {  	[tilespmem:v23+s6+$0x0] =	vst.idx.add.f32.msk $0xffff, v22  }
0x3b5: {  	s24 =	sor.u32 $0x300, s4;
	[tilespmem:v18+s6+$0x0] =	vst.idx.add.f32.msk $0xffff, v6  }
0x3b6: {  	v23 =	vld [tilespmem:s24+$0x16800]  }
0x3b7: {  	v19 =	vshll.u32 v19, $0x4;
	[tilespmem:v13+s6+$0x0] =	vst.idx.add.f32.msk $0xffff, v16  }
0x3b8: {  	v20 =	vshll.u32 v20, $0x4;
	v59 =	vor.u32 v1, v19;
	s16 =	sor.u32 s23, s17;
	[tilespmem:v58+s6+$0x0] =	vst.idx.add.f32.msk $0xffff, v21  }
0x3b9: {  	v60 =	vor.u32 v1, v20;
	v21 =	vld [tilespmem:s16+$0x0]  }
0x3ba: {  	s29 =	sadd.s32 $0x1A900, s21;
	v15 =	vld [tilespmem:s28+$0x0]  }
0x3bb: {  	s30 =	sor.u32 s22, s29;
	v14 =	vld [tilespmem:s5+$0x0];
	v23 =	vshll.u32 v23, $0x4  }
0x3bc: {  	v40 =	vld [tilespmem:s30+$0x0];
	v41 =	vor.u32 v1, v23  }
0x3bd: {  	[tilespmem:v59+s6+$0x0] =	vst.idx.add.f32.msk $0xffff, v57  }
0x3be: {  	s18 =	sor.u32 s25, s14;
	v36 =	vadd.s32 v3, v17;
	[tilespmem:v60+s6+$0x0] =	vst.idx.add.f32.msk $0xffff, v26  }
0x3bf: {  	s8 =	sor.u32 s20, s14;
	v39 =	vld [tilespmem:s18+$0x0]  }
0x3c0: {  	v62 =	vadd.s32 v2, v19;
	v42 =	vld [tilespmem:s8+$0x0];
	s10 =	sadd.s32 $0x1AB00, s21  }
0x3c1: {  	v61 =	vadd.s32 v2, v20;
	s18 =	sor.u32 s22, s10;
	[tilespmem:v41+s6+$0x0] =	vst.idx.add.f32.msk $0xffff, v40  }
0x3c2: {  	v16 =	vadd.s32 v2, v23;
	v13 =	vld [tilespmem:s18+$0x0]  }
0x3c3: {  	s15 =	sor.u32 s23, s9;
	[tilespmem:v36+s6+$0x0] =	vst.idx.add.f32.msk $0xffff, v21  }
0x3c4: {  	v38 =	vadd.s32 v4, v17;
	v21 =	vld [tilespmem:s15+$0x0]  }
0x3c5: {  	[tilespmem:v62+s6+$0x0] =	vst.idx.add.f32.msk $0xffff, v39  }
0x3c6: {  	[tilespmem:v61+s6+$0x0] =	vst.idx.add.f32.msk $0xffff, v42;
	s24 =	sadd.s32 $0x1B900, s21  }
0x3c7: {  	v17 =	vadd.s32 v5, v17;
	s30 =	sor.u32 s22, s24;
	[tilespmem:v16+s6+$0x0] =	vst.idx.add.f32.msk $0xffff, v13  }
0x3c8: {  	v16 =	vadd.s32 v3, v23;
	v13 =	vld [tilespmem:s30+$0x0]  }
0x3c9: {  	s14 =	sor.u32 s20, s17;
	s17 =	sor.u32 s25, s17;
	[tilespmem:v38+s6+$0x0] =	vst.idx.add.f32.msk $0xffff, v21  }
0x3ca: {  	s0 =	sor.u32 s20, s9;
	v37 =	vadd.s32 v3, v19;
	v24 =	vld [tilespmem:s17+$0x0]  }
0x3cb: {  	v63 =	vadd.s32 v3, v20;
	s2 =	sor.u32 s25, s9;
	s9 =	sor.u32 s20, s10;
	s5 =	sor.u32 s23, s10;
	v43 =	vld [tilespmem:s14+$0x0]  }
0x3cc: {  	s8 =	sor.u32 s25, s10;
	s17 =	sadd.s32 $0x1BB00, s21;
	[tilespmem:v17+s6+$0x0] =	vst.idx.add.f32.msk $0xffff, v6;
	s10 =	sor.u32 s20, s24  }
0x3cd: {  	s16 =	sor.u32 s25, s24;
	s18 =	sor.u32 s23, s24;
	s24 =	sor.u32 s22, s17;
	[tilespmem:v16+s6+$0x0] =	vst.idx.add.f32.msk $0xffff, v13  }
0x3ce: {  	v16 =	vadd.s32 v4, v23;
	v13 =	vld [tilespmem:s24+$0x0]  }
0x3cf: {  	[tilespmem:v37+s6+$0x0] =	vst.idx.add.f32.msk $0xffff, v24;
	v23 =	vadd.s32 v5, v23  }
0x3d0: {  	[tilespmem:v63+s6+$0x0] =	vst.idx.add.f32.msk $0xffff, v43  }
0x3d1: {  	v22 =	vadd.s32 v4, v19;
	v24 =	vld [tilespmem:s2+$0x0]  }
0x3d2: {  	v18 =	vadd.s32 v4, v20;
	v25 =	vld [tilespmem:s0+$0x0]  }
0x3d3: {  	v20 =	vadd.s32 v5, v20;
	[tilespmem:v16+s6+$0x0] =	vst.idx.add.f32.msk $0xffff, v13  }
0x3d4: {  	s24 =	sor.u32 $0x380, s4;
	[tilespmem:v23+s6+$0x0] =	vst.idx.add.f32.msk $0xffff, v6  }
0x3d5: {  	v19 =	vadd.s32 v5, v19;
	v13 =	vld [tilespmem:s24+$0x16800]  }
0x3d6: {  	[tilespmem:v22+s6+$0x0] =	vst.idx.add.f32.msk $0xffff, v24  }
0x3d7: {  	[tilespmem:v18+s6+$0x0] =	vst.idx.add.f32.msk $0xffff, v25  }
0x3d8: {  	[tilespmem:v20+s6+$0x0] =	vst.idx.add.f32.msk $0xffff, v6  }
0x3d9: {  	s2 =	sadd.s32 $0x1A980, s21;
	v20 =	vld [tilespmem:s1+$0x16800]  }
0x3da: {  	[tilespmem:v19+s6+$0x0] =	vst.idx.add.f32.msk $0xffff, v6;
	s4 =	sor.u32 s22, s2;
	v13 =	vshll.u32 v13, $0x4  }
0x3db: {  	v17 =	vld [tilespmem:s4+$0x0];
	v18 =	vor.u32 v1, v13  }
0x3dc: {  	v19 =	vld [tilespmem:s3+$0x16800]  }
0x3dd: {  	s7 =	sor.u32 s23, s29;
	v16 =	vld [tilespmem:s31+$0x16800]  }
0x3de: {  	s28 =	sor.u32 s20, s29;
	v21 =	vld [tilespmem:s7+$0x0];
	v20 =	vshll.u32 v20, $0x4  }
0x3df: {  	s7 =	sadd.s32 $0x1AB80, s21;
	v46 =	vld [tilespmem:s28+$0x0];
	v49 =	vor.u32 v1, v20  }
0x3e0: {  	s14 =	sor.u32 s22, s7;
	[tilespmem:v18+s6+$0x0] =	vst.idx.add.f32.msk $0xffff, v17  }
0x3e1: {  	v45 =	vadd.s32 v2, v13;
	v18 =	vshll.u32 v19, $0x4;
	v19 =	vld [tilespmem:s14+$0x0]  }
0x3e2: {  	s29 =	sor.u32 s25, s29;
	v16 =	vshll.u32 v16, $0x4  }
0x3e3: {  	v22 =	vld [tilespmem:s29+$0x0];
	v23 =	vor.u32 v1, v16  }
0x3e4: {  	[tilespmem:v49+s6+$0x0] =	vst.idx.add.f32.msk $0xffff, v46;
	v47 =	vor.u32 v1, v18  }
0x3e5: {  	s29 =	sadd.s32 $0x1B980, s21;
	v57 =	vld [tilespmem:s9+$0x0]  }
0x3e6: {  	s28 =	sor.u32 s22, s29;
	[tilespmem:v45+s6+$0x0] =	vst.idx.add.f32.msk $0xffff, v19  }
0x3e7: {  	v54 =	vadd.s32 v3, v13;
	v19 =	vld [tilespmem:s28+$0x0]  }
0x3e8: {  	[tilespmem:v23+s6+$0x0] =	vst.idx.add.f32.msk $0xffff, v21  }
0x3e9: {  	v50 =	vadd.s32 v2, v20;
	[tilespmem:v47+s6+$0x0] =	vst.idx.add.f32.msk $0xffff, v22  }
0x3ea: {  	v44 =	vadd.s32 v2, v16;
	v22 =	vld [tilespmem:s5+$0x0]  }
0x3eb: {  	s21 =	sadd.s32 $0x1BB80, s21;
	s1 =	sor.u32 s20, s29;
	v48 =	vadd.s32 v2, v18;
	v55 =	vld [tilespmem:s8+$0x0]  }
0x3ec: {  	s3 =	sor.u32 s25, s29;
	s14 =	sor.u32 s23, s29;
	s29 =	sor.u32 s22, s21;
	[tilespmem:v54+s6+$0x0] =	vst.idx.add.f32.msk $0xffff, v19  }
0x3ed: {  	v56 =	vadd.s32 v4, v13;
	v19 =	vld [tilespmem:s29+$0x0]  }
0x3ee: {  	[tilespmem:v50+s6+$0x0] =	vst.idx.add.f32.msk $0xffff, v57  }
0x3ef: {  	v13 =	vadd.s32 v5, v13;
	[tilespmem:v44+s6+$0x0] =	vst.idx.add.f32.msk $0xffff, v22  }
0x3f0: {  	[tilespmem:v48+s6+$0x0] =	vst.idx.add.f32.msk $0xffff, v55  }
0x3f1: {  	v17 =	vadd.s32 v3, v16;
	v22 =	vld [tilespmem:s18+$0x0]  }
0x3f2: {  	[tilespmem:v56+s6+$0x0] =	vst.idx.add.f32.msk $0xffff, v19  }
0x3f3: {  	v19 =	vld [tilespmem:s10+$0x0]  }
0x3f4: {  	v52 =	vadd.s32 v3, v20;
	[tilespmem:v13+s6+$0x0] =	vst.idx.add.f32.msk $0xffff, v6  }
0x3f5: {  	v51 =	vadd.s32 v3, v18;
	v13 =	vld [tilespmem:s16+$0x0]  }
0x3f6: {  	s30 =	sor.u32 s23, s17;
	[tilespmem:v17+s6+$0x0] =	vst.idx.add.f32.msk $0xffff, v22  }
0x3f7: {  	v17 =	vld [tilespmem:s30+$0x0]  }
0x3f8: {  	v53 =	vadd.s32 v4, v16;
	[tilespmem:v12+s6+$0x0] =	vst.idx.add.f32.msk $0xffff, v6  }
0x3f9: {  	v16 =	vadd.s32 v5, v16;
	[tilespmem:v52+s6+$0x0] =	vst.idx.add.f32.msk $0xffff, v19  }
0x3fa: {  	s15 =	sor.u32 s20, s17;
	[tilespmem:v51+s6+$0x0] =	vst.idx.add.f32.msk $0xffff, v13  }
0x3fb: {  	s17 =	sor.u32 s25, s17;
	v23 =	vadd.s32 v4, v20;
	v13 =	vld [tilespmem:s15+$0x0]  }
0x3fc: {  	v21 =	vadd.s32 v4, v18;
	v12 =	vld [tilespmem:s17+$0x0]  }
0x3fd: {  	v20 =	vadd.s32 v5, v20;
	[tilespmem:v53+s6+$0x0] =	vst.idx.add.f32.msk $0xffff, v17  }
0x3fe: {  	v18 =	vadd.s32 v5, v18;
	[tilespmem:v16+s6+$0x0] =	vst.idx.add.f32.msk $0xffff, v6  }
0x3ff: {  	v16 =	vld [tilespmem:s19+$0x16800]  }
0x400: {  	[tilespmem:v23+s6+$0x0] =	vst.idx.add.f32.msk $0xffff, v13  }
0x401: {  	[tilespmem:v21+s6+$0x0] =	vst.idx.add.f32.msk $0xffff, v12  }
0x402: {  	[tilespmem:v20+s6+$0x0] =	vst.idx.add.f32.msk $0xffff, v6  }
0x403: {  	s30 =	rddreg [dreg:$0x8];
	[tilespmem:v18+s6+$0x0] =	vst.idx.add.f32.msk $0xffff, v6  }
0x404: {  	s31 =	sor.u32 s23, s2;
	v12 =	vshll.u32 v16, $0x4;
	v18 =	vld [tilespmem:s30+$0x16800]  }
0x405: {  	v22 =	vld [tilespmem:s31+$0x0];
	v21 =	vor.u32 v1, v12  }
0x406: {  	v17 =	vld [tilespmem:s13+$0x16800]  }
0x407: {  	s24 =	sor.u32 s20, s2  }
0x408: {  	v59 =	vld [tilespmem:s24+$0x0]  }
0x409: {  	[tilespmem:v9+s6+$0x0] =	vst.idx.add.f32.msk $0xffff, v14;
	v18 =	vshll.u32 v18, $0x4  }
0x40a: {  	s0 =	sor.u32 s25, s2;
	s2 =	sor.u32 s23, s7;
	[tilespmem:v21+s6+$0x0] =	vst.idx.add.f32.msk $0xffff, v22;
	v62 =	vor.u32 v1, v18  }
0x40b: {  	v58 =	vadd.s32 v2, v12;
	v60 =	vshll.u32 v17, $0x4;
	v63 =	vld [tilespmem:s2+$0x0]  }
0x40c: {  	v23 =	vld [tilespmem:s0+$0x0];
	v61 =	vor.u32 v1, v60  }
0x40d: {  	[tilespmem:v10+s6+$0x0] =	vst.idx.add.f32.msk $0xffff, v15  }
0x40e: {  	s11 =	sadd.s32 $0x4, s11;
	[tilespmem:v11+s6+$0x0] =	vst.idx.add.f32.msk $0xffff, v6  }
0x40f: {  	p2 =	slt.u32 s11, $0x1C;
	[tilespmem:v62+s6+$0x0] =	vst.idx.add.f32.msk $0xffff, v59  }
.Ltmp5:
0x410: {  	[tilespmem:v58+s6+$0x0] =	vst.idx.add.f32.msk $0xffff, v63;
	(pc) =	sbr.rel @p2 .LBB2_9-.Ltmp5, $4  }
0x411: {  	s4 =	sor.u32 s20, s7;
	v16 =	vadd.s32 v3, v12;
	v13 =	vadd.s32 v4, v12;
	[tilespmem:v61+s6+$0x0] =	vst.idx.add.f32.msk $0xffff, v23  }
0x412: {  	v12 =	vadd.s32 v5, v12;
	v20 =	vadd.s32 v2, v18;
	v15 =	vadd.s32 v3, v18;
	v23 =	vld [tilespmem:s4+$0x0]  }
0x413: {  	p1 =	por !p1, !p1;
	s7 =	sor.u32 s25, s7;
	v22 =	vadd.s32 v4, v18;
	v21 =	vadd.s32 v5, v18;
	v19 =	vadd.s32 v2, v60;
	v18 =	vld [tilespmem:s14+$0x0]  }
0x414: {  	s5 =	sor.u32 s20, s21;
	s8 =	sor.u32 s23, s21;
	s28 =	sor.u32 s25, s21;
	v17 =	vadd.s32 v3, v60;
	v10 =	vadd.s32 v4, v60;
	v11 =	vadd.s32 v5, v60;
	v9 =	vmovc v22;
	v22 =	vld [tilespmem:s7+$0x0]  }
0x415: {  	_ =	sdelay $0x3  }
0x416: {  	[tilespmem:v8+s6+$0x0] =	vst.idx.add.f32.msk $0xffff, v6  }
0x417: {  	[tilespmem:v20+s6+$0x0] =	vst.idx.add.f32.msk $0xffff, v23  }
0x418: {  	v14 =	vld [tilespmem:s1+$0x0]  }
0x419: {  	[tilespmem:v19+s6+$0x0] =	vst.idx.add.f32.msk $0xffff, v22  }
0x41a: {  	v8 =	vld [tilespmem:s3+$0x0]  }
0x41b: {  	[tilespmem:v16+s6+$0x0] =	vst.idx.add.f32.msk $0xffff, v18  }
0x41c: {  	v16 =	vld [tilespmem:s8+$0x0]  }
0x41d: {  	[tilespmem:v15+s6+$0x0] =	vst.idx.add.f32.msk $0xffff, v14  }
0x41e: {  	v14 =	vld [tilespmem:s5+$0x0]  }
0x41f: {  	[tilespmem:v17+s6+$0x0] =	vst.idx.add.f32.msk $0xffff, v8  }
0x420: {  	v8 =	vld [tilespmem:s28+$0x0]  }
0x421: {  	[tilespmem:v13+s6+$0x0] =	vst.idx.add.f32.msk $0xffff, v16  }
.Ltmp6:
0x422: {  	[tilespmem:v12+s6+$0x0] =	vst.idx.add.f32.msk $0xffff, v6;
	(pc) =	sbr.rel @p0 .LBB2_11-.Ltmp6, $4  }
0x423: {  	[tilespmem:v9+s6+$0x0] =	vst.idx.add.f32.msk $0xffff, v14  }
0x424: {  	[tilespmem:v21+s6+$0x0] =	vst.idx.add.f32.msk $0xffff, v6  }
0x425: {  	[tilespmem:v10+s6+$0x0] =	vst.idx.add.f32.msk $0xffff, v8  }
0x426: {  	[tilespmem:v11+s6+$0x0] =	vst.idx.add.f32.msk $0xffff, v6  }
0x427: {  	s1 =	sld [smem:$0x7DC]  }
0x428: {  	s0 =	rddreg [dreg:$0x1a]  }
0x429: {  	s21 =	rddreg [dreg:$0x9]  }
0x42a: {  	s2 =	sld [smem:$0x7FD];
	s0 =	sadd.s32 s1, s0  }
0x42b: {  	s1 =	sadd.s32 s21, s0  }
0x42c: {  	s1 =	sshrl.u32 s1, $0x3  }
0x42d: {  	s22 =	simm.s32 $0x16A00;
	s1 =	sadd.s32 s1, s2  }
0x42e: {  	[tilespmem:s22], [sflag:$0x2] =	stream.linear.gather [hbm4b:s1+s6], $0x200, $0x38;
	[tilespmem:$0x1E500] =	vst v63  }
0x42f: {  	s3 =	simm.s32 $0x16E00;
	s23 =	sadd.s32 $0x80, s1  }
0x430: {  	[tilespmem:s3], [sflag:$0x2] =	stream.linear.gather [hbm4b:s23+s6], $0x200, $0x38;
	[tilespmem:$0x1E500] =	vst v63  }
0x431: {  	s25 =	simm.s32 $0x17200;
	s24 =	sadd.s32 $0x100, s1  }
0x432: {  	[tilespmem:s25], [sflag:$0x2] =	stream.linear.gather [hbm4b:s24+s6], $0x200, $0x38;
	[tilespmem:$0x1E500] =	vst v63  }
0x433: {  	s26 =	simm.s32 $0x17600;
	s28 =	rddreg [dreg:$0xa];
	s1 =	sadd.s32 $0x180, s1  }
0x434: {  	[tilespmem:s26], [sflag:$0x2] =	stream.linear.gather [hbm4b:s1+s6], $0x200, $0x38;
	[tilespmem:$0x1E500] =	vst v63  }
0x435: {  	s1 =	sor.u32 s28, s0  }
0x436: {  	s29 =	rddreg [dreg:$0x14];
	s1 =	sshrl.u32 s1, $0x3  }
0x437: {  	s30 =	simm.s32 $0x1A800;
	s1 =	sadd.s32 s1, s29  }
0x438: {  	[tilespmem:s30], [sflag:$0x2] =	stream.linear.gather [hbm4b:s1+s6], $0x200, $0x38;
	[tilespmem:$0x1E500] =	vst v63  }
0x439: {  	s4 =	simm.s32 $0x1AC00;
	s31 =	sadd.s32 $0x80, s1  }
0x43a: {  	[tilespmem:s4], [sflag:$0x2] =	stream.linear.gather [hbm4b:s31+s6], $0x200, $0x38;
	[tilespmem:$0x1E500] =	vst v63  }
0x43b: {  	s7 =	simm.s32 $0x1B000;
	s5 =	sadd.s32 $0x100, s1  }
0x43c: {  	[tilespmem:s7], [sflag:$0x2] =	stream.linear.gather [hbm4b:s5+s6], $0x200, $0x38;
	[tilespmem:$0x1E500] =	vst v63  }
0x43d: {  	s8 =	simm.s32 $0x1B400;
	s9 =	rddreg [dreg:$0xb];
	s1 =	sadd.s32 $0x180, s1  }
0x43e: {  	[tilespmem:s8], [sflag:$0x2] =	stream.linear.gather [hbm4b:s1+s6], $0x200, $0x38;
	[tilespmem:$0x1E500] =	vst v63  }
0x43f: {  	s1 =	sadd.s32 s9, s0  }
0x440: {  	s1 =	sshrl.u32 s1, $0x3  }
0x441: {  	s10 =	simm.s32 $0x1AA00;
	s1 =	sadd.s32 s1, s29  }
0x442: {  	[tilespmem:s10], [sflag:$0x2] =	stream.linear.gather [hbm4b:s1+s6], $0x200, $0x38;
	[tilespmem:$0x1E500] =	vst v63  }
0x443: {  	s12 =	simm.s32 $0x1AE00;
	s11 =	sadd.s32 $0x80, s1  }
0x444: {  	[tilespmem:s12], [sflag:$0x2] =	stream.linear.gather [hbm4b:s11+s6], $0x200, $0x38;
	[tilespmem:$0x1E500] =	vst v63  }
0x445: {  	s14 =	simm.s32 $0x1B200;
	s13 =	sadd.s32 $0x100, s1  }
0x446: {  	[tilespmem:s14], [sflag:$0x2] =	stream.linear.gather [hbm4b:s13+s6], $0x200, $0x38;
	[tilespmem:$0x1E500] =	vst v63  }
0x447: {  	s15 =	simm.s32 $0x1B600;
	s16 =	rddreg [dreg:$0xc];
	s1 =	sadd.s32 $0x180, s1  }
0x448: {  	[tilespmem:s15], [sflag:$0x2] =	stream.linear.gather [hbm4b:s1+s6], $0x200, $0x38;
	[tilespmem:$0x1E500] =	vst v63  }
0x449: {  	s1 =	sor.u32 s16, s0  }
0x44a: {  	s1 =	sshrl.u32 s1, $0x3  }
0x44b: {  	s17 =	simm.s32 $0x1B800;
	s1 =	sadd.s32 s1, s29  }
0x44c: {  	[tilespmem:s17], [sflag:$0x2] =	stream.linear.gather [hbm4b:s1+s6], $0x200, $0x38;
	[tilespmem:$0x1E500] =	vst v63  }
0x44d: {  	s19 =	simm.s32 $0x1BC00;
	s23 =	rddreg [dreg:$0x11];
	s18 =	sadd.s32 $0x80, s1  }
0x44e: {  	[tilespmem:s19], [sflag:$0x2] =	stream.linear.gather [hbm4b:s18+s6], $0x200, $0x38;
	[tilespmem:$0x1E500] =	vst v63  }
0x44f: {  	s21 =	simm.s32 $0x1C000;
	s0 =	sadd.s32 s23, s0;
	s20 =	sadd.s32 $0x100, s1  }
0x450: {  	[tilespmem:s21], [sflag:$0x2] =	stream.linear.gather [hbm4b:s20+s6], $0x200, $0x38;
	[tilespmem:$0x1E500] =	vst v63  }
0x451: {  	s22 =	simm.s32 $0x1C400;
	s0 =	sshrl.u32 s0, $0x3;
	s1 =	sadd.s32 $0x180, s1  }
0x452: {  	[tilespmem:s22], [sflag:$0x2] =	stream.linear.gather [hbm4b:s1+s6], $0x200, $0x38;
	[tilespmem:$0x1E500] =	vst v63  }
0x453: {  	s24 =	simm.s32 $0x1BA00;
	s0 =	sadd.s32 s0, s29  }
0x454: {  	[tilespmem:s24], [sflag:$0x2] =	stream.linear.gather [hbm4b:s0+s6], $0x200, $0x38;
	[tilespmem:$0x1E500] =	vst v63  }
0x455: {  	s26 =	simm.s32 $0x1BE00;
	s25 =	sadd.s32 $0x80, s0  }
0x456: {  	[tilespmem:s26], [sflag:$0x2] =	stream.linear.gather [hbm4b:s25+s6], $0x200, $0x38;
	[tilespmem:$0x1E500] =	vst v63  }
0x457: {  	s29 =	simm.s32 $0x1C200;
	s28 =	sadd.s32 $0x100, s0  }
0x458: {  	[tilespmem:s29], [sflag:$0x2] =	stream.linear.gather [hbm4b:s28+s6], $0x200, $0x38;
	[tilespmem:$0x1E500] =	vst v63  }
.Ltmp7:
0x459: {  	s31 =	sld [smem:$0x7FB];
	(pc) =	sbr.rel .LBB2_4-.Ltmp7, $4  }
0x45a: {  	s30 =	simm.s32 $0x1C600;
	s0 =	sadd.s32 $0x180, s0  }
0x45b: {  	[tilespmem:s30], [sflag:$0x2] =	stream.linear.gather [hbm4b:s0+s6], $0x200, $0x38;
	[tilespmem:$0x1E500] =	vst v63  }
0x45c: {  	s0 =	sadd.s32 $0x1, s31  }
0x45d: {  	[smem:$0x7FB] =	sst s0  }
.LBB2_11:
0x45e: {  	s0 =	simm.s32 $0x20  }
0x45f: {  	v8 =	vld [tilespmem:s0+$0x10]  }
0x460: {  	v9 =	vld [tilespmem:s0+$0xFFFFFFE0]  }
0x461: {  	v10 =	vld [tilespmem:s0+$0xFFFFFFF0];
	_ =	sdelay $0x2  }
0x462: {  	(xrf2) =	vadd.scan.msk.f32 $0xffff, v8  }
0x463: {  	(xrf2) =	vadd.scan.msk.f32 $0xffff, v9  }
0x464: {  	v8 =	vld [tilespmem:s0+$0x0];
	(xrf2) =	vadd.scan.msk.f32 $0xffff, v10;
	_ =	sdelay $0x1  }
0x465: {  	s1 =	simm.s32 $0x60  }
0x466: {  	s28 =	simm.s32 $0xFFFFFFF4;
	v10 =	vld [tilespmem:s1+$0x10]  }
0x467: {  	s29 =	simm.s32 $0xFFFFFFF1;
	v9 =	vadd.s32 s28, v1  }
0x468: {  	s30 =	simm.s32 $0xFFFFFFF2;
	v11 =	vadd.s32 s29, v1;
	(xrf2) =	vadd.scan.msk.f32 $0xffff, v8  }
0x469: {  	v12 =	vld [tilespmem:s1+$0xFFFFFFE0];
	v14 =	vadd.s32 s30, v1;
	_ =	sdelay $0x1  }
0x46a: {  	s5 =	simm.s32 $0x14000;
	v8, _, _ =	vpop (xrf2);
	(xrf2) =	vadd.scan.msk.f32 $0xffff, v10  }
0x46b: {  	v13 =	vld [tilespmem:s1+$0xFFFFFFF0];
	[tilespmem:v9+s5+$0x0] =	vst.idx.msk vm0, v8;
	v8, _, _ =	vpop (xrf2)  }
0x46c: {  	s2 =	simm.s32 $0xFFFFFFF3;
	[tilespmem:v11+s5+$0x0] =	vst.idx.msk vm0, v8;
	v9, _, _ =	vpop (xrf2)  }
0x46d: {  	s23 =	rddreg [dreg:$0x2];
	v10 =	vadd.s32 s2, v1;
	(xrf2) =	vadd.scan.msk.f32 $0xffff, v12;
	[tilespmem:v14+s5+$0x0] =	vst.idx.msk vm0, v9  }
0x46e: {  	s3 =	simm.s32 $0xFFFFFFF8;
	v8 =	vld [tilespmem:s1+$0x0];
	s24 =	rddreg [dreg:$0xd]  }
0x46f: {  	s18 =	simm.s32 $0x1C800;
	s0 =	simm.s32 $0x0;
	s25 =	rddreg [dreg:$0xe]  }
0x470: {  	s2 =	simm.s32 $0xA0;
	s1 =	simm.s32 $0x4;
	(xrf2) =	vadd.scan.msk.f32 $0xffff, v13;
	v9 =	vadd.s32 s3, v1;
	s31 =	rddreg [dreg:$0x15]  }
.LBB2_12:
0x471: {  	v11 =	vld [tilespmem:s2+$0x10];
	v12, _, _ =	vpop (xrf2);
	s3 =	smov.u32 s1;
	s1 =	sadd.s32 $0x4, s1  }
0x472: {  	s4 =	sadd.s32 $0xFFFFFFF5, s0;
	v13 =	vld [tilespmem:s2+$0xFFFFFFF0];
	p0 =	slt.u32 s1, $0x13FC;
	[tilespmem:v10+s5+$0x0] =	vst.idx.msk vm0, v12  }
0x473: {  	v10 =	vadd.s32 s4, v1;
	(xrf2) =	vadd.scan.msk.f32 $0xffff, v8;
	v8 =	vld [tilespmem:s2+$0x0]  }
0x474: {  	v12 =	vld [tilespmem:s2+$0xFFFFFFE0];
	v14, _, _ =	vpop (xrf2)  }
0x475: {  	s4 =	sadd.s32 $0xFFFFFFF6, s0;
	[tilespmem:v9+s5+$0x0] =	vst.idx.msk vm0, v14  }
0x476: {  	v9 =	vadd.s32 s4, v1;
	(xrf2) =	vadd.scan.msk.f32 $0xffff, v11  }
0x477: {  	v11, _, _ =	vpop (xrf2)  }
.Ltmp8:
0x478: {  	s4 =	sadd.s32 $0xFFFFFFF7, s0;
	s0 =	smov.u32 s3;
	[tilespmem:v10+s5+$0x0] =	vst.idx.msk vm0, v11;
	(pc) =	sbr.rel @p0 .LBB2_12-.Ltmp8, $4  }
0x479: {  	v10 =	vadd.s32 s4, v1;
	(xrf2) =	vadd.scan.msk.f32 $0xffff, v12  }
0x47a: {  	v11, _, _ =	vpop (xrf2)  }
0x47b: {  	s3 =	sadd.s32 $0xFFFFFFF8, s0;
	[tilespmem:v9+s5+$0x0] =	vst.idx.msk vm0, v11  }
0x47c: {  	s2 =	sadd.s32 $0x40, s2;
	v9 =	vadd.s32 s3, v1;
	(xrf2) =	vadd.scan.msk.f32 $0xffff, v13  }
0x47d: {  	(xrf2) =	vadd.scan.msk.f32 $0xffff, v8;
	_ =	sdelay $0x2  }
0x47e: {  	s1 =	sadd.s32 $0xFFFFFFF5, s0  }
0x47f: {  	s21 =	sadd.s32 $0xFFFFFFF6, s0;
	v8 =	vadd.s32 s1, v1  }
0x480: {  	s22 =	sadd.s32 $0xFFFFFFF7, s0;
	v11 =	vadd.s32 s21, v1  }
0x481: {  	v12, _, _ =	vpop (xrf2);
	v13 =	vadd.s32 s22, v1  }
0x482: {  	[tilespmem:v10+s5+$0x0] =	vst.idx.msk vm0, v12;
	v10, _, _ =	vpop (xrf2)  }
0x483: {  	[tilespmem:v9+s5+$0x0] =	vst.idx.msk vm0, v10;
	v9, _, _ =	vpop (xrf2)  }
0x484: {  	[tilespmem:v8+s5+$0x0] =	vst.idx.msk vm0, v9;
	v8, _, _ =	vpop (xrf2)  }
0x485: {  	[tilespmem:v11+s5+$0x0] =	vst.idx.msk vm0, v8;
	v8, _, _ =	vpop (xrf2)  }
0x486: {  	s2 =	simm.s32 $0x80;
	[tilespmem:v13+s5+$0x0] =	vst.idx.msk vm0, v8  }
0x487: {  	s3 =	simm.s32 $0x400;
	s28 =	simm.s32 $0x3;
	s26 =	rddreg [dreg:$0x10]  }
0x488: {  	[spmem:s26] =	stream.strided.scatter [tilespmem:s5], [sflag:$0x3], $0x1400, s3, s2, $0x38;
	[tilespmem:$0x1E500] =	vst v63  }
0x489: {  	_ =	swait.ge [sflag:s28], $0x1400  }
0x48a: {  	[sflag:s28] =	ssyncset.done $0x0  }
0x48b: {  	[sflag:s28] =	ssyncadd.s32 $0xFFFFEC00  }
0x48c: {  	[bflag:$0x0] =	sbarrier.arrive $0xFFFF  }
0x48d: {  	s4 =	simm.s32 $0x15400;
	s29 =	rddreg [dreg:$0x12]  }
0x48e: {  	[tilespmem:s4], [sflag:$0x3] =	stream.strided.gather [spmem:s29], $0x1400, s3, s2, $0x38;
	[tilespmem:$0x1E500] =	vst v63  }
0x48f: {  	_ =	swait.ge [sflag:s28], $0x1400  }
0x490: {  	[sflag:s28] =	ssyncset.done $0x0  }
0x491: {  	s30 =	simm.s32 $0x15410;
	[sflag:s28] =	ssyncadd.s32 $0xFFFFEC00  }
0x492: {  	s1 =	simm.s32 $0x14010;
	v10 =	vld [tilespmem:s30+$0x0]  }
0x493: {  	v11 =	vld [tilespmem:s1+$0x0]  }
0x494: {  	v12 =	vld [tilespmem:s1+$0xFFFFFFF0]  }
0x495: {  	v13 =	vld [tilespmem:s30+$0xFFFFFFF0]  }
0x496: {  	s0 =	simm.s32 $0x14030  }
0x497: {  	s2 =	simm.s32 $0x15430;
	v8 =	vld [tilespmem:s0+$0xFFFFFFF0]  }
0x498: {  	v9 =	vld [tilespmem:s2+$0x0];
	v14 =	vadd.f32 v10, v11  }
0x499: {  	v10 =	vld [tilespmem:s0+$0x0]  }
0x49a: {  	s4 =	simm.s32 $0x2;
	s3 =	simm.s32 $0x14030;
	s22 =	rddreg [dreg:$0x1];
	v12 =	vadd.f32 v13, v12;
	v11 =	vld [tilespmem:s2+$0xFFFFFFF0];
	[tilespmem:s1+$0x0] =	vst v14  }
.LBB2_14:
0x49b: {  	s4 =	sadd.s32 $0x2, s4  }
0x49c: {  	[tilespmem:s1+$0xFFFFFFF0] =	vst v12;
	p0 =	slt.u32 s4, $0x13E  }
.Ltmp9:
0x49d: {  	s0 =	sadd.s32 $0x20, s0;
	v12 =	vmov v8;
	(pc) =	sbr.rel @p0 .LBB2_14-.Ltmp9, $4  }
0x49e: {  	s2 =	sadd.s32 $0x20, s2;
	s1 =	smov.u32 s3;
	s3 =	smov.u32 s0;
	v8 =	vld [tilespmem:s0+$0xFFFFFFF0]  }
0x49f: {  	v13 =	vadd.f32 v9, v10;
	v9 =	vld [tilespmem:s2+$0x0]  }
0x4a0: {  	v10 =	vld [tilespmem:s0+$0x0];
	v12 =	vadd.f32 v11, v12  }
0x4a1: {  	v11 =	vld [tilespmem:s2+$0xFFFFFFF0];
	[tilespmem:s1+$0x0] =	vst v13  }
0x4a2: {  	_ =	sdelay $0x2  }
0x4a3: {  	v9 =	vadd.f32 v9, v10  }
0x4a4: {  	[tilespmem:s1+$0xFFFFFFF0] =	vst v12;
	v8 =	vadd.f32 v11, v8  }
0x4a5: {  	s0 =	simm.s32 $0x0;
	[tilespmem:s3+$0x0] =	vst v9  }
0x4a6: {  	s2 =	sand.u32 $0x3E0, s0;
	[tilespmem:s3+$0xFFFFFFF0] =	vst v8  }
0x4a7: {  	v8 =	vld [tilespmem:s2+$0x15000];
	_ =	sdelay $0x4  }
0x4a8: {  	v8 =	vmax.f32 v8, $1.000000000e+00  }
0x4a9: {  	(erf) = vrcp.f32 v8  }
0x4aa: {  	s21 =	simm.s32 $0x20  }
0x4ab: {  	s26 =	sand.u32 $0x3E0, s21;
	v9 =	vld [tilespmem:s2+$0x14C00]  }
0x4ac: {  	s20 =	simm.s32 $0x14000;
	v10 =	vld [tilespmem:s26+$0x15000]  }
0x4ad: {  	v13 =	vld [tilespmem:s20+$0x0]  }
0x4ae: {  	v8 =	vld [tilespmem:s2+$0x14800]  }
0x4af: {  	v12 =	vmov s0;
	v14 =	vld [tilespmem:s20+$0x1010]  }
0x4b0: {  	vm1 =	veq.s32 v12, v1;
	v12 =	vld [tilespmem:s20+$0x400]  }
0x4b1: {  	v10 =	vmax.f32 v10, $1.000000000e+00  }
0x4b2: {  	v11 =	vpop (erf);
	(erf) = vrcp.f32 v10  }
0x4b3: {  	v8 =	vmul.f32 v8, v11  }
0x4b4: {  	v16 =	vmov s21;
	v14 =	vmax.f32 v14, $1.000000000e+00;
	v13 =	vmul.f32 v11, v13  }
0x4b5: {  	v9 =	vmul.f32 v9, v11;
	v11 =	vmul.f32 v11, v12;
	v8 =	vsel vm1, $0x0, v8  }
0x4b6: {  	(erf) = vrcp.f32 v14;
	v12 =	vsel vm1, $0x0, v13;
	v10 =	vshrl.u32 v8, $0x10  }
0x4b7: {  	v9 =	vsel vm1, $0x0, v9;
	v13 =	vld [tilespmem:s26+$0x14C00];
	v14 =	vshrl.u32 v12, $0x10;
	v10 =	vand.u32 $0x1, v10  }
0x4b8: {  	v15 =	vshrl.u32 v9, $0x10;
	v14 =	vand.u32 $0x1, v14;
	v8 =	vadd.s32 v10, v8;
	v10 =	vld [tilespmem:s26+$0x14800]  }
0x4b9: {  	v11 =	vsel vm1, $0x0, v11;
	vm1 =	veq.s32 v16, v1;
	v15 =	vand.u32 $0x1, v15  }
0x4ba: {  	v9 =	vadd.s32 v15, v9;
	v15 =	vshrl.u32 v11, $0x10;
	v12 =	vadd.s32 v14, v12  }
0x4bb: {  	s29 =	simm.s32 $0x40;
	v8 =	vadd.s32 $0x7FFF, v8;
	v9 =	vadd.s32 $0x7FFF, v9;
	v12 =	vadd.s32 $0x7FFF, v12;
	v14 =	vpop (erf)  }
0x4bc: {  	s30 =	sand.u32 $0x3E0, s29;
	v17 =	vld [tilespmem:s20+$0x410];
	v8 =	vand.u32 $0xFFFF0000, v8;
	v9 =	vshrl.u32 v9, $0x10;
	v13 =	vmul.f32 v13, v14  }
0x4bd: {  	v20 =	vld [tilespmem:s30+$0x15000];
	v8 =	vor.u32 v8, v9;
	v9 =	vand.u32 $0x1, v15;
	v10 =	vmul.f32 v10, v14  }
0x4be: {  	v15 =	vld [tilespmem:s20+$0x10];
	v9 =	vadd.s32 v9, v11;
	v11 =	vand.u32 $0xFFFF0000, v12;
	v13 =	vsel vm1, $0x0, v13  }
0x4bf: {  	v12 =	vld [tilespmem:s20+$0x810];
	v9 =	vadd.s32 $0x7FFF, v9;
	v10 =	vsel vm1, $0x0, v10;
	v19 =	vshrl.u32 v13, $0x10  }
0x4c0: {  	v16 =	vld [tilespmem:s20+$0xC10];
	v9 =	vshrl.u32 v9, $0x10;
	v18 =	vshrl.u32 v10, $0x10  }
0x4c1: {  	v9 =	vor.u32 v9, v11;
	v11 =	vand.u32 $0x1, v18;
	v18 =	vand.u32 $0x1, v19  }
0x4c2: {  	v20 =	vmax.f32 v20, $1.000000000e+00;
	v19 =	vpop (erf);
	v10 =	vadd.s32 v11, v10;
	v11 =	vadd.s32 v18, v13  }
0x4c3: {  	s3 =	simm.s32 $0x14020;
	(erf) = vrcp.f32 v20;
	v13 =	vmul.f32 v19, v15;
	v10 =	vadd.s32 $0x7FFF, v10  }
0x4c4: {  	v18 =	vld [tilespmem:s3+$0x400];
	v11 =	vadd.s32 $0x7FFF, v11;
	v15 =	vmul.f32 v19, v17;
	v12 =	vmul.f32 v12, v19  }
0x4c5: {  	v17 =	vld [tilespmem:s3+$0x0];
	v16 =	vmul.f32 v16, v19;
	v10 =	vand.u32 $0xFFFF0000, v10;
	v11 =	vshrl.u32 v11, $0x10  }
0x4c6: {  	v60 =	vld [tilespmem:s3+$0x1010];
	v10 =	vor.u32 v10, v11;
	v11 =	vshrl.u32 v13, $0x10;
	v19 =	vshrl.u32 v15, $0x10  }
0x4c7: {  	v21 =	vshrl.u32 v12, $0x10;
	v11 =	vand.u32 $0x1, v11;
	v19 =	vand.u32 $0x1, v19  }
0x4c8: {  	v21 =	vand.u32 $0x1, v21;
	v11 =	vadd.s32 v11, v13;
	v13 =	vshrl.u32 v16, $0x10  }
0x4c9: {  	v15 =	vadd.s32 v19, v15;
	v12 =	vadd.s32 v21, v12;
	v13 =	vand.u32 $0x1, v13  }
0x4ca: {  	v17 =	vmul.f32 v14, v17;
	v11 =	vadd.s32 $0x7FFF, v11;
	v14 =	vmul.f32 v14, v18  }
0x4cb: {  	v19 =	vld [tilespmem:s30+$0x14C00];
	v15 =	vadd.s32 $0x7FFF, v15;
	v12 =	vadd.s32 $0x7FFF, v12;
	v18 =	vmax.f32 v60, $1.000000000e+00  }
0x4cc: {  	v13 =	vadd.s32 v13, v16;
	v16 =	vld [tilespmem:s30+$0x14800];
	(erf) = vrcp.f32 v18;
	v17 =	vsel vm1, $0x0, v17  }
0x4cd: {  	v11 =	vand.u32 $0xFFFF0000, v11;
	v15 =	vshrl.u32 v15, $0x10;
	v61 =	vshrl.u32 v17, $0x10  }
0x4ce: {  	s4 =	simm.s32 $0x1CC00;
	v13 =	vadd.s32 $0x7FFF, v13;
	v14 =	vsel vm1, $0x0, v14;
	v18 =	vand.u32 $0x1, v61  }
0x4cf: {  	s28 =	rddreg [dreg:$0xf];
	[tilespmem:s4+$0x0] =	vst v8;
	v63 =	vor.u32 v15, v11;
	v62 =	vshrl.u32 v14, $0x10;
	v8 =	vpop (erf);
	v17 =	vadd.s32 v18, v17  }
0x4d0: {  	v19 =	vmul.f32 v19, v8;
	v18 =	vand.u32 $0x1, v62;
	v17 =	vadd.s32 $0x7FFF, v17  }
0x4d1: {  	v14 =	vadd.s32 v18, v14;
	v18 =	vand.u32 $0xFFFF0000, v12;
	v16 =	vmul.f32 v16, v8  }
0x4d2: {  	s1 =	simm.s32 $0x1CC20;
	[tilespmem:s4+$0xFFFFFC00] =	vst v9;
	v9 =	vld [tilespmem:s3+$0x10];
	v12 =	vand.u32 $0xFFFF0000, v17;
	v14 =	vadd.s32 $0x7FFF, v14;
	v17 =	vmov s29  }
0x4d3: {  	[tilespmem:s1+$0x0] =	vst v10;
	v10 =	vld [tilespmem:s3+$0x410];
	v13 =	vshrl.u32 v13, $0x10;
	vm1 =	veq.s32 v17, v1;
	v17 =	vshrl.u32 v14, $0x10  }
0x4d4: {  	v11 =	vld [tilespmem:s3+$0x810];
	[tilespmem:s4+$0xFFFFFC10] =	vst v63;
	v14 =	vsel vm1, $0x0, v16;
	v15 =	vsel vm1, $0x0, v19;
	v19 =	vor.u32 v17, v12  }
0x4d5: {  	s0 =	simm.s32 $0x4;
	s2 =	simm.s32 $0x60;
	v13 =	vor.u32 v18, v13;
	v12 =	vld [tilespmem:s3+$0xC10];
	v16 =	vshrl.u32 v14, $0x10;
	v17 =	vshrl.u32 v15, $0x10;
	[tilespmem:s1+$0xFFFFFC00] =	vst v19  }
.LBB2_16:
0x4d6: {  	s5 =	sand.u32 $0x3E0, s2;
	s0 =	sadd.s32 $0x2, s0;
	v16 =	vand.u32 $0x1, v16;
	v17 =	vand.u32 $0x1, v17;
	v18 =	vpop (erf);
	[tilespmem:s4+$0x10] =	vst v13;
	s4 =	smov.u32 s1  }
0x4d7: {  	v13 =	vld [tilespmem:s5+$0x15000];
	p0 =	slt.u32 s0, $0x3E;
	v14 =	vadd.s32 v16, v14;
	v15 =	vadd.s32 v17, v15;
	v16 =	vmul.f32 v18, v9  }
0x4d8: {  	v9 =	vadd.s32 $0x7FFF, v14;
	v14 =	vadd.s32 $0x7FFF, v15;
	v15 =	vmul.f32 v18, v10  }
0x4d9: {  	s3 =	sadd.s32 $0x20, s3;
	v11 =	vmul.f32 v11, v18;
	v9 =	vand.u32 $0xFFFF0000, v9;
	v10 =	vshrl.u32 v14, $0x10  }
0x4da: {  	s1 =	sadd.s32 $0x20, s1;
	v12 =	vmul.f32 v12, v18;
	v14 =	vld [tilespmem:s3+$0x0];
	v9 =	vor.u32 v9, v10;
	v10 =	vshrl.u32 v16, $0x10  }
0x4db: {  	v17 =	vld [tilespmem:s3+$0x400];
	[tilespmem:s1+$0x0] =	vst v9;
	v18 =	vand.u32 $0x1, v10;
	v9 =	vshrl.u32 v15, $0x10;
	v10 =	vshrl.u32 v11, $0x10  }
0x4dc: {  	v21 =	vshrl.u32 v12, $0x10;
	v13 =	vmax.f32 v13, $1.000000000e+00;
	v19 =	vld [tilespmem:s3+$0x1010];
	v20 =	vand.u32 $0x1, v9  }
0x4dd: {  	v21 =	vand.u32 $0x1, v21;
	(erf) = vrcp.f32 v13;
	v9 =	vld [tilespmem:s3+$0x10];
	v13 =	vand.u32 $0x1, v10  }
0x4de: {  	v16 =	vadd.s32 v18, v16;
	v15 =	vadd.s32 v20, v15;
	v10 =	vld [tilespmem:s3+$0x410];
	v13 =	vadd.s32 v13, v11  }
0x4df: {  	v18 =	vadd.s32 v21, v12;
	v16 =	vadd.s32 $0x7FFF, v16;
	v14 =	vmul.f32 v8, v14;
	v11 =	vld [tilespmem:s3+$0x810]  }
0x4e0: {  	v15 =	vadd.s32 $0x7FFF, v15;
	v13 =	vadd.s32 $0x7FFF, v13;
	v8 =	vmul.f32 v8, v17;
	v12 =	vld [tilespmem:s3+$0xC10]  }
0x4e1: {  	v18 =	vadd.s32 $0x7FFF, v18;
	v17 =	vld [tilespmem:s5+$0x14800];
	v14 =	vsel vm1, $0x0, v14;
	v19 =	vmax.f32 v19, $1.000000000e+00  }
0x4e2: {  	v20 =	vld [tilespmem:s5+$0x14C00];
	v21 =	vshrl.u32 v14, $0x10;
	v8 =	vsel vm1, $0x0, v8;
	(erf) = vrcp.f32 v19  }
0x4e3: {  	v16 =	vand.u32 $0xFFFF0000, v16;
	v19 =	vand.u32 $0x1, v21;
	v21 =	vshrl.u32 v8, $0x10  }
0x4e4: {  	v15 =	vshrl.u32 v15, $0x10;
	v14 =	vadd.s32 v19, v14;
	v19 =	vand.u32 $0x1, v21  }
0x4e5: {  	v13 =	vand.u32 $0xFFFF0000, v13;
	v14 =	vadd.s32 $0x7FFF, v14;
	v19 =	vadd.s32 v19, v8  }
.Ltmp10:
0x4e6: {  	v18 =	vshrl.u32 v18, $0x10;
	v8 =	vpop (erf);
	v21 =	vand.u32 $0xFFFF0000, v14;
	v14 =	vadd.s32 $0x7FFF, v19;
	(pc) =	sbr.rel @p0 .LBB2_16-.Ltmp10, $4  }
0x4e7: {  	v19 =	vmov s2;
	v17 =	vmul.f32 v17, v8;
	v20 =	vmul.f32 v20, v8  }
0x4e8: {  	v16 =	vor.u32 v15, v16;
	vm1 =	veq.s32 v19, v1;
	v19 =	vshrl.u32 v14, $0x10  }
0x4e9: {  	v19 =	vor.u32 v19, v21;
	v14 =	vsel vm1, $0x0, v17;
	v15 =	vsel vm1, $0x0, v20;
	[tilespmem:s4+$0xFFFFFC10] =	vst v16  }
0x4ea: {  	v13 =	vor.u32 v13, v18;
	s2 =	sadd.s32 $0x20, s2;
	v16 =	vshrl.u32 v14, $0x10;
	v17 =	vshrl.u32 v15, $0x10;
	[tilespmem:s1+$0xFFFFFC00] =	vst v19  }
0x4eb: {  	s0 =	sadd.s32 $0x20, s3  }
0x4ec: {  	v16 =	vand.u32 $0x1, v16;
	v17 =	vand.u32 $0x1, v17;
	v18 =	vpop (erf);
	v19 =	vld [tilespmem:s0+$0x1010]  }
0x4ed: {  	v14 =	vadd.s32 v16, v14;
	v15 =	vadd.s32 v17, v15;
	v9 =	vmul.f32 v18, v9  }
0x4ee: {  	v10 =	vmul.f32 v18, v10;
	v11 =	vmul.f32 v11, v18;
	v14 =	vadd.s32 $0x7FFF, v14  }
0x4ef: {  	v12 =	vmul.f32 v12, v18;
	v15 =	vadd.s32 $0x7FFF, v15;
	v14 =	vand.u32 $0xFFFF0000, v14  }
0x4f0: {  	v42 =	vld [tilespmem:s0+$0x0];
	v15 =	vshrl.u32 v15, $0x10;
	v43 =	vshrl.u32 v9, $0x10;
	v45 =	vshrl.u32 v10, $0x10  }
0x4f1: {  	v44 =	vld [tilespmem:s0+$0x400];
	v20 =	vshrl.u32 v11, $0x10;
	v21 =	vshrl.u32 v12, $0x10;
	v19 =	vmax.f32 v19, $1.000000000e+00  }
0x4f2: {  	v14 =	vor.u32 v14, v15;
	v15 =	vand.u32 $0x1, v43;
	(erf) = vrcp.f32 v19  }
0x4f3: {  	v18 =	vand.u32 $0x1, v45;
	v46 =	vand.u32 $0x1, v20;
	v47 =	vand.u32 $0x1, v21  }
0x4f4: {  	v9 =	vadd.s32 v15, v9;
	v10 =	vadd.s32 v18, v10;
	v11 =	vadd.s32 v46, v11  }
0x4f5: {  	v12 =	vadd.s32 v47, v12;
	v48 =	vmul.f32 v8, v42;
	v9 =	vadd.s32 $0x7FFF, v9  }
0x4f6: {  	v49 =	vld [tilespmem:s0+$0x10];
	v8 =	vmul.f32 v8, v44;
	v10 =	vadd.s32 $0x7FFF, v10;
	v11 =	vadd.s32 $0x7FFF, v11  }
0x4f7: {  	v50 =	vld [tilespmem:s0+$0x410];
	v12 =	vadd.s32 $0x7FFF, v12;
	v9 =	vand.u32 $0xFFFF0000, v9;
	v15 =	vsel vm1, $0x0, v48  }
0x4f8: {  	v52 =	vld [tilespmem:s0+$0x810];
	v10 =	vshrl.u32 v10, $0x10;
	v8 =	vsel vm1, $0x0, v8;
	v51 =	vshrl.u32 v15, $0x10  }
0x4f9: {  	v54 =	vld [tilespmem:s0+$0xC10];
	v11 =	vand.u32 $0xFFFF0000, v11;
	v53 =	vshrl.u32 v8, $0x10;
	v18 =	vand.u32 $0x1, v51  }
0x4fa: {  	v12 =	vshrl.u32 v12, $0x10;
	v55 =	vand.u32 $0x1, v53;
	v15 =	vadd.s32 v18, v15  }
0x4fb: {  	v9 =	vor.u32 v10, v9;
	v8 =	vadd.s32 v55, v8;
	v15 =	vadd.s32 $0x7FFF, v15;
	v56 =	vpop (erf)  }
0x4fc: {  	v8 =	vadd.s32 $0x7FFF, v8;
	v15 =	vand.u32 $0xFFFF0000, v15;
	v16 =	vmul.f32 v56, v49  }
0x4fd: {  	v8 =	vshrl.u32 v8, $0x10;
	v10 =	vmul.f32 v56, v50;
	v57 =	vmul.f32 v52, v56  }
0x4fe: {  	v11 =	vor.u32 v11, v12;
	v8 =	vor.u32 v8, v15;
	v18 =	vmul.f32 v54, v56  }
0x4ff: {  	v58 =	vshrl.u32 v16, $0x10;
	v60 =	vshrl.u32 v10, $0x10;
	v19 =	vshrl.u32 v57, $0x10  }
0x500: {  	v61 =	vshrl.u32 v18, $0x10;
	v59 =	vand.u32 $0x1, v58;
	v17 =	vand.u32 $0x1, v60  }
0x501: {  	[tilespmem:s4+$0x10] =	vst v13;
	v62 =	vand.u32 $0x1, v19;
	v63 =	vand.u32 $0x1, v61;
	v12 =	vadd.s32 v59, v16  }
0x502: {  	s16 =	sadd.s32 $0x20, s1;
	[tilespmem:s1+$0xFFFFFC10] =	vst v9;
	v10 =	vadd.s32 v17, v10;
	v13 =	vadd.s32 v62, v57;
	v9 =	vadd.s32 v63, v18  }
0x503: {  	[tilespmem:s16+$0x0] =	vst v14;
	v12 =	vadd.s32 $0x7FFF, v12;
	v10 =	vadd.s32 $0x7FFF, v10;
	v13 =	vadd.s32 $0x7FFF, v13  }
0x504: {  	[tilespmem:s16+$0xFFFFFC00] =	vst v8;
	v8 =	vadd.s32 $0x7FFF, v9;
	v9 =	vand.u32 $0xFFFF0000, v12;
	v10 =	vshrl.u32 v10, $0x10  }
0x505: {  	[tilespmem:s1+$0x10] =	vst v11;
	v11 =	vand.u32 $0xFFFF0000, v13;
	v8 =	vshrl.u32 v8, $0x10;
	v9 =	vor.u32 v10, v9  }
0x506: {  	v8 =	vor.u32 v11, v8;
	[tilespmem:s16+$0xFFFFFC10] =	vst v9  }
0x507: {  	[tilespmem:s16+$0x10] =	vst v8  }
0x508: {  	s0 =	rddreg [dreg:$0x1b]  }
0x509: {  	s17 =	simm.s32 $0x16800;
	s16 =	simm.s32 $0x0;
	s20 =	sld [smem:$0x7DD]  }
0x50a: {  	[tilespmem:s17], [sflag:$0x1] =	stream.linear.gather [hbm4b:s0+s16], $0x200, $0x38;
	[tilespmem:$0x1E500] =	vst v63  }
0x50b: {  	s19 =	simm.s32 $0x16C00;
	s26 =	sld [smem:$0x7DE]  }
0x50c: {  	[tilespmem:s19], [sflag:$0x1] =	stream.linear.gather [hbm4b:s20+s16], $0x200, $0x38;
	[tilespmem:$0x1E500] =	vst v63  }
0x50d: {  	s21 =	simm.s32 $0x17000;
	s30 =	sld [smem:$0x7DF]  }
0x50e: {  	[tilespmem:s21], [sflag:$0x1] =	stream.linear.gather [hbm4b:s26+s16], $0x200, $0x38;
	[tilespmem:$0x1E500] =	vst v63  }
0x50f: {  	s29 =	simm.s32 $0x17400  }
0x510: {  	[tilespmem:s29], [sflag:$0x1] =	stream.linear.gather [hbm4b:s30+s16], $0x200, $0x38;
	[tilespmem:$0x1E500] =	vst v63  }
0x511: {  	s1 =	simm.s32 $0x18800;
	s3 =	sld [smem:$0x7E0]  }
0x512: {  	[tilespmem:s1], [sflag:$0x1] =	stream.linear.gather [hbm4b:s24+s16], $0x200, $0x38;
	[tilespmem:$0x1E500] =	vst v63  }
0x513: {  	s2 =	simm.s32 $0x18C00;
	s5 =	sld [smem:$0x7E1]  }
0x514: {  	[tilespmem:s2], [sflag:$0x1] =	stream.linear.gather [hbm4b:s3+s16], $0x200, $0x38;
	[tilespmem:$0x1E500] =	vst v63  }
0x515: {  	s4 =	simm.s32 $0x19000;
	s8 =	sld [smem:$0x7E2]  }
0x516: {  	[tilespmem:s4], [sflag:$0x1] =	stream.linear.gather [hbm4b:s5+s16], $0x200, $0x38;
	[tilespmem:$0x1E500] =	vst v63  }
0x517: {  	s7 =	simm.s32 $0x19400  }
0x518: {  	[tilespmem:s7], [sflag:$0x1] =	stream.linear.gather [hbm4b:s8+s16], $0x200, $0x38;
	[tilespmem:$0x1E500] =	vst v63  }
0x519: {  	s9 =	simm.s32 $0x18A00;
	s11 =	sld [smem:$0x7E3]  }
0x51a: {  	[tilespmem:s9], [sflag:$0x1] =	stream.linear.gather [hbm4b:s25+s16], $0x200, $0x38;
	[tilespmem:$0x1E500] =	vst v63  }
0x51b: {  	s10 =	simm.s32 $0x18E00;
	s13 =	sld [smem:$0x7E4]  }
0x51c: {  	[tilespmem:s10], [sflag:$0x1] =	stream.linear.gather [hbm4b:s11+s16], $0x200, $0x38;
	[tilespmem:$0x1E500] =	vst v63  }
0x51d: {  	s12 =	simm.s32 $0x19200;
	s15 =	sld [smem:$0x7E5]  }
0x51e: {  	[tilespmem:s12], [sflag:$0x1] =	stream.linear.gather [hbm4b:s13+s16], $0x200, $0x38;
	[tilespmem:$0x1E500] =	vst v63  }
0x51f: {  	s14 =	simm.s32 $0x19600  }
0x520: {  	[tilespmem:s14], [sflag:$0x1] =	stream.linear.gather [hbm4b:s15+s16], $0x200, $0x38;
	[tilespmem:$0x1E500] =	vst v63  }
0x521: {  	s17 =	simm.s32 $0x19800;
	s20 =	sld [smem:$0x7E6]  }
0x522: {  	[tilespmem:s17], [sflag:$0x1] =	stream.linear.gather [hbm4b:s28+s16], $0x200, $0x38;
	[tilespmem:$0x1E500] =	vst v63  }
0x523: {  	s19 =	simm.s32 $0x19C00;
	s26 =	sld [smem:$0x7E7]  }
0x524: {  	[tilespmem:s19], [sflag:$0x1] =	stream.linear.gather [hbm4b:s20+s16], $0x200, $0x38;
	[tilespmem:$0x1E500] =	vst v63  }
0x525: {  	s21 =	simm.s32 $0x1A000;
	s30 =	sld [smem:$0x7E8]  }
0x526: {  	[tilespmem:s21], [sflag:$0x1] =	stream.linear.gather [hbm4b:s26+s16], $0x200, $0x38;
	[tilespmem:$0x1E500] =	vst v63  }
0x527: {  	s29 =	simm.s32 $0x1A400;
	s1 =	rddreg [dreg:$0x18]  }
0x528: {  	[tilespmem:s29], [sflag:$0x1] =	stream.linear.gather [hbm4b:s30+s16], $0x200, $0x38;
	[tilespmem:$0x1E500] =	vst v63  }
0x529: {  	s2 =	simm.s32 $0x19A00;
	s4 =	sld [smem:$0x7E9]  }
0x52a: {  	[tilespmem:s2], [sflag:$0x1] =	stream.linear.gather [hbm4b:s1+s16], $0x200, $0x38;
	[tilespmem:$0x1E500] =	vst v63  }
0x52b: {  	s3 =	simm.s32 $0x19E00;
	s7 =	sld [smem:$0x7EA]  }
0x52c: {  	[tilespmem:s3], [sflag:$0x1] =	stream.linear.gather [hbm4b:s4+s16], $0x200, $0x38;
	[tilespmem:$0x1E500] =	vst v63  }
0x52d: {  	s5 =	simm.s32 $0x1A200;
	s9 =	sld [smem:$0x7EB]  }
0x52e: {  	[tilespmem:s5], [sflag:$0x1] =	stream.linear.gather [hbm4b:s7+s16], $0x200, $0x38;
	[tilespmem:$0x1E500] =	vst v63  }
0x52f: {  	s8 =	simm.s32 $0x1A600  }
0x530: {  	[tilespmem:s8], [sflag:$0x1] =	stream.linear.gather [hbm4b:s9+s16], $0x200, $0x38;
	[tilespmem:$0x1E500] =	vst v63  }
0x531: {  	s10 =	rddreg [dreg:$0x1c];
	s11 =	simm.s32 $0x17800  }
0x532: {  	[tilespmem:s11], [sflag:$0x1] =	stream.linear.gather [hbm4b:s10+s16], $0x200, $0x38;
	[tilespmem:$0x1E500] =	vst v63  }
0x533: {  	s12 =	sadd.s32 $0x80, s10;
	s2 =	simm.s32 $0x17C00  }
0x534: {  	[tilespmem:s2], [sflag:$0x1] =	stream.linear.gather [hbm4b:s12+s16], $0x200, $0x38;
	[tilespmem:$0x1E500] =	vst v63  }
0x535: {  	s13 =	sadd.s32 $0x100, s10;
	s14 =	simm.s32 $0x18000  }
0x536: {  	[tilespmem:s14], [sflag:$0x1] =	stream.linear.gather [hbm4b:s13+s16], $0x200, $0x38;
	[tilespmem:$0x1E500] =	vst v63  }
0x537: {  	s15 =	sadd.s32 $0x180, s10;
	s17 =	simm.s32 $0x18400;
	s19 =	rddreg [dreg:$0x1d]  }
0x538: {  	[tilespmem:s17], [sflag:$0x1] =	stream.linear.gather [hbm4b:s15+s16], $0x200, $0x38;
	[tilespmem:$0x1E500] =	vst v63  }
0x539: {  	s20 =	simm.s32 $0x16A00;
	s26 =	sld [smem:$0x7EC]  }
0x53a: {  	[tilespmem:s20], [sflag:$0x2] =	stream.linear.gather [hbm4b:s19+s16], $0x200, $0x38;
	[tilespmem:$0x1E500] =	vst v63  }
0x53b: {  	s21 =	simm.s32 $0x16E00;
	s30 =	sld [smem:$0x7ED]  }
0x53c: {  	[tilespmem:s21], [sflag:$0x2] =	stream.linear.gather [hbm4b:s26+s16], $0x200, $0x38;
	[tilespmem:$0x1E500] =	vst v63  }
0x53d: {  	s29 =	simm.s32 $0x17200;
	s2 =	sld [smem:$0x7EE]  }
0x53e: {  	[tilespmem:s29], [sflag:$0x2] =	stream.linear.gather [hbm4b:s30+s16], $0x200, $0x38;
	[tilespmem:$0x1E500] =	vst v63  }
0x53f: {  	s1 =	simm.s32 $0x17600  }
0x540: {  	[tilespmem:s1], [sflag:$0x2] =	stream.linear.gather [hbm4b:s2+s16], $0x200, $0x38;
	[tilespmem:$0x1E500] =	vst v63  }
0x541: {  	s3 =	simm.s32 $0x1A800;
	s5 =	sld [smem:$0x7EF]  }
0x542: {  	[tilespmem:s3], [sflag:$0x2] =	stream.linear.gather [hbm4b:s31+s16], $0x200, $0x38;
	[tilespmem:$0x1E500] =	vst v63  }
0x543: {  	s4 =	simm.s32 $0x1AC00;
	s8 =	sld [smem:$0x7F0]  }
0x544: {  	[tilespmem:s4], [sflag:$0x2] =	stream.linear.gather [hbm4b:s5+s16], $0x200, $0x38;
	[tilespmem:$0x1E500] =	vst v63  }
0x545: {  	s7 =	simm.s32 $0x1B000;
	s10 =	sld [smem:$0x7F1]  }
0x546: {  	[tilespmem:s7], [sflag:$0x2] =	stream.linear.gather [hbm4b:s8+s16], $0x200, $0x38;
	[tilespmem:$0x1E500] =	vst v63  }
0x547: {  	s9 =	simm.s32 $0x1B400;
	s11 =	rddreg [dreg:$0x16]  }
0x548: {  	[tilespmem:s9], [sflag:$0x2] =	stream.linear.gather [hbm4b:s10+s16], $0x200, $0x38;
	[tilespmem:$0x1E500] =	vst v63  }
0x549: {  	s12 =	simm.s32 $0x1AA00;
	s14 =	sld [smem:$0x7F2]  }
0x54a: {  	[tilespmem:s12], [sflag:$0x2] =	stream.linear.gather [hbm4b:s11+s16], $0x200, $0x38;
	[tilespmem:$0x1E500] =	vst v63  }
0x54b: {  	s13 =	simm.s32 $0x1AE00;
	s17 =	sld [smem:$0x7F3]  }
0x54c: {  	[tilespmem:s13], [sflag:$0x2] =	stream.linear.gather [hbm4b:s14+s16], $0x200, $0x38;
	[tilespmem:$0x1E500] =	vst v63  }
0x54d: {  	s15 =	simm.s32 $0x1B200;
	s20 =	sld [smem:$0x7F4]  }
0x54e: {  	[tilespmem:s15], [sflag:$0x2] =	stream.linear.gather [hbm4b:s17+s16], $0x200, $0x38;
	[tilespmem:$0x1E500] =	vst v63  }
0x54f: {  	s19 =	simm.s32 $0x1B600;
	s21 =	rddreg [dreg:$0x17]  }
0x550: {  	[tilespmem:s19], [sflag:$0x2] =	stream.linear.gather [hbm4b:s20+s16], $0x200, $0x38;
	[tilespmem:$0x1E500] =	vst v63  }
0x551: {  	s26 =	simm.s32 $0x1B800;
	s30 =	sld [smem:$0x7F5]  }
0x552: {  	[tilespmem:s26], [sflag:$0x2] =	stream.linear.gather [hbm4b:s21+s16], $0x200, $0x38;
	[tilespmem:$0x1E500] =	vst v63  }
0x553: {  	s29 =	simm.s32 $0x1BC00;
	s3 =	sld [smem:$0x7F6]  }
0x554: {  	[tilespmem:s29], [sflag:$0x2] =	stream.linear.gather [hbm4b:s30+s16], $0x200, $0x38;
	[tilespmem:$0x1E500] =	vst v63  }
0x555: {  	s2 =	simm.s32 $0x1C000;
	s5 =	sld [smem:$0x7F7]  }
0x556: {  	[tilespmem:s2], [sflag:$0x2] =	stream.linear.gather [hbm4b:s3+s16], $0x200, $0x38;
	[tilespmem:$0x1E500] =	vst v63  }
0x557: {  	s4 =	simm.s32 $0x1C400;
	s7 =	rddreg [dreg:$0x19]  }
0x558: {  	[tilespmem:s4], [sflag:$0x2] =	stream.linear.gather [hbm4b:s5+s16], $0x200, $0x38;
	[tilespmem:$0x1E500] =	vst v63  }
0x559: {  	s8 =	simm.s32 $0x1BA00;
	s10 =	sld [smem:$0x7F8]  }
0x55a: {  	[tilespmem:s8], [sflag:$0x2] =	stream.linear.gather [hbm4b:s7+s16], $0x200, $0x38;
	[tilespmem:$0x1E500] =	vst v63  }
0x55b: {  	s9 =	simm.s32 $0x1BE00;
	s12 =	sld [smem:$0x7F9]  }
0x55c: {  	[tilespmem:s9], [sflag:$0x2] =	stream.linear.gather [hbm4b:s10+s16], $0x200, $0x38;
	[tilespmem:$0x1E500] =	vst v63  }
0x55d: {  	s11 =	simm.s32 $0x1C200;
	s14 =	sld [smem:$0x7FA]  }
0x55e: {  	[tilespmem:s11], [sflag:$0x2] =	stream.linear.gather [hbm4b:s12+s16], $0x200, $0x38;
	[tilespmem:$0x1E500] =	vst v63  }
0x55f: {  	s13 =	simm.s32 $0x1C600  }
0x560: {  	[tilespmem:s13], [sflag:$0x2] =	stream.linear.gather [hbm4b:s14+s16], $0x200, $0x38;
	[tilespmem:$0x1E500] =	vst v63  }
0x561: {  	s15 =	rddreg [dreg:$0x1e];
	s17 =	simm.s32 $0x17A00  }
0x562: {  	[tilespmem:s17], [sflag:$0x2] =	stream.linear.gather [hbm4b:s15+s16], $0x200, $0x38;
	[tilespmem:$0x1E500] =	vst v63  }
0x563: {  	s19 =	sadd.s32 $0x80, s15;
	s20 =	simm.s32 $0x17E00  }
0x564: {  	[tilespmem:s20], [sflag:$0x2] =	stream.linear.gather [hbm4b:s19+s16], $0x200, $0x38;
	[tilespmem:$0x1E500] =	vst v63  }
0x565: {  	s21 =	sadd.s32 $0x100, s15;
	s26 =	simm.s32 $0x18200  }
0x566: {  	[tilespmem:s26], [sflag:$0x2] =	stream.linear.gather [hbm4b:s21+s16], $0x200, $0x38;
	[tilespmem:$0x1E500] =	vst v63  }
0x567: {  	s29 =	sadd.s32 $0x180, s15;
	s30 =	simm.s32 $0x18600;
	s17 =	simm.s32 $0x0  }
0x568: {  	v8 =	vimm.f32 $0.0e+00;
	[tilespmem:s30], [sflag:$0x2] =	stream.linear.gather [hbm4b:s29+s16], $0x200, $0x38;
	[tilespmem:$0x1E500] =	vst v63  }
.LBB2_18:
0x569: {  	s0 =	simm.s32 $0x1  }
0x56a: {  	_ =	swait.ge [sflag:s0], $0x800  }
0x56b: {  	[sflag:s0] =	ssyncset.done $0x0  }
0x56c: {  	[sflag:s0] =	ssyncadd.s32 $0xFFFFF800  }
0x56d: {  	_ =	swait.ge [sflag:s0], $0x800  }
0x56e: {  	[sflag:s0] =	ssyncset.done $0x0  }
0x56f: {  	[sflag:s0] =	ssyncadd.s32 $0xFFFFF800  }
0x570: {  	_ =	swait.ge [sflag:s0], $0x800  }
0x571: {  	[sflag:s0] =	ssyncset.done $0x0  }
0x572: {  	[sflag:s0] =	ssyncadd.s32 $0xFFFFF800  }
0x573: {  	_ =	swait.ge [sflag:s0], $0x800  }
0x574: {  	[sflag:s0] =	ssyncset.done $0x0  }
0x575: {  	[sflag:s0] =	ssyncadd.s32 $0xFFFFF800  }
0x576: {  	_ =	swait.ge [sflag:s0], $0x800  }
0x577: {  	[sflag:s0] =	ssyncset.done $0x0  }
0x578: {  	[sflag:s0] =	ssyncadd.s32 $0xFFFFF800  }
0x579: {  	_ =	swait.ge [sflag:s0], $0x800  }
0x57a: {  	s11 =	sand.u32 $0x60, s16;
	s3 =	sand.u32 $0xC00, s16;
	[sflag:s0] =	ssyncset.done $0x0  }
0x57b: {  	s15 =	sor.u32 s11, s3;
	[sflag:s0] =	ssyncadd.s32 $0xFFFFF800  }
0x57c: {  	v9 =	vld [tilespmem:s15+$0x17900]  }
0x57d: {  	s1 =	sor.u32 s16, s16;
	v12 =	vld [tilespmem:s15+$0x17880]  }
0x57e: {  	s1 =	sor.u32 $0x380, s1;
	v13 =	vld [tilespmem:s15+$0x17800]  }
0x57f: {  	v17 =	vld [tilespmem:s1+$0x18800]  }
0x580: {  	v18 =	vld [tilespmem:s15+$0x18900]  }
0x581: {  	v19 =	vld [tilespmem:s15+$0x18880]  }
0x582: {  	v20 =	vld [tilespmem:s15+$0x18800]  }
0x583: {  	v14 =	vld [tilespmem:s15+$0x16900]  }
0x584: {  	s12 =	sor.u32 $0x10, s11;
	v15 =	vld [tilespmem:s15+$0x16880]  }
0x585: {  	s19 =	sor.u32 s3, s12;
	v16 =	vld [tilespmem:s15+$0x16800]  }
0x586: {  	v22 =	vld [tilespmem:s19+$0x17980]  }
0x587: {  	s4 =	sadd.s32 $0x19B00, s3;
	v23 =	vld [tilespmem:s19+$0x17900]  }
0x588: {  	s20 =	sor.u32 s12, s4;
	v24 =	vld [tilespmem:s19+$0x17880]  }
0x589: {  	v11 =	vld [tilespmem:s20+$0x0]  }
0x58a: {  	v25 =	vld [tilespmem:s19+$0x17800]  }
0x58b: {  	v26 =	vld [tilespmem:s19+$0x18980]  }
0x58c: {  	s5 =	sadd.s32 $0x18800, s3;
	v28 =	vld [tilespmem:s19+$0x18900]  }
0x58d: {  	s7 =	sor.u32 s12, s5;
	v29 =	vld [tilespmem:s19+$0x18880]  }
0x58e: {  	s4 =	sor.u32 s11, s4;
	v30 =	vld [tilespmem:s7+$0x280]  }
0x58f: {  	v21 =	vld [tilespmem:s4+$0x0]  }
0x590: {  	v31 =	vld [tilespmem:s19+$0x18800]  }
0x591: {  	v32 =	vld [tilespmem:s7+$0x200]  }
0x592: {  	s26 =	sor.u32 s11, s5;
	v34 =	vld [tilespmem:s19+$0x16980]  }
0x593: {  	v35 =	vld [tilespmem:s26+$0x280]  }
0x594: {  	v36 =	vld [tilespmem:s19+$0x16900]  }
0x595: {  	s29 =	sand.u32 $0x3, s16;
	v37 =	vld [tilespmem:s26+$0x200]  }
0x596: {  	s30 =	sshll.u32 s29, $0x5;
	s1 =	sadd.s32 $0x19B80, s3;
	v38 =	vld [tilespmem:s19+$0x16880]  }
0x597: {  	s4 =	sadd.s32 $0x0, s30;
	v39 =	vld [tilespmem:s19+$0x16800];
	s2 =	sor.u32 s12, s1  }
0x598: {  	s21 =	sor.u32 s3, s16;
	s5 =	sor.u32 $0x300, s4;
	v10 =	vld [tilespmem:s2+$0x0]  }
0x599: {  	s2 =	sor.u32 $0x180, s21;
	v42 =	vld [tilespmem:s5+$0x18800]  }
0x59a: {  	v27 =	vld [tilespmem:s2+$0x17800]  }
0x59b: {  	s7 =	sadd.s32 $0x10, s4;
	v33 =	vld [tilespmem:s2+$0x18800];
	v40 =	vcvt.s32.f32 v9  }
0x59c: {  	s8 =	sor.u32 $0x380, s7;
	v41 =	vld [tilespmem:s2+$0x16800];
	v13 =	vcvt.s32.f32 v13;
	v12 =	vcvt.s32.f32 v12  }
0x59d: {  	s9 =	sor.u32 $0x300, s7;
	v45 =	vld [tilespmem:s8+$0x18800];
	v43 =	vadd.s32 $0x400, v15;
	v44 =	vadd.s32 $0x400, v14;
	v9 =	vcvt.s32.f32 v22  }
0x59e: {  	v61 =	vld [tilespmem:s9+$0x18800];
	v22 =	vadd.s32 $0x400, v16;
	v24 =	vcvt.s32.f32 v24;
	v23 =	vcvt.s32.f32 v23  }
0x59f: {  	v25 =	vcvt.s32.f32 v25;
	v48 =	vadd.s32 $0x400, v39;
	v49 =	vadd.s32 $0x400, v38;
	v14 =	vld.idx.msk [tilespmem:v14+s18+$0x0], $0xffff  }
0x5a0: {  	v50 =	vadd.s32 $0x400, v36;
	vm3 =	vlt.f32 v7, v12;
	vm4 =	vlt.f32 v7, v40;
	v46 =	vld.idx.msk [tilespmem:v15+s18+$0x0], $0xffff  }
0x5a1: {  	vm5 =	vlt.f32 v7, v13;
	vm2 =	vlt.f32 v7, v24;
	vm1 =	vlt.f32 v7, v23;
	v47 =	vld.idx.msk [tilespmem:v16+s18+$0x0], $0xffff  }
0x5a2: {  	vm6 =	vlt.f32 v7, v25;
	v15 =	vcvt.s32.f32 v27;
	v27 =	vadd.s32 $0x400, v34;
	v34 =	vld.idx.msk [tilespmem:v34+s18+$0x0], $0xffff  }
0x5a3: {  	v60 =	vadd.s32 $0x400, v41;
	v13 =	vsel vm4, $0x3F800000, v0;
	v16 =	vsel vm5, $0x3F800000, v0;
	v39 =	vld.idx.msk [tilespmem:v39+s18+$0x0], $0xffff  }
0x5a4: {  	v24 =	vld.idx.msk [tilespmem:v36+s18+$0x0], $0xffff;
	v12 =	vsel vm6, $0x3F800000, v0;
	vm15 =	vlt.f32 v7, v15;
	v15 =	vsel vm3, $0x3F800000, v0  }
0x5a5: {  	v23 =	vld.idx.msk [tilespmem:v38+s18+$0x0], $0xffff;
	v25 =	vand.u32 $0xFFFF0000, v14;
	v62 =	vshll.u32 v14, $0x10;
	v14 =	vsel vm15, $0x3F800000, v0  }
0x5a6: {  	v44 =	vld.idx.msk [tilespmem:v44+s18+$0x0], $0xffff;
	v51 =	vand.u32 $0xFFFF0000, v47;
	v52 =	vand.u32 $0xFFFF0000, v46;
	v46 =	vshll.u32 v46, $0x10  }
0x5a7: {  	v43 =	vld.idx.msk [tilespmem:v43+s18+$0x0], $0xffff;
	v47 =	vshll.u32 v47, $0x10;
	v53 =	vand.u32 $0xFFFF0000, v34;
	v34 =	vshll.u32 v34, $0x10  }
0x5a8: {  	v55 =	vld.idx.msk [tilespmem:v22+s18+$0x0], $0xffff;
	v22 =	vand.u32 $0xFFFF0000, v39;
	v54 =	vsub.f32 v18, v25;
	v52 =	vsub.f32 v19, v52  }
0x5a9: {  	v41 =	vld.idx.msk [tilespmem:v41+s18+$0x0], $0xffff;
	v63 =	vshll.u32 v39, $0x10;
	v42 =	vsub.f32 v42, v62;
	v56 =	vsub.f32 v20, v51  }
0x5aa: {  	v36 =	vld.idx.msk [tilespmem:v60+s18+$0x0], $0xffff;
	v18 =	vand.u32 $0xFFFF0000, v24;
	v57 =	vsub.f32 v35, v46;
	v25 =	vsub.f32 v37, v47  }
0x5ab: {  	v24 =	vshll.u32 v24, $0x10;
	v35 =	vld.idx.msk [tilespmem:v27+s18+$0x0], $0xffff;
	v20 =	vsub.f32 v26, v53;
	v26 =	vsub.f32 v45, v34  }
0x5ac: {  	v19 =	vand.u32 $0xFFFF0000, v23;
	v37 =	vld.idx.msk [tilespmem:v50+s18+$0x0], $0xffff;
	v22 =	vsub.f32 v31, v22;
	v18 =	vsub.f32 v28, v18  }
0x5ad: {  	s15 =	sadd.s32 $0x19A00, s3;
	v23 =	vshll.u32 v23, $0x10;
	v47 =	vld.idx.msk [tilespmem:v49+s18+$0x0], $0xffff;
	v19 =	vsub.f32 v29, v19;
	v27 =	vsub.f32 v61, v24  }
0x5ae: {  	s8 =	sor.u32 s11, s15;
	s9 =	sadd.s32 $0x19880, s3;
	v34 =	vld.idx.msk [tilespmem:v48+s18+$0x0], $0xffff;
	v23 =	vsub.f32 v30, v23;
	v31 =	vshll.u32 v44, $0x10;
	v24 =	vsub.f32 v32, v63  }
0x5af: {  	s14 =	sadd.s32 $0x19900, s3;
	v58 =	vld [tilespmem:s8+$0x0];
	s20 =	sor.u32 s11, s9;
	v53 =	vand.u32 $0xFFFF0000, v55;
	v55 =	vshll.u32 v55, $0x10;
	v59 =	vand.u32 $0xFFFF0000, v43  }
0x5b0: {  	s10 =	sadd.s32 $0x19A80, s3;
	s19 =	sor.u32 s11, s14;
	v60 =	vld [tilespmem:s20+$0x0];
	v28 =	vand.u32 $0xFFFF0000, v41;
	v29 =	vshll.u32 v41, $0x10;
	v41 =	vand.u32 $0xFFFF0000, v44  }
0x5b1: {  	s13 =	sor.u32 s11, s10;
	s2 =	sadd.s32 $0x19800, s3;
	v48 =	vld [tilespmem:s19+$0x0];
	v28 =	vsub.f32 v33, v28;
	v33 =	vshll.u32 v43, $0x10;
	v29 =	vsub.f32 v17, v29  }
0x5b2: {  	s0 =	sadd.s32 $0x19980, s3;
	s21 =	sor.u32 s11, s2;
	v30 =	vld [tilespmem:s13+$0x0];
	v17 =	vshll.u32 v36, $0x10;
	v45 =	vshll.u32 v37, $0x10;
	v43 =	vand.u32 $0xFFFF0000, v35  }
0x5b3: {  	s3 =	sor.u32 s12, s0;
	v61 =	vld [tilespmem:s21+$0x0];
	v46 =	vshll.u32 v35, $0x10;
	v38 =	vshll.u32 v34, $0x10;
	v44 =	vshll.u32 v47, $0x10  }
0x5b4: {  	s4 =	sor.u32 s12, s10;
	v49 =	vld [tilespmem:s3+$0x0];
	v39 =	vand.u32 $0xFFFF0000, v37;
	v32 =	vand.u32 $0xFFFF0000, v34;
	v40 =	vand.u32 $0xFFFF0000, v47  }
0x5b5: {  	s26 =	sor.u32 s12, s14;
	v51 =	vld [tilespmem:s4+$0x0];
	v37 =	vsub.f32 v21, v31;
	v31 =	vand.u32 $0xFFFF0000, v36;
	v21 =	vmul.f32 v54, v54  }
0x5b6: {  	s29 =	sor.u32 s12, s15;
	v50 =	vld [tilespmem:s26+$0x0];
	v34 =	vsub.f32 v48, v41;
	v41 =	vsub.f32 v58, v55;
	v35 =	vmul.f32 v52, v52  }
0x5b7: {  	s5 =	simm.s32 $0x0;
	s30 =	sor.u32 s12, s9;
	s3 =	sor.u32 s11, s1;
	v36 =	vmul.f32 v57, v57;
	v52 =	vld [tilespmem:s29+$0x0];
	v47 =	vmul.f32 v56, v56;
	v33 =	vsub.f32 v30, v33  }
0x5b8: {  	s4 =	simm.s32 $0x100;
	s19 =	simm.s32 $0x0;
	s13 =	simm.s32 $0x20;
	v30 =	vmul.f32 v42, v42;
	v48 =	vsub.f32 v61, v53;
	v42 =	vsub.f32 v60, v59;
	v53 =	vld [tilespmem:s30+$0x0]  }
.LBB2_19:
0x5b9: {  	s7 =	sand.u32 $0x60, s13;
	s1 =	sand.u32 $0xC00, s4;
	v54 =	vmul.f32 v25, v25;
	v55 =	vld [tilespmem:s3+$0x0];
	s2 =	sor.u32 s12, s2;
	v11 =	vsub.f32 v11, v45;
	v45 =	vsub.f32 v10, v46  }
0x5ba: {  	v46 =	vmul.f32 v20, v20;
	v56 =	vmul.f32 v26, v26;
	v43 =	vsub.f32 v49, v43;
	s3 =	sor.u32 s7, s1;
	v10 =	vld [tilespmem:s2+$0x0]  }
0x5bb: {  	s0 =	sor.u32 s11, s0;
	v49 =	vmul.f32 v18, v18;
	v27 =	vmul.f32 v27, v27;
	v44 =	vsub.f32 v51, v44;
	s11 =	smov.u32 s7;
	v25 =	vld [tilespmem:s3+$0x17900]  }
0x5bc: {  	v51 =	vmul.f32 v19, v19;
	v39 =	vsub.f32 v50, v39;
	v20 =	vld [tilespmem:s0+$0x0];
	v38 =	vsub.f32 v52, v38  }
0x5bd: {  	v23 =	vmul.f32 v23, v23;
	v50 =	vmul.f32 v22, v22;
	s0 =	sor.u32 s4, s13;
	v26 =	vld [tilespmem:s3+$0x17880];
	v40 =	vsub.f32 v53, v40  }
0x5be: {  	v28 =	vmul.f32 v28, v28;
	v24 =	vmul.f32 v24, v24;
	s0 =	sor.u32 $0x380, s0;
	v22 =	vld [tilespmem:s3+$0x17800];
	v52 =	vsub.f32 v55, v17  }
0x5bf: {  	v37 =	vmul.f32 v37, v37;
	v29 =	vmul.f32 v29, v29;
	v17 =	vld [tilespmem:s0+$0x18800];
	v10 =	vsub.f32 v10, v32  }
0x5c0: {  	v32 =	vadd.f32 v54, v47;
	v47 =	vmul.f32 v48, v48;
	v48 =	vmul.f32 v33, v33;
	v19 =	vld [tilespmem:s3+$0x18900]  }
0x5c1: {  	v41 =	vmul.f32 v41, v41;
	v53 =	vmul.f32 v34, v34;
	v18 =	vld [tilespmem:s3+$0x18880];
	v31 =	vsub.f32 v20, v31  }
0x5c2: {  	v35 =	vadd.f32 v36, v35;
	v36 =	vmul.f32 v42, v42;
	v34 =	vadd.f32 v47, v32;
	v20 =	vld [tilespmem:s3+$0x18800]  }
0x5c3: {  	v21 =	vadd.f32 v30, v21;
	v42 =	vmul.f32 v11, v11;
	v30 =	vmul.f32 v44, v44;
	v32 =	vld [tilespmem:s3+$0x16900]  }
0x5c4: {  	s12 =	sor.u32 $0x10, s11;
	v35 =	vadd.f32 v36, v35;
	v36 =	vmul.f32 v38, v38;
	v11 =	vadd.f32 v41, v34;
	v33 =	vld [tilespmem:s3+$0x16880]  }
0x5c5: {  	v28 =	vadd.f32 v29, v28;
	s0 =	sor.u32 s1, s12;
	v29 =	vmul.f32 v31, v31;
	v31 =	vmul.f32 v52, v52;
	v34 =	vld [tilespmem:s3+$0x16800]  }
0x5c6: {  	v21 =	vadd.f32 v53, v21;
	s3 =	sadd.s32 $0x19B80, s1;
	v11 =	vmul.f32 v11, v16;
	v16 =	vadd.f32 v48, v35;
	v38 =	vld [tilespmem:s0+$0x17980]  }
0x5c7: {  	v24 =	vadd.f32 v24, v50;
	v28 =	vadd.f32 v29, v28;
	v29 =	vmul.f32 v10, v10;
	s2 =	sor.u32 s12, s3;
	v35 =	vld [tilespmem:s0+$0x17900]  }
0x5c8: {  	s7 =	sadd.s32 $0x19B00, s1;
	v8 =	vadd.f32 v11, v8;
	v15 =	vmul.f32 v16, v15;
	v16 =	vadd.f32 v37, v21;
	v10 =	vld [tilespmem:s2+$0x0]  }
0x5c9: {  	v23 =	vadd.f32 v23, v51;
	v21 =	vadd.f32 v29, v24;
	v24 =	vmul.f32 v40, v40;
	s2 =	sor.u32 s12, s7;
	v37 =	vld [tilespmem:s0+$0x17880]  }
0x5ca: {  	v8 =	vadd.f32 v15, v8;
	v13 =	vmul.f32 v16, v13;
	v15 =	vadd.f32 v31, v28;
	v11 =	vld [tilespmem:s2+$0x0]  }
0x5cb: {  	v27 =	vadd.f32 v27, v49;
	v24 =	vadd.f32 v24, v23;
	v28 =	vmul.f32 v39, v39;
	s2 =	sor.u32 s1, s13;
	v16 =	vld [tilespmem:s0+$0x17800]  }
0x5cc: {  	s2 =	sor.u32 $0x180, s2;
	v8 =	vadd.f32 v13, v8;
	v13 =	vmul.f32 v15, v14;
	v14 =	vadd.f32 v36, v21;
	v23 =	vld [tilespmem:s0+$0x18980]  }
0x5cd: {  	v29 =	vadd.f32 v56, v46;
	v31 =	vmul.f32 v43, v43;
	v21 =	vadd.f32 v28, v27;
	v15 =	vld [tilespmem:s2+$0x17800]  }
0x5ce: {  	s8 =	sadd.s32 $0x18800, s1;
	v8 =	vadd.f32 v13, v8;
	v12 =	vmul.f32 v14, v12;
	v13 =	vadd.f32 v30, v24;
	v28 =	vld [tilespmem:s0+$0x18900]  }
0x5cf: {  	s9 =	sor.u32 s12, s8;
	v29 =	vadd.f32 v31, v29;
	v31 =	vmul.f32 v45, v45;
	v14 =	vsel vm2, $0x3F800000, v0;
	v27 =	vld [tilespmem:s0+$0x18880]  }
0x5d0: {  	s7 =	sor.u32 s11, s7;
	v8 =	vadd.f32 v12, v8;
	v12 =	vmul.f32 v13, v14;
	v13 =	vadd.f32 v42, v21;
	v24 =	vld [tilespmem:s9+$0x280]  }
0x5d1: {  	v14 =	vsel vm1, $0x3F800000, v0;
	vm1 =	vlt.f32 v7, v9;
	v21 =	vld [tilespmem:s7+$0x0]  }
0x5d2: {  	v8 =	vadd.f32 v12, v8;
	v9 =	vmul.f32 v13, v14;
	v12 =	vadd.f32 v31, v29;
	v30 =	vld [tilespmem:s0+$0x18800]  }
0x5d3: {  	v13 =	vsel vm1, $0x3F800000, v0;
	v29 =	vld [tilespmem:s9+$0x200]  }
0x5d4: {  	v8 =	vadd.f32 v9, v8;
	v9 =	vmul.f32 v12, v13;
	v31 =	vld [tilespmem:s2+$0x18800]  }
0x5d5: {  	s7 =	sor.u32 s11, s8;
	v12 =	vld [tilespmem:s0+$0x16980]  }
0x5d6: {  	v8 =	vadd.f32 v9, v8;
	v36 =	vld [tilespmem:s7+$0x280]  }
0x5d7: {  	s19 =	sadd.s32 $0x1, s19;
	v13 =	vld [tilespmem:s0+$0x16900]  }
0x5d8: {  	s8 =	sand.u32 $0x3, s19;
	v39 =	vld [tilespmem:s7+$0x200]  }
0x5d9: {  	s7 =	sshll.u32 s8, $0x5;
	v14 =	vld [tilespmem:s0+$0x16880]  }
0x5da: {  	s7 =	sadd.s32 s7, s4;
	v40 =	vld [tilespmem:s0+$0x16800]  }
0x5db: {  	v25 =	vcvt.s32.f32 v25;
	s0 =	sor.u32 $0x300, s7;
	v41 =	vld [tilespmem:s2+$0x16800];
	s2 =	sadd.s32 $0x10, s7  }
0x5dc: {  	v26 =	vcvt.s32.f32 v26;
	v22 =	vcvt.s32.f32 v22;
	v42 =	vld [tilespmem:s0+$0x18800];
	s0 =	sor.u32 $0x380, s2  }
0x5dd: {  	v44 =	vadd.s32 $0x400, v32;
	v43 =	vadd.s32 $0x400, v33;
	v9 =	vcvt.s32.f32 v38;
	v45 =	vld [tilespmem:s0+$0x18800]  }
0x5de: {  	v35 =	vcvt.s32.f32 v35;
	v37 =	vcvt.s32.f32 v37;
	v38 =	vadd.s32 $0x400, v34;
	v32 =	vld.idx.msk [tilespmem:v32+s18+$0x0], $0xffff  }
0x5df: {  	v16 =	vcvt.s32.f32 v16;
	v15 =	vcvt.s32.f32 v15;
	v46 =	vadd.s32 $0x400, v12;
	v33 =	vld.idx.msk [tilespmem:v33+s18+$0x0], $0xffff  }
0x5e0: {  	v49 =	vadd.s32 $0x400, v13;
	v48 =	vadd.s32 $0x400, v14;
	v47 =	vadd.s32 $0x400, v40;
	v34 =	vld.idx.msk [tilespmem:v34+s18+$0x0], $0xffff  }
0x5e1: {  	vm4 =	vlt.f32 v7, v25;
	vm3 =	vlt.f32 v7, v26;
	v50 =	vadd.s32 $0x400, v41;
	v25 =	vld.idx.msk [tilespmem:v12+s18+$0x0], $0xffff  }
0x5e2: {  	vm5 =	vlt.f32 v7, v22;
	vm2 =	vlt.f32 v7, v37;
	vm1 =	vlt.f32 v7, v35;
	v22 =	vld.idx.msk [tilespmem:v13+s18+$0x0], $0xffff  }
0x5e3: {  	vm6 =	vlt.f32 v7, v16;
	s0 =	sor.u32 $0x300, s2;
	v13 =	vsel vm4, $0x3F800000, v0;
	vm4 =	vlt.f32 v7, v15;
	v26 =	vld.idx.msk [tilespmem:v14+s18+$0x0], $0xffff  }
0x5e4: {  	v16 =	vsel vm5, $0x3F800000, v0;
	v12 =	vsel vm6, $0x3F800000, v0;
	v15 =	vsel vm3, $0x3F800000, v0;
	v35 =	vld [tilespmem:s0+$0x18800]  }
0x5e5: {  	v37 =	vand.u32 $0xFFFF0000, v32;
	v32 =	vshll.u32 v32, $0x10;
	v14 =	vsel vm4, $0x3F800000, v0;
	v40 =	vld.idx.msk [tilespmem:v40+s18+$0x0], $0xffff  }
0x5e6: {  	v52 =	vand.u32 $0xFFFF0000, v33;
	v33 =	vshll.u32 v33, $0x10;
	v51 =	vand.u32 $0xFFFF0000, v34;
	v41 =	vld.idx.msk [tilespmem:v41+s18+$0x0], $0xffff  }
0x5e7: {  	v34 =	vshll.u32 v34, $0x10;
	v53 =	vand.u32 $0xFFFF0000, v25;
	v54 =	vshll.u32 v25, $0x10;
	v44 =	vld.idx.msk [tilespmem:v44+s18+$0x0], $0xffff  }
0x5e8: {  	v55 =	vsub.f32 v19, v37;
	v19 =	vand.u32 $0xFFFF0000, v22;
	v22 =	vshll.u32 v22, $0x10;
	v43 =	vld.idx.msk [tilespmem:v43+s18+$0x0], $0xffff  }
0x5e9: {  	v42 =	vsub.f32 v42, v32;
	v52 =	vsub.f32 v18, v52;
	v32 =	vand.u32 $0xFFFF0000, v26;
	v37 =	vld.idx.msk [tilespmem:v38+s18+$0x0], $0xffff  }
0x5ea: {  	v36 =	vsub.f32 v36, v33;
	v56 =	vsub.f32 v20, v51;
	v33 =	vshll.u32 v26, $0x10;
	v38 =	vld.idx.msk [tilespmem:v46+s18+$0x0], $0xffff  }
0x5eb: {  	s5 =	sadd.s32 $0x2, s5;
	v25 =	vsub.f32 v39, v34;
	v20 =	vsub.f32 v23, v53;
	v34 =	vand.u32 $0xFFFF0000, v40;
	v39 =	vld.idx.msk [tilespmem:v49+s18+$0x0], $0xffff  }
0x5ec: {  	p0 =	slt.u32 s5, $0x1E;
	v18 =	vsub.f32 v28, v19;
	v26 =	vsub.f32 v45, v54;
	v40 =	vshll.u32 v40, $0x10;
	v48 =	vld.idx.msk [tilespmem:v48+s18+$0x0], $0xffff  }
0x5ed: {  	s7 =	sadd.s32 $0x19A80, s1;
	v19 =	vsub.f32 v27, v32;
	v27 =	vsub.f32 v35, v22;
	v28 =	vand.u32 $0xFFFF0000, v41;
	v47 =	vld.idx.msk [tilespmem:v47+s18+$0x0], $0xffff  }
0x5ee: {  	s8 =	sadd.s32 $0x19900, s1;
	s0 =	sor.u32 s11, s7;
	v23 =	vsub.f32 v24, v33;
	v32 =	vshll.u32 v41, $0x10;
	v22 =	vsub.f32 v30, v34;
	v35 =	vld.idx.msk [tilespmem:v50+s18+$0x0], $0xffff  }
0x5ef: {  	s9 =	sadd.s32 $0x19A00, s1;
	v24 =	vsub.f32 v29, v40;
	v34 =	vshll.u32 v44, $0x10;
	v28 =	vsub.f32 v31, v28;
	v30 =	vld [tilespmem:s0+$0x0];
	s0 =	sor.u32 s11, s8  }
0x5f0: {  	s14 =	sadd.s32 $0x19880, s1;
	s10 =	sor.u32 s11, s9;
	v41 =	vand.u32 $0xFFFF0000, v44;
	v29 =	vsub.f32 v17, v32;
	v31 =	vshll.u32 v43, $0x10;
	v50 =	vld [tilespmem:s0+$0x0]  }
0x5f1: {  	s2 =	sadd.s32 $0x19800, s1;
	v58 =	vand.u32 $0xFFFF0000, v43;
	v53 =	vand.u32 $0xFFFF0000, v37;
	v54 =	vshll.u32 v37, $0x10;
	s0 =	sor.u32 s11, s14;
	v57 =	vld [tilespmem:s10+$0x0]  }
0x5f2: {  	v43 =	vand.u32 $0xFFFF0000, v38;
	v46 =	vshll.u32 v38, $0x10;
	v45 =	vshll.u32 v39, $0x10;
	s10 =	sor.u32 s11, s2;
	v59 =	vld [tilespmem:s0+$0x0];
	s0 =	sadd.s32 $0x19980, s1  }
0x5f3: {  	v39 =	vand.u32 $0xFFFF0000, v39;
	v44 =	vshll.u32 v48, $0x10;
	v38 =	vshll.u32 v47, $0x10;
	v60 =	vld [tilespmem:s10+$0x0];
	s1 =	sor.u32 s12, s0  }
.Ltmp11:
0x5f4: {  	s7 =	sor.u32 s12, s7;
	v40 =	vand.u32 $0xFFFF0000, v48;
	v32 =	vand.u32 $0xFFFF0000, v47;
	v17 =	vshll.u32 v35, $0x10;
	v49 =	vld [tilespmem:s1+$0x0];
	(pc) =	sbr.rel @p0 .LBB2_19-.Ltmp11, $4  }
0x5f5: {  	v37 =	vsub.f32 v21, v34;
	v33 =	vsub.f32 v30, v31;
	v31 =	vand.u32 $0xFFFF0000, v35;
	s1 =	sor.u32 s12, s8;
	v51 =	vld [tilespmem:s7+$0x0]  }
0x5f6: {  	v21 =	vmul.f32 v55, v55;
	v30 =	vmul.f32 v42, v42;
	v34 =	vsub.f32 v50, v41;
	s7 =	sor.u32 s12, s9;
	v50 =	vld [tilespmem:s1+$0x0]  }
0x5f7: {  	v36 =	vmul.f32 v36, v36;
	v35 =	vmul.f32 v52, v52;
	v41 =	vsub.f32 v57, v54;
	s1 =	sor.u32 s12, s14;
	v52 =	vld [tilespmem:s7+$0x0]  }
0x5f8: {  	s3 =	sor.u32 s11, s3;
	s13 =	sadd.s32 $0x20, s13;
	s4 =	sadd.s32 $0x100, s4;
	v47 =	vmul.f32 v56, v56;
	v42 =	vsub.f32 v59, v58;
	v48 =	vsub.f32 v60, v53;
	v53 =	vld [tilespmem:s1+$0x0]  }
0x5f9: {  	v25 =	vmul.f32 v25, v25  }
0x5fa: {  	v20 =	vmul.f32 v20, v20;
	v26 =	vmul.f32 v26, v26  }
0x5fb: {  	v11 =	vsub.f32 v11, v45;
	v18 =	vmul.f32 v18, v18;
	v27 =	vmul.f32 v27, v27  }
0x5fc: {  	v10 =	vsub.f32 v10, v46;
	v19 =	vmul.f32 v19, v19;
	v22 =	vmul.f32 v22, v22  }
0x5fd: {  	v43 =	vsub.f32 v49, v43;
	v23 =	vmul.f32 v23, v23;
	v28 =	vmul.f32 v28, v28  }
0x5fe: {  	v24 =	vmul.f32 v24, v24;
	v29 =	vmul.f32 v29, v29;
	v35 =	vadd.f32 v36, v35  }
0x5ff: {  	v54 =	vld [tilespmem:s3+$0x0];
	s0 =	sor.u32 s11, s0;
	v34 =	vmul.f32 v34, v34;
	v21 =	vadd.f32 v30, v21;
	v44 =	vsub.f32 v51, v44  }
0x600: {  	s1 =	sor.u32 s12, s2;
	v37 =	vmul.f32 v37, v37;
	v60 =	vld [tilespmem:s0+$0x0];
	v39 =	vsub.f32 v50, v39;
	v25 =	vadd.f32 v25, v47  }
0x601: {  	v59 =	vld [tilespmem:s1+$0x0];
	v61 =	vmul.f32 v48, v48;
	v28 =	vadd.f32 v29, v28;
	v21 =	vadd.f32 v34, v21  }
0x602: {  	v62 =	vmul.f32 v42, v42;
	v22 =	vadd.f32 v24, v22;
	v19 =	vadd.f32 v23, v19  }
0x603: {  	v41 =	vmul.f32 v41, v41;
	v38 =	vsub.f32 v52, v38;
	v25 =	vadd.f32 v61, v25  }
0x604: {  	v33 =	vmul.f32 v33, v33;
	v35 =	vadd.f32 v62, v35;
	v40 =	vsub.f32 v53, v40  }
0x605: {  	v11 =	vmul.f32 v11, v11;
	v31 =	vsub.f32 v60, v31;
	v25 =	vadd.f32 v41, v25  }
0x606: {  	v63 =	vmul.f32 v44, v44;
	v17 =	vsub.f32 v54, v17;
	v32 =	vsub.f32 v59, v32  }
0x607: {  	v45 =	vadd.f32 v33, v35;
	v44 =	vmul.f32 v31, v31;
	v16 =	vmul.f32 v25, v16  }
0x608: {  	v47 =	vadd.f32 v37, v21;
	v17 =	vmul.f32 v17, v17;
	v46 =	vmul.f32 v32, v32  }
0x609: {  	v15 =	vmul.f32 v45, v15;
	v28 =	vadd.f32 v44, v28;
	v8 =	vadd.f32 v16, v8  }
0x60a: {  	v42 =	vmul.f32 v38, v38;
	v49 =	vmul.f32 v40, v40;
	v48 =	vadd.f32 v46, v22  }
0x60b: {  	v13 =	vmul.f32 v47, v13;
	v8 =	vadd.f32 v15, v8;
	v50 =	vadd.f32 v17, v28  }
0x60c: {  	v52 =	vadd.f32 v27, v18;
	v53 =	vmul.f32 v39, v39;
	v51 =	vadd.f32 v49, v19  }
0x60d: {  	v55 =	vadd.f32 v42, v48;
	v8 =	vadd.f32 v13, v8;
	v54 =	vmul.f32 v50, v14  }
0x60e: {  	v57 =	vadd.f32 v26, v20;
	v58 =	vmul.f32 v43, v43;
	v56 =	vadd.f32 v53, v52  }
0x60f: {  	v59 =	vadd.f32 v63, v51;
	v12 =	vmul.f32 v55, v12;
	v8 =	vadd.f32 v54, v8  }
0x610: {  	v10 =	vmul.f32 v10, v10;
	v61 =	vadd.f32 v58, v57;
	v60 =	vsel vm2, $0x3F800000, v0  }
0x611: {  	v11 =	vadd.f32 v11, v56;
	v62 =	vmul.f32 v59, v60;
	v8 =	vadd.f32 v12, v8  }
0x612: {  	p0 =	seq.s32 s17, $0x1F;
	v10 =	vadd.f32 v10, v61;
	v63 =	vsel vm1, $0x3F800000, v0  }
.Ltmp12:
0x613: {  	vm1 =	vlt.f32 v7, v9;
	v9 =	vmul.f32 v11, v63;
	v8 =	vadd.f32 v62, v8;
	(pc) =	sbr.rel @p0 .LBB2_22-.Ltmp12, $3  }
0x614: {  	v11 =	vsel vm1, $0x3F800000, v0  }
0x615: {  	v8 =	vadd.f32 v9, v8;
	v9 =	vmul.f32 v10, v11;
	_ =	sdelay $0x1  }
0x616: {  	s26 =	sshll.u32 s17, $0xC;
	v8 =	vadd.f32 v9, v8  }
0x617: {  	s0 =	rddreg [dreg:$0x1a]  }
0x618: {  	s1 =	rddreg [dreg:$0x9];
	s0 =	sadd.s32 s26, s0  }
0x619: {  	s1 =	sadd.s32 s1, s0  }
0x61a: {  	s1 =	sshrl.u32 s1, $0x3  }
0x61b: {  	s3 =	simm.s32 $0x16800;
	s2 =	sadd.s32 s22, s1  }
0x61c: {  	[tilespmem:s3], [sflag:$0x1] =	stream.linear.gather [hbm4b:s2+s6], $0x200, $0x38;
	[tilespmem:$0x1E500] =	vst v63  }
0x61d: {  	s4 =	simm.s32 $0x16C00;
	s12 =	sadd.s32 $0x80, s2  }
0x61e: {  	[tilespmem:s4], [sflag:$0x1] =	stream.linear.gather [hbm4b:s12+s6], $0x200, $0x38;
	[tilespmem:$0x1E500] =	vst v63  }
0x61f: {  	s14 =	simm.s32 $0x17000;
	s13 =	sadd.s32 $0x100, s2  }
0x620: {  	[tilespmem:s14], [sflag:$0x1] =	stream.linear.gather [hbm4b:s13+s6], $0x200, $0x38;
	[tilespmem:$0x1E500] =	vst v63  }
0x621: {  	s15 =	simm.s32 $0x17400;
	s19 =	rddreg [dreg:$0xa];
	s2 =	sadd.s32 $0x180, s2  }
0x622: {  	[tilespmem:s15], [sflag:$0x1] =	stream.linear.gather [hbm4b:s2+s6], $0x200, $0x38;
	[tilespmem:$0x1E500] =	vst v63  }
0x623: {  	s2 =	sor.u32 s19, s0  }
0x624: {  	s4 =	rddreg [dreg:$0x0];
	s2 =	sshrl.u32 s2, $0x3  }
0x625: {  	s20 =	simm.s32 $0x18800;
	s2 =	sadd.s32 s4, s2  }
0x626: {  	[tilespmem:s20], [sflag:$0x1] =	stream.linear.gather [hbm4b:s2+s6], $0x200, $0x38;
	[tilespmem:$0x1E500] =	vst v63  }
0x627: {  	s5 =	simm.s32 $0x18C00;
	s21 =	sadd.s32 $0x80, s2  }
0x628: {  	[tilespmem:s5], [sflag:$0x1] =	stream.linear.gather [hbm4b:s21+s6], $0x200, $0x38;
	[tilespmem:$0x1E500] =	vst v63  }
0x629: {  	s30 =	simm.s32 $0x19000;
	s29 =	sadd.s32 $0x100, s2  }
0x62a: {  	[tilespmem:s30], [sflag:$0x1] =	stream.linear.gather [hbm4b:s29+s6], $0x200, $0x38;
	[tilespmem:$0x1E500] =	vst v63  }
0x62b: {  	s7 =	simm.s32 $0x19400;
	s8 =	rddreg [dreg:$0xb];
	s2 =	sadd.s32 $0x180, s2  }
0x62c: {  	[tilespmem:s7], [sflag:$0x1] =	stream.linear.gather [hbm4b:s2+s6], $0x200, $0x38;
	[tilespmem:$0x1E500] =	vst v63  }
0x62d: {  	s2 =	sadd.s32 s8, s0  }
0x62e: {  	s2 =	sshrl.u32 s2, $0x3  }
0x62f: {  	s9 =	simm.s32 $0x18A00;
	s2 =	sadd.s32 s4, s2  }
0x630: {  	[tilespmem:s9], [sflag:$0x1] =	stream.linear.gather [hbm4b:s2+s6], $0x200, $0x38;
	[tilespmem:$0x1E500] =	vst v63  }
0x631: {  	s11 =	simm.s32 $0x18E00;
	s10 =	sadd.s32 $0x80, s2  }
0x632: {  	[tilespmem:s11], [sflag:$0x1] =	stream.linear.gather [hbm4b:s10+s6], $0x200, $0x38;
	[tilespmem:$0x1E500] =	vst v63  }
0x633: {  	s13 =	simm.s32 $0x19200;
	s12 =	sadd.s32 $0x100, s2  }
0x634: {  	[tilespmem:s13], [sflag:$0x1] =	stream.linear.gather [hbm4b:s12+s6], $0x200, $0x38;
	[tilespmem:$0x1E500] =	vst v63  }
0x635: {  	s14 =	simm.s32 $0x19600;
	s15 =	rddreg [dreg:$0xc];
	s2 =	sadd.s32 $0x180, s2  }
0x636: {  	[tilespmem:s14], [sflag:$0x1] =	stream.linear.gather [hbm4b:s2+s6], $0x200, $0x38;
	[tilespmem:$0x1E500] =	vst v63  }
0x637: {  	s2 =	sor.u32 s15, s0  }
0x638: {  	s2 =	sshrl.u32 s2, $0x3  }
0x639: {  	s19 =	simm.s32 $0x19800;
	s2 =	sadd.s32 s4, s2  }
0x63a: {  	[tilespmem:s19], [sflag:$0x1] =	stream.linear.gather [hbm4b:s2+s6], $0x200, $0x38;
	[tilespmem:$0x1E500] =	vst v63  }
0x63b: {  	s21 =	simm.s32 $0x19C00;
	s7 =	rddreg [dreg:$0x11];
	s20 =	sadd.s32 $0x80, s2  }
0x63c: {  	[tilespmem:s21], [sflag:$0x1] =	stream.linear.gather [hbm4b:s20+s6], $0x200, $0x38;
	[tilespmem:$0x1E500] =	vst v63  }
0x63d: {  	s30 =	simm.s32 $0x1A000;
	s0 =	sadd.s32 s7, s0;
	s29 =	sadd.s32 $0x100, s2  }
0x63e: {  	[tilespmem:s30], [sflag:$0x1] =	stream.linear.gather [hbm4b:s29+s6], $0x200, $0x38;
	[tilespmem:$0x1E500] =	vst v63  }
0x63f: {  	s5 =	simm.s32 $0x1A400;
	s0 =	sshrl.u32 s0, $0x3;
	s2 =	sadd.s32 $0x180, s2  }
0x640: {  	[tilespmem:s5], [sflag:$0x1] =	stream.linear.gather [hbm4b:s2+s6], $0x200, $0x38;
	[tilespmem:$0x1E500] =	vst v63  }
0x641: {  	s8 =	simm.s32 $0x19A00;
	s0 =	sadd.s32 s4, s0  }
0x642: {  	[tilespmem:s8], [sflag:$0x1] =	stream.linear.gather [hbm4b:s0+s6], $0x200, $0x38;
	[tilespmem:$0x1E500] =	vst v63  }
0x643: {  	s10 =	simm.s32 $0x19E00;
	s9 =	sadd.s32 $0x80, s0  }
0x644: {  	[tilespmem:s10], [sflag:$0x1] =	stream.linear.gather [hbm4b:s9+s6], $0x200, $0x38;
	[tilespmem:$0x1E500] =	vst v63  }
0x645: {  	s12 =	simm.s32 $0x1A200;
	s11 =	sadd.s32 $0x100, s0  }
0x646: {  	[tilespmem:s12], [sflag:$0x1] =	stream.linear.gather [hbm4b:s11+s6], $0x200, $0x38;
	[tilespmem:$0x1E500] =	vst v63  }
0x647: {  	s13 =	simm.s32 $0x1A600;
	s0 =	sadd.s32 $0x180, s0  }
0x648: {  	[tilespmem:s13], [sflag:$0x1] =	stream.linear.gather [hbm4b:s0+s6], $0x200, $0x38;
	[tilespmem:$0x1E500] =	vst v63  }
0x649: {  	s14 =	sadd.s32 s23, s1;
	s15 =	simm.s32 $0x17800  }
0x64a: {  	[tilespmem:s15], [sflag:$0x1] =	stream.linear.gather [hbm4b:s14+s6], $0x200, $0x38;
	[tilespmem:$0x1E500] =	vst v63  }
0x64b: {  	s19 =	sadd.s32 $0x80, s14;
	s20 =	simm.s32 $0x17C00  }
0x64c: {  	[tilespmem:s20], [sflag:$0x1] =	stream.linear.gather [hbm4b:s19+s6], $0x200, $0x38;
	[tilespmem:$0x1E500] =	vst v63  }
0x64d: {  	s21 =	sadd.s32 $0x100, s14;
	s29 =	simm.s32 $0x18000  }
0x64e: {  	[tilespmem:s29], [sflag:$0x1] =	stream.linear.gather [hbm4b:s21+s6], $0x200, $0x38;
	[tilespmem:$0x1E500] =	vst v63  }
0x64f: {  	s30 =	simm.s32 $0x18400;
	s0 =	sadd.s32 $0x180, s14  }
0x650: {  	[tilespmem:s30], [sflag:$0x1] =	stream.linear.gather [hbm4b:s0+s6], $0x200, $0x38;
	[tilespmem:$0x1E500] =	vst v63  }
.LBB2_22:
0x651: {  	s0 =	simm.s32 $0x2  }
0x652: {  	_ =	swait.ge [sflag:s0], $0x800  }
0x653: {  	[sflag:s0] =	ssyncset.done $0x0  }
0x654: {  	[sflag:s0] =	ssyncadd.s32 $0xFFFFF800  }
0x655: {  	_ =	swait.ge [sflag:s0], $0x800  }
0x656: {  	[sflag:s0] =	ssyncset.done $0x0  }
0x657: {  	[sflag:s0] =	ssyncadd.s32 $0xFFFFF800  }
0x658: {  	_ =	swait.ge [sflag:s0], $0x800  }
0x659: {  	[sflag:s0] =	ssyncset.done $0x0  }
0x65a: {  	[sflag:s0] =	ssyncadd.s32 $0xFFFFF800  }
0x65b: {  	_ =	swait.ge [sflag:s0], $0x800  }
0x65c: {  	[sflag:s0] =	ssyncset.done $0x0  }
0x65d: {  	[sflag:s0] =	ssyncadd.s32 $0xFFFFF800  }
0x65e: {  	_ =	swait.ge [sflag:s0], $0x800  }
0x65f: {  	[sflag:s0] =	ssyncset.done $0x0  }
0x660: {  	[sflag:s0] =	ssyncadd.s32 $0xFFFFF800  }
0x661: {  	s12 =	simm.s32 $0x0;
	_ =	swait.ge [sflag:s0], $0x800  }
0x662: {  	s9 =	sor.u32 s12, s12;
	s30 =	sand.u32 $0x60, s12;
	[sflag:s0] =	ssyncset.done $0x0  }
0x663: {  	s11 =	sand.u32 $0xC00, s12;
	[sflag:s0] =	ssyncadd.s32 $0xFFFFF800;
	s0 =	sor.u32 $0x380, s9  }
0x664: {  	s1 =	sor.u32 s30, s11;
	v9 =	vld [tilespmem:s0+$0x17800]  }
0x665: {  	v10 =	vld [tilespmem:s1+$0x17A80]  }
0x666: {  	v12 =	vld [tilespmem:s1+$0x17A00]  }
0x667: {  	v15 =	vld [tilespmem:s0+$0x16800]  }
0x668: {  	s29 =	sor.u32 $0x10, s30;
	v17 =	vld [tilespmem:s1+$0x16A80]  }
0x669: {  	s5 =	sadd.s32 $0x1A980, s11;
	s4 =	sor.u32 s11, s29;
	v20 =	vld [tilespmem:s1+$0x16A00]  }
0x66a: {  	s13 =	sor.u32 s29, s5;
	s1 =	sadd.s32 $0x1BA80, s11;
	v21 =	vld [tilespmem:s4+$0x17A80]  }
0x66b: {  	v13 =	vld [tilespmem:s13+$0x0];
	s13 =	sadd.s32 $0x1BB80, s11;
	s10 =	sor.u32 s29, s1  }
0x66c: {  	v11 =	vld [tilespmem:s10+$0x0];
	s10 =	sor.u32 s30, s13  }
0x66d: {  	s7 =	sadd.s32 $0x1AB80, s11;
	v23 =	vld [tilespmem:s10+$0x0]  }
0x66e: {  	s3 =	sadd.s32 $0x1BA00, s11;
	s14 =	sor.u32 s29, s7;
	v22 =	vld [tilespmem:s4+$0x17A00]  }
0x66f: {  	s2 =	sadd.s32 $0x1B880, s11;
	s8 =	sor.u32 s29, s3;
	v14 =	vld [tilespmem:s14+$0x0]  }
0x670: {  	s15 =	sor.u32 s29, s2;
	s0 =	sadd.s32 $0x1A900, s11;
	v16 =	vld [tilespmem:s8+$0x0]  }
0x671: {  	s9 =	sadd.s32 $0x1A880, s11;
	v18 =	vld [tilespmem:s15+$0x0];
	s19 =	sor.u32 s29, s0  }
0x672: {  	s8 =	sadd.s32 $0x1AA80, s11;
	s20 =	sor.u32 s29, s9;
	v19 =	vld [tilespmem:s19+$0x0];
	[tilespmem:$0x1FFE0] =	vst v23  }
0x673: {  	s21 =	sor.u32 s29, s8;
	s19 =	sadd.s32 $0x1B980, s11;
	v26 =	vld [tilespmem:s20+$0x0]  }
0x674: {  	s15 =	sor.u32 s30, s19;
	v29 =	vld [tilespmem:s21+$0x0]  }
0x675: {  	s5 =	sor.u32 s30, s5;
	v27 =	vld [tilespmem:s15+$0x0]  }
0x676: {  	s8 =	sor.u32 s30, s8;
	v30 =	vld [tilespmem:s5+$0x0]  }
0x677: {  	v34 =	vld [tilespmem:s8+$0x0]  }
0x678: {  	v23 =	vld [tilespmem:s4+$0x16A80]  }
0x679: {  	v24 =	vld [tilespmem:s4+$0x16A00]  }
0x67a: {  	v46 =	vld.idx.msk [tilespmem:v15+s18+$0x0], $0xffff  }
0x67b: {  	s14 =	sadd.s32 $0x1A800, s11;
	v48 =	vld.idx.msk [tilespmem:v17+s18+$0x0], $0xffff  }
0x67c: {  	s10 =	sadd.s32 $0x1AA00, s11;
	s20 =	sor.u32 s29, s14;
	v50 =	vld.idx.msk [tilespmem:v20+s18+$0x0], $0xffff  }
0x67d: {  	s21 =	sor.u32 s29, s10;
	v28 =	vld [tilespmem:s20+$0x0]  }
0x67e: {  	s15 =	sor.u32 s30, s10;
	v33 =	vld [tilespmem:s21+$0x0];
	s20 =	sor.u32 s30, s7  }
0x67f: {  	s21 =	sor.u32 s30, s9;
	s9 =	sor.u32 s30, s14;
	s14 =	sand.u32 $0x3, s12;
	v36 =	vld [tilespmem:s15+$0x0]  }
0x680: {  	v31 =	vld [tilespmem:s20+$0x0];
	s5 =	sshll.u32 s14, $0x5  }
0x681: {  	v32 =	vld [tilespmem:s21+$0x0];
	s5 =	sadd.s32 $0x0, s5  }
0x682: {  	v35 =	vld [tilespmem:s9+$0x0];
	s20 =	sor.u32 $0x300, s5  }
0x683: {  	s21 =	sadd.s32 $0x10, s5;
	v38 =	vld [tilespmem:s20+$0x16800]  }
0x684: {  	v9 =	vcvt.s32.f32 v9;
	v37 =	vld [tilespmem:s20+$0x17800];
	s5 =	sor.u32 $0x380, s21  }
0x685: {  	v12 =	vcvt.s32.f32 v12;
	v10 =	vcvt.s32.f32 v10;
	v42 =	vadd.s32 $0x400, v20;
	s4 =	sor.u32 $0x300, s21;
	v39 =	vld [tilespmem:s5+$0x17800]  }
0x686: {  	v43 =	vadd.s32 $0x400, v17;
	v44 =	vadd.s32 $0x400, v15;
	v63 =	vand.u32 $0xFFFF0000, v46;
	v40 =	vld [tilespmem:s4+$0x17800]  }
0x687: {  	vm2 =	vlt.f32 v7, v9;
	vm3 =	vlt.f32 v7, v12;
	v41 =	vld [tilespmem:s5+$0x16800];
	v25 =	vsub.f32 v30, v63  }
0x688: {  	v53 =	vand.u32 $0xFFFF0000, v48;
	v48 =	vshll.u32 v48, $0x10;
	v45 =	vld [tilespmem:s4+$0x16800];
	v9 =	vadd.s32 $0x400, v38  }
0x689: {  	v12 =	vcvt.s32.f32 v37;
	v37 =	vsub.f32 v34, v48;
	v34 =	vmul.f32 v25, v25;
	v25 =	vld [tilespmem:$0x1FFE0];
	[tilespmem:$0x1FFF0] =	vst v9  }
0x68a: {  	v61 =	vld.idx.msk [tilespmem:v23+s18+$0x0], $0xffff  }
0x68b: {  	v22 =	vcvt.s32.f32 v22;
	vm1 =	vlt.f32 v7, v10;
	v62 =	vld.idx.msk [tilespmem:v24+s18+$0x0], $0xffff  }
0x68c: {  	v15 =	vcvt.s32.f32 v21;
	v47 =	vadd.s32 $0x400, v23;
	v10 =	vcvt.s32.f32 v40;
	v40 =	vld.idx.msk [tilespmem:v44+s18+$0x0], $0xffff  }
0x68d: {  	v20 =	vsel vm1, $0x3F800000, v0;
	vm1 =	vlt.f32 v7, v22;
	v49 =	vadd.s32 $0x400, v24;
	v43 =	vld.idx.msk [tilespmem:v43+s18+$0x0], $0xffff  }
0x68e: {  	v22 =	vsel vm3, $0x3F800000, v0;
	v17 =	vsel vm1, $0x3F800000, v0;
	vm4 =	vlt.f32 v7, v15;
	v42 =	vld.idx.msk [tilespmem:v42+s18+$0x0], $0xffff  }
0x68f: {  	v15 =	vsel vm2, $0x3F800000, v0;
	v46 =	vshll.u32 v46, $0x10;
	v24 =	vadd.s32 $0x400, v41;
	v41 =	vld.idx.msk [tilespmem:v41+s18+$0x0], $0xffff  }
0x690: {  	v51 =	vand.u32 $0xFFFF0000, v50;
	v58 =	vsub.f32 v32, v53;
	v9 =	vcvt.s32.f32 v39;
	v39 =	vld.idx.msk [tilespmem:v45+s18+$0x0], $0xffff  }
0x691: {  	v50 =	vshll.u32 v50, $0x10;
	v59 =	vsub.f32 v31, v46;
	v32 =	vsub.f32 v35, v51;
	v47 =	vld.idx.msk [tilespmem:v47+s18+$0x0], $0xffff  }
0x692: {  	s1 =	sor.u32 s30, s1;
	v31 =	vsub.f32 v36, v50;
	v23 =	vadd.s32 $0x400, v45;
	vm2 =	vlt.f32 v7, v12;
	v35 =	vld.idx.msk [tilespmem:v49+s18+$0x0], $0xffff  }
0x693: {  	s8 =	sor.u32 s30, s2;
	v12 =	vsel vm4, $0x3F800000, v0;
	v60 =	vld [tilespmem:s1+$0x0];
	v63 =	vand.u32 $0xFFFF0000, v40;
	v36 =	vshll.u32 v42, $0x10  }
0x694: {  	v52 =	vld [tilespmem:s8+$0x0];
	v44 =	vand.u32 $0xFFFF0000, v42;
	v48 =	vand.u32 $0xFFFF0000, v41;
	v49 =	vshll.u32 v41, $0x10  }
0x695: {  	v41 =	vand.u32 $0xFFFF0000, v39;
	v42 =	vshll.u32 v39, $0x10;
	v39 =	vsub.f32 v27, v63;
	v63 =	vld [tilespmem:$0x1FFF0]  }
0x696: {  	s0 =	sor.u32 s30, s0;
	v38 =	vld.idx.msk [tilespmem:v38+s18+$0x0], $0xffff;
	v21 =	vsel vm2, $0x3F800000, v0;
	v30 =	vand.u32 $0xFFFF0000, v61;
	v55 =	vshll.u32 v61, $0x10  }
0x697: {  	s3 =	sor.u32 s30, s3;
	s9 =	sadd.s32 $0x1AB00, s11;
	v54 =	vld [tilespmem:s0+$0x0];
	v56 =	vand.u32 $0xFFFF0000, v62;
	v57 =	vshll.u32 v62, $0x10;
	v50 =	vshll.u32 v40, $0x10  }
0x698: {  	s10 =	sadd.s32 $0x1B800, s11;
	s14 =	sor.u32 s30, s9;
	v61 =	vld [tilespmem:s3+$0x0];
	v62 =	vshll.u32 v43, $0x10;
	v51 =	vshll.u32 v47, $0x10;
	v45 =	vand.u32 $0xFFFF0000, v47  }
0x699: {  	s15 =	sor.u32 s30, s10;
	v40 =	vand.u32 $0xFFFF0000, v35;
	v26 =	vsub.f32 v26, v30;
	v28 =	vsub.f32 v28, v56;
	v56 =	vld [tilespmem:s14+$0x0]  }
0x69a: {  	s21 =	sor.u32 s29, s10;
	v30 =	vsub.f32 v29, v55;
	v29 =	vsub.f32 v33, v57;
	v57 =	vand.u32 $0xFFFF0000, v43;
	v55 =	vld [tilespmem:s15+$0x0]  }
0x69b: {  	s20 =	sor.u32 s29, s9;
	v47 =	vld [tilespmem:s21+$0x0];
	v46 =	vand.u32 $0xFFFF0000, v38;
	v53 =	vshll.u32 v38, $0x10;
	v43 =	vshll.u32 v35, $0x10  }
0x69c: {  	v25 =	vsub.f32 v25, v50;
	v50 =	vld [tilespmem:s20+$0x0];
	v33 =	vsub.f32 v60, v62;
	v38 =	vmul.f32 v59, v59  }
0x69d: {  	s5 =	simm.s32 $0x0;
	s21 =	simm.s32 $0x20;
	s20 =	simm.s32 $0x100;
	v27 =	vmul.f32 v58, v58;
	v35 =	vsub.f32 v52, v57;
	v36 =	vsub.f32 v61, v36;
	v52 =	vld.idx.msk [tilespmem:v63+s18+$0x0], $0xffff  }
.LBB2_23:
0x69e: {  	s0 =	sor.u32 s20, s21;
	v37 =	vmul.f32 v37, v37;
	v46 =	vsub.f32 v54, v46;
	v53 =	vsub.f32 v56, v53;
	v54 =	vld.idx.msk [tilespmem:v24+s18+$0x0], $0xffff  }
0x69f: {  	s1 =	sand.u32 $0x60, s21;
	s3 =	sand.u32 $0xC00, s20;
	v32 =	vmul.f32 v32, v32;
	v11 =	vsub.f32 v11, v51;
	s0 =	sor.u32 $0x380, s0;
	v44 =	vsub.f32 v55, v44;
	v51 =	vld.idx.msk [tilespmem:v23+s18+$0x0], $0xffff  }
0x6a0: {  	v31 =	vmul.f32 v31, v31;
	s7 =	sadd.s32 $0x1BB00, s11;
	v13 =	vsub.f32 v13, v48;
	v14 =	vsub.f32 v14, v49;
	s4 =	sor.u32 s1, s3;
	v23 =	vld [tilespmem:s0+$0x17800]  }
0x6a1: {  	v16 =	vsub.f32 v16, v43;
	v43 =	vmul.f32 v26, v26;
	v18 =	vsub.f32 v18, v45;
	s8 =	sor.u32 s30, s7;
	v24 =	vld [tilespmem:s4+$0x17A80]  }
0x6a2: {  	s2 =	sadd.s32 $0x1B900, s11;
	v48 =	vmul.f32 v30, v30;
	v19 =	vsub.f32 v19, v41;
	s11 =	smov.u32 s3;
	v41 =	vsub.f32 v50, v42;
	v45 =	vld [tilespmem:s8+$0x0]  }
0x6a3: {  	v49 =	vmul.f32 v29, v29;
	s3 =	sor.u32 s30, s2;
	s30 =	smov.u32 s1;
	v42 =	vmul.f32 v28, v28;
	v40 =	vsub.f32 v47, v40;
	v26 =	vld [tilespmem:s4+$0x17A00]  }
0x6a4: {  	s1 =	sor.u32 s29, s13;
	v30 =	vand.u32 $0xFFFF0000, v52;
	v28 =	vshll.u32 v52, $0x10;
	v50 =	vshll.u32 v54, $0x10;
	v47 =	vld [tilespmem:s3+$0x0]  }
0x6a5: {  	v54 =	vand.u32 $0xFFFF0000, v54;
	v52 =	vand.u32 $0xFFFF0000, v51;
	v51 =	vshll.u32 v51, $0x10;
	s3 =	sor.u32 s29, s7;
	v55 =	vld [tilespmem:s1+$0x0]  }
0x6a6: {  	v34 =	vadd.f32 v38, v34;
	v38 =	vmul.f32 v39, v39;
	v39 =	vmul.f32 v25, v25;
	s1 =	sor.u32 s29, s19;
	v25 =	vld [tilespmem:s3+$0x0]  }
0x6a7: {  	v33 =	vmul.f32 v33, v33;
	v36 =	vmul.f32 v36, v36;
	v45 =	vsub.f32 v45, v28;
	v56 =	vld [tilespmem:s1+$0x0]  }
0x6a8: {  	v35 =	vmul.f32 v35, v35;
	v27 =	vadd.f32 v37, v27;
	v37 =	vmul.f32 v46, v46;
	v29 =	vld [tilespmem:s0+$0x16800]  }
0x6a9: {  	v46 =	vadd.f32 v31, v32;
	v53 =	vmul.f32 v53, v53;
	s3 =	sor.u32 $0x10, s30;
	v28 =	vld [tilespmem:s4+$0x16A80];
	v47 =	vsub.f32 v47, v30  }
0x6aa: {  	v57 =	vmul.f32 v11, v11;
	v44 =	vmul.f32 v44, v44;
	s8 =	sor.u32 s11, s3;
	v30 =	vld [tilespmem:s4+$0x16A00];
	v50 =	vsub.f32 v55, v50  }
0x6ab: {  	s1 =	sadd.s32 $0x1BA80, s11;
	v55 =	vmul.f32 v14, v14;
	v31 =	vld [tilespmem:s8+$0x17A80];
	v25 =	vsub.f32 v25, v51;
	v51 =	vmul.f32 v13, v13  }
0x6ac: {  	s4 =	sor.u32 s3, s1;
	v13 =	vadd.f32 v44, v46;
	v44 =	vmul.f32 v16, v16;
	v32 =	vld [tilespmem:s8+$0x17A00];
	v46 =	vsub.f32 v56, v54  }
0x6ad: {  	s0 =	sadd.s32 $0x1A980, s11;
	v16 =	vadd.f32 v35, v27;
	v27 =	vmul.f32 v18, v18;
	v35 =	vmul.f32 v19, v19;
	v11 =	vld [tilespmem:s4+$0x0];
	s4 =	sor.u32 s29, s2;
	s29 =	smov.u32 s3  }
0x6ae: {  	v19 =	vadd.f32 v53, v37;
	s2 =	sadd.s32 $0x1AB80, s11;
	v18 =	vadd.f32 v36, v13;
	v36 =	vmul.f32 v47, v47;
	s3 =	sor.u32 s29, s0;
	v37 =	vld [tilespmem:s4+$0x0]  }
0x6af: {  	v43 =	vadd.f32 v48, v43;
	v41 =	vmul.f32 v41, v41;
	s7 =	sadd.s32 $0x1BA00, s11;
	v45 =	vmul.f32 v45, v45;
	v13 =	vld [tilespmem:s3+$0x0];
	s3 =	sor.u32 s29, s2  }
0x6b0: {  	v33 =	vadd.f32 v33, v16;
	s4 =	sadd.s32 $0x1B880, s11;
	s9 =	sor.u32 s29, s7;
	v22 =	vmul.f32 v18, v22;
	v19 =	vadd.f32 v36, v19;
	v14 =	vld [tilespmem:s3+$0x0]  }
0x6b1: {  	v34 =	vadd.f32 v38, v34;
	v38 =	vmul.f32 v40, v40;
	v36 =	vadd.f32 v49, v42;
	s3 =	sadd.s32 $0x1A900, s11;
	v16 =	vld [tilespmem:s9+$0x0];
	s9 =	sor.u32 s29, s4  }
0x6b2: {  	s13 =	sadd.s32 $0x1BB80, s11;
	v20 =	vmul.f32 v33, v20;
	v8 =	vadd.f32 v22, v8;
	v22 =	vadd.f32 v45, v19;
	v18 =	vld [tilespmem:s9+$0x0];
	s9 =	sor.u32 s29, s3  }
0x6b3: {  	s10 =	sadd.s32 $0x1A880, s11;
	s14 =	sor.u32 s30, s13;
	v36 =	vadd.f32 v38, v36;
	v38 =	vmul.f32 v25, v25;
	v19 =	vld [tilespmem:s9+$0x0];
	v37 =	vsub.f32 v37, v52  }
0x6b4: {  	s9 =	sadd.s32 $0x1AA80, s11;
	v8 =	vadd.f32 v20, v8;
	v20 =	vmul.f32 v22, v21;
	v21 =	vadd.f32 v39, v34;
	v25 =	vld [tilespmem:s14+$0x0];
	s14 =	sor.u32 s29, s10  }
0x6b5: {  	s19 =	sadd.s32 $0x1B980, s11;
	v35 =	vadd.f32 v41, v35;
	v22 =	vadd.f32 v27, v43;
	v33 =	vld [tilespmem:s14+$0x0];
	s14 =	sor.u32 s29, s9;
	v37 =	vmul.f32 v37, v37  }
0x6b6: {  	s15 =	sadd.s32 $0x1A800, s11;
	s18 =	sor.u32 s30, s19;
	v8 =	vadd.f32 v20, v8;
	v15 =	vmul.f32 v21, v15;
	v20 =	vadd.f32 v44, v36;
	v34 =	vld [tilespmem:s14+$0x0]  }
0x6b7: {  	v39 =	vmul.f32 v46, v46;
	v21 =	vadd.f32 v57, v22;
	v22 =	vadd.f32 v55, v51;
	s14 =	sadd.s32 $0x1AA00, s11;
	v27 =	vld [tilespmem:s18+$0x0];
	s18 =	sor.u32 s29, s15  }
0x6b8: {  	v8 =	vadd.f32 v15, v8;
	v15 =	vmul.f32 v20, v17;
	v17 =	vadd.f32 v37, v35;
	v36 =	vld [tilespmem:s18+$0x0];
	s18 =	sor.u32 s29, s14  }
0x6b9: {  	vm1 =	vlt.f32 v7, v10;
	s0 =	sor.u32 s30, s0;
	v10 =	vadd.f32 v39, v22;
	v20 =	vmul.f32 v50, v50;
	v35 =	vld [tilespmem:s18+$0x0];
	s18 =	simm.s32 $0x1C800  }
0x6ba: {  	v12 =	vmul.f32 v21, v12;
	v8 =	vadd.f32 v15, v8;
	v15 =	vadd.f32 v38, v17;
	v37 =	vld [tilespmem:s0+$0x0];
	s0 =	sor.u32 s30, s2  }
0x6bb: {  	v17 =	vsel vm1, $0x3F800000, v0;
	vm1 =	vlt.f32 v7, v9;
	s2 =	sor.u32 s30, s10;
	v38 =	vld [tilespmem:s0+$0x0]  }
0x6bc: {  	v10 =	vadd.f32 v20, v10;
	s0 =	sor.u32 s30, s9;
	v8 =	vadd.f32 v12, v8;
	v9 =	vmul.f32 v15, v17;
	v39 =	vld [tilespmem:s2+$0x0]  }
0x6bd: {  	s12 =	sadd.s32 $0x1, s12;
	v12 =	vsel vm1, $0x3F800000, v0;
	s2 =	sor.u32 s30, s15;
	v40 =	vld [tilespmem:s0+$0x0]  }
0x6be: {  	s0 =	sand.u32 $0x3, s12;
	v8 =	vadd.f32 v9, v8;
	v9 =	vmul.f32 v10, v12;
	v41 =	vld [tilespmem:s2+$0x0];
	s2 =	sor.u32 s30, s14  }
0x6bf: {  	s0 =	sshll.u32 s0, $0x5;
	v42 =	vld [tilespmem:s2+$0x0]  }
0x6c0: {  	s0 =	sadd.s32 s0, s20;
	v8 =	vadd.f32 v9, v8;
	v10 =	vld [tilespmem:s8+$0x16A80]  }
0x6c1: {  	s2 =	sor.u32 $0x300, s0;
	v12 =	vld [tilespmem:s8+$0x16A00]  }
0x6c2: {  	s0 =	sadd.s32 $0x10, s0;
	v9 =	vld [tilespmem:s2+$0x17800]  }
0x6c3: {  	v21 =	vld [tilespmem:s2+$0x16800];
	s2 =	sor.u32 $0x380, s0  }
0x6c4: {  	s0 =	sor.u32 $0x300, s0;
	v15 =	vld [tilespmem:s2+$0x17800]  }
0x6c5: {  	v17 =	vcvt.s32.f32 v23;
	v20 =	vld [tilespmem:s0+$0x17800]  }
0x6c6: {  	v22 =	vcvt.s32.f32 v26;
	v23 =	vcvt.s32.f32 v24;
	v26 =	vld [tilespmem:s2+$0x16800]  }
0x6c7: {  	v43 =	vadd.s32 $0x400, v30;
	v44 =	vadd.s32 $0x400, v28;
	v24 =	vadd.s32 $0x400, v29;
	v45 =	vld [tilespmem:s0+$0x16800]  }
0x6c8: {  	v31 =	vcvt.s32.f32 v31;
	v32 =	vcvt.s32.f32 v32;
	v46 =	vadd.s32 $0x400, v10;
	v29 =	vld.idx.msk [tilespmem:v29+s18+$0x0], $0xffff  }
0x6c9: {  	vm1 =	vlt.f32 v7, v23;
	vm2 =	vlt.f32 v7, v17;
	v47 =	vadd.s32 $0x400, v12;
	v28 =	vld.idx.msk [tilespmem:v28+s18+$0x0], $0xffff  }
0x6ca: {  	vm3 =	vlt.f32 v7, v22;
	v17 =	vcvt.s32.f32 v9;
	v52 =	vadd.s32 $0x400, v21;
	v30 =	vld.idx.msk [tilespmem:v30+s18+$0x0], $0xffff  }
0x6cb: {  	vm4 =	vlt.f32 v7, v31;
	v9 =	vcvt.s32.f32 v15;
	v48 =	vld.idx.msk [tilespmem:v10+s18+$0x0], $0xffff;
	v10 =	vcvt.s32.f32 v20  }
0x6cc: {  	v15 =	vsel vm2, $0x3F800000, v0;
	v20 =	vsel vm1, $0x3F800000, v0;
	vm1 =	vlt.f32 v7, v32;
	v49 =	vld.idx.msk [tilespmem:v12+s18+$0x0], $0xffff  }
0x6cd: {  	v22 =	vsel vm3, $0x3F800000, v0;
	v23 =	vadd.s32 $0x400, v45;
	v50 =	vld.idx.msk [tilespmem:v24+s18+$0x0], $0xffff;
	v24 =	vadd.s32 $0x400, v26  }
0x6ce: {  	vm2 =	vlt.f32 v7, v17;
	v17 =	vsel vm1, $0x3F800000, v0;
	v12 =	vsel vm4, $0x3F800000, v0;
	v44 =	vld.idx.msk [tilespmem:v44+s18+$0x0], $0xffff  }
0x6cf: {  	v31 =	vand.u32 $0xFFFF0000, v29;
	v29 =	vshll.u32 v29, $0x10;
	v51 =	vld.idx.msk [tilespmem:v21+s18+$0x0], $0xffff;
	v21 =	vsel vm2, $0x3F800000, v0  }
0x6d0: {  	v53 =	vand.u32 $0xFFFF0000, v28;
	v28 =	vshll.u32 v28, $0x10;
	v32 =	vand.u32 $0xFFFF0000, v30;
	v43 =	vld.idx.msk [tilespmem:v43+s18+$0x0], $0xffff  }
0x6d1: {  	v57 =	vsub.f32 v37, v31;
	v30 =	vshll.u32 v30, $0x10;
	v54 =	vand.u32 $0xFFFF0000, v48;
	v55 =	vld.idx.msk [tilespmem:v26+s18+$0x0], $0xffff  }
0x6d2: {  	v38 =	vsub.f32 v38, v29;
	v58 =	vsub.f32 v39, v53;
	v29 =	vshll.u32 v48, $0x10;
	v39 =	vld.idx.msk [tilespmem:v46+s18+$0x0], $0xffff  }
0x6d3: {  	v37 =	vsub.f32 v40, v28;
	v32 =	vsub.f32 v41, v32;
	v28 =	vand.u32 $0xFFFF0000, v49;
	v40 =	vld.idx.msk [tilespmem:v47+s18+$0x0], $0xffff  }
0x6d4: {  	s0 =	sor.u32 s30, s1;
	v31 =	vsub.f32 v42, v30;
	v41 =	vshll.u32 v49, $0x10;
	v26 =	vsub.f32 v33, v54;
	v33 =	vld.idx.msk [tilespmem:v45+s18+$0x0], $0xffff  }
0x6d5: {  	s5 =	sadd.s32 $0x2, s5;
	s1 =	sor.u32 s30, s7;
	v30 =	vsub.f32 v34, v29;
	v59 =	vshll.u32 v50, $0x10;
	v28 =	vsub.f32 v36, v28;
	v47 =	vld [tilespmem:s0+$0x0]  }
0x6d6: {  	p1 =	slt.u32 s5, $0x1E;
	v61 =	vand.u32 $0xFFFF0000, v50;
	v29 =	vsub.f32 v35, v41;
	v60 =	vshll.u32 v44, $0x10;
	s0 =	sor.u32 s30, s4;
	v36 =	vld [tilespmem:s1+$0x0]  }
0x6d7: {  	v62 =	vand.u32 $0xFFFF0000, v44;
	v46 =	vand.u32 $0xFFFF0000, v51;
	v35 =	vshll.u32 v43, $0x10;
	s1 =	sadd.s32 $0x1AB00, s11;
	v63 =	vld [tilespmem:s0+$0x0];
	s0 =	sor.u32 s30, s3  }
0x6d8: {  	s2 =	sadd.s32 $0x1B800, s11;
	v53 =	vshll.u32 v51, $0x10;
	v44 =	vand.u32 $0xFFFF0000, v43;
	v51 =	vshll.u32 v39, $0x10;
	v54 =	vld [tilespmem:s0+$0x0];
	s0 =	sor.u32 s30, s1  }
.Ltmp13:
0x6d9: {  	v48 =	vand.u32 $0xFFFF0000, v55;
	v49 =	vshll.u32 v55, $0x10;
	s3 =	sor.u32 s30, s2;
	v43 =	vshll.u32 v40, $0x10;
	v56 =	vld [tilespmem:s0+$0x0];
	(pc) =	sbr.rel @p1 .LBB2_23-.Ltmp13, $4  }
0x6da: {  	v45 =	vand.u32 $0xFFFF0000, v39;
	v41 =	vand.u32 $0xFFFF0000, v33;
	v42 =	vshll.u32 v33, $0x10;
	s0 =	sor.u32 s29, s1;
	v55 =	vld [tilespmem:s3+$0x0]  }
0x6db: {  	v34 =	vmul.f32 v57, v57;
	v25 =	vsub.f32 v25, v59;
	v40 =	vand.u32 $0xFFFF0000, v40;
	s1 =	sor.u32 s29, s2;
	v50 =	vld [tilespmem:s0+$0x0]  }
0x6dc: {  	v38 =	vmul.f32 v38, v38;
	v39 =	vsub.f32 v27, v61;
	v33 =	vsub.f32 v47, v60;
	v47 =	vld [tilespmem:s1+$0x0]  }
0x6dd: {  	s21 =	sadd.s32 $0x20, s21;
	s20 =	sadd.s32 $0x100, s20;
	v27 =	vmul.f32 v58, v58;
	v36 =	vsub.f32 v36, v35;
	v35 =	vsub.f32 v63, v62;
	v52 =	vld.idx.msk [tilespmem:v52+s18+$0x0], $0xffff  }
0x6de: {  	v37 =	vmul.f32 v37, v37;
	v46 =	vsub.f32 v54, v46;
	v53 =	vsub.f32 v56, v53  }
0x6df: {  	v32 =	vmul.f32 v32, v32;
	v11 =	vsub.f32 v11, v51;
	v13 =	vsub.f32 v13, v48  }
0x6e0: {  	v31 =	vmul.f32 v31, v31;
	v14 =	vsub.f32 v14, v49;
	v16 =	vsub.f32 v16, v43  }
0x6e1: {  	v26 =	vmul.f32 v26, v26;
	v18 =	vsub.f32 v18, v45;
	v30 =	vmul.f32 v30, v30  }
0x6e2: {  	v19 =	vsub.f32 v19, v41;
	v28 =	vmul.f32 v28, v28;
	v29 =	vmul.f32 v29, v29  }
0x6e3: {  	v34 =	vadd.f32 v38, v34;
	v58 =	vmul.f32 v39, v39;
	v25 =	vmul.f32 v25, v25  }
0x6e4: {  	s0 =	sadd.s32 $0x1BB00, s11;
	v33 =	vmul.f32 v33, v33;
	v44 =	vsub.f32 v55, v44;
	v36 =	vmul.f32 v36, v36  }
0x6e5: {  	s2 =	sadd.s32 $0x1B900, s11;
	s1 =	sor.u32 s30, s0;
	v35 =	vmul.f32 v35, v35;
	v41 =	vsub.f32 v50, v42;
	v61 =	vmul.f32 v46, v46  }
0x6e6: {  	s15 =	sor.u32 s30, s2;
	v62 =	vld [tilespmem:s1+$0x0];
	v27 =	vadd.f32 v37, v27;
	v13 =	vmul.f32 v13, v13;
	v14 =	vmul.f32 v14, v14  }
0x6e7: {  	v54 =	vld [tilespmem:s15+$0x0];
	v31 =	vadd.f32 v31, v32;
	v16 =	vmul.f32 v16, v16;
	v18 =	vmul.f32 v18, v18  }
0x6e8: {  	v24 =	vld.idx.msk [tilespmem:v24+s18+$0x0], $0xffff;
	v19 =	vmul.f32 v19, v19;
	v26 =	vadd.f32 v30, v26;
	v50 =	vadd.f32 v58, v34  }
0x6e9: {  	v23 =	vld.idx.msk [tilespmem:v23+s18+$0x0], $0xffff;
	s21 =	sor.u32 s29, s19;
	v28 =	vadd.f32 v29, v28;
	v40 =	vsub.f32 v47, v40;
	v44 =	vmul.f32 v44, v44  }
0x6ea: {  	v60 =	vld [tilespmem:s21+$0x0];
	v63 =	vand.u32 $0xFFFF0000, v52;
	v52 =	vshll.u32 v52, $0x10;
	v27 =	vadd.f32 v35, v27  }
0x6eb: {  	s20 =	sor.u32 s29, s13;
	v47 =	vmul.f32 v41, v41;
	v18 =	vadd.f32 v18, v26;
	v31 =	vadd.f32 v44, v31  }
0x6ec: {  	v57 =	vld [tilespmem:s20+$0x0];
	v43 =	vsub.f32 v62, v52;
	v62 =	vmul.f32 v53, v53;
	v42 =	vsub.f32 v54, v63  }
0x6ed: {  	s30 =	sor.u32 s29, s2;
	v13 =	vadd.f32 v14, v13;
	v55 =	vshll.u32 v24, $0x10;
	v24 =	vand.u32 $0xFFFF0000, v24  }
0x6ee: {  	v44 =	vld [tilespmem:s30+$0x0];
	v31 =	vadd.f32 v36, v31;
	v32 =	vadd.f32 v62, v61;
	v42 =	vmul.f32 v42, v42  }
0x6ef: {  	s0 =	sor.u32 s29, s0;
	v56 =	vand.u32 $0xFFFF0000, v23;
	v24 =	vsub.f32 v60, v24;
	v27 =	vadd.f32 v33, v27  }
0x6f0: {  	v59 =	vld [tilespmem:s0+$0x0];
	v45 =	vmul.f32 v43, v43;
	v22 =	vmul.f32 v31, v22;
	v48 =	vadd.f32 v42, v32  }
0x6f1: {  	v51 =	vmul.f32 v40, v40;
	v19 =	vadd.f32 v47, v19;
	v63 =	vsub.f32 v57, v55  }
0x6f2: {  	v20 =	vmul.f32 v27, v20;
	v8 =	vadd.f32 v22, v8;
	v52 =	vadd.f32 v45, v48  }
0x6f3: {  	v23 =	vshll.u32 v23, $0x10;
	v53 =	vadd.f32 v51, v28;
	v54 =	vsub.f32 v44, v56  }
0x6f4: {  	v56 =	vadd.f32 v25, v50;
	v8 =	vadd.f32 v20, v8;
	v55 =	vmul.f32 v52, v21  }
0x6f5: {  	v11 =	vmul.f32 v11, v11;
	v23 =	vsub.f32 v59, v23;
	v16 =	vadd.f32 v16, v53  }
0x6f6: {  	v57 =	vmul.f32 v54, v54;
	v15 =	vmul.f32 v56, v15;
	v8 =	vadd.f32 v55, v8  }
0x6f7: {  	v11 =	vadd.f32 v11, v18;
	v58 =	vmul.f32 v24, v24;
	v23 =	vmul.f32 v23, v23  }
0x6f8: {  	v59 =	vmul.f32 v16, v17;
	v60 =	vadd.f32 v57, v19;
	v8 =	vadd.f32 v15, v8  }
0x6f9: {  	vm1 =	vlt.f32 v7, v10;
	v11 =	vmul.f32 v11, v12;
	v10 =	vadd.f32 v58, v13  }
0x6fa: {  	v61 =	vmul.f32 v63, v63;
	v62 =	vadd.f32 v23, v60;
	v8 =	vadd.f32 v59, v8  }
0x6fb: {  	v63 =	vsel vm1, $0x3F800000, v0;
	vm1 =	vlt.f32 v7, v9  }
0x6fc: {  	v10 =	vadd.f32 v61, v10;
	v9 =	vmul.f32 v62, v63;
	v8 =	vadd.f32 v11, v8  }
.Ltmp14:
0x6fd: {  	v11 =	vsel vm1, $0x3F800000, v0;
	(pc) =	sbr.rel @p0 .LBB2_26-.Ltmp14, $2  }
0x6fe: {  	v8 =	vadd.f32 v9, v8;
	v9 =	vmul.f32 v10, v11;
	_ =	sdelay $0x1  }
0x6ff: {  	v8 =	vadd.f32 v9, v8;
	_ =	sdelay $0x1  }
0x700: {  	s0 =	rddreg [dreg:$0x1a]  }
0x701: {  	s1 =	rddreg [dreg:$0x9];
	s0 =	sadd.s32 s26, s0  }
0x702: {  	s1 =	sadd.s32 s1, s0  }
0x703: {  	s1 =	sshrl.u32 s1, $0x3  }
0x704: {  	s1 =	sor.u32 $0x40, s1  }
0x705: {  	s3 =	simm.s32 $0x16A00;
	s2 =	sadd.s32 s22, s1  }
0x706: {  	[tilespmem:s3], [sflag:$0x2] =	stream.linear.gather [hbm4b:s2+s6], $0x200, $0x38;
	[tilespmem:$0x1E500] =	vst v63  }
0x707: {  	s4 =	simm.s32 $0x16E00;
	s15 =	sadd.s32 $0x80, s2  }
0x708: {  	[tilespmem:s4], [sflag:$0x2] =	stream.linear.gather [hbm4b:s15+s6], $0x200, $0x38;
	[tilespmem:$0x1E500] =	vst v63  }
0x709: {  	s20 =	simm.s32 $0x17200;
	s19 =	sadd.s32 $0x100, s2  }
0x70a: {  	[tilespmem:s20], [sflag:$0x2] =	stream.linear.gather [hbm4b:s19+s6], $0x200, $0x38;
	[tilespmem:$0x1E500] =	vst v63  }
0x70b: {  	s21 =	simm.s32 $0x17600;
	s26 =	rddreg [dreg:$0xa];
	s2 =	sadd.s32 $0x180, s2  }
0x70c: {  	[tilespmem:s21], [sflag:$0x2] =	stream.linear.gather [hbm4b:s2+s6], $0x200, $0x38;
	[tilespmem:$0x1E500] =	vst v63  }
0x70d: {  	s2 =	sor.u32 s26, s0  }
0x70e: {  	s4 =	rddreg [dreg:$0x14];
	s2 =	sshrl.u32 s2, $0x3  }
0x70f: {  	s29 =	simm.s32 $0x1A800;
	s2 =	sadd.s32 s2, s4  }
0x710: {  	[tilespmem:s29], [sflag:$0x2] =	stream.linear.gather [hbm4b:s2+s6], $0x200, $0x38;
	[tilespmem:$0x1E500] =	vst v63  }
0x711: {  	s5 =	simm.s32 $0x1AC00;
	s30 =	sadd.s32 $0x80, s2  }
0x712: {  	[tilespmem:s5], [sflag:$0x2] =	stream.linear.gather [hbm4b:s30+s6], $0x200, $0x38;
	[tilespmem:$0x1E500] =	vst v63  }
0x713: {  	s7 =	simm.s32 $0x1B000;
	s5 =	sadd.s32 $0x100, s2  }
0x714: {  	[tilespmem:s7], [sflag:$0x2] =	stream.linear.gather [hbm4b:s5+s6], $0x200, $0x38;
	[tilespmem:$0x1E500] =	vst v63  }
0x715: {  	s8 =	simm.s32 $0x1B400;
	s9 =	rddreg [dreg:$0xb];
	s2 =	sadd.s32 $0x180, s2  }
0x716: {  	[tilespmem:s8], [sflag:$0x2] =	stream.linear.gather [hbm4b:s2+s6], $0x200, $0x38;
	[tilespmem:$0x1E500] =	vst v63  }
0x717: {  	s2 =	sadd.s32 s9, s0  }
0x718: {  	s2 =	sshrl.u32 s2, $0x3  }
0x719: {  	s10 =	simm.s32 $0x1AA00;
	s2 =	sadd.s32 s2, s4  }
0x71a: {  	[tilespmem:s10], [sflag:$0x2] =	stream.linear.gather [hbm4b:s2+s6], $0x200, $0x38;
	[tilespmem:$0x1E500] =	vst v63  }
0x71b: {  	s12 =	simm.s32 $0x1AE00;
	s11 =	sadd.s32 $0x80, s2  }
0x71c: {  	[tilespmem:s12], [sflag:$0x2] =	stream.linear.gather [hbm4b:s11+s6], $0x200, $0x38;
	[tilespmem:$0x1E500] =	vst v63  }
0x71d: {  	s14 =	simm.s32 $0x1B200;
	s13 =	sadd.s32 $0x100, s2  }
0x71e: {  	[tilespmem:s14], [sflag:$0x2] =	stream.linear.gather [hbm4b:s13+s6], $0x200, $0x38;
	[tilespmem:$0x1E500] =	vst v63  }
0x71f: {  	s15 =	simm.s32 $0x1B600;
	s19 =	rddreg [dreg:$0xc];
	s2 =	sadd.s32 $0x180, s2  }
0x720: {  	[tilespmem:s15], [sflag:$0x2] =	stream.linear.gather [hbm4b:s2+s6], $0x200, $0x38;
	[tilespmem:$0x1E500] =	vst v63  }
0x721: {  	s2 =	sor.u32 s19, s0  }
0x722: {  	s2 =	sshrl.u32 s2, $0x3  }
0x723: {  	s20 =	simm.s32 $0x1B800;
	s2 =	sadd.s32 s2, s4  }
0x724: {  	[tilespmem:s20], [sflag:$0x2] =	stream.linear.gather [hbm4b:s2+s6], $0x200, $0x38;
	[tilespmem:$0x1E500] =	vst v63  }
0x725: {  	s26 =	simm.s32 $0x1BC00;
	s8 =	rddreg [dreg:$0x11];
	s21 =	sadd.s32 $0x80, s2  }
0x726: {  	[tilespmem:s26], [sflag:$0x2] =	stream.linear.gather [hbm4b:s21+s6], $0x200, $0x38;
	[tilespmem:$0x1E500] =	vst v63  }
0x727: {  	s30 =	simm.s32 $0x1C000;
	s0 =	sadd.s32 s8, s0;
	s29 =	sadd.s32 $0x100, s2  }
0x728: {  	[tilespmem:s30], [sflag:$0x2] =	stream.linear.gather [hbm4b:s29+s6], $0x200, $0x38;
	[tilespmem:$0x1E500] =	vst v63  }
0x729: {  	s7 =	simm.s32 $0x1C400;
	s0 =	sshrl.u32 s0, $0x3;
	s2 =	sadd.s32 $0x180, s2  }
0x72a: {  	[tilespmem:s7], [sflag:$0x2] =	stream.linear.gather [hbm4b:s2+s6], $0x200, $0x38;
	[tilespmem:$0x1E500] =	vst v63  }
0x72b: {  	s9 =	simm.s32 $0x1BA00;
	s0 =	sadd.s32 s0, s4  }
0x72c: {  	[tilespmem:s9], [sflag:$0x2] =	stream.linear.gather [hbm4b:s0+s6], $0x200, $0x38;
	[tilespmem:$0x1E500] =	vst v63  }
0x72d: {  	s11 =	simm.s32 $0x1BE00;
	s10 =	sadd.s32 $0x80, s0  }
0x72e: {  	[tilespmem:s11], [sflag:$0x2] =	stream.linear.gather [hbm4b:s10+s6], $0x200, $0x38;
	[tilespmem:$0x1E500] =	vst v63  }
0x72f: {  	s13 =	simm.s32 $0x1C200;
	s12 =	sadd.s32 $0x100, s0  }
0x730: {  	[tilespmem:s13], [sflag:$0x2] =	stream.linear.gather [hbm4b:s12+s6], $0x200, $0x38;
	[tilespmem:$0x1E500] =	vst v63  }
0x731: {  	s14 =	simm.s32 $0x1C600;
	s0 =	sadd.s32 $0x180, s0  }
0x732: {  	[tilespmem:s14], [sflag:$0x2] =	stream.linear.gather [hbm4b:s0+s6], $0x200, $0x38;
	[tilespmem:$0x1E500] =	vst v63  }
0x733: {  	s15 =	sadd.s32 s23, s1;
	s19 =	simm.s32 $0x17A00  }
0x734: {  	[tilespmem:s19], [sflag:$0x2] =	stream.linear.gather [hbm4b:s15+s6], $0x200, $0x38;
	[tilespmem:$0x1E500] =	vst v63  }
0x735: {  	s20 =	sadd.s32 $0x80, s15;
	s21 =	simm.s32 $0x17E00  }
0x736: {  	[tilespmem:s21], [sflag:$0x2] =	stream.linear.gather [hbm4b:s20+s6], $0x200, $0x38;
	[tilespmem:$0x1E500] =	vst v63  }
.Ltmp15:
0x737: {  	_ = 	snop;
	(pc) =	sbr.rel .LBB2_18-.Ltmp15, $4  }
0x738: {  	s26 =	sadd.s32 $0x100, s15;
	s29 =	simm.s32 $0x18200  }
0x739: {  	[tilespmem:s29], [sflag:$0x2] =	stream.linear.gather [hbm4b:s26+s6], $0x200, $0x38;
	[tilespmem:$0x1E500] =	vst v63  }
0x73a: {  	s17 =	sadd.s32 $0x1, s17;
	s30 =	simm.s32 $0x18600;
	s0 =	sadd.s32 $0x180, s15  }
0x73b: {  	[tilespmem:s30], [sflag:$0x2] =	stream.linear.gather [hbm4b:s0+s6], $0x200, $0x38;
	[tilespmem:$0x1E500] =	vst v63  }
.LBB2_27:
0x73c: {  	_ =	sfence.sel $0x180000  }
0x73d: {  	[bflag:$0x0] =	sbarrier.arrive $0xFFFF  }
0x73e: {  	_ =	strace $0x90000047  }
0x73f: {  	s0 =	stileid.u32;
	[bflag:$0x2] =	sbarrier.arrive $0xFFFF  }
0x740: {  	p0 =	sne.s32 s0, $0x0;
	s0 =	rddreg [dreg:$0x6]  }
0x741: {  	s0 =	sadd.s32 @!p0 $0x100000, s0  }
0x742: {  	[sflag:s0] =	ssyncadd.tile.s32 @!p0 $0x1;
	_ =	shalt  }
.Lfunc_end2:
_tile_overlayer_lowered:
.L_overlay_start_2:
0x743: {  	(tag) =	ssettag $0x2  }
0x744: {  	s0 =	rddreg [dreg:$0x0];
	s2 =	stileid.u32  }
0x745: {  	s1 =	rddreg [dreg:$0x1];
	p0 =	sne.s32 s2, $0x0  }
0x746: {  	s3 =	rddreg [dreg:$0x2];
	[bflag:$0x3] =	sbarrier.arrive $0xFFFF;
	s2 =	simm.s32 @!p0 $0x1C03  }
0x747: {  	[timem:s3], [sflag:s2] =	dma.local @!p0 [hbm:s0], s1  }
0x748: {  	s0 =	simm.s32 @!p0 $0x3  }
0x749: {  	_ =	swait.ge @!p0 [sflag:s0], s1  }
0x74a: {  	s1 =	ssub.s32 @!p0 $0x0, s1;
	[sflag:s0] =	ssyncset.done @!p0 $0x0  }
0x74b: {  	[sflag:s0] =	ssyncadd.s32 @!p0 s1  }
0x74c: {  	[bflag:$0x3] =	sbarrier.arrive $0xFFFF  }
0x74d: {  	_ =	shalt  }

</sc_bundles>
